<compile_context>
chip_gen: v7x
topology: tpu7x:2x2x1
jax: 0.10.2.dev20260603
libtpu: 0.0.44.dev20260713+nightly
codegen_flags: <defaults>
</compile_context>

<pallas_src>
import jax
import jax.numpy as jnp
from jax import lax
from jax.experimental import pallas as pl
from jax.experimental.pallas import tpu as pltpu
from jax.experimental.pallas import tpu_sc as plsc

N = 10000
NP = 10240
E = 320000
D = 128
NT = 16
NC = 2
EPW = E // (NC * NT)
CH = 80
NCH = EPW // CH
EPT = E // NT
NCHL = EPT // CH
RPT = NP // NT
LANES = 16


def _agg_body(src_t, dst_t, xin,
              agg2,
              src_v, dst_v, rows0, rows1, agg_s,
              sem0, sem1, sem2, sem3):
    c = lax.axis_index("c")
    s = lax.axis_index("s")
    t = c * NT + s

    pltpu.async_copy(src_t.at[t], src_v, sem0)
    pltpu.async_copy(dst_t.at[t], dst_v, sem1)

    zeros16 = jnp.zeros((LANES,), jnp.float32)

    @pl.loop(0, CH)
    def _(r):
        for q in range(D // LANES):
            rows0[r, pl.ds(q * LANES, LANES)] = zeros16

    for k in range(RPT // CH):
        pltpu.async_copy(rows0, agg_s.at[pl.ds(s * RPT + k * CH, CH)], sem2)

    pltpu.make_async_copy(src_t.at[t], src_v, sem0).wait()
    pltpu.make_async_copy(dst_t.at[t], dst_v, sem1).wait()
    for k in range(RPT // CH):
        pltpu.make_async_copy(rows0,
                              agg_s.at[pl.ds(s * RPT + k * CH, CH)],
                              sem2).wait()

    plsc.subcore_barrier()

    def g_start(r, buf, sem):
        pltpu.async_copy(xin.at[src_v.at[pl.ds(r * CH, CH)]], buf, sem)

    def g_wait(r, buf, sem):
        pltpu.make_async_copy(xin.at[src_v.at[pl.ds(r * CH, CH)]], buf,
                              sem).wait()

    def s_start(r, buf, sem):
        pltpu.async_copy(buf, agg_s.at[dst_v.at[r]], sem, add=True)

    def s_wait(r, buf, sem):
        pltpu.make_async_copy(buf, agg_s.at[dst_v.at[r]], sem).wait()

    g_start(0, rows0, sem0)
    g_start(1, rows1, sem1)

    @pl.loop(0, NCH // 2)
    def _(r2):
        r = r2 * 2
        g_wait(r, rows0, sem0)
        s_start(r, rows0, sem2)
        g_wait(r + 1, rows1, sem1)
        s_start(r + 1, rows1, sem3)
        s_wait(r, rows0, sem2)

        @pl.when(r + 2 < NCH)
        def _():
            g_start(r + 2, rows0, sem0)

        s_wait(r + 1, rows1, sem3)

        @pl.when(r + 3 < NCH)
        def _():
            g_start(r + 3, rows1, sem1)

    if NCH % 2 == 1:
        r_last = NCH - 1
        g_wait(r_last, rows0, sem0)
        s_start(r_last, rows0, sem2)
        s_wait(r_last, rows0, sem2)

    plsc.subcore_barrier()

    pltpu.sync_copy(agg_s.at[pl.ds(s * RPT, RPT)],
                    agg2.at[c, pl.ds(s * RPT, RPT)])


_agg_call = pl.kernel(
    _agg_body,
    out_type=[
        jax.ShapeDtypeStruct((NC, NP, D), jnp.float32),
    ],
    mesh=plsc.VectorSubcoreMesh(core_axis_name="c", subcore_axis_name="s"),
    compiler_params=pltpu.CompilerParams(needs_layout_passes=False),
    scratch_types=[
        pltpu.VMEM((EPW,), jnp.int32),
        pltpu.VMEM((NCH, CH), jnp.int32),
        pltpu.VMEM((CH, D), jnp.float32),
        pltpu.VMEM((CH, D), jnp.float32),
        pltpu.VMEM_SHARED((NP, D), jnp.float32),
        pltpu.SemaphoreType.DMA,
        pltpu.SemaphoreType.DMA,
        pltpu.SemaphoreType.DMA,
        pltpu.SemaphoreType.DMA,
    ],
)


def _cnt_body(dst_t, cnt2,
              dstf_v, cntp_v, part_v, cnts_v, cstage_s):
    c = lax.axis_index("c")
    s = lax.axis_index("s")
    t = c * NT + s

    pltpu.sync_copy(dst_t.at[t], dstf_v)

    zeros16 = jnp.zeros((LANES,), jnp.float32)
    ones16 = jnp.ones((LANES,), jnp.float32)

    @pl.loop(0, NP // LANES)
    def _(i):
        cntp_v[pl.ds(i * LANES, LANES)] = zeros16

    @pl.loop(0, NCH)
    def _(r):
        for q in range(CH // LANES):
            d = dstf_v[r, pl.ds(q * LANES, LANES)]
            plsc.addupdate_scatter(cntp_v, [d], ones16)

    pltpu.sync_copy(cntp_v, cstage_s.at[s])
    plsc.subcore_barrier()

    for k in range(NT):
        pltpu.sync_copy(cstage_s.at[k, pl.ds(s * RPT, RPT)], part_v.at[k])

    @pl.loop(0, RPT // LANES)
    def _(q):
        sl = pl.ds(q * LANES, LANES)
        acc = part_v[0, sl]
        for k in range(1, NT):
            acc = acc + part_v[k, sl]
        cnts_v[sl] = acc

    pltpu.sync_copy(cnts_v, cnt2.at[c, pl.ds(s * RPT, RPT)])


_cnt_call = pl.kernel(
    _cnt_body,
    out_type=[
        jax.ShapeDtypeStruct((NC, NP), jnp.float32),
    ],
    mesh=plsc.VectorSubcoreMesh(core_axis_name="c", subcore_axis_name="s"),
    compiler_params=pltpu.CompilerParams(needs_layout_passes=False),
    scratch_types=[
        pltpu.VMEM((NCH, CH), jnp.int32),
        pltpu.VMEM((NP,), jnp.float32),
        pltpu.VMEM((NT, RPT), jnp.float32),
        pltpu.VMEM((RPT,), jnp.float32),
        pltpu.VMEM_SHARED((NT, NP), jnp.float32),
    ],
)


BN = 640


def _mm_body(x, agg, cnt, w1l, w1r, b1, w2l, w2r, b2, t_out, rb_out, cc_out):
    cc = jnp.maximum(cnt[0] + cnt[1], 1.0)
    recip = 1.0 / cc
    mean = (agg[0] + agg[1]) * recip
    h = (jnp.dot(mean, w1l[...], preferred_element_type=jnp.float32)
         + jnp.dot(x[...], w1r[...], preferred_element_type=jnp.float32)
         + b1[...])
    h = jnp.maximum(h, 0.0)
    t_out[...] = jnp.dot(h, w2l[...], preferred_element_type=jnp.float32)
    rb_out[...] = (jnp.dot(h, w2r[...], preferred_element_type=jnp.float32)
                   + b2[...])
    cc_out[...] = cc


_mm_call = pl.pallas_call(
    _mm_body,
    grid=(NP // BN,),
    in_specs=[
        pl.BlockSpec((BN, D), lambda i: (i, 0)),
        pl.BlockSpec((NC, BN, D), lambda i: (0, i, 0)),
        pl.BlockSpec((NC, BN, 1), lambda i: (0, i, 0)),
        pl.BlockSpec((D, D), lambda i: (0, 0)),
        pl.BlockSpec((D, D), lambda i: (0, 0)),
        pl.BlockSpec((1, D), lambda i: (0, 0)),
        pl.BlockSpec((D, 1), lambda i: (0, 0)),
        pl.BlockSpec((D, 1), lambda i: (0, 0)),
        pl.BlockSpec((1, 1), lambda i: (0, 0)),
    ],
    out_specs=[
        pl.BlockSpec((BN, 1), lambda i: (i, 0)),
        pl.BlockSpec((BN, 1), lambda i: (i, 0)),
        pl.BlockSpec((BN, 1), lambda i: (i, 0)),
    ],
    out_shape=[
        jax.ShapeDtypeStruct((NP, 1), jnp.float32),
        jax.ShapeDtypeStruct((NP, 1), jnp.float32),
        jax.ShapeDtypeStruct((NP, 1), jnp.float32),
    ],
)


def _l2_body(src_l, dst_l, t_in, rb_in, cc_in,
             out,
             t_v, src_v, dst_v, acc_v, part_v, cc_v, rb_v, out_v,
             part_s, lsem0, lsem1, lsem2):
    c = lax.axis_index("c")
    s = lax.axis_index("s")

    @pl.when(c == 0)
    def _():
        pltpu.async_copy(t_in, t_v, lsem0)
        pltpu.async_copy(src_l.at[s], src_v, lsem1)
        pltpu.async_copy(dst_l.at[s], dst_v, lsem2)

        zeros16 = jnp.zeros((LANES,), jnp.float32)

        @pl.loop(0, NP // LANES)
        def _(i):
            acc_v[pl.ds(i * LANES, LANES)] = zeros16

        pltpu.make_async_copy(t_in, t_v, lsem0).wait()
        pltpu.make_async_copy(src_l.at[s], src_v, lsem1).wait()
        pltpu.make_async_copy(dst_l.at[s], dst_v, lsem2).wait()

        @pl.loop(0, NCHL)
        def _(r):
            for q in range(CH // LANES):
                sl = pl.ds(q * LANES, LANES)
                vals = plsc.load_gather(t_v, [src_v[r, sl]])
                plsc.addupdate_scatter(acc_v, [dst_v[r, sl]], vals)

        pltpu.sync_copy(acc_v, part_s.at[s])
        plsc.subcore_barrier()

        for k in range(NT):
            pltpu.sync_copy(part_s.at[k, pl.ds(s * RPT, RPT)], part_v.at[k])
        pltpu.sync_copy(cc_in.at[pl.ds(s * RPT, RPT)], cc_v)
        pltpu.sync_copy(rb_in.at[pl.ds(s * RPT, RPT)], rb_v)

        @pl.loop(0, RPT // LANES)
        def _(q):
            sl = pl.ds(q * LANES, LANES)
            acc = part_v[0, sl]
            for k in range(1, NT):
                acc = acc + part_v[k, sl]
            out_v[sl] = acc / cc_v[sl] + rb_v[sl]

        pltpu.sync_copy(out_v, out.at[pl.ds(s * RPT, RPT)])


_l2_call = pl.kernel(
    _l2_body,
    out_type=[jax.ShapeDtypeStruct((NP,), jnp.float32)],
    mesh=plsc.VectorSubcoreMesh(core_axis_name="c", subcore_axis_name="s"),
    compiler_params=pltpu.CompilerParams(needs_layout_passes=False),
    scratch_types=[
        pltpu.VMEM((NP,), jnp.float32),
        pltpu.VMEM((NCHL, CH), jnp.int32),
        pltpu.VMEM((NCHL, CH), jnp.int32),
        pltpu.VMEM((NP,), jnp.float32),
        pltpu.VMEM((NT, RPT), jnp.float32),
        pltpu.VMEM((RPT,), jnp.float32),
        pltpu.VMEM((RPT,), jnp.float32),
        pltpu.VMEM((RPT,), jnp.float32),
        pltpu.VMEM_SHARED((NT, NP), jnp.float32),
        pltpu.SemaphoreType.DMA,
        pltpu.SemaphoreType.DMA,
        pltpu.SemaphoreType.DMA,
    ],
)


def kernel(x, edge_index, W1_l, W1_r, b1, W2_l, W2_r, b2):
    src = edge_index[0].astype(jnp.int32)
    dst = edge_index[1].astype(jnp.int32)

    src_t = src.reshape(NC * NT, EPW)
    dst_t = dst.reshape(NC * NT, NCH, CH)

    src_l = src.reshape(NT, NCHL, CH)
    dst_l = dst.reshape(NT, NCHL, CH)

    (cnt2,) = _cnt_call(dst_t)
    (agg2,) = _agg_call(src_t, dst_t, x)

    xp = jnp.pad(x, ((0, NP - N), (0, 0)))
    t, rb, cc = _mm_call(xp, agg2.reshape(NC, NP, D), cnt2.reshape(NC, NP, 1),
                         W1_l, W1_r, b1.reshape(1, D), W2_l, W2_r,
                         b2.reshape(1, 1))

    (out,) = _l2_call(src_l, dst_l,
                      t.reshape(NP), rb.reshape(NP), cc.reshape(NP))
    return out[:N]

# --- scband reference (transcript-rebuilt; emitter-appended) ---
"""Pipeline reference for scband-graph-sage-85547158602127 (READ-ONLY COPY).

The authoritative reference and input builder live on the scoring server;
editing this copy changes nothing except your own understanding.
"""

import jax, jax.numpy as jnp
import numpy as np

N_NODES = 10000
N_EDGES = 320000
NFEAT = 128
NHID = 128


def setup_inputs(seed: int = 0) -> dict:
    key = jax.random.key(seed)
    k = jax.random.split(key, 9)
    x = jax.random.normal(k[0], (N_NODES, NFEAT), dtype=jnp.float32)
    edge_index = jax.random.randint(k[1], (2, N_EDGES), 0, N_NODES, dtype=jnp.int64)
    s1 = 1.0 / np.sqrt(NFEAT)
    s2 = 1.0 / np.sqrt(NHID)
    W1_l = jax.random.uniform(k[2], (NFEAT, NHID), jnp.float32, -s1, s1)
    W1_r = jax.random.uniform(k[3], (NFEAT, NHID), jnp.float32, -s1, s1)
    b1 = jax.random.uniform(k[4], (NHID,), jnp.float32, -s1, s1)
    W2_l = jax.random.uniform(k[5], (NHID, 1), jnp.float32, -s2, s2)
    W2_r = jax.random.uniform(k[6], (NHID, 1), jnp.float32, -s2, s2)
    b2 = jax.random.uniform(k[7], (1,), jnp.float32, -s2, s2)
    return {"x": x, "edge_index": edge_index, "W1_l": W1_l, "W1_r": W1_r, "b1": b1,
            "W2_l": W2_l, "W2_r": W2_r, "b2": b2}


def _sage_conv(x, edge_index, W_l, W_r, b):
    # PyG SAGEConv with mean aggregation:
    #   out = lin_l(mean_{j in N(i)} x_j) + lin_r(x_i)
    src = edge_index[0]
    dst = edge_index[1]
    n = x.shape[0]
    msg = jnp.take(x, src, axis=0)                      # gather [E, d]
    agg = jax.ops.segment_sum(msg, dst, num_segments=n)  # scatter-add [N, d]
    cnt = jax.ops.segment_sum(jnp.ones((src.shape[0],), dtype=x.dtype), dst,
                              num_segments=n)
    mean = agg / jnp.clip(cnt, 1.0, None)[:, None]
    return mean @ W_l + x @ W_r + b


def reference(x, edge_index, W1_l, W1_r, b1, W2_l, W2_r, b2):
    h = _sage_conv(x, edge_index, W1_l, W1_r, b1)
    h = jax.nn.relu(h)
    # dropout p=0.0 -> identity
    out = _sage_conv(h, edge_index, W2_l, W2_r, b2)
    return jnp.squeeze(out, axis=1)

if __name__ == "__main__":
    import jax
    _d = setup_inputs()
    print(jax.jit(kernel)(*tuple(_d.values())))

</pallas_src>

<mosaic_0001>
#map = affine_map<(d0, d1) -> (0, 0, 0)>
#map1 = affine_map<(d0, d1) -> (0, 0)>
module attributes {stable_mosaic.version = 14 : i64} {
  func.func @_cnt_body(%arg0: i32, %arg1: i32, %arg2: memref<32x125x80xi32, #tpu.memory_space<hbm>>, %arg3: memref<2x10240xf32, #tpu.memory_space<hbm>>, %arg4: memref<125x80xi32, #tpu.memory_space<vmem>>, %arg5: memref<10240xf32, #tpu.memory_space<vmem>>, %arg6: memref<16x640xf32, #tpu.memory_space<vmem>>, %arg7: memref<640xf32, #tpu.memory_space<vmem>>, %arg8: memref<16x10240xf32, #tpu.memory_space<vmem_shared>>) attributes {dimension_semantics = [#tpu.dimension_semantics<core_parallel>, #tpu.dimension_semantics<subcore_parallel>], iteration_bounds = array<i64: 2, 16>, scalar_prefetch = 0 : i64, scratch_operands = 5 : i64, tpu.core_type = #tpu.core_type<sc_vector_subcore>, window_params = [{transform_indices = #map}, {transform_indices = #map1}]} {
    %mul3A = arith.constant 16 : i32
    %mul3A_0 = arith.muli %arg0, %mul3A : i32
    %add3A = arith.addi %mul3A_0, %arg1 : i32
    "tpu.region"() ({
      %run_scoped3A_83 = tpu.sem_alloc : memref<!tpu.dma_semaphore, #tpu.memory_space<semaphore_mem>>
      %dma_start3A = arith.constant 0 : i32
      %dma_start3A_84 = arith.constant 0 : i32
      %dma_start3A_85 = tpu.memref_slice %arg2[%add3A, %dma_start3A, %dma_start3A_84] : memref<32x125x80xi32, #tpu.memory_space<hbm>> -> memref<1x125x80xi32, #tpu.memory_space<hbm>>
      %dma_start3A_86 = tpu.memref_squeeze %dma_start3A_85 : memref<1x125x80xi32, #tpu.memory_space<hbm>> -> memref<125x80xi32, #tpu.memory_space<hbm>>
      %dma_start3A_87 = arith.constant 0 : i32
      %dma_start3A_88 = arith.constant 0 : i32
      %dma_start3A_89 = tpu.memref_slice %arg2[%add3A, %dma_start3A_87, %dma_start3A_88] : memref<32x125x80xi32, #tpu.memory_space<hbm>> -> memref<1x125x80xi32, #tpu.memory_space<hbm>>
      %dma_start3A_90 = tpu.memref_squeeze %dma_start3A_89 : memref<1x125x80xi32, #tpu.memory_space<hbm>> -> memref<125x80xi32, #tpu.memory_space<hbm>>
      tpu.enqueue_dma source(%dma_start3A_90 : memref<125x80xi32, #tpu.memory_space<hbm>>) target(%arg4 : memref<125x80xi32, #tpu.memory_space<vmem>>) target_semaphore(%run_scoped3A_83 : memref<!tpu.dma_semaphore, #tpu.memory_space<semaphore_mem>>)
      %dma_wait3A = arith.constant 0 : i32
      %dma_wait3A_91 = arith.constant 0 : i32
      %dma_wait3A_92 = tpu.memref_slice %arg2[%add3A, %dma_wait3A, %dma_wait3A_91] : memref<32x125x80xi32, #tpu.memory_space<hbm>> -> memref<1x125x80xi32, #tpu.memory_space<hbm>>
      %dma_wait3A_93 = tpu.memref_squeeze %dma_wait3A_92 : memref<1x125x80xi32, #tpu.memory_space<hbm>> -> memref<125x80xi32, #tpu.memory_space<hbm>>
      %dma_wait3A_94 = arith.constant 0 : i32
      %dma_wait3A_95 = arith.constant 0 : i32
      %dma_wait3A_96 = tpu.memref_slice %arg2[%add3A, %dma_wait3A_94, %dma_wait3A_95] : memref<32x125x80xi32, #tpu.memory_space<hbm>> -> memref<1x125x80xi32, #tpu.memory_space<hbm>>
      %dma_wait3A_97 = tpu.memref_squeeze %dma_wait3A_96 : memref<1x125x80xi32, #tpu.memory_space<hbm>> -> memref<125x80xi32, #tpu.memory_space<hbm>>
      tpu.wait_dma2 semaphore(%run_scoped3A_83 : memref<!tpu.dma_semaphore, #tpu.memory_space<semaphore_mem>>) src(%dma_wait3A_97 : memref<125x80xi32, #tpu.memory_space<hbm>>) dst(%arg4 : memref<125x80xi32, #tpu.memory_space<vmem>>)
      tpu.yield
    }) : () -> ()
    %broadcast_in_dim3A = arith.constant 0.000000e+00 : f32
    %broadcast_in_dim3A_1 = vector.broadcast %broadcast_in_dim3A : f32 to vector<16xf32>
    %broadcast_in_dim3A_2 = arith.constant 1.000000e+00 : f32
    %broadcast_in_dim3A_3 = vector.broadcast %broadcast_in_dim3A_2 : f32 to vector<16xf32>
    %scan3A = arith.constant 0 : i32
    %scan3A_4 = arith.constant 640 : i32
    %scan3A_5 = arith.addi %scan3A, %scan3A_4 : i32
    %scan3A_6 = arith.constant 1 : i32
    scf.for %scan3A_83 = %scan3A to %scan3A_5 step %scan3A_6  : i32 {
      %mul3A_84 = arith.constant 1 : i32
      %mul3A_85 = arith.muli %scan3A_83, %mul3A_84 : i32
      %add3A_86 = arith.constant 0 : i32
      %add3A_87 = arith.addi %add3A_86, %mul3A_85 : i32
      %mul3A_88 = arith.constant 16 : i32
      %mul3A_89 = arith.muli %add3A_87, %mul3A_88 : i32
      %swap3A = arith.index_cast %mul3A_89 : i32 to index
      %swap3A_90 = tpu.vector_load %arg5[%swap3A] {strides = array<i32>} : memref<10240xf32, #tpu.memory_space<vmem>>, vector<16xf32>,
      tpu.vector_store %arg5[%swap3A], %broadcast_in_dim3A_1 {strides = array<i32>} : memref<10240xf32, #tpu.memory_space<vmem>>, vector<16xf32>,
    }
    %scan3A_7 = arith.constant 640 : i32
    %scan3A_8 = arith.constant 0 : i32
    %scan3A_9 = arith.constant 125 : i32
    %scan3A_10 = arith.addi %scan3A_8, %scan3A_9 : i32
    %scan3A_11 = arith.constant 1 : i32
    scf.for %scan3A_83 = %scan3A_8 to %scan3A_10 step %scan3A_11  : i32 {
      %mul3A_84 = arith.constant 1 : i32
      %mul3A_85 = arith.muli %scan3A_83, %mul3A_84 : i32
      %add3A_86 = arith.constant 0 : i32
      %add3A_87 = arith.addi %add3A_86, %mul3A_85 : i32
      %get3A = arith.index_cast %add3A_87 : i32 to index
      %get3A_88 = arith.constant 0 : index
      %get3A_89 = tpu.vector_load %arg4[%get3A, %get3A_88] {strides = array<i32>} : memref<125x80xi32, #tpu.memory_space<vmem>>, vector<16xi32>,
      tpu.vector_store_idx %arg5[%get3A_89], %broadcast_in_dim3A_3 {add = true} : memref<10240xf32, #tpu.memory_space<vmem>>[vector<16xi32>], vector<16xf32>,
      %get3A_90 = arith.index_cast %add3A_87 : i32 to index
      %get3A_91 = arith.constant 16 : index
      %get3A_92 = tpu.vector_load %arg4[%get3A_90, %get3A_91] {strides = array<i32>} : memref<125x80xi32, #tpu.memory_space<vmem>>, vector<16xi32>,
      tpu.vector_store_idx %arg5[%get3A_92], %broadcast_in_dim3A_3 {add = true} : memref<10240xf32, #tpu.memory_space<vmem>>[vector<16xi32>], vector<16xf32>,
      %get3A_93 = arith.index_cast %add3A_87 : i32 to index
      %get3A_94 = arith.constant 32 : index
      %get3A_95 = tpu.vector_load %arg4[%get3A_93, %get3A_94] {strides = array<i32>} : memref<125x80xi32, #tpu.memory_space<vmem>>, vector<16xi32>,
      tpu.vector_store_idx %arg5[%get3A_95], %broadcast_in_dim3A_3 {add = true} : memref<10240xf32, #tpu.memory_space<vmem>>[vector<16xi32>], vector<16xf32>,
      %get3A_96 = arith.index_cast %add3A_87 : i32 to index
      %get3A_97 = arith.constant 48 : index
      %get3A_98 = tpu.vector_load %arg4[%get3A_96, %get3A_97] {strides = array<i32>} : memref<125x80xi32, #tpu.memory_space<vmem>>, vector<16xi32>,
      tpu.vector_store_idx %arg5[%get3A_98], %broadcast_in_dim3A_3 {add = true} : memref<10240xf32, #tpu.memory_space<vmem>>[vector<16xi32>], vector<16xf32>,
      %get3A_99 = arith.index_cast %add3A_87 : i32 to index
      %get3A_100 = arith.constant 64 : index
      %get3A_101 = tpu.vector_load %arg4[%get3A_99, %get3A_100] {strides = array<i32>} : memref<125x80xi32, #tpu.memory_space<vmem>>, vector<16xi32>,
      tpu.vector_store_idx %arg5[%get3A_101], %broadcast_in_dim3A_3 {add = true} : memref<10240xf32, #tpu.memory_space<vmem>>[vector<16xi32>], vector<16xf32>,
    }
    %scan3A_12 = arith.constant 125 : i32
    "tpu.region"() ({
      %run_scoped3A_83 = tpu.sem_alloc : memref<!tpu.dma_semaphore, #tpu.memory_space<semaphore_mem>>
      %dma_start3A = arith.constant 0 : i32
      %dma_start3A_84 = tpu.memref_slice %arg8[%arg1, %dma_start3A] : memref<16x10240xf32, #tpu.memory_space<vmem_shared>> -> memref<1x10240xf32, #tpu.memory_space<vmem_shared>>
      %dma_start3A_85 = tpu.memref_squeeze %dma_start3A_84 : memref<1x10240xf32, #tpu.memory_space<vmem_shared>> -> memref<10240xf32, #tpu.memory_space<vmem_shared>>
      %dma_start3A_86 = arith.constant 0 : i32
      %dma_start3A_87 = tpu.memref_slice %arg8[%arg1, %dma_start3A_86] : memref<16x10240xf32, #tpu.memory_space<vmem_shared>> -> memref<1x10240xf32, #tpu.memory_space<vmem_shared>>
      %dma_start3A_88 = tpu.memref_squeeze %dma_start3A_87 : memref<1x10240xf32, #tpu.memory_space<vmem_shared>> -> memref<10240xf32, #tpu.memory_space<vmem_shared>>
      tpu.enqueue_dma source(%arg5 : memref<10240xf32, #tpu.memory_space<vmem>>) target(%dma_start3A_88 : memref<10240xf32, #tpu.memory_space<vmem_shared>>) target_semaphore(%run_scoped3A_83 : memref<!tpu.dma_semaphore, #tpu.memory_space<semaphore_mem>>)
      %dma_wait3A = arith.constant 0 : i32
      %dma_wait3A_89 = tpu.memref_slice %arg8[%arg1, %dma_wait3A] : memref<16x10240xf32, #tpu.memory_space<vmem_shared>> -> memref<1x10240xf32, #tpu.memory_space<vmem_shared>>
      %dma_wait3A_90 = tpu.memref_squeeze %dma_wait3A_89 : memref<1x10240xf32, #tpu.memory_space<vmem_shared>> -> memref<10240xf32, #tpu.memory_space<vmem_shared>>
      %dma_wait3A_91 = arith.constant 0 : i32
      %dma_wait3A_92 = tpu.memref_slice %arg8[%arg1, %dma_wait3A_91] : memref<16x10240xf32, #tpu.memory_space<vmem_shared>> -> memref<1x10240xf32, #tpu.memory_space<vmem_shared>>
      %dma_wait3A_93 = tpu.memref_squeeze %dma_wait3A_92 : memref<1x10240xf32, #tpu.memory_space<vmem_shared>> -> memref<10240xf32, #tpu.memory_space<vmem_shared>>
      tpu.wait_dma2 semaphore(%run_scoped3A_83 : memref<!tpu.dma_semaphore, #tpu.memory_space<semaphore_mem>>) src(%arg5 : memref<10240xf32, #tpu.memory_space<vmem>>) dst(%dma_wait3A_93 : memref<10240xf32, #tpu.memory_space<vmem_shared>>)
      tpu.yield
    }) : () -> ()
    %barrier3A = arith.constant 0 : index
    tpu.barrier barrier_id(%barrier3A)
    %mul3A_13 = arith.constant 640 : i32
    %mul3A_14 = arith.muli %arg1, %mul3A_13 : i32
    %run_scoped3A = arith.constant 0 : i32
    %run_scoped3A_15 = arith.constant 0 : i32
    "tpu.region"() ({
      %run_scoped3A_83 = tpu.sem_alloc : memref<!tpu.dma_semaphore, #tpu.memory_space<semaphore_mem>>
      %dma_start3A = arith.constant 0 : i32
      %dma_start3A_84 = tpu.memref_slice %arg6[%run_scoped3A_15, %dma_start3A] : memref<16x640xf32, #tpu.memory_space<vmem>> -> memref<1x640xf32, #tpu.memory_space<vmem>>
      %dma_start3A_85 = tpu.memref_squeeze %dma_start3A_84 : memref<1x640xf32, #tpu.memory_space<vmem>> -> memref<640xf32, #tpu.memory_space<vmem>>
      %dma_start3A_86 = tpu.memref_slice %arg8[%run_scoped3A, %mul3A_14] : memref<16x10240xf32, #tpu.memory_space<vmem_shared>> -> memref<1x640xf32, #tpu.memory_space<vmem_shared>>
      %dma_start3A_87 = tpu.memref_squeeze %dma_start3A_86 : memref<1x640xf32, #tpu.memory_space<vmem_shared>> -> memref<640xf32, #tpu.memory_space<vmem_shared>>
      %dma_start3A_88 = arith.constant 0 : i32
      %dma_start3A_89 = tpu.memref_slice %arg6[%run_scoped3A_15, %dma_start3A_88] : memref<16x640xf32, #tpu.memory_space<vmem>> -> memref<1x640xf32, #tpu.memory_space<vmem>>
      %dma_start3A_90 = tpu.memref_squeeze %dma_start3A_89 : memref<1x640xf32, #tpu.memory_space<vmem>> -> memref<640xf32, #tpu.memory_space<vmem>>
      %dma_start3A_91 = tpu.memref_slice %arg8[%run_scoped3A, %mul3A_14] : memref<16x10240xf32, #tpu.memory_space<vmem_shared>> -> memref<1x640xf32, #tpu.memory_space<vmem_shared>>
      %dma_start3A_92 = tpu.memref_squeeze %dma_start3A_91 : memref<1x640xf32, #tpu.memory_space<vmem_shared>> -> memref<640xf32, #tpu.memory_space<vmem_shared>>
      tpu.enqueue_dma source(%dma_start3A_92 : memref<640xf32, #tpu.memory_space<vmem_shared>>) target(%dma_start3A_90 : memref<640xf32, #tpu.memory_space<vmem>>) target_semaphore(%run_scoped3A_83 : memref<!tpu.dma_semaphore, #tpu.memory_space<semaphore_mem>>)
      %dma_wait3A = arith.constant 0 : i32
      %dma_wait3A_93 = tpu.memref_slice %arg6[%run_scoped3A_15, %dma_wait3A] : memref<16x640xf32, #tpu.memory_space<vmem>> -> memref<1x640xf32, #tpu.memory_space<vmem>>
      %dma_wait3A_94 = tpu.memref_squeeze %dma_wait3A_93 : memref<1x640xf32, #tpu.memory_space<vmem>> -> memref<640xf32, #tpu.memory_space<vmem>>
      %dma_wait3A_95 = tpu.memref_slice %arg8[%run_scoped3A, %mul3A_14] : memref<16x10240xf32, #tpu.memory_space<vmem_shared>> -> memref<1x640xf32, #tpu.memory_space<vmem_shared>>
      %dma_wait3A_96 = tpu.memref_squeeze %dma_wait3A_95 : memref<1x640xf32, #tpu.memory_space<vmem_shared>> -> memref<640xf32, #tpu.memory_space<vmem_shared>>
      %dma_wait3A_97 = arith.constant 0 : i32
      %dma_wait3A_98 = tpu.memref_slice %arg6[%run_scoped3A_15, %dma_wait3A_97] : memref<16x640xf32, #tpu.memory_space<vmem>> -> memref<1x640xf32, #tpu.memory_space<vmem>>
      %dma_wait3A_99 = tpu.memref_squeeze %dma_wait3A_98 : memref<1x640xf32, #tpu.memory_space<vmem>> -> memref<640xf32, #tpu.memory_space<vmem>>
      %dma_wait3A_100 = tpu.memref_slice %arg8[%run_scoped3A, %mul3A_14] : memref<16x10240xf32, #tpu.memory_space<vmem_shared>> -> memref<1x640xf32, #tpu.memory_space<vmem_shared>>
      %dma_wait3A_101 = tpu.memref_squeeze %dma_wait3A_100 : memref<1x640xf32, #tpu.memory_space<vmem_shared>> -> memref<640xf32, #tpu.memory_space<vmem_shared>>
      tpu.wait_dma2 semaphore(%run_scoped3A_83 : memref<!tpu.dma_semaphore, #tpu.memory_space<semaphore_mem>>) src(%dma_wait3A_101 : memref<640xf32, #tpu.memory_space<vmem_shared>>) dst(%dma_wait3A_99 : memref<640xf32, #tpu.memory_space<vmem>>)
      tpu.yield
    }) : () -> ()
    %mul3A_16 = arith.constant 640 : i32
    %mul3A_17 = arith.muli %arg1, %mul3A_16 : i32
    %run_scoped3A_18 = arith.constant 1 : i32
    %run_scoped3A_19 = arith.constant 1 : i32
    "tpu.region"() ({
      %run_scoped3A_83 = tpu.sem_alloc : memref<!tpu.dma_semaphore, #tpu.memory_space<semaphore_mem>>
      %dma_start3A = arith.constant 0 : i32
      %dma_start3A_84 = tpu.memref_slice %arg6[%run_scoped3A_19, %dma_start3A] : memref<16x640xf32, #tpu.memory_space<vmem>> -> memref<1x640xf32, #tpu.memory_space<vmem>>
      %dma_start3A_85 = tpu.memref_squeeze %dma_start3A_84 : memref<1x640xf32, #tpu.memory_space<vmem>> -> memref<640xf32, #tpu.memory_space<vmem>>
      %dma_start3A_86 = tpu.memref_slice %arg8[%run_scoped3A_18, %mul3A_17] : memref<16x10240xf32, #tpu.memory_space<vmem_shared>> -> memref<1x640xf32, #tpu.memory_space<vmem_shared>>
      %dma_start3A_87 = tpu.memref_squeeze %dma_start3A_86 : memref<1x640xf32, #tpu.memory_space<vmem_shared>> -> memref<640xf32, #tpu.memory_space<vmem_shared>>
      %dma_start3A_88 = arith.constant 0 : i32
      %dma_start3A_89 = tpu.memref_slice %arg6[%run_scoped3A_19, %dma_start3A_88] : memref<16x640xf32, #tpu.memory_space<vmem>> -> memref<1x640xf32, #tpu.memory_space<vmem>>
      %dma_start3A_90 = tpu.memref_squeeze %dma_start3A_89 : memref<1x640xf32, #tpu.memory_space<vmem>> -> memref<640xf32, #tpu.memory_space<vmem>>
      %dma_start3A_91 = tpu.memref_slice %arg8[%run_scoped3A_18, %mul3A_17] : memref<16x10240xf32, #tpu.memory_space<vmem_shared>> -> memref<1x640xf32, #tpu.memory_space<vmem_shared>>
      %dma_start3A_92 = tpu.memref_squeeze %dma_start3A_91 : memref<1x640xf32, #tpu.memory_space<vmem_shared>> -> memref<640xf32, #tpu.memory_space<vmem_shared>>
      tpu.enqueue_dma source(%dma_start3A_92 : memref<640xf32, #tpu.memory_space<vmem_shared>>) target(%dma_start3A_90 : memref<640xf32, #tpu.memory_space<vmem>>) target_semaphore(%run_scoped3A_83 : memref<!tpu.dma_semaphore, #tpu.memory_space<semaphore_mem>>)
      %dma_wait3A = arith.constant 0 : i32
      %dma_wait3A_93 = tpu.memref_slice %arg6[%run_scoped3A_19, %dma_wait3A] : memref<16x640xf32, #tpu.memory_space<vmem>> -> memref<1x640xf32, #tpu.memory_space<vmem>>
      %dma_wait3A_94 = tpu.memref_squeeze %dma_wait3A_93 : memref<1x640xf32, #tpu.memory_space<vmem>> -> memref<640xf32, #tpu.memory_space<vmem>>
      %dma_wait3A_95 = tpu.memref_slice %arg8[%run_scoped3A_18, %mul3A_17] : memref<16x10240xf32, #tpu.memory_space<vmem_shared>> -> memref<1x640xf32, #tpu.memory_space<vmem_shared>>
      %dma_wait3A_96 = tpu.memref_squeeze %dma_wait3A_95 : memref<1x640xf32, #tpu.memory_space<vmem_shared>> -> memref<640xf32, #tpu.memory_space<vmem_shared>>
      %dma_wait3A_97 = arith.constant 0 : i32
      %dma_wait3A_98 = tpu.memref_slice %arg6[%run_scoped3A_19, %dma_wait3A_97] : memref<16x640xf32, #tpu.memory_space<vmem>> -> memref<1x640xf32, #tpu.memory_space<vmem>>
      %dma_wait3A_99 = tpu.memref_squeeze %dma_wait3A_98 : memref<1x640xf32, #tpu.memory_space<vmem>> -> memref<640xf32, #tpu.memory_space<vmem>>
      %dma_wait3A_100 = tpu.memref_slice %arg8[%run_scoped3A_18, %mul3A_17] : memref<16x10240xf32, #tpu.memory_space<vmem_shared>> -> memref<1x640xf32, #tpu.memory_space<vmem_shared>>
      %dma_wait3A_101 = tpu.memref_squeeze %dma_wait3A_100 : memref<1x640xf32, #tpu.memory_space<vmem_shared>> -> memref<640xf32, #tpu.memory_space<vmem_shared>>
      tpu.wait_dma2 semaphore(%run_scoped3A_83 : memref<!tpu.dma_semaphore, #tpu.memory_space<semaphore_mem>>) src(%dma_wait3A_101 : memref<640xf32, #tpu.memory_space<vmem_shared>>) dst(%dma_wait3A_99 : memref<640xf32, #tpu.memory_space<vmem>>)
      tpu.yield
    }) : () -> ()
    %mul3A_20 = arith.constant 640 : i32
    %mul3A_21 = arith.muli %arg1, %mul3A_20 : i32
    %run_scoped3A_22 = arith.constant 2 : i32
    %run_scoped3A_23 = arith.constant 2 : i32
    "tpu.region"() ({
      %run_scoped3A_83 = tpu.sem_alloc : memref<!tpu.dma_semaphore, #tpu.memory_space<semaphore_mem>>
      %dma_start3A = arith.constant 0 : i32
      %dma_start3A_84 = tpu.memref_slice %arg6[%run_scoped3A_23, %dma_start3A] : memref<16x640xf32, #tpu.memory_space<vmem>> -> memref<1x640xf32, #tpu.memory_space<vmem>>
      %dma_start3A_85 = tpu.memref_squeeze %dma_start3A_84 : memref<1x640xf32, #tpu.memory_space<vmem>> -> memref<640xf32, #tpu.memory_space<vmem>>
      %dma_start3A_86 = tpu.memref_slice %arg8[%run_scoped3A_22, %mul3A_21] : memref<16x10240xf32, #tpu.memory_space<vmem_shared>> -> memref<1x640xf32, #tpu.memory_space<vmem_shared>>
      %dma_start3A_87 = tpu.memref_squeeze %dma_start3A_86 : memref<1x640xf32, #tpu.memory_space<vmem_shared>> -> memref<640xf32, #tpu.memory_space<vmem_shared>>
      %dma_start3A_88 = arith.constant 0 : i32
      %dma_start3A_89 = tpu.memref_slice %arg6[%run_scoped3A_23, %dma_start3A_88] : memref<16x640xf32, #tpu.memory_space<vmem>> -> memref<1x640xf32, #tpu.memory_space<vmem>>
      %dma_start3A_90 = tpu.memref_squeeze %dma_start3A_89 : memref<1x640xf32, #tpu.memory_space<vmem>> -> memref<640xf32, #tpu.memory_space<vmem>>
      %dma_start3A_91 = tpu.memref_slice %arg8[%run_scoped3A_22, %mul3A_21] : memref<16x10240xf32, #tpu.memory_space<vmem_shared>> -> memref<1x640xf32, #tpu.memory_space<vmem_shared>>
      %dma_start3A_92 = tpu.memref_squeeze %dma_start3A_91 : memref<1x640xf32, #tpu.memory_space<vmem_shared>> -> memref<640xf32, #tpu.memory_space<vmem_shared>>
      tpu.enqueue_dma source(%dma_start3A_92 : memref<640xf32, #tpu.memory_space<vmem_shared>>) target(%dma_start3A_90 : memref<640xf32, #tpu.memory_space<vmem>>) target_semaphore(%run_scoped3A_83 : memref<!tpu.dma_semaphore, #tpu.memory_space<semaphore_mem>>)
      %dma_wait3A = arith.constant 0 : i32
      %dma_wait3A_93 = tpu.memref_slice %arg6[%run_scoped3A_23, %dma_wait3A] : memref<16x640xf32, #tpu.memory_space<vmem>> -> memref<1x640xf32, #tpu.memory_space<vmem>>
      %dma_wait3A_94 = tpu.memref_squeeze %dma_wait3A_93 : memref<1x640xf32, #tpu.memory_space<vmem>> -> memref<640xf32, #tpu.memory_space<vmem>>
      %dma_wait3A_95 = tpu.memref_slice %arg8[%run_scoped3A_22, %mul3A_21] : memref<16x10240xf32, #tpu.memory_space<vmem_shared>> -> memref<1x640xf32, #tpu.memory_space<vmem_shared>>
      %dma_wait3A_96 = tpu.memref_squeeze %dma_wait3A_95 : memref<1x640xf32, #tpu.memory_space<vmem_shared>> -> memref<640xf32, #tpu.memory_space<vmem_shared>>
      %dma_wait3A_97 = arith.constant 0 : i32
      %dma_wait3A_98 = tpu.memref_slice %arg6[%run_scoped3A_23, %dma_wait3A_97] : memref<16x640xf32, #tpu.memory_space<vmem>> -> memref<1x640xf32, #tpu.memory_space<vmem>>
      %dma_wait3A_99 = tpu.memref_squeeze %dma_wait3A_98 : memref<1x640xf32, #tpu.memory_space<vmem>> -> memref<640xf32, #tpu.memory_space<vmem>>
      %dma_wait3A_100 = tpu.memref_slice %arg8[%run_scoped3A_22, %mul3A_21] : memref<16x10240xf32, #tpu.memory_space<vmem_shared>> -> memref<1x640xf32, #tpu.memory_space<vmem_shared>>
      %dma_wait3A_101 = tpu.memref_squeeze %dma_wait3A_100 : memref<1x640xf32, #tpu.memory_space<vmem_shared>> -> memref<640xf32, #tpu.memory_space<vmem_shared>>
      tpu.wait_dma2 semaphore(%run_scoped3A_83 : memref<!tpu.dma_semaphore, #tpu.memory_space<semaphore_mem>>) src(%dma_wait3A_101 : memref<640xf32, #tpu.memory_space<vmem_shared>>) dst(%dma_wait3A_99 : memref<640xf32, #tpu.memory_space<vmem>>)
      tpu.yield
    }) : () -> ()
    %mul3A_24 = arith.constant 640 : i32
    %mul3A_25 = arith.muli %arg1, %mul3A_24 : i32
    %run_scoped3A_26 = arith.constant 3 : i32
    %run_scoped3A_27 = arith.constant 3 : i32
    "tpu.region"() ({
      %run_scoped3A_83 = tpu.sem_alloc : memref<!tpu.dma_semaphore, #tpu.memory_space<semaphore_mem>>
      %dma_start3A = arith.constant 0 : i32
      %dma_start3A_84 = tpu.memref_slice %arg6[%run_scoped3A_27, %dma_start3A] : memref<16x640xf32, #tpu.memory_space<vmem>> -> memref<1x640xf32, #tpu.memory_space<vmem>>
      %dma_start3A_85 = tpu.memref_squeeze %dma_start3A_84 : memref<1x640xf32, #tpu.memory_space<vmem>> -> memref<640xf32, #tpu.memory_space<vmem>>
      %dma_start3A_86 = tpu.memref_slice %arg8[%run_scoped3A_26, %mul3A_25] : memref<16x10240xf32, #tpu.memory_space<vmem_shared>> -> memref<1x640xf32, #tpu.memory_space<vmem_shared>>
      %dma_start3A_87 = tpu.memref_squeeze %dma_start3A_86 : memref<1x640xf32, #tpu.memory_space<vmem_shared>> -> memref<640xf32, #tpu.memory_space<vmem_shared>>
      %dma_start3A_88 = arith.constant 0 : i32
      %dma_start3A_89 = tpu.memref_slice %arg6[%run_scoped3A_27, %dma_start3A_88] : memref<16x640xf32, #tpu.memory_space<vmem>> -> memref<1x640xf32, #tpu.memory_space<vmem>>
      %dma_start3A_90 = tpu.memref_squeeze %dma_start3A_89 : memref<1x640xf32, #tpu.memory_space<vmem>> -> memref<640xf32, #tpu.memory_space<vmem>>
      %dma_start3A_91 = tpu.memref_slice %arg8[%run_scoped3A_26, %mul3A_25] : memref<16x10240xf32, #tpu.memory_space<vmem_shared>> -> memref<1x640xf32, #tpu.memory_space<vmem_shared>>
      %dma_start3A_92 = tpu.memref_squeeze %dma_start3A_91 : memref<1x640xf32, #tpu.memory_space<vmem_shared>> -> memref<640xf32, #tpu.memory_space<vmem_shared>>
      tpu.enqueue_dma source(%dma_start3A_92 : memref<640xf32, #tpu.memory_space<vmem_shared>>) target(%dma_start3A_90 : memref<640xf32, #tpu.memory_space<vmem>>) target_semaphore(%run_scoped3A_83 : memref<!tpu.dma_semaphore, #tpu.memory_space<semaphore_mem>>)
      %dma_wait3A = arith.constant 0 : i32
      %dma_wait3A_93 = tpu.memref_slice %arg6[%run_scoped3A_27, %dma_wait3A] : memref<16x640xf32, #tpu.memory_space<vmem>> -> memref<1x640xf32, #tpu.memory_space<vmem>>
      %dma_wait3A_94 = tpu.memref_squeeze %dma_wait3A_93 : memref<1x640xf32, #tpu.memory_space<vmem>> -> memref<640xf32, #tpu.memory_space<vmem>>
      %dma_wait3A_95 = tpu.memref_slice %arg8[%run_scoped3A_26, %mul3A_25] : memref<16x10240xf32, #tpu.memory_space<vmem_shared>> -> memref<1x640xf32, #tpu.memory_space<vmem_shared>>
      %dma_wait3A_96 = tpu.memref_squeeze %dma_wait3A_95 : memref<1x640xf32, #tpu.memory_space<vmem_shared>> -> memref<640xf32, #tpu.memory_space<vmem_shared>>
      %dma_wait3A_97 = arith.constant 0 : i32
      %dma_wait3A_98 = tpu.memref_slice %arg6[%run_scoped3A_27, %dma_wait3A_97] : memref<16x640xf32, #tpu.memory_space<vmem>> -> memref<1x640xf32, #tpu.memory_space<vmem>>
      %dma_wait3A_99 = tpu.memref_squeeze %dma_wait3A_98 : memref<1x640xf32, #tpu.memory_space<vmem>> -> memref<640xf32, #tpu.memory_space<vmem>>
      %dma_wait3A_100 = tpu.memref_slice %arg8[%run_scoped3A_26, %mul3A_25] : memref<16x10240xf32, #tpu.memory_space<vmem_shared>> -> memref<1x640xf32, #tpu.memory_space<vmem_shared>>
      %dma_wait3A_101 = tpu.memref_squeeze %dma_wait3A_100 : memref<1x640xf32, #tpu.memory_space<vmem_shared>> -> memref<640xf32, #tpu.memory_space<vmem_shared>>
      tpu.wait_dma2 semaphore(%run_scoped3A_83 : memref<!tpu.dma_semaphore, #tpu.memory_space<semaphore_mem>>) src(%dma_wait3A_101 : memref<640xf32, #tpu.memory_space<vmem_shared>>) dst(%dma_wait3A_99 : memref<640xf32, #tpu.memory_space<vmem>>)
      tpu.yield
    }) : () -> ()
    %mul3A_28 = arith.constant 640 : i32
    %mul3A_29 = arith.muli %arg1, %mul3A_28 : i32
    %run_scoped3A_30 = arith.constant 4 : i32
    %run_scoped3A_31 = arith.constant 4 : i32
    "tpu.region"() ({
      %run_scoped3A_83 = tpu.sem_alloc : memref<!tpu.dma_semaphore, #tpu.memory_space<semaphore_mem>>
      %dma_start3A = arith.constant 0 : i32
      %dma_start3A_84 = tpu.memref_slice %arg6[%run_scoped3A_31, %dma_start3A] : memref<16x640xf32, #tpu.memory_space<vmem>> -> memref<1x640xf32, #tpu.memory_space<vmem>>
      %dma_start3A_85 = tpu.memref_squeeze %dma_start3A_84 : memref<1x640xf32, #tpu.memory_space<vmem>> -> memref<640xf32, #tpu.memory_space<vmem>>
      %dma_start3A_86 = tpu.memref_slice %arg8[%run_scoped3A_30, %mul3A_29] : memref<16x10240xf32, #tpu.memory_space<vmem_shared>> -> memref<1x640xf32, #tpu.memory_space<vmem_shared>>
      %dma_start3A_87 = tpu.memref_squeeze %dma_start3A_86 : memref<1x640xf32, #tpu.memory_space<vmem_shared>> -> memref<640xf32, #tpu.memory_space<vmem_shared>>
      %dma_start3A_88 = arith.constant 0 : i32
      %dma_start3A_89 = tpu.memref_slice %arg6[%run_scoped3A_31, %dma_start3A_88] : memref<16x640xf32, #tpu.memory_space<vmem>> -> memref<1x640xf32, #tpu.memory_space<vmem>>
      %dma_start3A_90 = tpu.memref_squeeze %dma_start3A_89 : memref<1x640xf32, #tpu.memory_space<vmem>> -> memref<640xf32, #tpu.memory_space<vmem>>
      %dma_start3A_91 = tpu.memref_slice %arg8[%run_scoped3A_30, %mul3A_29] : memref<16x10240xf32, #tpu.memory_space<vmem_shared>> -> memref<1x640xf32, #tpu.memory_space<vmem_shared>>
      %dma_start3A_92 = tpu.memref_squeeze %dma_start3A_91 : memref<1x640xf32, #tpu.memory_space<vmem_shared>> -> memref<640xf32, #tpu.memory_space<vmem_shared>>
      tpu.enqueue_dma source(%dma_start3A_92 : memref<640xf32, #tpu.memory_space<vmem_shared>>) target(%dma_start3A_90 : memref<640xf32, #tpu.memory_space<vmem>>) target_semaphore(%run_scoped3A_83 : memref<!tpu.dma_semaphore, #tpu.memory_space<semaphore_mem>>)
      %dma_wait3A = arith.constant 0 : i32
      %dma_wait3A_93 = tpu.memref_slice %arg6[%run_scoped3A_31, %dma_wait3A] : memref<16x640xf32, #tpu.memory_space<vmem>> -> memref<1x640xf32, #tpu.memory_space<vmem>>
      %dma_wait3A_94 = tpu.memref_squeeze %dma_wait3A_93 : memref<1x640xf32, #tpu.memory_space<vmem>> -> memref<640xf32, #tpu.memory_space<vmem>>
      %dma_wait3A_95 = tpu.memref_slice %arg8[%run_scoped3A_30, %mul3A_29] : memref<16x10240xf32, #tpu.memory_space<vmem_shared>> -> memref<1x640xf32, #tpu.memory_space<vmem_shared>>
      %dma_wait3A_96 = tpu.memref_squeeze %dma_wait3A_95 : memref<1x640xf32, #tpu.memory_space<vmem_shared>> -> memref<640xf32, #tpu.memory_space<vmem_shared>>
      %dma_wait3A_97 = arith.constant 0 : i32
      %dma_wait3A_98 = tpu.memref_slice %arg6[%run_scoped3A_31, %dma_wait3A_97] : memref<16x640xf32, #tpu.memory_space<vmem>> -> memref<1x640xf32, #tpu.memory_space<vmem>>
      %dma_wait3A_99 = tpu.memref_squeeze %dma_wait3A_98 : memref<1x640xf32, #tpu.memory_space<vmem>> -> memref<640xf32, #tpu.memory_space<vmem>>
      %dma_wait3A_100 = tpu.memref_slice %arg8[%run_scoped3A_30, %mul3A_29] : memref<16x10240xf32, #tpu.memory_space<vmem_shared>> -> memref<1x640xf32, #tpu.memory_space<vmem_shared>>
      %dma_wait3A_101 = tpu.memref_squeeze %dma_wait3A_100 : memref<1x640xf32, #tpu.memory_space<vmem_shared>> -> memref<640xf32, #tpu.memory_space<vmem_shared>>
      tpu.wait_dma2 semaphore(%run_scoped3A_83 : memref<!tpu.dma_semaphore, #tpu.memory_space<semaphore_mem>>) src(%dma_wait3A_101 : memref<640xf32, #tpu.memory_space<vmem_shared>>) dst(%dma_wait3A_99 : memref<640xf32, #tpu.memory_space<vmem>>)
      tpu.yield
    }) : () -> ()
    %mul3A_32 = arith.constant 640 : i32
    %mul3A_33 = arith.muli %arg1, %mul3A_32 : i32
    %run_scoped3A_34 = arith.constant 5 : i32
    %run_scoped3A_35 = arith.constant 5 : i32
    "tpu.region"() ({
      %run_scoped3A_83 = tpu.sem_alloc : memref<!tpu.dma_semaphore, #tpu.memory_space<semaphore_mem>>
      %dma_start3A = arith.constant 0 : i32
      %dma_start3A_84 = tpu.memref_slice %arg6[%run_scoped3A_35, %dma_start3A] : memref<16x640xf32, #tpu.memory_space<vmem>> -> memref<1x640xf32, #tpu.memory_space<vmem>>
      %dma_start3A_85 = tpu.memref_squeeze %dma_start3A_84 : memref<1x640xf32, #tpu.memory_space<vmem>> -> memref<640xf32, #tpu.memory_space<vmem>>
      %dma_start3A_86 = tpu.memref_slice %arg8[%run_scoped3A_34, %mul3A_33] : memref<16x10240xf32, #tpu.memory_space<vmem_shared>> -> memref<1x640xf32, #tpu.memory_space<vmem_shared>>
      %dma_start3A_87 = tpu.memref_squeeze %dma_start3A_86 : memref<1x640xf32, #tpu.memory_space<vmem_shared>> -> memref<640xf32, #tpu.memory_space<vmem_shared>>
      %dma_start3A_88 = arith.constant 0 : i32
      %dma_start3A_89 = tpu.memref_slice %arg6[%run_scoped3A_35, %dma_start3A_88] : memref<16x640xf32, #tpu.memory_space<vmem>> -> memref<1x640xf32, #tpu.memory_space<vmem>>
      %dma_start3A_90 = tpu.memref_squeeze %dma_start3A_89 : memref<1x640xf32, #tpu.memory_space<vmem>> -> memref<640xf32, #tpu.memory_space<vmem>>
      %dma_start3A_91 = tpu.memref_slice %arg8[%run_scoped3A_34, %mul3A_33] : memref<16x10240xf32, #tpu.memory_space<vmem_shared>> -> memref<1x640xf32, #tpu.memory_space<vmem_shared>>
      %dma_start3A_92 = tpu.memref_squeeze %dma_start3A_91 : memref<1x640xf32, #tpu.memory_space<vmem_shared>> -> memref<640xf32, #tpu.memory_space<vmem_shared>>
      tpu.enqueue_dma source(%dma_start3A_92 : memref<640xf32, #tpu.memory_space<vmem_shared>>) target(%dma_start3A_90 : memref<640xf32, #tpu.memory_space<vmem>>) target_semaphore(%run_scoped3A_83 : memref<!tpu.dma_semaphore, #tpu.memory_space<semaphore_mem>>)
      %dma_wait3A = arith.constant 0 : i32
      %dma_wait3A_93 = tpu.memref_slice %arg6[%run_scoped3A_35, %dma_wait3A] : memref<16x640xf32, #tpu.memory_space<vmem>> -> memref<1x640xf32, #tpu.memory_space<vmem>>
      %dma_wait3A_94 = tpu.memref_squeeze %dma_wait3A_93 : memref<1x640xf32, #tpu.memory_space<vmem>> -> memref<640xf32, #tpu.memory_space<vmem>>
      %dma_wait3A_95 = tpu.memref_slice %arg8[%run_scoped3A_34, %mul3A_33] : memref<16x10240xf32, #tpu.memory_space<vmem_shared>> -> memref<1x640xf32, #tpu.memory_space<vmem_shared>>
      %dma_wait3A_96 = tpu.memref_squeeze %dma_wait3A_95 : memref<1x640xf32, #tpu.memory_space<vmem_shared>> -> memref<640xf32, #tpu.memory_space<vmem_shared>>
      %dma_wait3A_97 = arith.constant 0 : i32
      %dma_wait3A_98 = tpu.memref_slice %arg6[%run_scoped3A_35, %dma_wait3A_97] : memref<16x640xf32, #tpu.memory_space<vmem>> -> memref<1x640xf32, #tpu.memory_space<vmem>>
      %dma_wait3A_99 = tpu.memref_squeeze %dma_wait3A_98 : memref<1x640xf32, #tpu.memory_space<vmem>> -> memref<640xf32, #tpu.memory_space<vmem>>
      %dma_wait3A_100 = tpu.memref_slice %arg8[%run_scoped3A_34, %mul3A_33] : memref<16x10240xf32, #tpu.memory_space<vmem_shared>> -> memref<1x640xf32, #tpu.memory_space<vmem_shared>>
      %dma_wait3A_101 = tpu.memref_squeeze %dma_wait3A_100 : memref<1x640xf32, #tpu.memory_space<vmem_shared>> -> memref<640xf32, #tpu.memory_space<vmem_shared>>
      tpu.wait_dma2 semaphore(%run_scoped3A_83 : memref<!tpu.dma_semaphore, #tpu.memory_space<semaphore_mem>>) src(%dma_wait3A_101 : memref<640xf32, #tpu.memory_space<vmem_shared>>) dst(%dma_wait3A_99 : memref<640xf32, #tpu.memory_space<vmem>>)
      tpu.yield
    }) : () -> ()
    %mul3A_36 = arith.constant 640 : i32
    %mul3A_37 = arith.muli %arg1, %mul3A_36 : i32
    %run_scoped3A_38 = arith.constant 6 : i32
    %run_scoped3A_39 = arith.constant 6 : i32
    "tpu.region"() ({
      %run_scoped3A_83 = tpu.sem_alloc : memref<!tpu.dma_semaphore, #tpu.memory_space<semaphore_mem>>
      %dma_start3A = arith.constant 0 : i32
      %dma_start3A_84 = tpu.memref_slice %arg6[%run_scoped3A_39, %dma_start3A] : memref<16x640xf32, #tpu.memory_space<vmem>> -> memref<1x640xf32, #tpu.memory_space<vmem>>
      %dma_start3A_85 = tpu.memref_squeeze %dma_start3A_84 : memref<1x640xf32, #tpu.memory_space<vmem>> -> memref<640xf32, #tpu.memory_space<vmem>>
      %dma_start3A_86 = tpu.memref_slice %arg8[%run_scoped3A_38, %mul3A_37] : memref<16x10240xf32, #tpu.memory_space<vmem_shared>> -> memref<1x640xf32, #tpu.memory_space<vmem_shared>>
      %dma_start3A_87 = tpu.memref_squeeze %dma_start3A_86 : memref<1x640xf32, #tpu.memory_space<vmem_shared>> -> memref<640xf32, #tpu.memory_space<vmem_shared>>
      %dma_start3A_88 = arith.constant 0 : i32
      %dma_start3A_89 = tpu.memref_slice %arg6[%run_scoped3A_39, %dma_start3A_88] : memref<16x640xf32, #tpu.memory_space<vmem>> -> memref<1x640xf32, #tpu.memory_space<vmem>>
      %dma_start3A_90 = tpu.memref_squeeze %dma_start3A_89 : memref<1x640xf32, #tpu.memory_space<vmem>> -> memref<640xf32, #tpu.memory_space<vmem>>
      %dma_start3A_91 = tpu.memref_slice %arg8[%run_scoped3A_38, %mul3A_37] : memref<16x10240xf32, #tpu.memory_space<vmem_shared>> -> memref<1x640xf32, #tpu.memory_space<vmem_shared>>
      %dma_start3A_92 = tpu.memref_squeeze %dma_start3A_91 : memref<1x640xf32, #tpu.memory_space<vmem_shared>> -> memref<640xf32, #tpu.memory_space<vmem_shared>>
      tpu.enqueue_dma source(%dma_start3A_92 : memref<640xf32, #tpu.memory_space<vmem_shared>>) target(%dma_start3A_90 : memref<640xf32, #tpu.memory_space<vmem>>) target_semaphore(%run_scoped3A_83 : memref<!tpu.dma_semaphore, #tpu.memory_space<semaphore_mem>>)
      %dma_wait3A = arith.constant 0 : i32
      %dma_wait3A_93 = tpu.memref_slice %arg6[%run_scoped3A_39, %dma_wait3A] : memref<16x640xf32, #tpu.memory_space<vmem>> -> memref<1x640xf32, #tpu.memory_space<vmem>>
      %dma_wait3A_94 = tpu.memref_squeeze %dma_wait3A_93 : memref<1x640xf32, #tpu.memory_space<vmem>> -> memref<640xf32, #tpu.memory_space<vmem>>
      %dma_wait3A_95 = tpu.memref_slice %arg8[%run_scoped3A_38, %mul3A_37] : memref<16x10240xf32, #tpu.memory_space<vmem_shared>> -> memref<1x640xf32, #tpu.memory_space<vmem_shared>>
      %dma_wait3A_96 = tpu.memref_squeeze %dma_wait3A_95 : memref<1x640xf32, #tpu.memory_space<vmem_shared>> -> memref<640xf32, #tpu.memory_space<vmem_shared>>
      %dma_wait3A_97 = arith.constant 0 : i32
      %dma_wait3A_98 = tpu.memref_slice %arg6[%run_scoped3A_39, %dma_wait3A_97] : memref<16x640xf32, #tpu.memory_space<vmem>> -> memref<1x640xf32, #tpu.memory_space<vmem>>
      %dma_wait3A_99 = tpu.memref_squeeze %dma_wait3A_98 : memref<1x640xf32, #tpu.memory_space<vmem>> -> memref<640xf32, #tpu.memory_space<vmem>>
      %dma_wait3A_100 = tpu.memref_slice %arg8[%run_scoped3A_38, %mul3A_37] : memref<16x10240xf32, #tpu.memory_space<vmem_shared>> -> memref<1x640xf32, #tpu.memory_space<vmem_shared>>
      %dma_wait3A_101 = tpu.memref_squeeze %dma_wait3A_100 : memref<1x640xf32, #tpu.memory_space<vmem_shared>> -> memref<640xf32, #tpu.memory_space<vmem_shared>>
      tpu.wait_dma2 semaphore(%run_scoped3A_83 : memref<!tpu.dma_semaphore, #tpu.memory_space<semaphore_mem>>) src(%dma_wait3A_101 : memref<640xf32, #tpu.memory_space<vmem_shared>>) dst(%dma_wait3A_99 : memref<640xf32, #tpu.memory_space<vmem>>)
      tpu.yield
    }) : () -> ()
    %mul3A_40 = arith.constant 640 : i32
    %mul3A_41 = arith.muli %arg1, %mul3A_40 : i32
    %run_scoped3A_42 = arith.constant 7 : i32
    %run_scoped3A_43 = arith.constant 7 : i32
    "tpu.region"() ({
      %run_scoped3A_83 = tpu.sem_alloc : memref<!tpu.dma_semaphore, #tpu.memory_space<semaphore_mem>>
      %dma_start3A = arith.constant 0 : i32
      %dma_start3A_84 = tpu.memref_slice %arg6[%run_scoped3A_43, %dma_start3A] : memref<16x640xf32, #tpu.memory_space<vmem>> -> memref<1x640xf32, #tpu.memory_space<vmem>>
      %dma_start3A_85 = tpu.memref_squeeze %dma_start3A_84 : memref<1x640xf32, #tpu.memory_space<vmem>> -> memref<640xf32, #tpu.memory_space<vmem>>
      %dma_start3A_86 = tpu.memref_slice %arg8[%run_scoped3A_42, %mul3A_41] : memref<16x10240xf32, #tpu.memory_space<vmem_shared>> -> memref<1x640xf32, #tpu.memory_space<vmem_shared>>
      %dma_start3A_87 = tpu.memref_squeeze %dma_start3A_86 : memref<1x640xf32, #tpu.memory_space<vmem_shared>> -> memref<640xf32, #tpu.memory_space<vmem_shared>>
      %dma_start3A_88 = arith.constant 0 : i32
      %dma_start3A_89 = tpu.memref_slice %arg6[%run_scoped3A_43, %dma_start3A_88] : memref<16x640xf32, #tpu.memory_space<vmem>> -> memref<1x640xf32, #tpu.memory_space<vmem>>
      %dma_start3A_90 = tpu.memref_squeeze %dma_start3A_89 : memref<1x640xf32, #tpu.memory_space<vmem>> -> memref<640xf32, #tpu.memory_space<vmem>>
      %dma_start3A_91 = tpu.memref_slice %arg8[%run_scoped3A_42, %mul3A_41] : memref<16x10240xf32, #tpu.memory_space<vmem_shared>> -> memref<1x640xf32, #tpu.memory_space<vmem_shared>>
      %dma_start3A_92 = tpu.memref_squeeze %dma_start3A_91 : memref<1x640xf32, #tpu.memory_space<vmem_shared>> -> memref<640xf32, #tpu.memory_space<vmem_shared>>
      tpu.enqueue_dma source(%dma_start3A_92 : memref<640xf32, #tpu.memory_space<vmem_shared>>) target(%dma_start3A_90 : memref<640xf32, #tpu.memory_space<vmem>>) target_semaphore(%run_scoped3A_83 : memref<!tpu.dma_semaphore, #tpu.memory_space<semaphore_mem>>)
      %dma_wait3A = arith.constant 0 : i32
      %dma_wait3A_93 = tpu.memref_slice %arg6[%run_scoped3A_43, %dma_wait3A] : memref<16x640xf32, #tpu.memory_space<vmem>> -> memref<1x640xf32, #tpu.memory_space<vmem>>
      %dma_wait3A_94 = tpu.memref_squeeze %dma_wait3A_93 : memref<1x640xf32, #tpu.memory_space<vmem>> -> memref<640xf32, #tpu.memory_space<vmem>>
      %dma_wait3A_95 = tpu.memref_slice %arg8[%run_scoped3A_42, %mul3A_41] : memref<16x10240xf32, #tpu.memory_space<vmem_shared>> -> memref<1x640xf32, #tpu.memory_space<vmem_shared>>
      %dma_wait3A_96 = tpu.memref_squeeze %dma_wait3A_95 : memref<1x640xf32, #tpu.memory_space<vmem_shared>> -> memref<640xf32, #tpu.memory_space<vmem_shared>>
      %dma_wait3A_97 = arith.constant 0 : i32
      %dma_wait3A_98 = tpu.memref_slice %arg6[%run_scoped3A_43, %dma_wait3A_97] : memref<16x640xf32, #tpu.memory_space<vmem>> -> memref<1x640xf32, #tpu.memory_space<vmem>>
      %dma_wait3A_99 = tpu.memref_squeeze %dma_wait3A_98 : memref<1x640xf32, #tpu.memory_space<vmem>> -> memref<640xf32, #tpu.memory_space<vmem>>
      %dma_wait3A_100 = tpu.memref_slice %arg8[%run_scoped3A_42, %mul3A_41] : memref<16x10240xf32, #tpu.memory_space<vmem_shared>> -> memref<1x640xf32, #tpu.memory_space<vmem_shared>>
      %dma_wait3A_101 = tpu.memref_squeeze %dma_wait3A_100 : memref<1x640xf32, #tpu.memory_space<vmem_shared>> -> memref<640xf32, #tpu.memory_space<vmem_shared>>
      tpu.wait_dma2 semaphore(%run_scoped3A_83 : memref<!tpu.dma_semaphore, #tpu.memory_space<semaphore_mem>>) src(%dma_wait3A_101 : memref<640xf32, #tpu.memory_space<vmem_shared>>) dst(%dma_wait3A_99 : memref<640xf32, #tpu.memory_space<vmem>>)
      tpu.yield
    }) : () -> ()
    %mul3A_44 = arith.constant 640 : i32
    %mul3A_45 = arith.muli %arg1, %mul3A_44 : i32
    %run_scoped3A_46 = arith.constant 8 : i32
    %run_scoped3A_47 = arith.constant 8 : i32
    "tpu.region"() ({
      %run_scoped3A_83 = tpu.sem_alloc : memref<!tpu.dma_semaphore, #tpu.memory_space<semaphore_mem>>
      %dma_start3A = arith.constant 0 : i32
      %dma_start3A_84 = tpu.memref_slice %arg6[%run_scoped3A_47, %dma_start3A] : memref<16x640xf32, #tpu.memory_space<vmem>> -> memref<1x640xf32, #tpu.memory_space<vmem>>
      %dma_start3A_85 = tpu.memref_squeeze %dma_start3A_84 : memref<1x640xf32, #tpu.memory_space<vmem>> -> memref<640xf32, #tpu.memory_space<vmem>>
      %dma_start3A_86 = tpu.memref_slice %arg8[%run_scoped3A_46, %mul3A_45] : memref<16x10240xf32, #tpu.memory_space<vmem_shared>> -> memref<1x640xf32, #tpu.memory_space<vmem_shared>>
      %dma_start3A_87 = tpu.memref_squeeze %dma_start3A_86 : memref<1x640xf32, #tpu.memory_space<vmem_shared>> -> memref<640xf32, #tpu.memory_space<vmem_shared>>
      %dma_start3A_88 = arith.constant 0 : i32
      %dma_start3A_89 = tpu.memref_slice %arg6[%run_scoped3A_47, %dma_start3A_88] : memref<16x640xf32, #tpu.memory_space<vmem>> -> memref<1x640xf32, #tpu.memory_space<vmem>>
      %dma_start3A_90 = tpu.memref_squeeze %dma_start3A_89 : memref<1x640xf32, #tpu.memory_space<vmem>> -> memref<640xf32, #tpu.memory_space<vmem>>
      %dma_start3A_91 = tpu.memref_slice %arg8[%run_scoped3A_46, %mul3A_45] : memref<16x10240xf32, #tpu.memory_space<vmem_shared>> -> memref<1x640xf32, #tpu.memory_space<vmem_shared>>
      %dma_start3A_92 = tpu.memref_squeeze %dma_start3A_91 : memref<1x640xf32, #tpu.memory_space<vmem_shared>> -> memref<640xf32, #tpu.memory_space<vmem_shared>>
      tpu.enqueue_dma source(%dma_start3A_92 : memref<640xf32, #tpu.memory_space<vmem_shared>>) target(%dma_start3A_90 : memref<640xf32, #tpu.memory_space<vmem>>) target_semaphore(%run_scoped3A_83 : memref<!tpu.dma_semaphore, #tpu.memory_space<semaphore_mem>>)
      %dma_wait3A = arith.constant 0 : i32
      %dma_wait3A_93 = tpu.memref_slice %arg6[%run_scoped3A_47, %dma_wait3A] : memref<16x640xf32, #tpu.memory_space<vmem>> -> memref<1x640xf32, #tpu.memory_space<vmem>>
      %dma_wait3A_94 = tpu.memref_squeeze %dma_wait3A_93 : memref<1x640xf32, #tpu.memory_space<vmem>> -> memref<640xf32, #tpu.memory_space<vmem>>
      %dma_wait3A_95 = tpu.memref_slice %arg8[%run_scoped3A_46, %mul3A_45] : memref<16x10240xf32, #tpu.memory_space<vmem_shared>> -> memref<1x640xf32, #tpu.memory_space<vmem_shared>>
      %dma_wait3A_96 = tpu.memref_squeeze %dma_wait3A_95 : memref<1x640xf32, #tpu.memory_space<vmem_shared>> -> memref<640xf32, #tpu.memory_space<vmem_shared>>
      %dma_wait3A_97 = arith.constant 0 : i32
      %dma_wait3A_98 = tpu.memref_slice %arg6[%run_scoped3A_47, %dma_wait3A_97] : memref<16x640xf32, #tpu.memory_space<vmem>> -> memref<1x640xf32, #tpu.memory_space<vmem>>
      %dma_wait3A_99 = tpu.memref_squeeze %dma_wait3A_98 : memref<1x640xf32, #tpu.memory_space<vmem>> -> memref<640xf32, #tpu.memory_space<vmem>>
      %dma_wait3A_100 = tpu.memref_slice %arg8[%run_scoped3A_46, %mul3A_45] : memref<16x10240xf32, #tpu.memory_space<vmem_shared>> -> memref<1x640xf32, #tpu.memory_space<vmem_shared>>
      %dma_wait3A_101 = tpu.memref_squeeze %dma_wait3A_100 : memref<1x640xf32, #tpu.memory_space<vmem_shared>> -> memref<640xf32, #tpu.memory_space<vmem_shared>>
      tpu.wait_dma2 semaphore(%run_scoped3A_83 : memref<!tpu.dma_semaphore, #tpu.memory_space<semaphore_mem>>) src(%dma_wait3A_101 : memref<640xf32, #tpu.memory_space<vmem_shared>>) dst(%dma_wait3A_99 : memref<640xf32, #tpu.memory_space<vmem>>)
      tpu.yield
    }) : () -> ()
    %mul3A_48 = arith.constant 640 : i32
    %mul3A_49 = arith.muli %arg1, %mul3A_48 : i32
    %run_scoped3A_50 = arith.constant 9 : i32
    %run_scoped3A_51 = arith.constant 9 : i32
    "tpu.region"() ({
      %run_scoped3A_83 = tpu.sem_alloc : memref<!tpu.dma_semaphore, #tpu.memory_space<semaphore_mem>>
      %dma_start3A = arith.constant 0 : i32
      %dma_start3A_84 = tpu.memref_slice %arg6[%run_scoped3A_51, %dma_start3A] : memref<16x640xf32, #tpu.memory_space<vmem>> -> memref<1x640xf32, #tpu.memory_space<vmem>>
      %dma_start3A_85 = tpu.memref_squeeze %dma_start3A_84 : memref<1x640xf32, #tpu.memory_space<vmem>> -> memref<640xf32, #tpu.memory_space<vmem>>
      %dma_start3A_86 = tpu.memref_slice %arg8[%run_scoped3A_50, %mul3A_49] : memref<16x10240xf32, #tpu.memory_space<vmem_shared>> -> memref<1x640xf32, #tpu.memory_space<vmem_shared>>
      %dma_start3A_87 = tpu.memref_squeeze %dma_start3A_86 : memref<1x640xf32, #tpu.memory_space<vmem_shared>> -> memref<640xf32, #tpu.memory_space<vmem_shared>>
      %dma_start3A_88 = arith.constant 0 : i32
      %dma_start3A_89 = tpu.memref_slice %arg6[%run_scoped3A_51, %dma_start3A_88] : memref<16x640xf32, #tpu.memory_space<vmem>> -> memref<1x640xf32, #tpu.memory_space<vmem>>
      %dma_start3A_90 = tpu.memref_squeeze %dma_start3A_89 : memref<1x640xf32, #tpu.memory_space<vmem>> -> memref<640xf32, #tpu.memory_space<vmem>>
      %dma_start3A_91 = tpu.memref_slice %arg8[%run_scoped3A_50, %mul3A_49] : memref<16x10240xf32, #tpu.memory_space<vmem_shared>> -> memref<1x640xf32, #tpu.memory_space<vmem_shared>>
      %dma_start3A_92 = tpu.memref_squeeze %dma_start3A_91 : memref<1x640xf32, #tpu.memory_space<vmem_shared>> -> memref<640xf32, #tpu.memory_space<vmem_shared>>
      tpu.enqueue_dma source(%dma_start3A_92 : memref<640xf32, #tpu.memory_space<vmem_shared>>) target(%dma_start3A_90 : memref<640xf32, #tpu.memory_space<vmem>>) target_semaphore(%run_scoped3A_83 : memref<!tpu.dma_semaphore, #tpu.memory_space<semaphore_mem>>)
      %dma_wait3A = arith.constant 0 : i32
      %dma_wait3A_93 = tpu.memref_slice %arg6[%run_scoped3A_51, %dma_wait3A] : memref<16x640xf32, #tpu.memory_space<vmem>> -> memref<1x640xf32, #tpu.memory_space<vmem>>
      %dma_wait3A_94 = tpu.memref_squeeze %dma_wait3A_93 : memref<1x640xf32, #tpu.memory_space<vmem>> -> memref<640xf32, #tpu.memory_space<vmem>>
      %dma_wait3A_95 = tpu.memref_slice %arg8[%run_scoped3A_50, %mul3A_49] : memref<16x10240xf32, #tpu.memory_space<vmem_shared>> -> memref<1x640xf32, #tpu.memory_space<vmem_shared>>
      %dma_wait3A_96 = tpu.memref_squeeze %dma_wait3A_95 : memref<1x640xf32, #tpu.memory_space<vmem_shared>> -> memref<640xf32, #tpu.memory_space<vmem_shared>>
      %dma_wait3A_97 = arith.constant 0 : i32
      %dma_wait3A_98 = tpu.memref_slice %arg6[%run_scoped3A_51, %dma_wait3A_97] : memref<16x640xf32, #tpu.memory_space<vmem>> -> memref<1x640xf32, #tpu.memory_space<vmem>>
      %dma_wait3A_99 = tpu.memref_squeeze %dma_wait3A_98 : memref<1x640xf32, #tpu.memory_space<vmem>> -> memref<640xf32, #tpu.memory_space<vmem>>
      %dma_wait3A_100 = tpu.memref_slice %arg8[%run_scoped3A_50, %mul3A_49] : memref<16x10240xf32, #tpu.memory_space<vmem_shared>> -> memref<1x640xf32, #tpu.memory_space<vmem_shared>>
      %dma_wait3A_101 = tpu.memref_squeeze %dma_wait3A_100 : memref<1x640xf32, #tpu.memory_space<vmem_shared>> -> memref<640xf32, #tpu.memory_space<vmem_shared>>
      tpu.wait_dma2 semaphore(%run_scoped3A_83 : memref<!tpu.dma_semaphore, #tpu.memory_space<semaphore_mem>>) src(%dma_wait3A_101 : memref<640xf32, #tpu.memory_space<vmem_shared>>) dst(%dma_wait3A_99 : memref<640xf32, #tpu.memory_space<vmem>>)
      tpu.yield
    }) : () -> ()
    %mul3A_52 = arith.constant 640 : i32
    %mul3A_53 = arith.muli %arg1, %mul3A_52 : i32
    %run_scoped3A_54 = arith.constant 10 : i32
    %run_scoped3A_55 = arith.constant 10 : i32
    "tpu.region"() ({
      %run_scoped3A_83 = tpu.sem_alloc : memref<!tpu.dma_semaphore, #tpu.memory_space<semaphore_mem>>
      %dma_start3A = arith.constant 0 : i32
      %dma_start3A_84 = tpu.memref_slice %arg6[%run_scoped3A_55, %dma_start3A] : memref<16x640xf32, #tpu.memory_space<vmem>> -> memref<1x640xf32, #tpu.memory_space<vmem>>
      %dma_start3A_85 = tpu.memref_squeeze %dma_start3A_84 : memref<1x640xf32, #tpu.memory_space<vmem>> -> memref<640xf32, #tpu.memory_space<vmem>>
      %dma_start3A_86 = tpu.memref_slice %arg8[%run_scoped3A_54, %mul3A_53] : memref<16x10240xf32, #tpu.memory_space<vmem_shared>> -> memref<1x640xf32, #tpu.memory_space<vmem_shared>>
      %dma_start3A_87 = tpu.memref_squeeze %dma_start3A_86 : memref<1x640xf32, #tpu.memory_space<vmem_shared>> -> memref<640xf32, #tpu.memory_space<vmem_shared>>
      %dma_start3A_88 = arith.constant 0 : i32
      %dma_start3A_89 = tpu.memref_slice %arg6[%run_scoped3A_55, %dma_start3A_88] : memref<16x640xf32, #tpu.memory_space<vmem>> -> memref<1x640xf32, #tpu.memory_space<vmem>>
      %dma_start3A_90 = tpu.memref_squeeze %dma_start3A_89 : memref<1x640xf32, #tpu.memory_space<vmem>> -> memref<640xf32, #tpu.memory_space<vmem>>
      %dma_start3A_91 = tpu.memref_slice %arg8[%run_scoped3A_54, %mul3A_53] : memref<16x10240xf32, #tpu.memory_space<vmem_shared>> -> memref<1x640xf32, #tpu.memory_space<vmem_shared>>
      %dma_start3A_92 = tpu.memref_squeeze %dma_start3A_91 : memref<1x640xf32, #tpu.memory_space<vmem_shared>> -> memref<640xf32, #tpu.memory_space<vmem_shared>>
      tpu.enqueue_dma source(%dma_start3A_92 : memref<640xf32, #tpu.memory_space<vmem_shared>>) target(%dma_start3A_90 : memref<640xf32, #tpu.memory_space<vmem>>) target_semaphore(%run_scoped3A_83 : memref<!tpu.dma_semaphore, #tpu.memory_space<semaphore_mem>>)
      %dma_wait3A = arith.constant 0 : i32
      %dma_wait3A_93 = tpu.memref_slice %arg6[%run_scoped3A_55, %dma_wait3A] : memref<16x640xf32, #tpu.memory_space<vmem>> -> memref<1x640xf32, #tpu.memory_space<vmem>>
      %dma_wait3A_94 = tpu.memref_squeeze %dma_wait3A_93 : memref<1x640xf32, #tpu.memory_space<vmem>> -> memref<640xf32, #tpu.memory_space<vmem>>
      %dma_wait3A_95 = tpu.memref_slice %arg8[%run_scoped3A_54, %mul3A_53] : memref<16x10240xf32, #tpu.memory_space<vmem_shared>> -> memref<1x640xf32, #tpu.memory_space<vmem_shared>>
      %dma_wait3A_96 = tpu.memref_squeeze %dma_wait3A_95 : memref<1x640xf32, #tpu.memory_space<vmem_shared>> -> memref<640xf32, #tpu.memory_space<vmem_shared>>
      %dma_wait3A_97 = arith.constant 0 : i32
      %dma_wait3A_98 = tpu.memref_slice %arg6[%run_scoped3A_55, %dma_wait3A_97] : memref<16x640xf32, #tpu.memory_space<vmem>> -> memref<1x640xf32, #tpu.memory_space<vmem>>
      %dma_wait3A_99 = tpu.memref_squeeze %dma_wait3A_98 : memref<1x640xf32, #tpu.memory_space<vmem>> -> memref<640xf32, #tpu.memory_space<vmem>>
      %dma_wait3A_100 = tpu.memref_slice %arg8[%run_scoped3A_54, %mul3A_53] : memref<16x10240xf32, #tpu.memory_space<vmem_shared>> -> memref<1x640xf32, #tpu.memory_space<vmem_shared>>
      %dma_wait3A_101 = tpu.memref_squeeze %dma_wait3A_100 : memref<1x640xf32, #tpu.memory_space<vmem_shared>> -> memref<640xf32, #tpu.memory_space<vmem_shared>>
      tpu.wait_dma2 semaphore(%run_scoped3A_83 : memref<!tpu.dma_semaphore, #tpu.memory_space<semaphore_mem>>) src(%dma_wait3A_101 : memref<640xf32, #tpu.memory_space<vmem_shared>>) dst(%dma_wait3A_99 : memref<640xf32, #tpu.memory_space<vmem>>)
      tpu.yield
    }) : () -> ()
    %mul3A_56 = arith.constant 640 : i32
    %mul3A_57 = arith.muli %arg1, %mul3A_56 : i32
    %run_scoped3A_58 = arith.constant 11 : i32
    %run_scoped3A_59 = arith.constant 11 : i32
    "tpu.region"() ({
      %run_scoped3A_83 = tpu.sem_alloc : memref<!tpu.dma_semaphore, #tpu.memory_space<semaphore_mem>>
      %dma_start3A = arith.constant 0 : i32
      %dma_start3A_84 = tpu.memref_slice %arg6[%run_scoped3A_59, %dma_start3A] : memref<16x640xf32, #tpu.memory_space<vmem>> -> memref<1x640xf32, #tpu.memory_space<vmem>>
      %dma_start3A_85 = tpu.memref_squeeze %dma_start3A_84 : memref<1x640xf32, #tpu.memory_space<vmem>> -> memref<640xf32, #tpu.memory_space<vmem>>
      %dma_start3A_86 = tpu.memref_slice %arg8[%run_scoped3A_58, %mul3A_57] : memref<16x10240xf32, #tpu.memory_space<vmem_shared>> -> memref<1x640xf32, #tpu.memory_space<vmem_shared>>
      %dma_start3A_87 = tpu.memref_squeeze %dma_start3A_86 : memref<1x640xf32, #tpu.memory_space<vmem_shared>> -> memref<640xf32, #tpu.memory_space<vmem_shared>>
      %dma_start3A_88 = arith.constant 0 : i32
      %dma_start3A_89 = tpu.memref_slice %arg6[%run_scoped3A_59, %dma_start3A_88] : memref<16x640xf32, #tpu.memory_space<vmem>> -> memref<1x640xf32, #tpu.memory_space<vmem>>
      %dma_start3A_90 = tpu.memref_squeeze %dma_start3A_89 : memref<1x640xf32, #tpu.memory_space<vmem>> -> memref<640xf32, #tpu.memory_space<vmem>>
      %dma_start3A_91 = tpu.memref_slice %arg8[%run_scoped3A_58, %mul3A_57] : memref<16x10240xf32, #tpu.memory_space<vmem_shared>> -> memref<1x640xf32, #tpu.memory_space<vmem_shared>>
      %dma_start3A_92 = tpu.memref_squeeze %dma_start3A_91 : memref<1x640xf32, #tpu.memory_space<vmem_shared>> -> memref<640xf32, #tpu.memory_space<vmem_shared>>
      tpu.enqueue_dma source(%dma_start3A_92 : memref<640xf32, #tpu.memory_space<vmem_shared>>) target(%dma_start3A_90 : memref<640xf32, #tpu.memory_space<vmem>>) target_semaphore(%run_scoped3A_83 : memref<!tpu.dma_semaphore, #tpu.memory_space<semaphore_mem>>)
      %dma_wait3A = arith.constant 0 : i32
      %dma_wait3A_93 = tpu.memref_slice %arg6[%run_scoped3A_59, %dma_wait3A] : memref<16x640xf32, #tpu.memory_space<vmem>> -> memref<1x640xf32, #tpu.memory_space<vmem>>
      %dma_wait3A_94 = tpu.memref_squeeze %dma_wait3A_93 : memref<1x640xf32, #tpu.memory_space<vmem>> -> memref<640xf32, #tpu.memory_space<vmem>>
      %dma_wait3A_95 = tpu.memref_slice %arg8[%run_scoped3A_58, %mul3A_57] : memref<16x10240xf32, #tpu.memory_space<vmem_shared>> -> memref<1x640xf32, #tpu.memory_space<vmem_shared>>
      %dma_wait3A_96 = tpu.memref_squeeze %dma_wait3A_95 : memref<1x640xf32, #tpu.memory_space<vmem_shared>> -> memref<640xf32, #tpu.memory_space<vmem_shared>>
      %dma_wait3A_97 = arith.constant 0 : i32
      %dma_wait3A_98 = tpu.memref_slice %arg6[%run_scoped3A_59, %dma_wait3A_97] : memref<16x640xf32, #tpu.memory_space<vmem>> -> memref<1x640xf32, #tpu.memory_space<vmem>>
      %dma_wait3A_99 = tpu.memref_squeeze %dma_wait3A_98 : memref<1x640xf32, #tpu.memory_space<vmem>> -> memref<640xf32, #tpu.memory_space<vmem>>
      %dma_wait3A_100 = tpu.memref_slice %arg8[%run_scoped3A_58, %mul3A_57] : memref<16x10240xf32, #tpu.memory_space<vmem_shared>> -> memref<1x640xf32, #tpu.memory_space<vmem_shared>>
      %dma_wait3A_101 = tpu.memref_squeeze %dma_wait3A_100 : memref<1x640xf32, #tpu.memory_space<vmem_shared>> -> memref<640xf32, #tpu.memory_space<vmem_shared>>
      tpu.wait_dma2 semaphore(%run_scoped3A_83 : memref<!tpu.dma_semaphore, #tpu.memory_space<semaphore_mem>>) src(%dma_wait3A_101 : memref<640xf32, #tpu.memory_space<vmem_shared>>) dst(%dma_wait3A_99 : memref<640xf32, #tpu.memory_space<vmem>>)
      tpu.yield
    }) : () -> ()
    %mul3A_60 = arith.constant 640 : i32
    %mul3A_61 = arith.muli %arg1, %mul3A_60 : i32
    %run_scoped3A_62 = arith.constant 12 : i32
    %run_scoped3A_63 = arith.constant 12 : i32
    "tpu.region"() ({
      %run_scoped3A_83 = tpu.sem_alloc : memref<!tpu.dma_semaphore, #tpu.memory_space<semaphore_mem>>
      %dma_start3A = arith.constant 0 : i32
      %dma_start3A_84 = tpu.memref_slice %arg6[%run_scoped3A_63, %dma_start3A] : memref<16x640xf32, #tpu.memory_space<vmem>> -> memref<1x640xf32, #tpu.memory_space<vmem>>
      %dma_start3A_85 = tpu.memref_squeeze %dma_start3A_84 : memref<1x640xf32, #tpu.memory_space<vmem>> -> memref<640xf32, #tpu.memory_space<vmem>>
      %dma_start3A_86 = tpu.memref_slice %arg8[%run_scoped3A_62, %mul3A_61] : memref<16x10240xf32, #tpu.memory_space<vmem_shared>> -> memref<1x640xf32, #tpu.memory_space<vmem_shared>>
      %dma_start3A_87 = tpu.memref_squeeze %dma_start3A_86 : memref<1x640xf32, #tpu.memory_space<vmem_shared>> -> memref<640xf32, #tpu.memory_space<vmem_shared>>
      %dma_start3A_88 = arith.constant 0 : i32
      %dma_start3A_89 = tpu.memref_slice %arg6[%run_scoped3A_63, %dma_start3A_88] : memref<16x640xf32, #tpu.memory_space<vmem>> -> memref<1x640xf32, #tpu.memory_space<vmem>>
      %dma_start3A_90 = tpu.memref_squeeze %dma_start3A_89 : memref<1x640xf32, #tpu.memory_space<vmem>> -> memref<640xf32, #tpu.memory_space<vmem>>
      %dma_start3A_91 = tpu.memref_slice %arg8[%run_scoped3A_62, %mul3A_61] : memref<16x10240xf32, #tpu.memory_space<vmem_shared>> -> memref<1x640xf32, #tpu.memory_space<vmem_shared>>
      %dma_start3A_92 = tpu.memref_squeeze %dma_start3A_91 : memref<1x640xf32, #tpu.memory_space<vmem_shared>> -> memref<640xf32, #tpu.memory_space<vmem_shared>>
      tpu.enqueue_dma source(%dma_start3A_92 : memref<640xf32, #tpu.memory_space<vmem_shared>>) target(%dma_start3A_90 : memref<640xf32, #tpu.memory_space<vmem>>) target_semaphore(%run_scoped3A_83 : memref<!tpu.dma_semaphore, #tpu.memory_space<semaphore_mem>>)
      %dma_wait3A = arith.constant 0 : i32
      %dma_wait3A_93 = tpu.memref_slice %arg6[%run_scoped3A_63, %dma_wait3A] : memref<16x640xf32, #tpu.memory_space<vmem>> -> memref<1x640xf32, #tpu.memory_space<vmem>>
      %dma_wait3A_94 = tpu.memref_squeeze %dma_wait3A_93 : memref<1x640xf32, #tpu.memory_space<vmem>> -> memref<640xf32, #tpu.memory_space<vmem>>
      %dma_wait3A_95 = tpu.memref_slice %arg8[%run_scoped3A_62, %mul3A_61] : memref<16x10240xf32, #tpu.memory_space<vmem_shared>> -> memref<1x640xf32, #tpu.memory_space<vmem_shared>>
      %dma_wait3A_96 = tpu.memref_squeeze %dma_wait3A_95 : memref<1x640xf32, #tpu.memory_space<vmem_shared>> -> memref<640xf32, #tpu.memory_space<vmem_shared>>
      %dma_wait3A_97 = arith.constant 0 : i32
      %dma_wait3A_98 = tpu.memref_slice %arg6[%run_scoped3A_63, %dma_wait3A_97] : memref<16x640xf32, #tpu.memory_space<vmem>> -> memref<1x640xf32, #tpu.memory_space<vmem>>
      %dma_wait3A_99 = tpu.memref_squeeze %dma_wait3A_98 : memref<1x640xf32, #tpu.memory_space<vmem>> -> memref<640xf32, #tpu.memory_space<vmem>>
      %dma_wait3A_100 = tpu.memref_slice %arg8[%run_scoped3A_62, %mul3A_61] : memref<16x10240xf32, #tpu.memory_space<vmem_shared>> -> memref<1x640xf32, #tpu.memory_space<vmem_shared>>
      %dma_wait3A_101 = tpu.memref_squeeze %dma_wait3A_100 : memref<1x640xf32, #tpu.memory_space<vmem_shared>> -> memref<640xf32, #tpu.memory_space<vmem_shared>>
      tpu.wait_dma2 semaphore(%run_scoped3A_83 : memref<!tpu.dma_semaphore, #tpu.memory_space<semaphore_mem>>) src(%dma_wait3A_101 : memref<640xf32, #tpu.memory_space<vmem_shared>>) dst(%dma_wait3A_99 : memref<640xf32, #tpu.memory_space<vmem>>)
      tpu.yield
    }) : () -> ()
    %mul3A_64 = arith.constant 640 : i32
    %mul3A_65 = arith.muli %arg1, %mul3A_64 : i32
    %run_scoped3A_66 = arith.constant 13 : i32
    %run_scoped3A_67 = arith.constant 13 : i32
    "tpu.region"() ({
      %run_scoped3A_83 = tpu.sem_alloc : memref<!tpu.dma_semaphore, #tpu.memory_space<semaphore_mem>>
      %dma_start3A = arith.constant 0 : i32
      %dma_start3A_84 = tpu.memref_slice %arg6[%run_scoped3A_67, %dma_start3A] : memref<16x640xf32, #tpu.memory_space<vmem>> -> memref<1x640xf32, #tpu.memory_space<vmem>>
      %dma_start3A_85 = tpu.memref_squeeze %dma_start3A_84 : memref<1x640xf32, #tpu.memory_space<vmem>> -> memref<640xf32, #tpu.memory_space<vmem>>
      %dma_start3A_86 = tpu.memref_slice %arg8[%run_scoped3A_66, %mul3A_65] : memref<16x10240xf32, #tpu.memory_space<vmem_shared>> -> memref<1x640xf32, #tpu.memory_space<vmem_shared>>
      %dma_start3A_87 = tpu.memref_squeeze %dma_start3A_86 : memref<1x640xf32, #tpu.memory_space<vmem_shared>> -> memref<640xf32, #tpu.memory_space<vmem_shared>>
      %dma_start3A_88 = arith.constant 0 : i32
      %dma_start3A_89 = tpu.memref_slice %arg6[%run_scoped3A_67, %dma_start3A_88] : memref<16x640xf32, #tpu.memory_space<vmem>> -> memref<1x640xf32, #tpu.memory_space<vmem>>
      %dma_start3A_90 = tpu.memref_squeeze %dma_start3A_89 : memref<1x640xf32, #tpu.memory_space<vmem>> -> memref<640xf32, #tpu.memory_space<vmem>>
      %dma_start3A_91 = tpu.memref_slice %arg8[%run_scoped3A_66, %mul3A_65] : memref<16x10240xf32, #tpu.memory_space<vmem_shared>> -> memref<1x640xf32, #tpu.memory_space<vmem_shared>>
      %dma_start3A_92 = tpu.memref_squeeze %dma_start3A_91 : memref<1x640xf32, #tpu.memory_space<vmem_shared>> -> memref<640xf32, #tpu.memory_space<vmem_shared>>
      tpu.enqueue_dma source(%dma_start3A_92 : memref<640xf32, #tpu.memory_space<vmem_shared>>) target(%dma_start3A_90 : memref<640xf32, #tpu.memory_space<vmem>>) target_semaphore(%run_scoped3A_83 : memref<!tpu.dma_semaphore, #tpu.memory_space<semaphore_mem>>)
      %dma_wait3A = arith.constant 0 : i32
      %dma_wait3A_93 = tpu.memref_slice %arg6[%run_scoped3A_67, %dma_wait3A] : memref<16x640xf32, #tpu.memory_space<vmem>> -> memref<1x640xf32, #tpu.memory_space<vmem>>
      %dma_wait3A_94 = tpu.memref_squeeze %dma_wait3A_93 : memref<1x640xf32, #tpu.memory_space<vmem>> -> memref<640xf32, #tpu.memory_space<vmem>>
      %dma_wait3A_95 = tpu.memref_slice %arg8[%run_scoped3A_66, %mul3A_65] : memref<16x10240xf32, #tpu.memory_space<vmem_shared>> -> memref<1x640xf32, #tpu.memory_space<vmem_shared>>
      %dma_wait3A_96 = tpu.memref_squeeze %dma_wait3A_95 : memref<1x640xf32, #tpu.memory_space<vmem_shared>> -> memref<640xf32, #tpu.memory_space<vmem_shared>>
      %dma_wait3A_97 = arith.constant 0 : i32
      %dma_wait3A_98 = tpu.memref_slice %arg6[%run_scoped3A_67, %dma_wait3A_97] : memref<16x640xf32, #tpu.memory_space<vmem>> -> memref<1x640xf32, #tpu.memory_space<vmem>>
      %dma_wait3A_99 = tpu.memref_squeeze %dma_wait3A_98 : memref<1x640xf32, #tpu.memory_space<vmem>> -> memref<640xf32, #tpu.memory_space<vmem>>
      %dma_wait3A_100 = tpu.memref_slice %arg8[%run_scoped3A_66, %mul3A_65] : memref<16x10240xf32, #tpu.memory_space<vmem_shared>> -> memref<1x640xf32, #tpu.memory_space<vmem_shared>>
      %dma_wait3A_101 = tpu.memref_squeeze %dma_wait3A_100 : memref<1x640xf32, #tpu.memory_space<vmem_shared>> -> memref<640xf32, #tpu.memory_space<vmem_shared>>
      tpu.wait_dma2 semaphore(%run_scoped3A_83 : memref<!tpu.dma_semaphore, #tpu.memory_space<semaphore_mem>>) src(%dma_wait3A_101 : memref<640xf32, #tpu.memory_space<vmem_shared>>) dst(%dma_wait3A_99 : memref<640xf32, #tpu.memory_space<vmem>>)
      tpu.yield
    }) : () -> ()
    %mul3A_68 = arith.constant 640 : i32
    %mul3A_69 = arith.muli %arg1, %mul3A_68 : i32
    %run_scoped3A_70 = arith.constant 14 : i32
    %run_scoped3A_71 = arith.constant 14 : i32
    "tpu.region"() ({
      %run_scoped3A_83 = tpu.sem_alloc : memref<!tpu.dma_semaphore, #tpu.memory_space<semaphore_mem>>
      %dma_start3A = arith.constant 0 : i32
      %dma_start3A_84 = tpu.memref_slice %arg6[%run_scoped3A_71, %dma_start3A] : memref<16x640xf32, #tpu.memory_space<vmem>> -> memref<1x640xf32, #tpu.memory_space<vmem>>
      %dma_start3A_85 = tpu.memref_squeeze %dma_start3A_84 : memref<1x640xf32, #tpu.memory_space<vmem>> -> memref<640xf32, #tpu.memory_space<vmem>>
      %dma_start3A_86 = tpu.memref_slice %arg8[%run_scoped3A_70, %mul3A_69] : memref<16x10240xf32, #tpu.memory_space<vmem_shared>> -> memref<1x640xf32, #tpu.memory_space<vmem_shared>>
      %dma_start3A_87 = tpu.memref_squeeze %dma_start3A_86 : memref<1x640xf32, #tpu.memory_space<vmem_shared>> -> memref<640xf32, #tpu.memory_space<vmem_shared>>
      %dma_start3A_88 = arith.constant 0 : i32
      %dma_start3A_89 = tpu.memref_slice %arg6[%run_scoped3A_71, %dma_start3A_88] : memref<16x640xf32, #tpu.memory_space<vmem>> -> memref<1x640xf32, #tpu.memory_space<vmem>>
      %dma_start3A_90 = tpu.memref_squeeze %dma_start3A_89 : memref<1x640xf32, #tpu.memory_space<vmem>> -> memref<640xf32, #tpu.memory_space<vmem>>
      %dma_start3A_91 = tpu.memref_slice %arg8[%run_scoped3A_70, %mul3A_69] : memref<16x10240xf32, #tpu.memory_space<vmem_shared>> -> memref<1x640xf32, #tpu.memory_space<vmem_shared>>
      %dma_start3A_92 = tpu.memref_squeeze %dma_start3A_91 : memref<1x640xf32, #tpu.memory_space<vmem_shared>> -> memref<640xf32, #tpu.memory_space<vmem_shared>>
      tpu.enqueue_dma source(%dma_start3A_92 : memref<640xf32, #tpu.memory_space<vmem_shared>>) target(%dma_start3A_90 : memref<640xf32, #tpu.memory_space<vmem>>) target_semaphore(%run_scoped3A_83 : memref<!tpu.dma_semaphore, #tpu.memory_space<semaphore_mem>>)
      %dma_wait3A = arith.constant 0 : i32
      %dma_wait3A_93 = tpu.memref_slice %arg6[%run_scoped3A_71, %dma_wait3A] : memref<16x640xf32, #tpu.memory_space<vmem>> -> memref<1x640xf32, #tpu.memory_space<vmem>>
      %dma_wait3A_94 = tpu.memref_squeeze %dma_wait3A_93 : memref<1x640xf32, #tpu.memory_space<vmem>> -> memref<640xf32, #tpu.memory_space<vmem>>
      %dma_wait3A_95 = tpu.memref_slice %arg8[%run_scoped3A_70, %mul3A_69] : memref<16x10240xf32, #tpu.memory_space<vmem_shared>> -> memref<1x640xf32, #tpu.memory_space<vmem_shared>>
      %dma_wait3A_96 = tpu.memref_squeeze %dma_wait3A_95 : memref<1x640xf32, #tpu.memory_space<vmem_shared>> -> memref<640xf32, #tpu.memory_space<vmem_shared>>
      %dma_wait3A_97 = arith.constant 0 : i32
      %dma_wait3A_98 = tpu.memref_slice %arg6[%run_scoped3A_71, %dma_wait3A_97] : memref<16x640xf32, #tpu.memory_space<vmem>> -> memref<1x640xf32, #tpu.memory_space<vmem>>
      %dma_wait3A_99 = tpu.memref_squeeze %dma_wait3A_98 : memref<1x640xf32, #tpu.memory_space<vmem>> -> memref<640xf32, #tpu.memory_space<vmem>>
      %dma_wait3A_100 = tpu.memref_slice %arg8[%run_scoped3A_70, %mul3A_69] : memref<16x10240xf32, #tpu.memory_space<vmem_shared>> -> memref<1x640xf32, #tpu.memory_space<vmem_shared>>
      %dma_wait3A_101 = tpu.memref_squeeze %dma_wait3A_100 : memref<1x640xf32, #tpu.memory_space<vmem_shared>> -> memref<640xf32, #tpu.memory_space<vmem_shared>>
      tpu.wait_dma2 semaphore(%run_scoped3A_83 : memref<!tpu.dma_semaphore, #tpu.memory_space<semaphore_mem>>) src(%dma_wait3A_101 : memref<640xf32, #tpu.memory_space<vmem_shared>>) dst(%dma_wait3A_99 : memref<640xf32, #tpu.memory_space<vmem>>)
      tpu.yield
    }) : () -> ()
    %mul3A_72 = arith.constant 640 : i32
    %mul3A_73 = arith.muli %arg1, %mul3A_72 : i32
    %run_scoped3A_74 = arith.constant 15 : i32
    %run_scoped3A_75 = arith.constant 15 : i32
    "tpu.region"() ({
      %run_scoped3A_83 = tpu.sem_alloc : memref<!tpu.dma_semaphore, #tpu.memory_space<semaphore_mem>>
      %dma_start3A = arith.constant 0 : i32
      %dma_start3A_84 = tpu.memref_slice %arg6[%run_scoped3A_75, %dma_start3A] : memref<16x640xf32, #tpu.memory_space<vmem>> -> memref<1x640xf32, #tpu.memory_space<vmem>>
      %dma_start3A_85 = tpu.memref_squeeze %dma_start3A_84 : memref<1x640xf32, #tpu.memory_space<vmem>> -> memref<640xf32, #tpu.memory_space<vmem>>
      %dma_start3A_86 = tpu.memref_slice %arg8[%run_scoped3A_74, %mul3A_73] : memref<16x10240xf32, #tpu.memory_space<vmem_shared>> -> memref<1x640xf32, #tpu.memory_space<vmem_shared>>
      %dma_start3A_87 = tpu.memref_squeeze %dma_start3A_86 : memref<1x640xf32, #tpu.memory_space<vmem_shared>> -> memref<640xf32, #tpu.memory_space<vmem_shared>>
      %dma_start3A_88 = arith.constant 0 : i32
      %dma_start3A_89 = tpu.memref_slice %arg6[%run_scoped3A_75, %dma_start3A_88] : memref<16x640xf32, #tpu.memory_space<vmem>> -> memref<1x640xf32, #tpu.memory_space<vmem>>
      %dma_start3A_90 = tpu.memref_squeeze %dma_start3A_89 : memref<1x640xf32, #tpu.memory_space<vmem>> -> memref<640xf32, #tpu.memory_space<vmem>>
      %dma_start3A_91 = tpu.memref_slice %arg8[%run_scoped3A_74, %mul3A_73] : memref<16x10240xf32, #tpu.memory_space<vmem_shared>> -> memref<1x640xf32, #tpu.memory_space<vmem_shared>>
      %dma_start3A_92 = tpu.memref_squeeze %dma_start3A_91 : memref<1x640xf32, #tpu.memory_space<vmem_shared>> -> memref<640xf32, #tpu.memory_space<vmem_shared>>
      tpu.enqueue_dma source(%dma_start3A_92 : memref<640xf32, #tpu.memory_space<vmem_shared>>) target(%dma_start3A_90 : memref<640xf32, #tpu.memory_space<vmem>>) target_semaphore(%run_scoped3A_83 : memref<!tpu.dma_semaphore, #tpu.memory_space<semaphore_mem>>)
      %dma_wait3A = arith.constant 0 : i32
      %dma_wait3A_93 = tpu.memref_slice %arg6[%run_scoped3A_75, %dma_wait3A] : memref<16x640xf32, #tpu.memory_space<vmem>> -> memref<1x640xf32, #tpu.memory_space<vmem>>
      %dma_wait3A_94 = tpu.memref_squeeze %dma_wait3A_93 : memref<1x640xf32, #tpu.memory_space<vmem>> -> memref<640xf32, #tpu.memory_space<vmem>>
      %dma_wait3A_95 = tpu.memref_slice %arg8[%run_scoped3A_74, %mul3A_73] : memref<16x10240xf32, #tpu.memory_space<vmem_shared>> -> memref<1x640xf32, #tpu.memory_space<vmem_shared>>
      %dma_wait3A_96 = tpu.memref_squeeze %dma_wait3A_95 : memref<1x640xf32, #tpu.memory_space<vmem_shared>> -> memref<640xf32, #tpu.memory_space<vmem_shared>>
      %dma_wait3A_97 = arith.constant 0 : i32
      %dma_wait3A_98 = tpu.memref_slice %arg6[%run_scoped3A_75, %dma_wait3A_97] : memref<16x640xf32, #tpu.memory_space<vmem>> -> memref<1x640xf32, #tpu.memory_space<vmem>>
      %dma_wait3A_99 = tpu.memref_squeeze %dma_wait3A_98 : memref<1x640xf32, #tpu.memory_space<vmem>> -> memref<640xf32, #tpu.memory_space<vmem>>
      %dma_wait3A_100 = tpu.memref_slice %arg8[%run_scoped3A_74, %mul3A_73] : memref<16x10240xf32, #tpu.memory_space<vmem_shared>> -> memref<1x640xf32, #tpu.memory_space<vmem_shared>>
      %dma_wait3A_101 = tpu.memref_squeeze %dma_wait3A_100 : memref<1x640xf32, #tpu.memory_space<vmem_shared>> -> memref<640xf32, #tpu.memory_space<vmem_shared>>
      tpu.wait_dma2 semaphore(%run_scoped3A_83 : memref<!tpu.dma_semaphore, #tpu.memory_space<semaphore_mem>>) src(%dma_wait3A_101 : memref<640xf32, #tpu.memory_space<vmem_shared>>) dst(%dma_wait3A_99 : memref<640xf32, #tpu.memory_space<vmem>>)
      tpu.yield
    }) : () -> ()
    %scan3A_76 = arith.constant 0 : i32
    %scan3A_77 = arith.constant 40 : i32
    %scan3A_78 = arith.addi %scan3A_76, %scan3A_77 : i32
    %scan3A_79 = arith.constant 1 : i32
    scf.for %scan3A_83 = %scan3A_76 to %scan3A_78 step %scan3A_79  : i32 {
      %mul3A_84 = arith.constant 1 : i32
      %mul3A_85 = arith.muli %scan3A_83, %mul3A_84 : i32
      %add3A_86 = arith.constant 0 : i32
      %add3A_87 = arith.addi %add3A_86, %mul3A_85 : i32
      %mul3A_88 = arith.constant 16 : i32
      %mul3A_89 = arith.muli %add3A_87, %mul3A_88 : i32
      %get3A = arith.constant 0 : i32
      %get3A_90 = arith.index_cast %get3A : i32 to index
      %get3A_91 = arith.index_cast %mul3A_89 : i32 to index
      %get3A_92 = tpu.vector_load %arg6[%get3A_90, %get3A_91] {strides = array<i32>} : memref<16x640xf32, #tpu.memory_space<vmem>>, vector<16xf32>,
      %get3A_93 = arith.constant 1 : i32
      %get3A_94 = arith.index_cast %get3A_93 : i32 to index
      %get3A_95 = arith.index_cast %mul3A_89 : i32 to index
      %get3A_96 = tpu.vector_load %arg6[%get3A_94, %get3A_95] {strides = array<i32>} : memref<16x640xf32, #tpu.memory_space<vmem>>, vector<16xf32>,
      %add3A_97 = arith.addf %get3A_92, %get3A_96 : vector<16xf32>
      %get3A_98 = arith.constant 2 : i32
      %get3A_99 = arith.index_cast %get3A_98 : i32 to index
      %get3A_100 = arith.index_cast %mul3A_89 : i32 to index
      %get3A_101 = tpu.vector_load %arg6[%get3A_99, %get3A_100] {strides = array<i32>} : memref<16x640xf32, #tpu.memory_space<vmem>>, vector<16xf32>,
      %add3A_102 = arith.addf %add3A_97, %get3A_101 : vector<16xf32>
      %get3A_103 = arith.constant 3 : i32
      %get3A_104 = arith.index_cast %get3A_103 : i32 to index
      %get3A_105 = arith.index_cast %mul3A_89 : i32 to index
      %get3A_106 = tpu.vector_load %arg6[%get3A_104, %get3A_105] {strides = array<i32>} : memref<16x640xf32, #tpu.memory_space<vmem>>, vector<16xf32>,
      %add3A_107 = arith.addf %add3A_102, %get3A_106 : vector<16xf32>
      %get3A_108 = arith.constant 4 : i32
      %get3A_109 = arith.index_cast %get3A_108 : i32 to index
      %get3A_110 = arith.index_cast %mul3A_89 : i32 to index
      %get3A_111 = tpu.vector_load %arg6[%get3A_109, %get3A_110] {strides = array<i32>} : memref<16x640xf32, #tpu.memory_space<vmem>>, vector<16xf32>,
      %add3A_112 = arith.addf %add3A_107, %get3A_111 : vector<16xf32>
      %get3A_113 = arith.constant 5 : i32
      %get3A_114 = arith.index_cast %get3A_113 : i32 to index
      %get3A_115 = arith.index_cast %mul3A_89 : i32 to index
      %get3A_116 = tpu.vector_load %arg6[%get3A_114, %get3A_115] {strides = array<i32>} : memref<16x640xf32, #tpu.memory_space<vmem>>, vector<16xf32>,
      %add3A_117 = arith.addf %add3A_112, %get3A_116 : vector<16xf32>
      %get3A_118 = arith.constant 6 : i32
      %get3A_119 = arith.index_cast %get3A_118 : i32 to index
      %get3A_120 = arith.index_cast %mul3A_89 : i32 to index
      %get3A_121 = tpu.vector_load %arg6[%get3A_119, %get3A_120] {strides = array<i32>} : memref<16x640xf32, #tpu.memory_space<vmem>>, vector<16xf32>,
      %add3A_122 = arith.addf %add3A_117, %get3A_121 : vector<16xf32>
      %get3A_123 = arith.constant 7 : i32
      %get3A_124 = arith.index_cast %get3A_123 : i32 to index
      %get3A_125 = arith.index_cast %mul3A_89 : i32 to index
      %get3A_126 = tpu.vector_load %arg6[%get3A_124, %get3A_125] {strides = array<i32>} : memref<16x640xf32, #tpu.memory_space<vmem>>, vector<16xf32>,
      %add3A_127 = arith.addf %add3A_122, %get3A_126 : vector<16xf32>
      %get3A_128 = arith.constant 8 : i32
      %get3A_129 = arith.index_cast %get3A_128 : i32 to index
      %get3A_130 = arith.index_cast %mul3A_89 : i32 to index
      %get3A_131 = tpu.vector_load %arg6[%get3A_129, %get3A_130] {strides = array<i32>} : memref<16x640xf32, #tpu.memory_space<vmem>>, vector<16xf32>,
      %add3A_132 = arith.addf %add3A_127, %get3A_131 : vector<16xf32>
      %get3A_133 = arith.constant 9 : i32
      %get3A_134 = arith.index_cast %get3A_133 : i32 to index
      %get3A_135 = arith.index_cast %mul3A_89 : i32 to index
      %get3A_136 = tpu.vector_load %arg6[%get3A_134, %get3A_135] {strides = array<i32>} : memref<16x640xf32, #tpu.memory_space<vmem>>, vector<16xf32>,
      %add3A_137 = arith.addf %add3A_132, %get3A_136 : vector<16xf32>
      %get3A_138 = arith.constant 10 : i32
      %get3A_139 = arith.index_cast %get3A_138 : i32 to index
      %get3A_140 = arith.index_cast %mul3A_89 : i32 to index
      %get3A_141 = tpu.vector_load %arg6[%get3A_139, %get3A_140] {strides = array<i32>} : memref<16x640xf32, #tpu.memory_space<vmem>>, vector<16xf32>,
      %add3A_142 = arith.addf %add3A_137, %get3A_141 : vector<16xf32>
      %get3A_143 = arith.constant 11 : i32
      %get3A_144 = arith.index_cast %get3A_143 : i32 to index
      %get3A_145 = arith.index_cast %mul3A_89 : i32 to index
      %get3A_146 = tpu.vector_load %arg6[%get3A_144, %get3A_145] {strides = array<i32>} : memref<16x640xf32, #tpu.memory_space<vmem>>, vector<16xf32>,
      %add3A_147 = arith.addf %add3A_142, %get3A_146 : vector<16xf32>
      %get3A_148 = arith.constant 12 : i32
      %get3A_149 = arith.index_cast %get3A_148 : i32 to index
      %get3A_150 = arith.index_cast %mul3A_89 : i32 to index
      %get3A_151 = tpu.vector_load %arg6[%get3A_149, %get3A_150] {strides = array<i32>} : memref<16x640xf32, #tpu.memory_space<vmem>>, vector<16xf32>,
      %add3A_152 = arith.addf %add3A_147, %get3A_151 : vector<16xf32>
      %get3A_153 = arith.constant 13 : i32
      %get3A_154 = arith.index_cast %get3A_153 : i32 to index
      %get3A_155 = arith.index_cast %mul3A_89 : i32 to index
      %get3A_156 = tpu.vector_load %arg6[%get3A_154, %get3A_155] {strides = array<i32>} : memref<16x640xf32, #tpu.memory_space<vmem>>, vector<16xf32>,
      %add3A_157 = arith.addf %add3A_152, %get3A_156 : vector<16xf32>
      %get3A_158 = arith.constant 14 : i32
      %get3A_159 = arith.index_cast %get3A_158 : i32 to index
      %get3A_160 = arith.index_cast %mul3A_89 : i32 to index
      %get3A_161 = tpu.vector_load %arg6[%get3A_159, %get3A_160] {strides = array<i32>} : memref<16x640xf32, #tpu.memory_space<vmem>>, vector<16xf32>,
      %add3A_162 = arith.addf %add3A_157, %get3A_161 : vector<16xf32>
      %get3A_163 = arith.constant 15 : i32
      %get3A_164 = arith.index_cast %get3A_163 : i32 to index
      %get3A_165 = arith.index_cast %mul3A_89 : i32 to index
      %get3A_166 = tpu.vector_load %arg6[%get3A_164, %get3A_165] {strides = array<i32>} : memref<16x640xf32, #tpu.memory_space<vmem>>, vector<16xf32>,
      %add3A_167 = arith.addf %add3A_162, %get3A_166 : vector<16xf32>
      %swap3A = arith.index_cast %mul3A_89 : i32 to index
      %swap3A_168 = tpu.vector_load %arg7[%swap3A] {strides = array<i32>} : memref<640xf32, #tpu.memory_space<vmem>>, vector<16xf32>,
      tpu.vector_store %arg7[%swap3A], %add3A_167 {strides = array<i32>} : memref<640xf32, #tpu.memory_space<vmem>>, vector<16xf32>,
    }
    %scan3A_80 = arith.constant 40 : i32
    %mul3A_81 = arith.constant 640 : i32
    %mul3A_82 = arith.muli %arg1, %mul3A_81 : i32
    "tpu.region"() ({
      %run_scoped3A_83 = tpu.sem_alloc : memref<!tpu.dma_semaphore, #tpu.memory_space<semaphore_mem>>
      %dma_start3A = tpu.memref_slice %arg3[%arg0, %mul3A_82] : memref<2x10240xf32, #tpu.memory_space<hbm>> -> memref<1x640xf32, #tpu.memory_space<hbm>>
      %dma_start3A_84 = tpu.memref_squeeze %dma_start3A : memref<1x640xf32, #tpu.memory_space<hbm>> -> memref<640xf32, #tpu.memory_space<hbm>>
      %dma_start3A_85 = tpu.memref_slice %arg3[%arg0, %mul3A_82] : memref<2x10240xf32, #tpu.memory_space<hbm>> -> memref<1x640xf32, #tpu.memory_space<hbm>>
      %dma_start3A_86 = tpu.memref_squeeze %dma_start3A_85 : memref<1x640xf32, #tpu.memory_space<hbm>> -> memref<640xf32, #tpu.memory_space<hbm>>
      tpu.enqueue_dma source(%arg7 : memref<640xf32, #tpu.memory_space<vmem>>) target(%dma_start3A_86 : memref<640xf32, #tpu.memory_space<hbm>>) target_semaphore(%run_scoped3A_83 : memref<!tpu.dma_semaphore, #tpu.memory_space<semaphore_mem>>)
      %dma_wait3A = tpu.memref_slice %arg3[%arg0, %mul3A_82] : memref<2x10240xf32, #tpu.memory_space<hbm>> -> memref<1x640xf32, #tpu.memory_space<hbm>>
      %dma_wait3A_87 = tpu.memref_squeeze %dma_wait3A : memref<1x640xf32, #tpu.memory_space<hbm>> -> memref<640xf32, #tpu.memory_space<hbm>>
      %dma_wait3A_88 = tpu.memref_slice %arg3[%arg0, %mul3A_82] : memref<2x10240xf32, #tpu.memory_space<hbm>> -> memref<1x640xf32, #tpu.memory_space<hbm>>
      %dma_wait3A_89 = tpu.memref_squeeze %dma_wait3A_88 : memref<1x640xf32, #tpu.memory_space<hbm>> -> memref<640xf32, #tpu.memory_space<hbm>>
      tpu.wait_dma2 semaphore(%run_scoped3A_83 : memref<!tpu.dma_semaphore, #tpu.memory_space<semaphore_mem>>) src(%arg7 : memref<640xf32, #tpu.memory_space<vmem>>) dst(%dma_wait3A_89 : memref<640xf32, #tpu.memory_space<hbm>>)
      tpu.yield
    }) : () -> ()
    return
  }
}

#map = affine_map<(d0, d1) -> (0, 0, 0)>
#map1 = affine_map<(d0, d1) -> (0)>
module attributes {stable_mosaic.version = 14 : i64} {
  func.func @_l2_body(%arg0: i32, %arg1: i32, %arg2: memref<16x250x80xi32, #tpu.memory_space<hbm>>, %arg3: memref<16x250x80xi32, #tpu.memory_space<hbm>>, %arg4: memref<10240xf32, #tpu.memory_space<hbm>>, %arg5: memref<10240xf32, #tpu.memory_space<hbm>>, %arg6: memref<10240xf32, #tpu.memory_space<hbm>>, %arg7: memref<10240xf32, #tpu.memory_space<hbm>>, %arg8: memref<10240xf32, #tpu.memory_space<vmem>>, %arg9: memref<250x80xi32, #tpu.memory_space<vmem>>, %arg10: memref<250x80xi32, #tpu.memory_space<vmem>>, %arg11: memref<10240xf32, #tpu.memory_space<vmem>>, %arg12: memref<16x640xf32, #tpu.memory_space<vmem>>, %arg13: memref<640xf32, #tpu.memory_space<vmem>>, %arg14: memref<640xf32, #tpu.memory_space<vmem>>, %arg15: memref<640xf32, #tpu.memory_space<vmem>>, %arg16: memref<16x10240xf32, #tpu.memory_space<vmem_shared>>, %arg17: memref<!tpu.dma_semaphore, #tpu.memory_space<semaphore_mem>>, %arg18: memref<!tpu.dma_semaphore, #tpu.memory_space<semaphore_mem>>, %arg19: memref<!tpu.dma_semaphore, #tpu.memory_space<semaphore_mem>>) attributes {dimension_semantics = [#tpu.dimension_semantics<core_parallel>, #tpu.dimension_semantics<subcore_parallel>], iteration_bounds = array<i64: 2, 16>, scalar_prefetch = 0 : i64, scratch_operands = 12 : i64, tpu.core_type = #tpu.core_type<sc_vector_subcore>, window_params = [{transform_indices = #map}, {transform_indices = #map}, {transform_indices = #map1}, {transform_indices = #map1}, {transform_indices = #map1}, {transform_indices = #map1}]} {
    %eq3A = arith.constant 0 : i32
    %eq3A_0 = arith.cmpi eq, %arg0, %eq3A : i32
    %convert_element_type3A = arith.extui %eq3A_0 : i1 to i32
    %cond3A = arith.constant 0 : i32
    %cond3A_1 = arith.cmpi ne, %convert_element_type3A, %cond3A : i32
    scf.if %cond3A_1 {
      tpu.enqueue_dma source(%arg4 : memref<10240xf32, #tpu.memory_space<hbm>>) target(%arg8 : memref<10240xf32, #tpu.memory_space<vmem>>) target_semaphore(%arg17 : memref<!tpu.dma_semaphore, #tpu.memory_space<semaphore_mem>>)
      %dma_start3A = arith.constant 0 : i32
      %dma_start3A_2 = arith.constant 0 : i32
      %dma_start3A_3 = tpu.memref_slice %arg2[%arg1, %dma_start3A, %dma_start3A_2] : memref<16x250x80xi32, #tpu.memory_space<hbm>> -> memref<1x250x80xi32, #tpu.memory_space<hbm>>
      %dma_start3A_4 = tpu.memref_squeeze %dma_start3A_3 : memref<1x250x80xi32, #tpu.memory_space<hbm>> -> memref<250x80xi32, #tpu.memory_space<hbm>>
      %dma_start3A_5 = arith.constant 0 : i32
      %dma_start3A_6 = arith.constant 0 : i32
      %dma_start3A_7 = tpu.memref_slice %arg2[%arg1, %dma_start3A_5, %dma_start3A_6] : memref<16x250x80xi32, #tpu.memory_space<hbm>> -> memref<1x250x80xi32, #tpu.memory_space<hbm>>
      %dma_start3A_8 = tpu.memref_squeeze %dma_start3A_7 : memref<1x250x80xi32, #tpu.memory_space<hbm>> -> memref<250x80xi32, #tpu.memory_space<hbm>>
      tpu.enqueue_dma source(%dma_start3A_8 : memref<250x80xi32, #tpu.memory_space<hbm>>) target(%arg9 : memref<250x80xi32, #tpu.memory_space<vmem>>) target_semaphore(%arg18 : memref<!tpu.dma_semaphore, #tpu.memory_space<semaphore_mem>>)
      %dma_start3A_9 = arith.constant 0 : i32
      %dma_start3A_10 = arith.constant 0 : i32
      %dma_start3A_11 = tpu.memref_slice %arg3[%arg1, %dma_start3A_9, %dma_start3A_10] : memref<16x250x80xi32, #tpu.memory_space<hbm>> -> memref<1x250x80xi32, #tpu.memory_space<hbm>>
      %dma_start3A_12 = tpu.memref_squeeze %dma_start3A_11 : memref<1x250x80xi32, #tpu.memory_space<hbm>> -> memref<250x80xi32, #tpu.memory_space<hbm>>
      %dma_start3A_13 = arith.constant 0 : i32
      %dma_start3A_14 = arith.constant 0 : i32
      %dma_start3A_15 = tpu.memref_slice %arg3[%arg1, %dma_start3A_13, %dma_start3A_14] : memref<16x250x80xi32, #tpu.memory_space<hbm>> -> memref<1x250x80xi32, #tpu.memory_space<hbm>>
      %dma_start3A_16 = tpu.memref_squeeze %dma_start3A_15 : memref<1x250x80xi32, #tpu.memory_space<hbm>> -> memref<250x80xi32, #tpu.memory_space<hbm>>
      tpu.enqueue_dma source(%dma_start3A_16 : memref<250x80xi32, #tpu.memory_space<hbm>>) target(%arg10 : memref<250x80xi32, #tpu.memory_space<vmem>>) target_semaphore(%arg19 : memref<!tpu.dma_semaphore, #tpu.memory_space<semaphore_mem>>)
      %broadcast_in_dim3A = arith.constant 0.000000e+00 : f32
      %broadcast_in_dim3A_17 = vector.broadcast %broadcast_in_dim3A : f32 to vector<16xf32>
      %scan3A = arith.constant 0 : i32
      %scan3A_18 = arith.constant 640 : i32
      %scan3A_19 = arith.addi %scan3A, %scan3A_18 : i32
      %scan3A_20 = arith.constant 1 : i32
      scf.for %scan3A_115 = %scan3A to %scan3A_19 step %scan3A_20  : i32 {
        %mul3A_116 = arith.constant 1 : i32
        %mul3A_117 = arith.muli %scan3A_115, %mul3A_116 : i32
        %add3A = arith.constant 0 : i32
        %add3A_118 = arith.addi %add3A, %mul3A_117 : i32
        %mul3A_119 = arith.constant 16 : i32
        %mul3A_120 = arith.muli %add3A_118, %mul3A_119 : i32
        %swap3A = arith.index_cast %mul3A_120 : i32 to index
        %swap3A_121 = tpu.vector_load %arg11[%swap3A] {strides = array<i32>} : memref<10240xf32, #tpu.memory_space<vmem>>, vector<16xf32>,
        tpu.vector_store %arg11[%swap3A], %broadcast_in_dim3A_17 {strides = array<i32>} : memref<10240xf32, #tpu.memory_space<vmem>>, vector<16xf32>,
      }
      %scan3A_21 = arith.constant 640 : i32
      tpu.wait_dma2 semaphore(%arg17 : memref<!tpu.dma_semaphore, #tpu.memory_space<semaphore_mem>>) src(%arg4 : memref<10240xf32, #tpu.memory_space<hbm>>) dst(%arg8 : memref<10240xf32, #tpu.memory_space<vmem>>)
      %dma_wait3A = arith.constant 0 : i32
      %dma_wait3A_22 = arith.constant 0 : i32
      %dma_wait3A_23 = tpu.memref_slice %arg2[%arg1, %dma_wait3A, %dma_wait3A_22] : memref<16x250x80xi32, #tpu.memory_space<hbm>> -> memref<1x250x80xi32, #tpu.memory_space<hbm>>
      %dma_wait3A_24 = tpu.memref_squeeze %dma_wait3A_23 : memref<1x250x80xi32, #tpu.memory_space<hbm>> -> memref<250x80xi32, #tpu.memory_space<hbm>>
      %dma_wait3A_25 = arith.constant 0 : i32
      %dma_wait3A_26 = arith.constant 0 : i32
      %dma_wait3A_27 = tpu.memref_slice %arg2[%arg1, %dma_wait3A_25, %dma_wait3A_26] : memref<16x250x80xi32, #tpu.memory_space<hbm>> -> memref<1x250x80xi32, #tpu.memory_space<hbm>>
      %dma_wait3A_28 = tpu.memref_squeeze %dma_wait3A_27 : memref<1x250x80xi32, #tpu.memory_space<hbm>> -> memref<250x80xi32, #tpu.memory_space<hbm>>
      tpu.wait_dma2 semaphore(%arg18 : memref<!tpu.dma_semaphore, #tpu.memory_space<semaphore_mem>>) src(%dma_wait3A_28 : memref<250x80xi32, #tpu.memory_space<hbm>>) dst(%arg9 : memref<250x80xi32, #tpu.memory_space<vmem>>)
      %dma_wait3A_29 = arith.constant 0 : i32
      %dma_wait3A_30 = arith.constant 0 : i32
      %dma_wait3A_31 = tpu.memref_slice %arg3[%arg1, %dma_wait3A_29, %dma_wait3A_30] : memref<16x250x80xi32, #tpu.memory_space<hbm>> -> memref<1x250x80xi32, #tpu.memory_space<hbm>>
      %dma_wait3A_32 = tpu.memref_squeeze %dma_wait3A_31 : memref<1x250x80xi32, #tpu.memory_space<hbm>> -> memref<250x80xi32, #tpu.memory_space<hbm>>
      %dma_wait3A_33 = arith.constant 0 : i32
      %dma_wait3A_34 = arith.constant 0 : i32
      %dma_wait3A_35 = tpu.memref_slice %arg3[%arg1, %dma_wait3A_33, %dma_wait3A_34] : memref<16x250x80xi32, #tpu.memory_space<hbm>> -> memref<1x250x80xi32, #tpu.memory_space<hbm>>
      %dma_wait3A_36 = tpu.memref_squeeze %dma_wait3A_35 : memref<1x250x80xi32, #tpu.memory_space<hbm>> -> memref<250x80xi32, #tpu.memory_space<hbm>>
      tpu.wait_dma2 semaphore(%arg19 : memref<!tpu.dma_semaphore, #tpu.memory_space<semaphore_mem>>) src(%dma_wait3A_36 : memref<250x80xi32, #tpu.memory_space<hbm>>) dst(%arg10 : memref<250x80xi32, #tpu.memory_space<vmem>>)
      %scan3A_37 = arith.constant 0 : i32
      %scan3A_38 = arith.constant 250 : i32
      %scan3A_39 = arith.addi %scan3A_37, %scan3A_38 : i32
      %scan3A_40 = arith.constant 1 : i32
      scf.for %scan3A_115 = %scan3A_37 to %scan3A_39 step %scan3A_40  : i32 {
        %mul3A_116 = arith.constant 1 : i32
        %mul3A_117 = arith.muli %scan3A_115, %mul3A_116 : i32
        %add3A = arith.constant 0 : i32
        %add3A_118 = arith.addi %add3A, %mul3A_117 : i32
        %get3A = arith.index_cast %add3A_118 : i32 to index
        %get3A_119 = arith.constant 0 : index
        %get3A_120 = tpu.vector_load %arg9[%get3A, %get3A_119] {strides = array<i32>} : memref<250x80xi32, #tpu.memory_space<vmem>>, vector<16xi32>,
        %gather3A = tpu.vector_load_idx %arg8[%get3A_120] : memref<10240xf32, #tpu.memory_space<vmem>>[vector<16xi32>], vector<16xf32>,
        %get3A_121 = arith.index_cast %add3A_118 : i32 to index
        %get3A_122 = arith.constant 0 : index
        %get3A_123 = tpu.vector_load %arg10[%get3A_121, %get3A_122] {strides = array<i32>} : memref<250x80xi32, #tpu.memory_space<vmem>>, vector<16xi32>,
        tpu.vector_store_idx %arg11[%get3A_123], %gather3A {add = true} : memref<10240xf32, #tpu.memory_space<vmem>>[vector<16xi32>], vector<16xf32>,
        %get3A_124 = arith.index_cast %add3A_118 : i32 to index
        %get3A_125 = arith.constant 16 : index
        %get3A_126 = tpu.vector_load %arg9[%get3A_124, %get3A_125] {strides = array<i32>} : memref<250x80xi32, #tpu.memory_space<vmem>>, vector<16xi32>,
        %gather3A_127 = tpu.vector_load_idx %arg8[%get3A_126] : memref<10240xf32, #tpu.memory_space<vmem>>[vector<16xi32>], vector<16xf32>,
        %get3A_128 = arith.index_cast %add3A_118 : i32 to index
        %get3A_129 = arith.constant 16 : index
        %get3A_130 = tpu.vector_load %arg10[%get3A_128, %get3A_129] {strides = array<i32>} : memref<250x80xi32, #tpu.memory_space<vmem>>, vector<16xi32>,
        tpu.vector_store_idx %arg11[%get3A_130], %gather3A_127 {add = true} : memref<10240xf32, #tpu.memory_space<vmem>>[vector<16xi32>], vector<16xf32>,
        %get3A_131 = arith.index_cast %add3A_118 : i32 to index
        %get3A_132 = arith.constant 32 : index
        %get3A_133 = tpu.vector_load %arg9[%get3A_131, %get3A_132] {strides = array<i32>} : memref<250x80xi32, #tpu.memory_space<vmem>>, vector<16xi32>,
        %gather3A_134 = tpu.vector_load_idx %arg8[%get3A_133] : memref<10240xf32, #tpu.memory_space<vmem>>[vector<16xi32>], vector<16xf32>,
        %get3A_135 = arith.index_cast %add3A_118 : i32 to index
        %get3A_136 = arith.constant 32 : index
        %get3A_137 = tpu.vector_load %arg10[%get3A_135, %get3A_136] {strides = array<i32>} : memref<250x80xi32, #tpu.memory_space<vmem>>, vector<16xi32>,
        tpu.vector_store_idx %arg11[%get3A_137], %gather3A_134 {add = true} : memref<10240xf32, #tpu.memory_space<vmem>>[vector<16xi32>], vector<16xf32>,
        %get3A_138 = arith.index_cast %add3A_118 : i32 to index
        %get3A_139 = arith.constant 48 : index
        %get3A_140 = tpu.vector_load %arg9[%get3A_138, %get3A_139] {strides = array<i32>} : memref<250x80xi32, #tpu.memory_space<vmem>>, vector<16xi32>,
        %gather3A_141 = tpu.vector_load_idx %arg8[%get3A_140] : memref<10240xf32, #tpu.memory_space<vmem>>[vector<16xi32>], vector<16xf32>,
        %get3A_142 = arith.index_cast %add3A_118 : i32 to index
        %get3A_143 = arith.constant 48 : index
        %get3A_144 = tpu.vector_load %arg10[%get3A_142, %get3A_143] {strides = array<i32>} : memref<250x80xi32, #tpu.memory_space<vmem>>, vector<16xi32>,
        tpu.vector_store_idx %arg11[%get3A_144], %gather3A_141 {add = true} : memref<10240xf32, #tpu.memory_space<vmem>>[vector<16xi32>], vector<16xf32>,
        %get3A_145 = arith.index_cast %add3A_118 : i32 to index
        %get3A_146 = arith.constant 64 : index
        %get3A_147 = tpu.vector_load %arg9[%get3A_145, %get3A_146] {strides = array<i32>} : memref<250x80xi32, #tpu.memory_space<vmem>>, vector<16xi32>,
        %gather3A_148 = tpu.vector_load_idx %arg8[%get3A_147] : memref<10240xf32, #tpu.memory_space<vmem>>[vector<16xi32>], vector<16xf32>,
        %get3A_149 = arith.index_cast %add3A_118 : i32 to index
        %get3A_150 = arith.constant 64 : index
        %get3A_151 = tpu.vector_load %arg10[%get3A_149, %get3A_150] {strides = array<i32>} : memref<250x80xi32, #tpu.memory_space<vmem>>, vector<16xi32>,
        tpu.vector_store_idx %arg11[%get3A_151], %gather3A_148 {add = true} : memref<10240xf32, #tpu.memory_space<vmem>>[vector<16xi32>], vector<16xf32>,
      }
      %scan3A_41 = arith.constant 250 : i32
      "tpu.region"() ({
        %run_scoped3A_115 = tpu.sem_alloc : memref<!tpu.dma_semaphore, #tpu.memory_space<semaphore_mem>>
        %dma_start3A_116 = arith.constant 0 : i32
        %dma_start3A_117 = tpu.memref_slice %arg16[%arg1, %dma_start3A_116] : memref<16x10240xf32, #tpu.memory_space<vmem_shared>> -> memref<1x10240xf32, #tpu.memory_space<vmem_shared>>
        %dma_start3A_118 = tpu.memref_squeeze %dma_start3A_117 : memref<1x10240xf32, #tpu.memory_space<vmem_shared>> -> memref<10240xf32, #tpu.memory_space<vmem_shared>>
        %dma_start3A_119 = arith.constant 0 : i32
        %dma_start3A_120 = tpu.memref_slice %arg16[%arg1, %dma_start3A_119] : memref<16x10240xf32, #tpu.memory_space<vmem_shared>> -> memref<1x10240xf32, #tpu.memory_space<vmem_shared>>
        %dma_start3A_121 = tpu.memref_squeeze %dma_start3A_120 : memref<1x10240xf32, #tpu.memory_space<vmem_shared>> -> memref<10240xf32, #tpu.memory_space<vmem_shared>>
        tpu.enqueue_dma source(%arg11 : memref<10240xf32, #tpu.memory_space<vmem>>) target(%dma_start3A_121 : memref<10240xf32, #tpu.memory_space<vmem_shared>>) target_semaphore(%run_scoped3A_115 : memref<!tpu.dma_semaphore, #tpu.memory_space<semaphore_mem>>)
        %dma_wait3A_122 = arith.constant 0 : i32
        %dma_wait3A_123 = tpu.memref_slice %arg16[%arg1, %dma_wait3A_122] : memref<16x10240xf32, #tpu.memory_space<vmem_shared>> -> memref<1x10240xf32, #tpu.memory_space<vmem_shared>>
        %dma_wait3A_124 = tpu.memref_squeeze %dma_wait3A_123 : memref<1x10240xf32, #tpu.memory_space<vmem_shared>> -> memref<10240xf32, #tpu.memory_space<vmem_shared>>
        %dma_wait3A_125 = arith.constant 0 : i32
        %dma_wait3A_126 = tpu.memref_slice %arg16[%arg1, %dma_wait3A_125] : memref<16x10240xf32, #tpu.memory_space<vmem_shared>> -> memref<1x10240xf32, #tpu.memory_space<vmem_shared>>
        %dma_wait3A_127 = tpu.memref_squeeze %dma_wait3A_126 : memref<1x10240xf32, #tpu.memory_space<vmem_shared>> -> memref<10240xf32, #tpu.memory_space<vmem_shared>>
        tpu.wait_dma2 semaphore(%run_scoped3A_115 : memref<!tpu.dma_semaphore, #tpu.memory_space<semaphore_mem>>) src(%arg11 : memref<10240xf32, #tpu.memory_space<vmem>>) dst(%dma_wait3A_127 : memref<10240xf32, #tpu.memory_space<vmem_shared>>)
        tpu.yield
      }) : () -> ()
      %barrier3A = arith.constant 0 : index
      tpu.barrier barrier_id(%barrier3A)
      %mul3A = arith.constant 640 : i32
      %mul3A_42 = arith.muli %arg1, %mul3A : i32
      %run_scoped3A = arith.constant 0 : i32
      %run_scoped3A_43 = arith.constant 0 : i32
      "tpu.region"() ({
        %run_scoped3A_115 = tpu.sem_alloc : memref<!tpu.dma_semaphore, #tpu.memory_space<semaphore_mem>>
        %dma_start3A_116 = arith.constant 0 : i32
        %dma_start3A_117 = tpu.memref_slice %arg12[%run_scoped3A_43, %dma_start3A_116] : memref<16x640xf32, #tpu.memory_space<vmem>> -> memref<1x640xf32, #tpu.memory_space<vmem>>
        %dma_start3A_118 = tpu.memref_squeeze %dma_start3A_117 : memref<1x640xf32, #tpu.memory_space<vmem>> -> memref<640xf32, #tpu.memory_space<vmem>>
        %dma_start3A_119 = tpu.memref_slice %arg16[%run_scoped3A, %mul3A_42] : memref<16x10240xf32, #tpu.memory_space<vmem_shared>> -> memref<1x640xf32, #tpu.memory_space<vmem_shared>>
        %dma_start3A_120 = tpu.memref_squeeze %dma_start3A_119 : memref<1x640xf32, #tpu.memory_space<vmem_shared>> -> memref<640xf32, #tpu.memory_space<vmem_shared>>
        %dma_start3A_121 = arith.constant 0 : i32
        %dma_start3A_122 = tpu.memref_slice %arg12[%run_scoped3A_43, %dma_start3A_121] : memref<16x640xf32, #tpu.memory_space<vmem>> -> memref<1x640xf32, #tpu.memory_space<vmem>>
        %dma_start3A_123 = tpu.memref_squeeze %dma_start3A_122 : memref<1x640xf32, #tpu.memory_space<vmem>> -> memref<640xf32, #tpu.memory_space<vmem>>
        %dma_start3A_124 = tpu.memref_slice %arg16[%run_scoped3A, %mul3A_42] : memref<16x10240xf32, #tpu.memory_space<vmem_shared>> -> memref<1x640xf32, #tpu.memory_space<vmem_shared>>
        %dma_start3A_125 = tpu.memref_squeeze %dma_start3A_124 : memref<1x640xf32, #tpu.memory_space<vmem_shared>> -> memref<640xf32, #tpu.memory_space<vmem_shared>>
        tpu.enqueue_dma source(%dma_start3A_125 : memref<640xf32, #tpu.memory_space<vmem_shared>>) target(%dma_start3A_123 : memref<640xf32, #tpu.memory_space<vmem>>) target_semaphore(%run_scoped3A_115 : memref<!tpu.dma_semaphore, #tpu.memory_space<semaphore_mem>>)
        %dma_wait3A_126 = arith.constant 0 : i32
        %dma_wait3A_127 = tpu.memref_slice %arg12[%run_scoped3A_43, %dma_wait3A_126] : memref<16x640xf32, #tpu.memory_space<vmem>> -> memref<1x640xf32, #tpu.memory_space<vmem>>
        %dma_wait3A_128 = tpu.memref_squeeze %dma_wait3A_127 : memref<1x640xf32, #tpu.memory_space<vmem>> -> memref<640xf32, #tpu.memory_space<vmem>>
        %dma_wait3A_129 = tpu.memref_slice %arg16[%run_scoped3A, %mul3A_42] : memref<16x10240xf32, #tpu.memory_space<vmem_shared>> -> memref<1x640xf32, #tpu.memory_space<vmem_shared>>
        %dma_wait3A_130 = tpu.memref_squeeze %dma_wait3A_129 : memref<1x640xf32, #tpu.memory_space<vmem_shared>> -> memref<640xf32, #tpu.memory_space<vmem_shared>>
        %dma_wait3A_131 = arith.constant 0 : i32
        %dma_wait3A_132 = tpu.memref_slice %arg12[%run_scoped3A_43, %dma_wait3A_131] : memref<16x640xf32, #tpu.memory_space<vmem>> -> memref<1x640xf32, #tpu.memory_space<vmem>>
        %dma_wait3A_133 = tpu.memref_squeeze %dma_wait3A_132 : memref<1x640xf32, #tpu.memory_space<vmem>> -> memref<640xf32, #tpu.memory_space<vmem>>
        %dma_wait3A_134 = tpu.memref_slice %arg16[%run_scoped3A, %mul3A_42] : memref<16x10240xf32, #tpu.memory_space<vmem_shared>> -> memref<1x640xf32, #tpu.memory_space<vmem_shared>>
        %dma_wait3A_135 = tpu.memref_squeeze %dma_wait3A_134 : memref<1x640xf32, #tpu.memory_space<vmem_shared>> -> memref<640xf32, #tpu.memory_space<vmem_shared>>
        tpu.wait_dma2 semaphore(%run_scoped3A_115 : memref<!tpu.dma_semaphore, #tpu.memory_space<semaphore_mem>>) src(%dma_wait3A_135 : memref<640xf32, #tpu.memory_space<vmem_shared>>) dst(%dma_wait3A_133 : memref<640xf32, #tpu.memory_space<vmem>>)
        tpu.yield
      }) : () -> ()
      %mul3A_44 = arith.constant 640 : i32
      %mul3A_45 = arith.muli %arg1, %mul3A_44 : i32
      %run_scoped3A_46 = arith.constant 1 : i32
      %run_scoped3A_47 = arith.constant 1 : i32
      "tpu.region"() ({
        %run_scoped3A_115 = tpu.sem_alloc : memref<!tpu.dma_semaphore, #tpu.memory_space<semaphore_mem>>
        %dma_start3A_116 = arith.constant 0 : i32
        %dma_start3A_117 = tpu.memref_slice %arg12[%run_scoped3A_47, %dma_start3A_116] : memref<16x640xf32, #tpu.memory_space<vmem>> -> memref<1x640xf32, #tpu.memory_space<vmem>>
        %dma_start3A_118 = tpu.memref_squeeze %dma_start3A_117 : memref<1x640xf32, #tpu.memory_space<vmem>> -> memref<640xf32, #tpu.memory_space<vmem>>
        %dma_start3A_119 = tpu.memref_slice %arg16[%run_scoped3A_46, %mul3A_45] : memref<16x10240xf32, #tpu.memory_space<vmem_shared>> -> memref<1x640xf32, #tpu.memory_space<vmem_shared>>
        %dma_start3A_120 = tpu.memref_squeeze %dma_start3A_119 : memref<1x640xf32, #tpu.memory_space<vmem_shared>> -> memref<640xf32, #tpu.memory_space<vmem_shared>>
        %dma_start3A_121 = arith.constant 0 : i32
        %dma_start3A_122 = tpu.memref_slice %arg12[%run_scoped3A_47, %dma_start3A_121] : memref<16x640xf32, #tpu.memory_space<vmem>> -> memref<1x640xf32, #tpu.memory_space<vmem>>
        %dma_start3A_123 = tpu.memref_squeeze %dma_start3A_122 : memref<1x640xf32, #tpu.memory_space<vmem>> -> memref<640xf32, #tpu.memory_space<vmem>>
        %dma_start3A_124 = tpu.memref_slice %arg16[%run_scoped3A_46, %mul3A_45] : memref<16x10240xf32, #tpu.memory_space<vmem_shared>> -> memref<1x640xf32, #tpu.memory_space<vmem_shared>>
        %dma_start3A_125 = tpu.memref_squeeze %dma_start3A_124 : memref<1x640xf32, #tpu.memory_space<vmem_shared>> -> memref<640xf32, #tpu.memory_space<vmem_shared>>
        tpu.enqueue_dma source(%dma_start3A_125 : memref<640xf32, #tpu.memory_space<vmem_shared>>) target(%dma_start3A_123 : memref<640xf32, #tpu.memory_space<vmem>>) target_semaphore(%run_scoped3A_115 : memref<!tpu.dma_semaphore, #tpu.memory_space<semaphore_mem>>)
        %dma_wait3A_126 = arith.constant 0 : i32
        %dma_wait3A_127 = tpu.memref_slice %arg12[%run_scoped3A_47, %dma_wait3A_126] : memref<16x640xf32, #tpu.memory_space<vmem>> -> memref<1x640xf32, #tpu.memory_space<vmem>>
        %dma_wait3A_128 = tpu.memref_squeeze %dma_wait3A_127 : memref<1x640xf32, #tpu.memory_space<vmem>> -> memref<640xf32, #tpu.memory_space<vmem>>
        %dma_wait3A_129 = tpu.memref_slice %arg16[%run_scoped3A_46, %mul3A_45] : memref<16x10240xf32, #tpu.memory_space<vmem_shared>> -> memref<1x640xf32, #tpu.memory_space<vmem_shared>>
        %dma_wait3A_130 = tpu.memref_squeeze %dma_wait3A_129 : memref<1x640xf32, #tpu.memory_space<vmem_shared>> -> memref<640xf32, #tpu.memory_space<vmem_shared>>
        %dma_wait3A_131 = arith.constant 0 : i32
        %dma_wait3A_132 = tpu.memref_slice %arg12[%run_scoped3A_47, %dma_wait3A_131] : memref<16x640xf32, #tpu.memory_space<vmem>> -> memref<1x640xf32, #tpu.memory_space<vmem>>
        %dma_wait3A_133 = tpu.memref_squeeze %dma_wait3A_132 : memref<1x640xf32, #tpu.memory_space<vmem>> -> memref<640xf32, #tpu.memory_space<vmem>>
        %dma_wait3A_134 = tpu.memref_slice %arg16[%run_scoped3A_46, %mul3A_45] : memref<16x10240xf32, #tpu.memory_space<vmem_shared>> -> memref<1x640xf32, #tpu.memory_space<vmem_shared>>
        %dma_wait3A_135 = tpu.memref_squeeze %dma_wait3A_134 : memref<1x640xf32, #tpu.memory_space<vmem_shared>> -> memref<640xf32, #tpu.memory_space<vmem_shared>>
        tpu.wait_dma2 semaphore(%run_scoped3A_115 : memref<!tpu.dma_semaphore, #tpu.memory_space<semaphore_mem>>) src(%dma_wait3A_135 : memref<640xf32, #tpu.memory_space<vmem_shared>>) dst(%dma_wait3A_133 : memref<640xf32, #tpu.memory_space<vmem>>)
        tpu.yield
      }) : () -> ()
      %mul3A_48 = arith.constant 640 : i32
      %mul3A_49 = arith.muli %arg1, %mul3A_48 : i32
      %run_scoped3A_50 = arith.constant 2 : i32
      %run_scoped3A_51 = arith.constant 2 : i32
      "tpu.region"() ({
        %run_scoped3A_115 = tpu.sem_alloc : memref<!tpu.dma_semaphore, #tpu.memory_space<semaphore_mem>>
        %dma_start3A_116 = arith.constant 0 : i32
        %dma_start3A_117 = tpu.memref_slice %arg12[%run_scoped3A_51, %dma_start3A_116] : memref<16x640xf32, #tpu.memory_space<vmem>> -> memref<1x640xf32, #tpu.memory_space<vmem>>
        %dma_start3A_118 = tpu.memref_squeeze %dma_start3A_117 : memref<1x640xf32, #tpu.memory_space<vmem>> -> memref<640xf32, #tpu.memory_space<vmem>>
        %dma_start3A_119 = tpu.memref_slice %arg16[%run_scoped3A_50, %mul3A_49] : memref<16x10240xf32, #tpu.memory_space<vmem_shared>> -> memref<1x640xf32, #tpu.memory_space<vmem_shared>>
        %dma_start3A_120 = tpu.memref_squeeze %dma_start3A_119 : memref<1x640xf32, #tpu.memory_space<vmem_shared>> -> memref<640xf32, #tpu.memory_space<vmem_shared>>
        %dma_start3A_121 = arith.constant 0 : i32
        %dma_start3A_122 = tpu.memref_slice %arg12[%run_scoped3A_51, %dma_start3A_121] : memref<16x640xf32, #tpu.memory_space<vmem>> -> memref<1x640xf32, #tpu.memory_space<vmem>>
        %dma_start3A_123 = tpu.memref_squeeze %dma_start3A_122 : memref<1x640xf32, #tpu.memory_space<vmem>> -> memref<640xf32, #tpu.memory_space<vmem>>
        %dma_start3A_124 = tpu.memref_slice %arg16[%run_scoped3A_50, %mul3A_49] : memref<16x10240xf32, #tpu.memory_space<vmem_shared>> -> memref<1x640xf32, #tpu.memory_space<vmem_shared>>
        %dma_start3A_125 = tpu.memref_squeeze %dma_start3A_124 : memref<1x640xf32, #tpu.memory_space<vmem_shared>> -> memref<640xf32, #tpu.memory_space<vmem_shared>>
        tpu.enqueue_dma source(%dma_start3A_125 : memref<640xf32, #tpu.memory_space<vmem_shared>>) target(%dma_start3A_123 : memref<640xf32, #tpu.memory_space<vmem>>) target_semaphore(%run_scoped3A_115 : memref<!tpu.dma_semaphore, #tpu.memory_space<semaphore_mem>>)
        %dma_wait3A_126 = arith.constant 0 : i32
        %dma_wait3A_127 = tpu.memref_slice %arg12[%run_scoped3A_51, %dma_wait3A_126] : memref<16x640xf32, #tpu.memory_space<vmem>> -> memref<1x640xf32, #tpu.memory_space<vmem>>
        %dma_wait3A_128 = tpu.memref_squeeze %dma_wait3A_127 : memref<1x640xf32, #tpu.memory_space<vmem>> -> memref<640xf32, #tpu.memory_space<vmem>>
        %dma_wait3A_129 = tpu.memref_slice %arg16[%run_scoped3A_50, %mul3A_49] : memref<16x10240xf32, #tpu.memory_space<vmem_shared>> -> memref<1x640xf32, #tpu.memory_space<vmem_shared>>
        %dma_wait3A_130 = tpu.memref_squeeze %dma_wait3A_129 : memref<1x640xf32, #tpu.memory_space<vmem_shared>> -> memref<640xf32, #tpu.memory_space<vmem_shared>>
        %dma_wait3A_131 = arith.constant 0 : i32
        %dma_wait3A_132 = tpu.memref_slice %arg12[%run_scoped3A_51, %dma_wait3A_131] : memref<16x640xf32, #tpu.memory_space<vmem>> -> memref<1x640xf32, #tpu.memory_space<vmem>>
        %dma_wait3A_133 = tpu.memref_squeeze %dma_wait3A_132 : memref<1x640xf32, #tpu.memory_space<vmem>> -> memref<640xf32, #tpu.memory_space<vmem>>
        %dma_wait3A_134 = tpu.memref_slice %arg16[%run_scoped3A_50, %mul3A_49] : memref<16x10240xf32, #tpu.memory_space<vmem_shared>> -> memref<1x640xf32, #tpu.memory_space<vmem_shared>>
        %dma_wait3A_135 = tpu.memref_squeeze %dma_wait3A_134 : memref<1x640xf32, #tpu.memory_space<vmem_shared>> -> memref<640xf32, #tpu.memory_space<vmem_shared>>
        tpu.wait_dma2 semaphore(%run_scoped3A_115 : memref<!tpu.dma_semaphore, #tpu.memory_space<semaphore_mem>>) src(%dma_wait3A_135 : memref<640xf32, #tpu.memory_space<vmem_shared>>) dst(%dma_wait3A_133 : memref<640xf32, #tpu.memory_space<vmem>>)
        tpu.yield
      }) : () -> ()
      %mul3A_52 = arith.constant 640 : i32
      %mul3A_53 = arith.muli %arg1, %mul3A_52 : i32
      %run_scoped3A_54 = arith.constant 3 : i32
      %run_scoped3A_55 = arith.constant 3 : i32
      "tpu.region"() ({
        %run_scoped3A_115 = tpu.sem_alloc : memref<!tpu.dma_semaphore, #tpu.memory_space<semaphore_mem>>
        %dma_start3A_116 = arith.constant 0 : i32
        %dma_start3A_117 = tpu.memref_slice %arg12[%run_scoped3A_55, %dma_start3A_116] : memref<16x640xf32, #tpu.memory_space<vmem>> -> memref<1x640xf32, #tpu.memory_space<vmem>>
        %dma_start3A_118 = tpu.memref_squeeze %dma_start3A_117 : memref<1x640xf32, #tpu.memory_space<vmem>> -> memref<640xf32, #tpu.memory_space<vmem>>
        %dma_start3A_119 = tpu.memref_slice %arg16[%run_scoped3A_54, %mul3A_53] : memref<16x10240xf32, #tpu.memory_space<vmem_shared>> -> memref<1x640xf32, #tpu.memory_space<vmem_shared>>
        %dma_start3A_120 = tpu.memref_squeeze %dma_start3A_119 : memref<1x640xf32, #tpu.memory_space<vmem_shared>> -> memref<640xf32, #tpu.memory_space<vmem_shared>>
        %dma_start3A_121 = arith.constant 0 : i32
        %dma_start3A_122 = tpu.memref_slice %arg12[%run_scoped3A_55, %dma_start3A_121] : memref<16x640xf32, #tpu.memory_space<vmem>> -> memref<1x640xf32, #tpu.memory_space<vmem>>
        %dma_start3A_123 = tpu.memref_squeeze %dma_start3A_122 : memref<1x640xf32, #tpu.memory_space<vmem>> -> memref<640xf32, #tpu.memory_space<vmem>>
        %dma_start3A_124 = tpu.memref_slice %arg16[%run_scoped3A_54, %mul3A_53] : memref<16x10240xf32, #tpu.memory_space<vmem_shared>> -> memref<1x640xf32, #tpu.memory_space<vmem_shared>>
        %dma_start3A_125 = tpu.memref_squeeze %dma_start3A_124 : memref<1x640xf32, #tpu.memory_space<vmem_shared>> -> memref<640xf32, #tpu.memory_space<vmem_shared>>
        tpu.enqueue_dma source(%dma_start3A_125 : memref<640xf32, #tpu.memory_space<vmem_shared>>) target(%dma_start3A_123 : memref<640xf32, #tpu.memory_space<vmem>>) target_semaphore(%run_scoped3A_115 : memref<!tpu.dma_semaphore, #tpu.memory_space<semaphore_mem>>)
        %dma_wait3A_126 = arith.constant 0 : i32
        %dma_wait3A_127 = tpu.memref_slice %arg12[%run_scoped3A_55, %dma_wait3A_126] : memref<16x640xf32, #tpu.memory_space<vmem>> -> memref<1x640xf32, #tpu.memory_space<vmem>>
        %dma_wait3A_128 = tpu.memref_squeeze %dma_wait3A_127 : memref<1x640xf32, #tpu.memory_space<vmem>> -> memref<640xf32, #tpu.memory_space<vmem>>
        %dma_wait3A_129 = tpu.memref_slice %arg16[%run_scoped3A_54, %mul3A_53] : memref<16x10240xf32, #tpu.memory_space<vmem_shared>> -> memref<1x640xf32, #tpu.memory_space<vmem_shared>>
        %dma_wait3A_130 = tpu.memref_squeeze %dma_wait3A_129 : memref<1x640xf32, #tpu.memory_space<vmem_shared>> -> memref<640xf32, #tpu.memory_space<vmem_shared>>
        %dma_wait3A_131 = arith.constant 0 : i32
        %dma_wait3A_132 = tpu.memref_slice %arg12[%run_scoped3A_55, %dma_wait3A_131] : memref<16x640xf32, #tpu.memory_space<vmem>> -> memref<1x640xf32, #tpu.memory_space<vmem>>
        %dma_wait3A_133 = tpu.memref_squeeze %dma_wait3A_132 : memref<1x640xf32, #tpu.memory_space<vmem>> -> memref<640xf32, #tpu.memory_space<vmem>>
        %dma_wait3A_134 = tpu.memref_slice %arg16[%run_scoped3A_54, %mul3A_53] : memref<16x10240xf32, #tpu.memory_space<vmem_shared>> -> memref<1x640xf32, #tpu.memory_space<vmem_shared>>
        %dma_wait3A_135 = tpu.memref_squeeze %dma_wait3A_134 : memref<1x640xf32, #tpu.memory_space<vmem_shared>> -> memref<640xf32, #tpu.memory_space<vmem_shared>>
        tpu.wait_dma2 semaphore(%run_scoped3A_115 : memref<!tpu.dma_semaphore, #tpu.memory_space<semaphore_mem>>) src(%dma_wait3A_135 : memref<640xf32, #tpu.memory_space<vmem_shared>>) dst(%dma_wait3A_133 : memref<640xf32, #tpu.memory_space<vmem>>)
        tpu.yield
      }) : () -> ()
      %mul3A_56 = arith.constant 640 : i32
      %mul3A_57 = arith.muli %arg1, %mul3A_56 : i32
      %run_scoped3A_58 = arith.constant 4 : i32
      %run_scoped3A_59 = arith.constant 4 : i32
      "tpu.region"() ({
        %run_scoped3A_115 = tpu.sem_alloc : memref<!tpu.dma_semaphore, #tpu.memory_space<semaphore_mem>>
        %dma_start3A_116 = arith.constant 0 : i32
        %dma_start3A_117 = tpu.memref_slice %arg12[%run_scoped3A_59, %dma_start3A_116] : memref<16x640xf32, #tpu.memory_space<vmem>> -> memref<1x640xf32, #tpu.memory_space<vmem>>
        %dma_start3A_118 = tpu.memref_squeeze %dma_start3A_117 : memref<1x640xf32, #tpu.memory_space<vmem>> -> memref<640xf32, #tpu.memory_space<vmem>>
        %dma_start3A_119 = tpu.memref_slice %arg16[%run_scoped3A_58, %mul3A_57] : memref<16x10240xf32, #tpu.memory_space<vmem_shared>> -> memref<1x640xf32, #tpu.memory_space<vmem_shared>>
        %dma_start3A_120 = tpu.memref_squeeze %dma_start3A_119 : memref<1x640xf32, #tpu.memory_space<vmem_shared>> -> memref<640xf32, #tpu.memory_space<vmem_shared>>
        %dma_start3A_121 = arith.constant 0 : i32
        %dma_start3A_122 = tpu.memref_slice %arg12[%run_scoped3A_59, %dma_start3A_121] : memref<16x640xf32, #tpu.memory_space<vmem>> -> memref<1x640xf32, #tpu.memory_space<vmem>>
        %dma_start3A_123 = tpu.memref_squeeze %dma_start3A_122 : memref<1x640xf32, #tpu.memory_space<vmem>> -> memref<640xf32, #tpu.memory_space<vmem>>
        %dma_start3A_124 = tpu.memref_slice %arg16[%run_scoped3A_58, %mul3A_57] : memref<16x10240xf32, #tpu.memory_space<vmem_shared>> -> memref<1x640xf32, #tpu.memory_space<vmem_shared>>
        %dma_start3A_125 = tpu.memref_squeeze %dma_start3A_124 : memref<1x640xf32, #tpu.memory_space<vmem_shared>> -> memref<640xf32, #tpu.memory_space<vmem_shared>>
        tpu.enqueue_dma source(%dma_start3A_125 : memref<640xf32, #tpu.memory_space<vmem_shared>>) target(%dma_start3A_123 : memref<640xf32, #tpu.memory_space<vmem>>) target_semaphore(%run_scoped3A_115 : memref<!tpu.dma_semaphore, #tpu.memory_space<semaphore_mem>>)
        %dma_wait3A_126 = arith.constant 0 : i32
        %dma_wait3A_127 = tpu.memref_slice %arg12[%run_scoped3A_59, %dma_wait3A_126] : memref<16x640xf32, #tpu.memory_space<vmem>> -> memref<1x640xf32, #tpu.memory_space<vmem>>
        %dma_wait3A_128 = tpu.memref_squeeze %dma_wait3A_127 : memref<1x640xf32, #tpu.memory_space<vmem>> -> memref<640xf32, #tpu.memory_space<vmem>>
        %dma_wait3A_129 = tpu.memref_slice %arg16[%run_scoped3A_58, %mul3A_57] : memref<16x10240xf32, #tpu.memory_space<vmem_shared>> -> memref<1x640xf32, #tpu.memory_space<vmem_shared>>
        %dma_wait3A_130 = tpu.memref_squeeze %dma_wait3A_129 : memref<1x640xf32, #tpu.memory_space<vmem_shared>> -> memref<640xf32, #tpu.memory_space<vmem_shared>>
        %dma_wait3A_131 = arith.constant 0 : i32
        %dma_wait3A_132 = tpu.memref_slice %arg12[%run_scoped3A_59, %dma_wait3A_131] : memref<16x640xf32, #tpu.memory_space<vmem>> -> memref<1x640xf32, #tpu.memory_space<vmem>>
        %dma_wait3A_133 = tpu.memref_squeeze %dma_wait3A_132 : memref<1x640xf32, #tpu.memory_space<vmem>> -> memref<640xf32, #tpu.memory_space<vmem>>
        %dma_wait3A_134 = tpu.memref_slice %arg16[%run_scoped3A_58, %mul3A_57] : memref<16x10240xf32, #tpu.memory_space<vmem_shared>> -> memref<1x640xf32, #tpu.memory_space<vmem_shared>>
        %dma_wait3A_135 = tpu.memref_squeeze %dma_wait3A_134 : memref<1x640xf32, #tpu.memory_space<vmem_shared>> -> memref<640xf32, #tpu.memory_space<vmem_shared>>
        tpu.wait_dma2 semaphore(%run_scoped3A_115 : memref<!tpu.dma_semaphore, #tpu.memory_space<semaphore_mem>>) src(%dma_wait3A_135 : memref<640xf32, #tpu.memory_space<vmem_shared>>) dst(%dma_wait3A_133 : memref<640xf32, #tpu.memory_space<vmem>>)
        tpu.yield
      }) : () -> ()
      %mul3A_60 = arith.constant 640 : i32
      %mul3A_61 = arith.muli %arg1, %mul3A_60 : i32
      %run_scoped3A_62 = arith.constant 5 : i32
      %run_scoped3A_63 = arith.constant 5 : i32
      "tpu.region"() ({
        %run_scoped3A_115 = tpu.sem_alloc : memref<!tpu.dma_semaphore, #tpu.memory_space<semaphore_mem>>
        %dma_start3A_116 = arith.constant 0 : i32
        %dma_start3A_117 = tpu.memref_slice %arg12[%run_scoped3A_63, %dma_start3A_116] : memref<16x640xf32, #tpu.memory_space<vmem>> -> memref<1x640xf32, #tpu.memory_space<vmem>>
        %dma_start3A_118 = tpu.memref_squeeze %dma_start3A_117 : memref<1x640xf32, #tpu.memory_space<vmem>> -> memref<640xf32, #tpu.memory_space<vmem>>
        %dma_start3A_119 = tpu.memref_slice %arg16[%run_scoped3A_62, %mul3A_61] : memref<16x10240xf32, #tpu.memory_space<vmem_shared>> -> memref<1x640xf32, #tpu.memory_space<vmem_shared>>
        %dma_start3A_120 = tpu.memref_squeeze %dma_start3A_119 : memref<1x640xf32, #tpu.memory_space<vmem_shared>> -> memref<640xf32, #tpu.memory_space<vmem_shared>>
        %dma_start3A_121 = arith.constant 0 : i32
        %dma_start3A_122 = tpu.memref_slice %arg12[%run_scoped3A_63, %dma_start3A_121] : memref<16x640xf32, #tpu.memory_space<vmem>> -> memref<1x640xf32, #tpu.memory_space<vmem>>
        %dma_start3A_123 = tpu.memref_squeeze %dma_start3A_122 : memref<1x640xf32, #tpu.memory_space<vmem>> -> memref<640xf32, #tpu.memory_space<vmem>>
        %dma_start3A_124 = tpu.memref_slice %arg16[%run_scoped3A_62, %mul3A_61] : memref<16x10240xf32, #tpu.memory_space<vmem_shared>> -> memref<1x640xf32, #tpu.memory_space<vmem_shared>>
        %dma_start3A_125 = tpu.memref_squeeze %dma_start3A_124 : memref<1x640xf32, #tpu.memory_space<vmem_shared>> -> memref<640xf32, #tpu.memory_space<vmem_shared>>
        tpu.enqueue_dma source(%dma_start3A_125 : memref<640xf32, #tpu.memory_space<vmem_shared>>) target(%dma_start3A_123 : memref<640xf32, #tpu.memory_space<vmem>>) target_semaphore(%run_scoped3A_115 : memref<!tpu.dma_semaphore, #tpu.memory_space<semaphore_mem>>)
        %dma_wait3A_126 = arith.constant 0 : i32
        %dma_wait3A_127 = tpu.memref_slice %arg12[%run_scoped3A_63, %dma_wait3A_126] : memref<16x640xf32, #tpu.memory_space<vmem>> -> memref<1x640xf32, #tpu.memory_space<vmem>>
        %dma_wait3A_128 = tpu.memref_squeeze %dma_wait3A_127 : memref<1x640xf32, #tpu.memory_space<vmem>> -> memref<640xf32, #tpu.memory_space<vmem>>
        %dma_wait3A_129 = tpu.memref_slice %arg16[%run_scoped3A_62, %mul3A_61] : memref<16x10240xf32, #tpu.memory_space<vmem_shared>> -> memref<1x640xf32, #tpu.memory_space<vmem_shared>>
        %dma_wait3A_130 = tpu.memref_squeeze %dma_wait3A_129 : memref<1x640xf32, #tpu.memory_space<vmem_shared>> -> memref<640xf32, #tpu.memory_space<vmem_shared>>
        %dma_wait3A_131 = arith.constant 0 : i32
        %dma_wait3A_132 = tpu.memref_slice %arg12[%run_scoped3A_63, %dma_wait3A_131] : memref<16x640xf32, #tpu.memory_space<vmem>> -> memref<1x640xf32, #tpu.memory_space<vmem>>
        %dma_wait3A_133 = tpu.memref_squeeze %dma_wait3A_132 : memref<1x640xf32, #tpu.memory_space<vmem>> -> memref<640xf32, #tpu.memory_space<vmem>>
        %dma_wait3A_134 = tpu.memref_slice %arg16[%run_scoped3A_62, %mul3A_61] : memref<16x10240xf32, #tpu.memory_space<vmem_shared>> -> memref<1x640xf32, #tpu.memory_space<vmem_shared>>
        %dma_wait3A_135 = tpu.memref_squeeze %dma_wait3A_134 : memref<1x640xf32, #tpu.memory_space<vmem_shared>> -> memref<640xf32, #tpu.memory_space<vmem_shared>>
        tpu.wait_dma2 semaphore(%run_scoped3A_115 : memref<!tpu.dma_semaphore, #tpu.memory_space<semaphore_mem>>) src(%dma_wait3A_135 : memref<640xf32, #tpu.memory_space<vmem_shared>>) dst(%dma_wait3A_133 : memref<640xf32, #tpu.memory_space<vmem>>)
        tpu.yield
      }) : () -> ()
      %mul3A_64 = arith.constant 640 : i32
      %mul3A_65 = arith.muli %arg1, %mul3A_64 : i32
      %run_scoped3A_66 = arith.constant 6 : i32
      %run_scoped3A_67 = arith.constant 6 : i32
      "tpu.region"() ({
        %run_scoped3A_115 = tpu.sem_alloc : memref<!tpu.dma_semaphore, #tpu.memory_space<semaphore_mem>>
        %dma_start3A_116 = arith.constant 0 : i32
        %dma_start3A_117 = tpu.memref_slice %arg12[%run_scoped3A_67, %dma_start3A_116] : memref<16x640xf32, #tpu.memory_space<vmem>> -> memref<1x640xf32, #tpu.memory_space<vmem>>
        %dma_start3A_118 = tpu.memref_squeeze %dma_start3A_117 : memref<1x640xf32, #tpu.memory_space<vmem>> -> memref<640xf32, #tpu.memory_space<vmem>>
        %dma_start3A_119 = tpu.memref_slice %arg16[%run_scoped3A_66, %mul3A_65] : memref<16x10240xf32, #tpu.memory_space<vmem_shared>> -> memref<1x640xf32, #tpu.memory_space<vmem_shared>>
        %dma_start3A_120 = tpu.memref_squeeze %dma_start3A_119 : memref<1x640xf32, #tpu.memory_space<vmem_shared>> -> memref<640xf32, #tpu.memory_space<vmem_shared>>
        %dma_start3A_121 = arith.constant 0 : i32
        %dma_start3A_122 = tpu.memref_slice %arg12[%run_scoped3A_67, %dma_start3A_121] : memref<16x640xf32, #tpu.memory_space<vmem>> -> memref<1x640xf32, #tpu.memory_space<vmem>>
        %dma_start3A_123 = tpu.memref_squeeze %dma_start3A_122 : memref<1x640xf32, #tpu.memory_space<vmem>> -> memref<640xf32, #tpu.memory_space<vmem>>
        %dma_start3A_124 = tpu.memref_slice %arg16[%run_scoped3A_66, %mul3A_65] : memref<16x10240xf32, #tpu.memory_space<vmem_shared>> -> memref<1x640xf32, #tpu.memory_space<vmem_shared>>
        %dma_start3A_125 = tpu.memref_squeeze %dma_start3A_124 : memref<1x640xf32, #tpu.memory_space<vmem_shared>> -> memref<640xf32, #tpu.memory_space<vmem_shared>>
        tpu.enqueue_dma source(%dma_start3A_125 : memref<640xf32, #tpu.memory_space<vmem_shared>>) target(%dma_start3A_123 : memref<640xf32, #tpu.memory_space<vmem>>) target_semaphore(%run_scoped3A_115 : memref<!tpu.dma_semaphore, #tpu.memory_space<semaphore_mem>>)
        %dma_wait3A_126 = arith.constant 0 : i32
        %dma_wait3A_127 = tpu.memref_slice %arg12[%run_scoped3A_67, %dma_wait3A_126] : memref<16x640xf32, #tpu.memory_space<vmem>> -> memref<1x640xf32, #tpu.memory_space<vmem>>
        %dma_wait3A_128 = tpu.memref_squeeze %dma_wait3A_127 : memref<1x640xf32, #tpu.memory_space<vmem>> -> memref<640xf32, #tpu.memory_space<vmem>>
        %dma_wait3A_129 = tpu.memref_slice %arg16[%run_scoped3A_66, %mul3A_65] : memref<16x10240xf32, #tpu.memory_space<vmem_shared>> -> memref<1x640xf32, #tpu.memory_space<vmem_shared>>
        %dma_wait3A_130 = tpu.memref_squeeze %dma_wait3A_129 : memref<1x640xf32, #tpu.memory_space<vmem_shared>> -> memref<640xf32, #tpu.memory_space<vmem_shared>>
        %dma_wait3A_131 = arith.constant 0 : i32
        %dma_wait3A_132 = tpu.memref_slice %arg12[%run_scoped3A_67, %dma_wait3A_131] : memref<16x640xf32, #tpu.memory_space<vmem>> -> memref<1x640xf32, #tpu.memory_space<vmem>>
        %dma_wait3A_133 = tpu.memref_squeeze %dma_wait3A_132 : memref<1x640xf32, #tpu.memory_space<vmem>> -> memref<640xf32, #tpu.memory_space<vmem>>
        %dma_wait3A_134 = tpu.memref_slice %arg16[%run_scoped3A_66, %mul3A_65] : memref<16x10240xf32, #tpu.memory_space<vmem_shared>> -> memref<1x640xf32, #tpu.memory_space<vmem_shared>>
        %dma_wait3A_135 = tpu.memref_squeeze %dma_wait3A_134 : memref<1x640xf32, #tpu.memory_space<vmem_shared>> -> memref<640xf32, #tpu.memory_space<vmem_shared>>
        tpu.wait_dma2 semaphore(%run_scoped3A_115 : memref<!tpu.dma_semaphore, #tpu.memory_space<semaphore_mem>>) src(%dma_wait3A_135 : memref<640xf32, #tpu.memory_space<vmem_shared>>) dst(%dma_wait3A_133 : memref<640xf32, #tpu.memory_space<vmem>>)
        tpu.yield
      }) : () -> ()
      %mul3A_68 = arith.constant 640 : i32
      %mul3A_69 = arith.muli %arg1, %mul3A_68 : i32
      %run_scoped3A_70 = arith.constant 7 : i32
      %run_scoped3A_71 = arith.constant 7 : i32
      "tpu.region"() ({
        %run_scoped3A_115 = tpu.sem_alloc : memref<!tpu.dma_semaphore, #tpu.memory_space<semaphore_mem>>
        %dma_start3A_116 = arith.constant 0 : i32
        %dma_start3A_117 = tpu.memref_slice %arg12[%run_scoped3A_71, %dma_start3A_116] : memref<16x640xf32, #tpu.memory_space<vmem>> -> memref<1x640xf32, #tpu.memory_space<vmem>>
        %dma_start3A_118 = tpu.memref_squeeze %dma_start3A_117 : memref<1x640xf32, #tpu.memory_space<vmem>> -> memref<640xf32, #tpu.memory_space<vmem>>
        %dma_start3A_119 = tpu.memref_slice %arg16[%run_scoped3A_70, %mul3A_69] : memref<16x10240xf32, #tpu.memory_space<vmem_shared>> -> memref<1x640xf32, #tpu.memory_space<vmem_shared>>
        %dma_start3A_120 = tpu.memref_squeeze %dma_start3A_119 : memref<1x640xf32, #tpu.memory_space<vmem_shared>> -> memref<640xf32, #tpu.memory_space<vmem_shared>>
        %dma_start3A_121 = arith.constant 0 : i32
        %dma_start3A_122 = tpu.memref_slice %arg12[%run_scoped3A_71, %dma_start3A_121] : memref<16x640xf32, #tpu.memory_space<vmem>> -> memref<1x640xf32, #tpu.memory_space<vmem>>
        %dma_start3A_123 = tpu.memref_squeeze %dma_start3A_122 : memref<1x640xf32, #tpu.memory_space<vmem>> -> memref<640xf32, #tpu.memory_space<vmem>>
        %dma_start3A_124 = tpu.memref_slice %arg16[%run_scoped3A_70, %mul3A_69] : memref<16x10240xf32, #tpu.memory_space<vmem_shared>> -> memref<1x640xf32, #tpu.memory_space<vmem_shared>>
        %dma_start3A_125 = tpu.memref_squeeze %dma_start3A_124 : memref<1x640xf32, #tpu.memory_space<vmem_shared>> -> memref<640xf32, #tpu.memory_space<vmem_shared>>
        tpu.enqueue_dma source(%dma_start3A_125 : memref<640xf32, #tpu.memory_space<vmem_shared>>) target(%dma_start3A_123 : memref<640xf32, #tpu.memory_space<vmem>>) target_semaphore(%run_scoped3A_115 : memref<!tpu.dma_semaphore, #tpu.memory_space<semaphore_mem>>)
        %dma_wait3A_126 = arith.constant 0 : i32
        %dma_wait3A_127 = tpu.memref_slice %arg12[%run_scoped3A_71, %dma_wait3A_126] : memref<16x640xf32, #tpu.memory_space<vmem>> -> memref<1x640xf32, #tpu.memory_space<vmem>>
        %dma_wait3A_128 = tpu.memref_squeeze %dma_wait3A_127 : memref<1x640xf32, #tpu.memory_space<vmem>> -> memref<640xf32, #tpu.memory_space<vmem>>
        %dma_wait3A_129 = tpu.memref_slice %arg16[%run_scoped3A_70, %mul3A_69] : memref<16x10240xf32, #tpu.memory_space<vmem_shared>> -> memref<1x640xf32, #tpu.memory_space<vmem_shared>>
        %dma_wait3A_130 = tpu.memref_squeeze %dma_wait3A_129 : memref<1x640xf32, #tpu.memory_space<vmem_shared>> -> memref<640xf32, #tpu.memory_space<vmem_shared>>
        %dma_wait3A_131 = arith.constant 0 : i32
        %dma_wait3A_132 = tpu.memref_slice %arg12[%run_scoped3A_71, %dma_wait3A_131] : memref<16x640xf32, #tpu.memory_space<vmem>> -> memref<1x640xf32, #tpu.memory_space<vmem>>
        %dma_wait3A_133 = tpu.memref_squeeze %dma_wait3A_132 : memref<1x640xf32, #tpu.memory_space<vmem>> -> memref<640xf32, #tpu.memory_space<vmem>>
        %dma_wait3A_134 = tpu.memref_slice %arg16[%run_scoped3A_70, %mul3A_69] : memref<16x10240xf32, #tpu.memory_space<vmem_shared>> -> memref<1x640xf32, #tpu.memory_space<vmem_shared>>
        %dma_wait3A_135 = tpu.memref_squeeze %dma_wait3A_134 : memref<1x640xf32, #tpu.memory_space<vmem_shared>> -> memref<640xf32, #tpu.memory_space<vmem_shared>>
        tpu.wait_dma2 semaphore(%run_scoped3A_115 : memref<!tpu.dma_semaphore, #tpu.memory_space<semaphore_mem>>) src(%dma_wait3A_135 : memref<640xf32, #tpu.memory_space<vmem_shared>>) dst(%dma_wait3A_133 : memref<640xf32, #tpu.memory_space<vmem>>)
        tpu.yield
      }) : () -> ()
      %mul3A_72 = arith.constant 640 : i32
      %mul3A_73 = arith.muli %arg1, %mul3A_72 : i32
      %run_scoped3A_74 = arith.constant 8 : i32
      %run_scoped3A_75 = arith.constant 8 : i32
      "tpu.region"() ({
        %run_scoped3A_115 = tpu.sem_alloc : memref<!tpu.dma_semaphore, #tpu.memory_space<semaphore_mem>>
        %dma_start3A_116 = arith.constant 0 : i32
        %dma_start3A_117 = tpu.memref_slice %arg12[%run_scoped3A_75, %dma_start3A_116] : memref<16x640xf32, #tpu.memory_space<vmem>> -> memref<1x640xf32, #tpu.memory_space<vmem>>
        %dma_start3A_118 = tpu.memref_squeeze %dma_start3A_117 : memref<1x640xf32, #tpu.memory_space<vmem>> -> memref<640xf32, #tpu.memory_space<vmem>>
        %dma_start3A_119 = tpu.memref_slice %arg16[%run_scoped3A_74, %mul3A_73] : memref<16x10240xf32, #tpu.memory_space<vmem_shared>> -> memref<1x640xf32, #tpu.memory_space<vmem_shared>>
        %dma_start3A_120 = tpu.memref_squeeze %dma_start3A_119 : memref<1x640xf32, #tpu.memory_space<vmem_shared>> -> memref<640xf32, #tpu.memory_space<vmem_shared>>
        %dma_start3A_121 = arith.constant 0 : i32
        %dma_start3A_122 = tpu.memref_slice %arg12[%run_scoped3A_75, %dma_start3A_121] : memref<16x640xf32, #tpu.memory_space<vmem>> -> memref<1x640xf32, #tpu.memory_space<vmem>>
        %dma_start3A_123 = tpu.memref_squeeze %dma_start3A_122 : memref<1x640xf32, #tpu.memory_space<vmem>> -> memref<640xf32, #tpu.memory_space<vmem>>
        %dma_start3A_124 = tpu.memref_slice %arg16[%run_scoped3A_74, %mul3A_73] : memref<16x10240xf32, #tpu.memory_space<vmem_shared>> -> memref<1x640xf32, #tpu.memory_space<vmem_shared>>
        %dma_start3A_125 = tpu.memref_squeeze %dma_start3A_124 : memref<1x640xf32, #tpu.memory_space<vmem_shared>> -> memref<640xf32, #tpu.memory_space<vmem_shared>>
        tpu.enqueue_dma source(%dma_start3A_125 : memref<640xf32, #tpu.memory_space<vmem_shared>>) target(%dma_start3A_123 : memref<640xf32, #tpu.memory_space<vmem>>) target_semaphore(%run_scoped3A_115 : memref<!tpu.dma_semaphore, #tpu.memory_space<semaphore_mem>>)
        %dma_wait3A_126 = arith.constant 0 : i32
        %dma_wait3A_127 = tpu.memref_slice %arg12[%run_scoped3A_75, %dma_wait3A_126] : memref<16x640xf32, #tpu.memory_space<vmem>> -> memref<1x640xf32, #tpu.memory_space<vmem>>
        %dma_wait3A_128 = tpu.memref_squeeze %dma_wait3A_127 : memref<1x640xf32, #tpu.memory_space<vmem>> -> memref<640xf32, #tpu.memory_space<vmem>>
        %dma_wait3A_129 = tpu.memref_slice %arg16[%run_scoped3A_74, %mul3A_73] : memref<16x10240xf32, #tpu.memory_space<vmem_shared>> -> memref<1x640xf32, #tpu.memory_space<vmem_shared>>
        %dma_wait3A_130 = tpu.memref_squeeze %dma_wait3A_129 : memref<1x640xf32, #tpu.memory_space<vmem_shared>> -> memref<640xf32, #tpu.memory_space<vmem_shared>>
        %dma_wait3A_131 = arith.constant 0 : i32
        %dma_wait3A_132 = tpu.memref_slice %arg12[%run_scoped3A_75, %dma_wait3A_131] : memref<16x640xf32, #tpu.memory_space<vmem>> -> memref<1x640xf32, #tpu.memory_space<vmem>>
        %dma_wait3A_133 = tpu.memref_squeeze %dma_wait3A_132 : memref<1x640xf32, #tpu.memory_space<vmem>> -> memref<640xf32, #tpu.memory_space<vmem>>
        %dma_wait3A_134 = tpu.memref_slice %arg16[%run_scoped3A_74, %mul3A_73] : memref<16x10240xf32, #tpu.memory_space<vmem_shared>> -> memref<1x640xf32, #tpu.memory_space<vmem_shared>>
        %dma_wait3A_135 = tpu.memref_squeeze %dma_wait3A_134 : memref<1x640xf32, #tpu.memory_space<vmem_shared>> -> memref<640xf32, #tpu.memory_space<vmem_shared>>
        tpu.wait_dma2 semaphore(%run_scoped3A_115 : memref<!tpu.dma_semaphore, #tpu.memory_space<semaphore_mem>>) src(%dma_wait3A_135 : memref<640xf32, #tpu.memory_space<vmem_shared>>) dst(%dma_wait3A_133 : memref<640xf32, #tpu.memory_space<vmem>>)
        tpu.yield
      }) : () -> ()
      %mul3A_76 = arith.constant 640 : i32
      %mul3A_77 = arith.muli %arg1, %mul3A_76 : i32
      %run_scoped3A_78 = arith.constant 9 : i32
      %run_scoped3A_79 = arith.constant 9 : i32
      "tpu.region"() ({
        %run_scoped3A_115 = tpu.sem_alloc : memref<!tpu.dma_semaphore, #tpu.memory_space<semaphore_mem>>
        %dma_start3A_116 = arith.constant 0 : i32
        %dma_start3A_117 = tpu.memref_slice %arg12[%run_scoped3A_79, %dma_start3A_116] : memref<16x640xf32, #tpu.memory_space<vmem>> -> memref<1x640xf32, #tpu.memory_space<vmem>>
        %dma_start3A_118 = tpu.memref_squeeze %dma_start3A_117 : memref<1x640xf32, #tpu.memory_space<vmem>> -> memref<640xf32, #tpu.memory_space<vmem>>
        %dma_start3A_119 = tpu.memref_slice %arg16[%run_scoped3A_78, %mul3A_77] : memref<16x10240xf32, #tpu.memory_space<vmem_shared>> -> memref<1x640xf32, #tpu.memory_space<vmem_shared>>
        %dma_start3A_120 = tpu.memref_squeeze %dma_start3A_119 : memref<1x640xf32, #tpu.memory_space<vmem_shared>> -> memref<640xf32, #tpu.memory_space<vmem_shared>>
        %dma_start3A_121 = arith.constant 0 : i32
        %dma_start3A_122 = tpu.memref_slice %arg12[%run_scoped3A_79, %dma_start3A_121] : memref<16x640xf32, #tpu.memory_space<vmem>> -> memref<1x640xf32, #tpu.memory_space<vmem>>
        %dma_start3A_123 = tpu.memref_squeeze %dma_start3A_122 : memref<1x640xf32, #tpu.memory_space<vmem>> -> memref<640xf32, #tpu.memory_space<vmem>>
        %dma_start3A_124 = tpu.memref_slice %arg16[%run_scoped3A_78, %mul3A_77] : memref<16x10240xf32, #tpu.memory_space<vmem_shared>> -> memref<1x640xf32, #tpu.memory_space<vmem_shared>>
        %dma_start3A_125 = tpu.memref_squeeze %dma_start3A_124 : memref<1x640xf32, #tpu.memory_space<vmem_shared>> -> memref<640xf32, #tpu.memory_space<vmem_shared>>
        tpu.enqueue_dma source(%dma_start3A_125 : memref<640xf32, #tpu.memory_space<vmem_shared>>) target(%dma_start3A_123 : memref<640xf32, #tpu.memory_space<vmem>>) target_semaphore(%run_scoped3A_115 : memref<!tpu.dma_semaphore, #tpu.memory_space<semaphore_mem>>)
        %dma_wait3A_126 = arith.constant 0 : i32
        %dma_wait3A_127 = tpu.memref_slice %arg12[%run_scoped3A_79, %dma_wait3A_126] : memref<16x640xf32, #tpu.memory_space<vmem>> -> memref<1x640xf32, #tpu.memory_space<vmem>>
        %dma_wait3A_128 = tpu.memref_squeeze %dma_wait3A_127 : memref<1x640xf32, #tpu.memory_space<vmem>> -> memref<640xf32, #tpu.memory_space<vmem>>
        %dma_wait3A_129 = tpu.memref_slice %arg16[%run_scoped3A_78, %mul3A_77] : memref<16x10240xf32, #tpu.memory_space<vmem_shared>> -> memref<1x640xf32, #tpu.memory_space<vmem_shared>>
        %dma_wait3A_130 = tpu.memref_squeeze %dma_wait3A_129 : memref<1x640xf32, #tpu.memory_space<vmem_shared>> -> memref<640xf32, #tpu.memory_space<vmem_shared>>
        %dma_wait3A_131 = arith.constant 0 : i32
        %dma_wait3A_132 = tpu.memref_slice %arg12[%run_scoped3A_79, %dma_wait3A_131] : memref<16x640xf32, #tpu.memory_space<vmem>> -> memref<1x640xf32, #tpu.memory_space<vmem>>
        %dma_wait3A_133 = tpu.memref_squeeze %dma_wait3A_132 : memref<1x640xf32, #tpu.memory_space<vmem>> -> memref<640xf32, #tpu.memory_space<vmem>>
        %dma_wait3A_134 = tpu.memref_slice %arg16[%run_scoped3A_78, %mul3A_77] : memref<16x10240xf32, #tpu.memory_space<vmem_shared>> -> memref<1x640xf32, #tpu.memory_space<vmem_shared>>
        %dma_wait3A_135 = tpu.memref_squeeze %dma_wait3A_134 : memref<1x640xf32, #tpu.memory_space<vmem_shared>> -> memref<640xf32, #tpu.memory_space<vmem_shared>>
        tpu.wait_dma2 semaphore(%run_scoped3A_115 : memref<!tpu.dma_semaphore, #tpu.memory_space<semaphore_mem>>) src(%dma_wait3A_135 : memref<640xf32, #tpu.memory_space<vmem_shared>>) dst(%dma_wait3A_133 : memref<640xf32, #tpu.memory_space<vmem>>)
        tpu.yield
      }) : () -> ()
      %mul3A_80 = arith.constant 640 : i32
      %mul3A_81 = arith.muli %arg1, %mul3A_80 : i32
      %run_scoped3A_82 = arith.constant 10 : i32
      %run_scoped3A_83 = arith.constant 10 : i32
      "tpu.region"() ({
        %run_scoped3A_115 = tpu.sem_alloc : memref<!tpu.dma_semaphore, #tpu.memory_space<semaphore_mem>>
        %dma_start3A_116 = arith.constant 0 : i32
        %dma_start3A_117 = tpu.memref_slice %arg12[%run_scoped3A_83, %dma_start3A_116] : memref<16x640xf32, #tpu.memory_space<vmem>> -> memref<1x640xf32, #tpu.memory_space<vmem>>
        %dma_start3A_118 = tpu.memref_squeeze %dma_start3A_117 : memref<1x640xf32, #tpu.memory_space<vmem>> -> memref<640xf32, #tpu.memory_space<vmem>>
        %dma_start3A_119 = tpu.memref_slice %arg16[%run_scoped3A_82, %mul3A_81] : memref<16x10240xf32, #tpu.memory_space<vmem_shared>> -> memref<1x640xf32, #tpu.memory_space<vmem_shared>>
        %dma_start3A_120 = tpu.memref_squeeze %dma_start3A_119 : memref<1x640xf32, #tpu.memory_space<vmem_shared>> -> memref<640xf32, #tpu.memory_space<vmem_shared>>
        %dma_start3A_121 = arith.constant 0 : i32
        %dma_start3A_122 = tpu.memref_slice %arg12[%run_scoped3A_83, %dma_start3A_121] : memref<16x640xf32, #tpu.memory_space<vmem>> -> memref<1x640xf32, #tpu.memory_space<vmem>>
        %dma_start3A_123 = tpu.memref_squeeze %dma_start3A_122 : memref<1x640xf32, #tpu.memory_space<vmem>> -> memref<640xf32, #tpu.memory_space<vmem>>
        %dma_start3A_124 = tpu.memref_slice %arg16[%run_scoped3A_82, %mul3A_81] : memref<16x10240xf32, #tpu.memory_space<vmem_shared>> -> memref<1x640xf32, #tpu.memory_space<vmem_shared>>
        %dma_start3A_125 = tpu.memref_squeeze %dma_start3A_124 : memref<1x640xf32, #tpu.memory_space<vmem_shared>> -> memref<640xf32, #tpu.memory_space<vmem_shared>>
        tpu.enqueue_dma source(%dma_start3A_125 : memref<640xf32, #tpu.memory_space<vmem_shared>>) target(%dma_start3A_123 : memref<640xf32, #tpu.memory_space<vmem>>) target_semaphore(%run_scoped3A_115 : memref<!tpu.dma_semaphore, #tpu.memory_space<semaphore_mem>>)
        %dma_wait3A_126 = arith.constant 0 : i32
        %dma_wait3A_127 = tpu.memref_slice %arg12[%run_scoped3A_83, %dma_wait3A_126] : memref<16x640xf32, #tpu.memory_space<vmem>> -> memref<1x640xf32, #tpu.memory_space<vmem>>
        %dma_wait3A_128 = tpu.memref_squeeze %dma_wait3A_127 : memref<1x640xf32, #tpu.memory_space<vmem>> -> memref<640xf32, #tpu.memory_space<vmem>>
        %dma_wait3A_129 = tpu.memref_slice %arg16[%run_scoped3A_82, %mul3A_81] : memref<16x10240xf32, #tpu.memory_space<vmem_shared>> -> memref<1x640xf32, #tpu.memory_space<vmem_shared>>
        %dma_wait3A_130 = tpu.memref_squeeze %dma_wait3A_129 : memref<1x640xf32, #tpu.memory_space<vmem_shared>> -> memref<640xf32, #tpu.memory_space<vmem_shared>>
        %dma_wait3A_131 = arith.constant 0 : i32
        %dma_wait3A_132 = tpu.memref_slice %arg12[%run_scoped3A_83, %dma_wait3A_131] : memref<16x640xf32, #tpu.memory_space<vmem>> -> memref<1x640xf32, #tpu.memory_space<vmem>>
        %dma_wait3A_133 = tpu.memref_squeeze %dma_wait3A_132 : memref<1x640xf32, #tpu.memory_space<vmem>> -> memref<640xf32, #tpu.memory_space<vmem>>
        %dma_wait3A_134 = tpu.memref_slice %arg16[%run_scoped3A_82, %mul3A_81] : memref<16x10240xf32, #tpu.memory_space<vmem_shared>> -> memref<1x640xf32, #tpu.memory_space<vmem_shared>>
        %dma_wait3A_135 = tpu.memref_squeeze %dma_wait3A_134 : memref<1x640xf32, #tpu.memory_space<vmem_shared>> -> memref<640xf32, #tpu.memory_space<vmem_shared>>
        tpu.wait_dma2 semaphore(%run_scoped3A_115 : memref<!tpu.dma_semaphore, #tpu.memory_space<semaphore_mem>>) src(%dma_wait3A_135 : memref<640xf32, #tpu.memory_space<vmem_shared>>) dst(%dma_wait3A_133 : memref<640xf32, #tpu.memory_space<vmem>>)
        tpu.yield
      }) : () -> ()
      %mul3A_84 = arith.constant 640 : i32
      %mul3A_85 = arith.muli %arg1, %mul3A_84 : i32
      %run_scoped3A_86 = arith.constant 11 : i32
      %run_scoped3A_87 = arith.constant 11 : i32
      "tpu.region"() ({
        %run_scoped3A_115 = tpu.sem_alloc : memref<!tpu.dma_semaphore, #tpu.memory_space<semaphore_mem>>
        %dma_start3A_116 = arith.constant 0 : i32
        %dma_start3A_117 = tpu.memref_slice %arg12[%run_scoped3A_87, %dma_start3A_116] : memref<16x640xf32, #tpu.memory_space<vmem>> -> memref<1x640xf32, #tpu.memory_space<vmem>>
        %dma_start3A_118 = tpu.memref_squeeze %dma_start3A_117 : memref<1x640xf32, #tpu.memory_space<vmem>> -> memref<640xf32, #tpu.memory_space<vmem>>
        %dma_start3A_119 = tpu.memref_slice %arg16[%run_scoped3A_86, %mul3A_85] : memref<16x10240xf32, #tpu.memory_space<vmem_shared>> -> memref<1x640xf32, #tpu.memory_space<vmem_shared>>
        %dma_start3A_120 = tpu.memref_squeeze %dma_start3A_119 : memref<1x640xf32, #tpu.memory_space<vmem_shared>> -> memref<640xf32, #tpu.memory_space<vmem_shared>>
        %dma_start3A_121 = arith.constant 0 : i32
        %dma_start3A_122 = tpu.memref_slice %arg12[%run_scoped3A_87, %dma_start3A_121] : memref<16x640xf32, #tpu.memory_space<vmem>> -> memref<1x640xf32, #tpu.memory_space<vmem>>
        %dma_start3A_123 = tpu.memref_squeeze %dma_start3A_122 : memref<1x640xf32, #tpu.memory_space<vmem>> -> memref<640xf32, #tpu.memory_space<vmem>>
        %dma_start3A_124 = tpu.memref_slice %arg16[%run_scoped3A_86, %mul3A_85] : memref<16x10240xf32, #tpu.memory_space<vmem_shared>> -> memref<1x640xf32, #tpu.memory_space<vmem_shared>>
        %dma_start3A_125 = tpu.memref_squeeze %dma_start3A_124 : memref<1x640xf32, #tpu.memory_space<vmem_shared>> -> memref<640xf32, #tpu.memory_space<vmem_shared>>
        tpu.enqueue_dma source(%dma_start3A_125 : memref<640xf32, #tpu.memory_space<vmem_shared>>) target(%dma_start3A_123 : memref<640xf32, #tpu.memory_space<vmem>>) target_semaphore(%run_scoped3A_115 : memref<!tpu.dma_semaphore, #tpu.memory_space<semaphore_mem>>)
        %dma_wait3A_126 = arith.constant 0 : i32
        %dma_wait3A_127 = tpu.memref_slice %arg12[%run_scoped3A_87, %dma_wait3A_126] : memref<16x640xf32, #tpu.memory_space<vmem>> -> memref<1x640xf32, #tpu.memory_space<vmem>>
        %dma_wait3A_128 = tpu.memref_squeeze %dma_wait3A_127 : memref<1x640xf32, #tpu.memory_space<vmem>> -> memref<640xf32, #tpu.memory_space<vmem>>
        %dma_wait3A_129 = tpu.memref_slice %arg16[%run_scoped3A_86, %mul3A_85] : memref<16x10240xf32, #tpu.memory_space<vmem_shared>> -> memref<1x640xf32, #tpu.memory_space<vmem_shared>>
        %dma_wait3A_130 = tpu.memref_squeeze %dma_wait3A_129 : memref<1x640xf32, #tpu.memory_space<vmem_shared>> -> memref<640xf32, #tpu.memory_space<vmem_shared>>
        %dma_wait3A_131 = arith.constant 0 : i32
        %dma_wait3A_132 = tpu.memref_slice %arg12[%run_scoped3A_87, %dma_wait3A_131] : memref<16x640xf32, #tpu.memory_space<vmem>> -> memref<1x640xf32, #tpu.memory_space<vmem>>
        %dma_wait3A_133 = tpu.memref_squeeze %dma_wait3A_132 : memref<1x640xf32, #tpu.memory_space<vmem>> -> memref<640xf32, #tpu.memory_space<vmem>>
        %dma_wait3A_134 = tpu.memref_slice %arg16[%run_scoped3A_86, %mul3A_85] : memref<16x10240xf32, #tpu.memory_space<vmem_shared>> -> memref<1x640xf32, #tpu.memory_space<vmem_shared>>
        %dma_wait3A_135 = tpu.memref_squeeze %dma_wait3A_134 : memref<1x640xf32, #tpu.memory_space<vmem_shared>> -> memref<640xf32, #tpu.memory_space<vmem_shared>>
        tpu.wait_dma2 semaphore(%run_scoped3A_115 : memref<!tpu.dma_semaphore, #tpu.memory_space<semaphore_mem>>) src(%dma_wait3A_135 : memref<640xf32, #tpu.memory_space<vmem_shared>>) dst(%dma_wait3A_133 : memref<640xf32, #tpu.memory_space<vmem>>)
        tpu.yield
      }) : () -> ()
      %mul3A_88 = arith.constant 640 : i32
      %mul3A_89 = arith.muli %arg1, %mul3A_88 : i32
      %run_scoped3A_90 = arith.constant 12 : i32
      %run_scoped3A_91 = arith.constant 12 : i32
      "tpu.region"() ({
        %run_scoped3A_115 = tpu.sem_alloc : memref<!tpu.dma_semaphore, #tpu.memory_space<semaphore_mem>>
        %dma_start3A_116 = arith.constant 0 : i32
        %dma_start3A_117 = tpu.memref_slice %arg12[%run_scoped3A_91, %dma_start3A_116] : memref<16x640xf32, #tpu.memory_space<vmem>> -> memref<1x640xf32, #tpu.memory_space<vmem>>
        %dma_start3A_118 = tpu.memref_squeeze %dma_start3A_117 : memref<1x640xf32, #tpu.memory_space<vmem>> -> memref<640xf32, #tpu.memory_space<vmem>>
        %dma_start3A_119 = tpu.memref_slice %arg16[%run_scoped3A_90, %mul3A_89] : memref<16x10240xf32, #tpu.memory_space<vmem_shared>> -> memref<1x640xf32, #tpu.memory_space<vmem_shared>>
        %dma_start3A_120 = tpu.memref_squeeze %dma_start3A_119 : memref<1x640xf32, #tpu.memory_space<vmem_shared>> -> memref<640xf32, #tpu.memory_space<vmem_shared>>
        %dma_start3A_121 = arith.constant 0 : i32
        %dma_start3A_122 = tpu.memref_slice %arg12[%run_scoped3A_91, %dma_start3A_121] : memref<16x640xf32, #tpu.memory_space<vmem>> -> memref<1x640xf32, #tpu.memory_space<vmem>>
        %dma_start3A_123 = tpu.memref_squeeze %dma_start3A_122 : memref<1x640xf32, #tpu.memory_space<vmem>> -> memref<640xf32, #tpu.memory_space<vmem>>
        %dma_start3A_124 = tpu.memref_slice %arg16[%run_scoped3A_90, %mul3A_89] : memref<16x10240xf32, #tpu.memory_space<vmem_shared>> -> memref<1x640xf32, #tpu.memory_space<vmem_shared>>
        %dma_start3A_125 = tpu.memref_squeeze %dma_start3A_124 : memref<1x640xf32, #tpu.memory_space<vmem_shared>> -> memref<640xf32, #tpu.memory_space<vmem_shared>>
        tpu.enqueue_dma source(%dma_start3A_125 : memref<640xf32, #tpu.memory_space<vmem_shared>>) target(%dma_start3A_123 : memref<640xf32, #tpu.memory_space<vmem>>) target_semaphore(%run_scoped3A_115 : memref<!tpu.dma_semaphore, #tpu.memory_space<semaphore_mem>>)
        %dma_wait3A_126 = arith.constant 0 : i32
        %dma_wait3A_127 = tpu.memref_slice %arg12[%run_scoped3A_91, %dma_wait3A_126] : memref<16x640xf32, #tpu.memory_space<vmem>> -> memref<1x640xf32, #tpu.memory_space<vmem>>
        %dma_wait3A_128 = tpu.memref_squeeze %dma_wait3A_127 : memref<1x640xf32, #tpu.memory_space<vmem>> -> memref<640xf32, #tpu.memory_space<vmem>>
        %dma_wait3A_129 = tpu.memref_slice %arg16[%run_scoped3A_90, %mul3A_89] : memref<16x10240xf32, #tpu.memory_space<vmem_shared>> -> memref<1x640xf32, #tpu.memory_space<vmem_shared>>
        %dma_wait3A_130 = tpu.memref_squeeze %dma_wait3A_129 : memref<1x640xf32, #tpu.memory_space<vmem_shared>> -> memref<640xf32, #tpu.memory_space<vmem_shared>>
        %dma_wait3A_131 = arith.constant 0 : i32
        %dma_wait3A_132 = tpu.memref_slice %arg12[%run_scoped3A_91, %dma_wait3A_131] : memref<16x640xf32, #tpu.memory_space<vmem>> -> memref<1x640xf32, #tpu.memory_space<vmem>>
        %dma_wait3A_133 = tpu.memref_squeeze %dma_wait3A_132 : memref<1x640xf32, #tpu.memory_space<vmem>> -> memref<640xf32, #tpu.memory_space<vmem>>
        %dma_wait3A_134 = tpu.memref_slice %arg16[%run_scoped3A_90, %mul3A_89] : memref<16x10240xf32, #tpu.memory_space<vmem_shared>> -> memref<1x640xf32, #tpu.memory_space<vmem_shared>>
        %dma_wait3A_135 = tpu.memref_squeeze %dma_wait3A_134 : memref<1x640xf32, #tpu.memory_space<vmem_shared>> -> memref<640xf32, #tpu.memory_space<vmem_shared>>
        tpu.wait_dma2 semaphore(%run_scoped3A_115 : memref<!tpu.dma_semaphore, #tpu.memory_space<semaphore_mem>>) src(%dma_wait3A_135 : memref<640xf32, #tpu.memory_space<vmem_shared>>) dst(%dma_wait3A_133 : memref<640xf32, #tpu.memory_space<vmem>>)
        tpu.yield
      }) : () -> ()
      %mul3A_92 = arith.constant 640 : i32
      %mul3A_93 = arith.muli %arg1, %mul3A_92 : i32
      %run_scoped3A_94 = arith.constant 13 : i32
      %run_scoped3A_95 = arith.constant 13 : i32
      "tpu.region"() ({
        %run_scoped3A_115 = tpu.sem_alloc : memref<!tpu.dma_semaphore, #tpu.memory_space<semaphore_mem>>
        %dma_start3A_116 = arith.constant 0 : i32
        %dma_start3A_117 = tpu.memref_slice %arg12[%run_scoped3A_95, %dma_start3A_116] : memref<16x640xf32, #tpu.memory_space<vmem>> -> memref<1x640xf32, #tpu.memory_space<vmem>>
        %dma_start3A_118 = tpu.memref_squeeze %dma_start3A_117 : memref<1x640xf32, #tpu.memory_space<vmem>> -> memref<640xf32, #tpu.memory_space<vmem>>
        %dma_start3A_119 = tpu.memref_slice %arg16[%run_scoped3A_94, %mul3A_93] : memref<16x10240xf32, #tpu.memory_space<vmem_shared>> -> memref<1x640xf32, #tpu.memory_space<vmem_shared>>
        %dma_start3A_120 = tpu.memref_squeeze %dma_start3A_119 : memref<1x640xf32, #tpu.memory_space<vmem_shared>> -> memref<640xf32, #tpu.memory_space<vmem_shared>>
        %dma_start3A_121 = arith.constant 0 : i32
        %dma_start3A_122 = tpu.memref_slice %arg12[%run_scoped3A_95, %dma_start3A_121] : memref<16x640xf32, #tpu.memory_space<vmem>> -> memref<1x640xf32, #tpu.memory_space<vmem>>
        %dma_start3A_123 = tpu.memref_squeeze %dma_start3A_122 : memref<1x640xf32, #tpu.memory_space<vmem>> -> memref<640xf32, #tpu.memory_space<vmem>>
        %dma_start3A_124 = tpu.memref_slice %arg16[%run_scoped3A_94, %mul3A_93] : memref<16x10240xf32, #tpu.memory_space<vmem_shared>> -> memref<1x640xf32, #tpu.memory_space<vmem_shared>>
        %dma_start3A_125 = tpu.memref_squeeze %dma_start3A_124 : memref<1x640xf32, #tpu.memory_space<vmem_shared>> -> memref<640xf32, #tpu.memory_space<vmem_shared>>
        tpu.enqueue_dma source(%dma_start3A_125 : memref<640xf32, #tpu.memory_space<vmem_shared>>) target(%dma_start3A_123 : memref<640xf32, #tpu.memory_space<vmem>>) target_semaphore(%run_scoped3A_115 : memref<!tpu.dma_semaphore, #tpu.memory_space<semaphore_mem>>)
        %dma_wait3A_126 = arith.constant 0 : i32
        %dma_wait3A_127 = tpu.memref_slice %arg12[%run_scoped3A_95, %dma_wait3A_126] : memref<16x640xf32, #tpu.memory_space<vmem>> -> memref<1x640xf32, #tpu.memory_space<vmem>>
        %dma_wait3A_128 = tpu.memref_squeeze %dma_wait3A_127 : memref<1x640xf32, #tpu.memory_space<vmem>> -> memref<640xf32, #tpu.memory_space<vmem>>
        %dma_wait3A_129 = tpu.memref_slice %arg16[%run_scoped3A_94, %mul3A_93] : memref<16x10240xf32, #tpu.memory_space<vmem_shared>> -> memref<1x640xf32, #tpu.memory_space<vmem_shared>>
        %dma_wait3A_130 = tpu.memref_squeeze %dma_wait3A_129 : memref<1x640xf32, #tpu.memory_space<vmem_shared>> -> memref<640xf32, #tpu.memory_space<vmem_shared>>
        %dma_wait3A_131 = arith.constant 0 : i32
        %dma_wait3A_132 = tpu.memref_slice %arg12[%run_scoped3A_95, %dma_wait3A_131] : memref<16x640xf32, #tpu.memory_space<vmem>> -> memref<1x640xf32, #tpu.memory_space<vmem>>
        %dma_wait3A_133 = tpu.memref_squeeze %dma_wait3A_132 : memref<1x640xf32, #tpu.memory_space<vmem>> -> memref<640xf32, #tpu.memory_space<vmem>>
        %dma_wait3A_134 = tpu.memref_slice %arg16[%run_scoped3A_94, %mul3A_93] : memref<16x10240xf32, #tpu.memory_space<vmem_shared>> -> memref<1x640xf32, #tpu.memory_space<vmem_shared>>
        %dma_wait3A_135 = tpu.memref_squeeze %dma_wait3A_134 : memref<1x640xf32, #tpu.memory_space<vmem_shared>> -> memref<640xf32, #tpu.memory_space<vmem_shared>>
        tpu.wait_dma2 semaphore(%run_scoped3A_115 : memref<!tpu.dma_semaphore, #tpu.memory_space<semaphore_mem>>) src(%dma_wait3A_135 : memref<640xf32, #tpu.memory_space<vmem_shared>>) dst(%dma_wait3A_133 : memref<640xf32, #tpu.memory_space<vmem>>)
        tpu.yield
      }) : () -> ()
      %mul3A_96 = arith.constant 640 : i32
      %mul3A_97 = arith.muli %arg1, %mul3A_96 : i32
      %run_scoped3A_98 = arith.constant 14 : i32
      %run_scoped3A_99 = arith.constant 14 : i32
      "tpu.region"() ({
        %run_scoped3A_115 = tpu.sem_alloc : memref<!tpu.dma_semaphore, #tpu.memory_space<semaphore_mem>>
        %dma_start3A_116 = arith.constant 0 : i32
        %dma_start3A_117 = tpu.memref_slice %arg12[%run_scoped3A_99, %dma_start3A_116] : memref<16x640xf32, #tpu.memory_space<vmem>> -> memref<1x640xf32, #tpu.memory_space<vmem>>
        %dma_start3A_118 = tpu.memref_squeeze %dma_start3A_117 : memref<1x640xf32, #tpu.memory_space<vmem>> -> memref<640xf32, #tpu.memory_space<vmem>>
        %dma_start3A_119 = tpu.memref_slice %arg16[%run_scoped3A_98, %mul3A_97] : memref<16x10240xf32, #tpu.memory_space<vmem_shared>> -> memref<1x640xf32, #tpu.memory_space<vmem_shared>>
        %dma_start3A_120 = tpu.memref_squeeze %dma_start3A_119 : memref<1x640xf32, #tpu.memory_space<vmem_shared>> -> memref<640xf32, #tpu.memory_space<vmem_shared>>
        %dma_start3A_121 = arith.constant 0 : i32
        %dma_start3A_122 = tpu.memref_slice %arg12[%run_scoped3A_99, %dma_start3A_121] : memref<16x640xf32, #tpu.memory_space<vmem>> -> memref<1x640xf32, #tpu.memory_space<vmem>>
        %dma_start3A_123 = tpu.memref_squeeze %dma_start3A_122 : memref<1x640xf32, #tpu.memory_space<vmem>> -> memref<640xf32, #tpu.memory_space<vmem>>
        %dma_start3A_124 = tpu.memref_slice %arg16[%run_scoped3A_98, %mul3A_97] : memref<16x10240xf32, #tpu.memory_space<vmem_shared>> -> memref<1x640xf32, #tpu.memory_space<vmem_shared>>
        %dma_start3A_125 = tpu.memref_squeeze %dma_start3A_124 : memref<1x640xf32, #tpu.memory_space<vmem_shared>> -> memref<640xf32, #tpu.memory_space<vmem_shared>>
        tpu.enqueue_dma source(%dma_start3A_125 : memref<640xf32, #tpu.memory_space<vmem_shared>>) target(%dma_start3A_123 : memref<640xf32, #tpu.memory_space<vmem>>) target_semaphore(%run_scoped3A_115 : memref<!tpu.dma_semaphore, #tpu.memory_space<semaphore_mem>>)
        %dma_wait3A_126 = arith.constant 0 : i32
        %dma_wait3A_127 = tpu.memref_slice %arg12[%run_scoped3A_99, %dma_wait3A_126] : memref<16x640xf32, #tpu.memory_space<vmem>> -> memref<1x640xf32, #tpu.memory_space<vmem>>
        %dma_wait3A_128 = tpu.memref_squeeze %dma_wait3A_127 : memref<1x640xf32, #tpu.memory_space<vmem>> -> memref<640xf32, #tpu.memory_space<vmem>>
        %dma_wait3A_129 = tpu.memref_slice %arg16[%run_scoped3A_98, %mul3A_97] : memref<16x10240xf32, #tpu.memory_space<vmem_shared>> -> memref<1x640xf32, #tpu.memory_space<vmem_shared>>
        %dma_wait3A_130 = tpu.memref_squeeze %dma_wait3A_129 : memref<1x640xf32, #tpu.memory_space<vmem_shared>> -> memref<640xf32, #tpu.memory_space<vmem_shared>>
        %dma_wait3A_131 = arith.constant 0 : i32
        %dma_wait3A_132 = tpu.memref_slice %arg12[%run_scoped3A_99, %dma_wait3A_131] : memref<16x640xf32, #tpu.memory_space<vmem>> -> memref<1x640xf32, #tpu.memory_space<vmem>>
        %dma_wait3A_133 = tpu.memref_squeeze %dma_wait3A_132 : memref<1x640xf32, #tpu.memory_space<vmem>> -> memref<640xf32, #tpu.memory_space<vmem>>
        %dma_wait3A_134 = tpu.memref_slice %arg16[%run_scoped3A_98, %mul3A_97] : memref<16x10240xf32, #tpu.memory_space<vmem_shared>> -> memref<1x640xf32, #tpu.memory_space<vmem_shared>>
        %dma_wait3A_135 = tpu.memref_squeeze %dma_wait3A_134 : memref<1x640xf32, #tpu.memory_space<vmem_shared>> -> memref<640xf32, #tpu.memory_space<vmem_shared>>
        tpu.wait_dma2 semaphore(%run_scoped3A_115 : memref<!tpu.dma_semaphore, #tpu.memory_space<semaphore_mem>>) src(%dma_wait3A_135 : memref<640xf32, #tpu.memory_space<vmem_shared>>) dst(%dma_wait3A_133 : memref<640xf32, #tpu.memory_space<vmem>>)
        tpu.yield
      }) : () -> ()
      %mul3A_100 = arith.constant 640 : i32
      %mul3A_101 = arith.muli %arg1, %mul3A_100 : i32
      %run_scoped3A_102 = arith.constant 15 : i32
      %run_scoped3A_103 = arith.constant 15 : i32
      "tpu.region"() ({
        %run_scoped3A_115 = tpu.sem_alloc : memref<!tpu.dma_semaphore, #tpu.memory_space<semaphore_mem>>
        %dma_start3A_116 = arith.constant 0 : i32
        %dma_start3A_117 = tpu.memref_slice %arg12[%run_scoped3A_103, %dma_start3A_116] : memref<16x640xf32, #tpu.memory_space<vmem>> -> memref<1x640xf32, #tpu.memory_space<vmem>>
        %dma_start3A_118 = tpu.memref_squeeze %dma_start3A_117 : memref<1x640xf32, #tpu.memory_space<vmem>> -> memref<640xf32, #tpu.memory_space<vmem>>
        %dma_start3A_119 = tpu.memref_slice %arg16[%run_scoped3A_102, %mul3A_101] : memref<16x10240xf32, #tpu.memory_space<vmem_shared>> -> memref<1x640xf32, #tpu.memory_space<vmem_shared>>
        %dma_start3A_120 = tpu.memref_squeeze %dma_start3A_119 : memref<1x640xf32, #tpu.memory_space<vmem_shared>> -> memref<640xf32, #tpu.memory_space<vmem_shared>>
        %dma_start3A_121 = arith.constant 0 : i32
        %dma_start3A_122 = tpu.memref_slice %arg12[%run_scoped3A_103, %dma_start3A_121] : memref<16x640xf32, #tpu.memory_space<vmem>> -> memref<1x640xf32, #tpu.memory_space<vmem>>
        %dma_start3A_123 = tpu.memref_squeeze %dma_start3A_122 : memref<1x640xf32, #tpu.memory_space<vmem>> -> memref<640xf32, #tpu.memory_space<vmem>>
        %dma_start3A_124 = tpu.memref_slice %arg16[%run_scoped3A_102, %mul3A_101] : memref<16x10240xf32, #tpu.memory_space<vmem_shared>> -> memref<1x640xf32, #tpu.memory_space<vmem_shared>>
        %dma_start3A_125 = tpu.memref_squeeze %dma_start3A_124 : memref<1x640xf32, #tpu.memory_space<vmem_shared>> -> memref<640xf32, #tpu.memory_space<vmem_shared>>
        tpu.enqueue_dma source(%dma_start3A_125 : memref<640xf32, #tpu.memory_space<vmem_shared>>) target(%dma_start3A_123 : memref<640xf32, #tpu.memory_space<vmem>>) target_semaphore(%run_scoped3A_115 : memref<!tpu.dma_semaphore, #tpu.memory_space<semaphore_mem>>)
        %dma_wait3A_126 = arith.constant 0 : i32
        %dma_wait3A_127 = tpu.memref_slice %arg12[%run_scoped3A_103, %dma_wait3A_126] : memref<16x640xf32, #tpu.memory_space<vmem>> -> memref<1x640xf32, #tpu.memory_space<vmem>>
        %dma_wait3A_128 = tpu.memref_squeeze %dma_wait3A_127 : memref<1x640xf32, #tpu.memory_space<vmem>> -> memref<640xf32, #tpu.memory_space<vmem>>
        %dma_wait3A_129 = tpu.memref_slice %arg16[%run_scoped3A_102, %mul3A_101] : memref<16x10240xf32, #tpu.memory_space<vmem_shared>> -> memref<1x640xf32, #tpu.memory_space<vmem_shared>>
        %dma_wait3A_130 = tpu.memref_squeeze %dma_wait3A_129 : memref<1x640xf32, #tpu.memory_space<vmem_shared>> -> memref<640xf32, #tpu.memory_space<vmem_shared>>
        %dma_wait3A_131 = arith.constant 0 : i32
        %dma_wait3A_132 = tpu.memref_slice %arg12[%run_scoped3A_103, %dma_wait3A_131] : memref<16x640xf32, #tpu.memory_space<vmem>> -> memref<1x640xf32, #tpu.memory_space<vmem>>
        %dma_wait3A_133 = tpu.memref_squeeze %dma_wait3A_132 : memref<1x640xf32, #tpu.memory_space<vmem>> -> memref<640xf32, #tpu.memory_space<vmem>>
        %dma_wait3A_134 = tpu.memref_slice %arg16[%run_scoped3A_102, %mul3A_101] : memref<16x10240xf32, #tpu.memory_space<vmem_shared>> -> memref<1x640xf32, #tpu.memory_space<vmem_shared>>
        %dma_wait3A_135 = tpu.memref_squeeze %dma_wait3A_134 : memref<1x640xf32, #tpu.memory_space<vmem_shared>> -> memref<640xf32, #tpu.memory_space<vmem_shared>>
        tpu.wait_dma2 semaphore(%run_scoped3A_115 : memref<!tpu.dma_semaphore, #tpu.memory_space<semaphore_mem>>) src(%dma_wait3A_135 : memref<640xf32, #tpu.memory_space<vmem_shared>>) dst(%dma_wait3A_133 : memref<640xf32, #tpu.memory_space<vmem>>)
        tpu.yield
      }) : () -> ()
      %mul3A_104 = arith.constant 640 : i32
      %mul3A_105 = arith.muli %arg1, %mul3A_104 : i32
      "tpu.region"() ({
        %run_scoped3A_115 = tpu.sem_alloc : memref<!tpu.dma_semaphore, #tpu.memory_space<semaphore_mem>>
        %dma_start3A_116 = tpu.memref_slice %arg6[%mul3A_105] : memref<10240xf32, #tpu.memory_space<hbm>> -> memref<640xf32, #tpu.memory_space<hbm>>
        %dma_start3A_117 = tpu.memref_slice %arg6[%mul3A_105] : memref<10240xf32, #tpu.memory_space<hbm>> -> memref<640xf32, #tpu.memory_space<hbm>>
        tpu.enqueue_dma source(%dma_start3A_117 : memref<640xf32, #tpu.memory_space<hbm>>) target(%arg13 : memref<640xf32, #tpu.memory_space<vmem>>) target_semaphore(%run_scoped3A_115 : memref<!tpu.dma_semaphore, #tpu.memory_space<semaphore_mem>>)
        %dma_wait3A_118 = tpu.memref_slice %arg6[%mul3A_105] : memref<10240xf32, #tpu.memory_space<hbm>> -> memref<640xf32, #tpu.memory_space<hbm>>
        %dma_wait3A_119 = tpu.memref_slice %arg6[%mul3A_105] : memref<10240xf32, #tpu.memory_space<hbm>> -> memref<640xf32, #tpu.memory_space<hbm>>
        tpu.wait_dma2 semaphore(%run_scoped3A_115 : memref<!tpu.dma_semaphore, #tpu.memory_space<semaphore_mem>>) src(%dma_wait3A_119 : memref<640xf32, #tpu.memory_space<hbm>>) dst(%arg13 : memref<640xf32, #tpu.memory_space<vmem>>)
        tpu.yield
      }) : () -> ()
      %mul3A_106 = arith.constant 640 : i32
      %mul3A_107 = arith.muli %arg1, %mul3A_106 : i32
      "tpu.region"() ({
        %run_scoped3A_115 = tpu.sem_alloc : memref<!tpu.dma_semaphore, #tpu.memory_space<semaphore_mem>>
        %dma_start3A_116 = tpu.memref_slice %arg5[%mul3A_107] : memref<10240xf32, #tpu.memory_space<hbm>> -> memref<640xf32, #tpu.memory_space<hbm>>
        %dma_start3A_117 = tpu.memref_slice %arg5[%mul3A_107] : memref<10240xf32, #tpu.memory_space<hbm>> -> memref<640xf32, #tpu.memory_space<hbm>>
        tpu.enqueue_dma source(%dma_start3A_117 : memref<640xf32, #tpu.memory_space<hbm>>) target(%arg14 : memref<640xf32, #tpu.memory_space<vmem>>) target_semaphore(%run_scoped3A_115 : memref<!tpu.dma_semaphore, #tpu.memory_space<semaphore_mem>>)
        %dma_wait3A_118 = tpu.memref_slice %arg5[%mul3A_107] : memref<10240xf32, #tpu.memory_space<hbm>> -> memref<640xf32, #tpu.memory_space<hbm>>
        %dma_wait3A_119 = tpu.memref_slice %arg5[%mul3A_107] : memref<10240xf32, #tpu.memory_space<hbm>> -> memref<640xf32, #tpu.memory_space<hbm>>
        tpu.wait_dma2 semaphore(%run_scoped3A_115 : memref<!tpu.dma_semaphore, #tpu.memory_space<semaphore_mem>>) src(%dma_wait3A_119 : memref<640xf32, #tpu.memory_space<hbm>>) dst(%arg14 : memref<640xf32, #tpu.memory_space<vmem>>)
        tpu.yield
      }) : () -> ()
      %scan3A_108 = arith.constant 0 : i32
      %scan3A_109 = arith.constant 40 : i32
      %scan3A_110 = arith.addi %scan3A_108, %scan3A_109 : i32
      %scan3A_111 = arith.constant 1 : i32
      scf.for %scan3A_115 = %scan3A_108 to %scan3A_110 step %scan3A_111  : i32 {
        %mul3A_116 = arith.constant 1 : i32
        %mul3A_117 = arith.muli %scan3A_115, %mul3A_116 : i32
        %add3A = arith.constant 0 : i32
        %add3A_118 = arith.addi %add3A, %mul3A_117 : i32
        %mul3A_119 = arith.constant 16 : i32
        %mul3A_120 = arith.muli %add3A_118, %mul3A_119 : i32
        %get3A = arith.constant 0 : i32
        %get3A_121 = arith.index_cast %get3A : i32 to index
        %get3A_122 = arith.index_cast %mul3A_120 : i32 to index
        %get3A_123 = tpu.vector_load %arg12[%get3A_121, %get3A_122] {strides = array<i32>} : memref<16x640xf32, #tpu.memory_space<vmem>>, vector<16xf32>,
        %get3A_124 = arith.constant 1 : i32
        %get3A_125 = arith.index_cast %get3A_124 : i32 to index
        %get3A_126 = arith.index_cast %mul3A_120 : i32 to index
        %get3A_127 = tpu.vector_load %arg12[%get3A_125, %get3A_126] {strides = array<i32>} : memref<16x640xf32, #tpu.memory_space<vmem>>, vector<16xf32>,
        %add3A_128 = arith.addf %get3A_123, %get3A_127 : vector<16xf32>
        %get3A_129 = arith.constant 2 : i32
        %get3A_130 = arith.index_cast %get3A_129 : i32 to index
        %get3A_131 = arith.index_cast %mul3A_120 : i32 to index
        %get3A_132 = tpu.vector_load %arg12[%get3A_130, %get3A_131] {strides = array<i32>} : memref<16x640xf32, #tpu.memory_space<vmem>>, vector<16xf32>,
        %add3A_133 = arith.addf %add3A_128, %get3A_132 : vector<16xf32>
        %get3A_134 = arith.constant 3 : i32
        %get3A_135 = arith.index_cast %get3A_134 : i32 to index
        %get3A_136 = arith.index_cast %mul3A_120 : i32 to index
        %get3A_137 = tpu.vector_load %arg12[%get3A_135, %get3A_136] {strides = array<i32>} : memref<16x640xf32, #tpu.memory_space<vmem>>, vector<16xf32>,
        %add3A_138 = arith.addf %add3A_133, %get3A_137 : vector<16xf32>
        %get3A_139 = arith.constant 4 : i32
        %get3A_140 = arith.index_cast %get3A_139 : i32 to index
        %get3A_141 = arith.index_cast %mul3A_120 : i32 to index
        %get3A_142 = tpu.vector_load %arg12[%get3A_140, %get3A_141] {strides = array<i32>} : memref<16x640xf32, #tpu.memory_space<vmem>>, vector<16xf32>,
        %add3A_143 = arith.addf %add3A_138, %get3A_142 : vector<16xf32>
        %get3A_144 = arith.constant 5 : i32
        %get3A_145 = arith.index_cast %get3A_144 : i32 to index
        %get3A_146 = arith.index_cast %mul3A_120 : i32 to index
        %get3A_147 = tpu.vector_load %arg12[%get3A_145, %get3A_146] {strides = array<i32>} : memref<16x640xf32, #tpu.memory_space<vmem>>, vector<16xf32>,
        %add3A_148 = arith.addf %add3A_143, %get3A_147 : vector<16xf32>
        %get3A_149 = arith.constant 6 : i32
        %get3A_150 = arith.index_cast %get3A_149 : i32 to index
        %get3A_151 = arith.index_cast %mul3A_120 : i32 to index
        %get3A_152 = tpu.vector_load %arg12[%get3A_150, %get3A_151] {strides = array<i32>} : memref<16x640xf32, #tpu.memory_space<vmem>>, vector<16xf32>,
        %add3A_153 = arith.addf %add3A_148, %get3A_152 : vector<16xf32>
        %get3A_154 = arith.constant 7 : i32
        %get3A_155 = arith.index_cast %get3A_154 : i32 to index
        %get3A_156 = arith.index_cast %mul3A_120 : i32 to index
        %get3A_157 = tpu.vector_load %arg12[%get3A_155, %get3A_156] {strides = array<i32>} : memref<16x640xf32, #tpu.memory_space<vmem>>, vector<16xf32>,
        %add3A_158 = arith.addf %add3A_153, %get3A_157 : vector<16xf32>
        %get3A_159 = arith.constant 8 : i32
        %get3A_160 = arith.index_cast %get3A_159 : i32 to index
        %get3A_161 = arith.index_cast %mul3A_120 : i32 to index
        %get3A_162 = tpu.vector_load %arg12[%get3A_160, %get3A_161] {strides = array<i32>} : memref<16x640xf32, #tpu.memory_space<vmem>>, vector<16xf32>,
        %add3A_163 = arith.addf %add3A_158, %get3A_162 : vector<16xf32>
        %get3A_164 = arith.constant 9 : i32
        %get3A_165 = arith.index_cast %get3A_164 : i32 to index
        %get3A_166 = arith.index_cast %mul3A_120 : i32 to index
        %get3A_167 = tpu.vector_load %arg12[%get3A_165, %get3A_166] {strides = array<i32>} : memref<16x640xf32, #tpu.memory_space<vmem>>, vector<16xf32>,
        %add3A_168 = arith.addf %add3A_163, %get3A_167 : vector<16xf32>
        %get3A_169 = arith.constant 10 : i32
        %get3A_170 = arith.index_cast %get3A_169 : i32 to index
        %get3A_171 = arith.index_cast %mul3A_120 : i32 to index
        %get3A_172 = tpu.vector_load %arg12[%get3A_170, %get3A_171] {strides = array<i32>} : memref<16x640xf32, #tpu.memory_space<vmem>>, vector<16xf32>,
        %add3A_173 = arith.addf %add3A_168, %get3A_172 : vector<16xf32>
        %get3A_174 = arith.constant 11 : i32
        %get3A_175 = arith.index_cast %get3A_174 : i32 to index
        %get3A_176 = arith.index_cast %mul3A_120 : i32 to index
        %get3A_177 = tpu.vector_load %arg12[%get3A_175, %get3A_176] {strides = array<i32>} : memref<16x640xf32, #tpu.memory_space<vmem>>, vector<16xf32>,
        %add3A_178 = arith.addf %add3A_173, %get3A_177 : vector<16xf32>
        %get3A_179 = arith.constant 12 : i32
        %get3A_180 = arith.index_cast %get3A_179 : i32 to index
        %get3A_181 = arith.index_cast %mul3A_120 : i32 to index
        %get3A_182 = tpu.vector_load %arg12[%get3A_180, %get3A_181] {strides = array<i32>} : memref<16x640xf32, #tpu.memory_space<vmem>>, vector<16xf32>,
        %add3A_183 = arith.addf %add3A_178, %get3A_182 : vector<16xf32>
        %get3A_184 = arith.constant 13 : i32
        %get3A_185 = arith.index_cast %get3A_184 : i32 to index
        %get3A_186 = arith.index_cast %mul3A_120 : i32 to index
        %get3A_187 = tpu.vector_load %arg12[%get3A_185, %get3A_186] {strides = array<i32>} : memref<16x640xf32, #tpu.memory_space<vmem>>, vector<16xf32>,
        %add3A_188 = arith.addf %add3A_183, %get3A_187 : vector<16xf32>
        %get3A_189 = arith.constant 14 : i32
        %get3A_190 = arith.index_cast %get3A_189 : i32 to index
        %get3A_191 = arith.index_cast %mul3A_120 : i32 to index
        %get3A_192 = tpu.vector_load %arg12[%get3A_190, %get3A_191] {strides = array<i32>} : memref<16x640xf32, #tpu.memory_space<vmem>>, vector<16xf32>,
        %add3A_193 = arith.addf %add3A_188, %get3A_192 : vector<16xf32>
        %get3A_194 = arith.constant 15 : i32
        %get3A_195 = arith.index_cast %get3A_194 : i32 to index
        %get3A_196 = arith.index_cast %mul3A_120 : i32 to index
        %get3A_197 = tpu.vector_load %arg12[%get3A_195, %get3A_196] {strides = array<i32>} : memref<16x640xf32, #tpu.memory_space<vmem>>, vector<16xf32>,
        %add3A_198 = arith.addf %add3A_193, %get3A_197 : vector<16xf32>
        %get3A_199 = arith.index_cast %mul3A_120 : i32 to index
        %get3A_200 = tpu.vector_load %arg13[%get3A_199] {strides = array<i32>} : memref<640xf32, #tpu.memory_space<vmem>>, vector<16xf32>,
        %div3A = arith.divf %add3A_198, %get3A_200 : vector<16xf32>
        %get3A_201 = arith.index_cast %mul3A_120 : i32 to index
        %get3A_202 = tpu.vector_load %arg14[%get3A_201] {strides = array<i32>} : memref<640xf32, #tpu.memory_space<vmem>>, vector<16xf32>,
        %add3A_203 = arith.addf %div3A, %get3A_202 : vector<16xf32>
        %swap3A = arith.index_cast %mul3A_120 : i32 to index
        %swap3A_204 = tpu.vector_load %arg15[%swap3A] {strides = array<i32>} : memref<640xf32, #tpu.memory_space<vmem>>, vector<16xf32>,
        tpu.vector_store %arg15[%swap3A], %add3A_203 {strides = array<i32>} : memref<640xf32, #tpu.memory_space<vmem>>, vector<16xf32>,
      }
      %scan3A_112 = arith.constant 40 : i32
      %mul3A_113 = arith.constant 640 : i32
      %mul3A_114 = arith.muli %arg1, %mul3A_113 : i32
      "tpu.region"() ({
        %run_scoped3A_115 = tpu.sem_alloc : memref<!tpu.dma_semaphore, #tpu.memory_space<semaphore_mem>>
        %dma_start3A_116 = tpu.memref_slice %arg7[%mul3A_114] : memref<10240xf32, #tpu.memory_space<hbm>> -> memref<640xf32, #tpu.memory_space<hbm>>
        %dma_start3A_117 = tpu.memref_slice %arg7[%mul3A_114] : memref<10240xf32, #tpu.memory_space<hbm>> -> memref<640xf32, #tpu.memory_space<hbm>>
        tpu.enqueue_dma source(%arg15 : memref<640xf32, #tpu.memory_space<vmem>>) target(%dma_start3A_117 : memref<640xf32, #tpu.memory_space<hbm>>) target_semaphore(%run_scoped3A_115 : memref<!tpu.dma_semaphore, #tpu.memory_space<semaphore_mem>>)
        %dma_wait3A_118 = tpu.memref_slice %arg7[%mul3A_114] : memref<10240xf32, #tpu.memory_space<hbm>> -> memref<640xf32, #tpu.memory_space<hbm>>
        %dma_wait3A_119 = tpu.memref_slice %arg7[%mul3A_114] : memref<10240xf32, #tpu.memory_space<hbm>> -> memref<640xf32, #tpu.memory_space<hbm>>
        tpu.wait_dma2 semaphore(%run_scoped3A_115 : memref<!tpu.dma_semaphore, #tpu.memory_space<semaphore_mem>>) src(%arg15 : memref<640xf32, #tpu.memory_space<vmem>>) dst(%dma_wait3A_119 : memref<640xf32, #tpu.memory_space<hbm>>)
        tpu.yield
      }) : () -> ()
    } else {
    }
    return
  }
}

#map = affine_map<(d0, d1) -> (0, 0)>
#map1 = affine_map<(d0, d1) -> (0, 0, 0)>
module attributes {stable_mosaic.version = 14 : i64} {
  func.func @_agg_body(%arg0: i32, %arg1: i32, %arg2: memref<32x10000xi32, #tpu.memory_space<hbm>>, %arg3: memref<32x125x80xi32, #tpu.memory_space<hbm>>, %arg4: memref<10000x128xf32, #tpu.memory_space<hbm>>, %arg5: memref<2x10240x128xf32, #tpu.memory_space<hbm>>, %arg6: memref<10000xi32, #tpu.memory_space<vmem>>, %arg7: memref<125x80xi32, #tpu.memory_space<vmem>>, %arg8: memref<80x128xf32, #tpu.memory_space<vmem>>, %arg9: memref<80x128xf32, #tpu.memory_space<vmem>>, %arg10: memref<10240x128xf32, #tpu.memory_space<vmem_shared>>, %arg11: memref<!tpu.dma_semaphore, #tpu.memory_space<semaphore_mem>>, %arg12: memref<!tpu.dma_semaphore, #tpu.memory_space<semaphore_mem>>, %arg13: memref<!tpu.dma_semaphore, #tpu.memory_space<semaphore_mem>>, %arg14: memref<!tpu.dma_semaphore, #tpu.memory_space<semaphore_mem>>) attributes {dimension_semantics = [#tpu.dimension_semantics<core_parallel>, #tpu.dimension_semantics<subcore_parallel>], iteration_bounds = array<i64: 2, 16>, scalar_prefetch = 0 : i64, scratch_operands = 9 : i64, tpu.core_type = #tpu.core_type<sc_vector_subcore>, window_params = [{transform_indices = #map}, {transform_indices = #map1}, {transform_indices = #map}, {transform_indices = #map1}]} {
    %mul3A = arith.constant 16 : i32
    %mul3A_0 = arith.muli %arg0, %mul3A : i32
    %add3A = arith.addi %mul3A_0, %arg1 : i32
    %dma_start3A = arith.constant 0 : i32
    %dma_start3A_1 = tpu.memref_slice %arg2[%add3A, %dma_start3A] : memref<32x10000xi32, #tpu.memory_space<hbm>> -> memref<1x10000xi32, #tpu.memory_space<hbm>>
    %dma_start3A_2 = tpu.memref_squeeze %dma_start3A_1 : memref<1x10000xi32, #tpu.memory_space<hbm>> -> memref<10000xi32, #tpu.memory_space<hbm>>
    %dma_start3A_3 = arith.constant 0 : i32
    %dma_start3A_4 = tpu.memref_slice %arg2[%add3A, %dma_start3A_3] : memref<32x10000xi32, #tpu.memory_space<hbm>> -> memref<1x10000xi32, #tpu.memory_space<hbm>>
    %dma_start3A_5 = tpu.memref_squeeze %dma_start3A_4 : memref<1x10000xi32, #tpu.memory_space<hbm>> -> memref<10000xi32, #tpu.memory_space<hbm>>
    tpu.enqueue_dma source(%dma_start3A_5 : memref<10000xi32, #tpu.memory_space<hbm>>) target(%arg6 : memref<10000xi32, #tpu.memory_space<vmem>>) target_semaphore(%arg11 : memref<!tpu.dma_semaphore, #tpu.memory_space<semaphore_mem>>)
    %dma_start3A_6 = arith.constant 0 : i32
    %dma_start3A_7 = arith.constant 0 : i32
    %dma_start3A_8 = tpu.memref_slice %arg3[%add3A, %dma_start3A_6, %dma_start3A_7] : memref<32x125x80xi32, #tpu.memory_space<hbm>> -> memref<1x125x80xi32, #tpu.memory_space<hbm>>
    %dma_start3A_9 = tpu.memref_squeeze %dma_start3A_8 : memref<1x125x80xi32, #tpu.memory_space<hbm>> -> memref<125x80xi32, #tpu.memory_space<hbm>>
    %dma_start3A_10 = arith.constant 0 : i32
    %dma_start3A_11 = arith.constant 0 : i32
    %dma_start3A_12 = tpu.memref_slice %arg3[%add3A, %dma_start3A_10, %dma_start3A_11] : memref<32x125x80xi32, #tpu.memory_space<hbm>> -> memref<1x125x80xi32, #tpu.memory_space<hbm>>
    %dma_start3A_13 = tpu.memref_squeeze %dma_start3A_12 : memref<1x125x80xi32, #tpu.memory_space<hbm>> -> memref<125x80xi32, #tpu.memory_space<hbm>>
    tpu.enqueue_dma source(%dma_start3A_13 : memref<125x80xi32, #tpu.memory_space<hbm>>) target(%arg7 : memref<125x80xi32, #tpu.memory_space<vmem>>) target_semaphore(%arg12 : memref<!tpu.dma_semaphore, #tpu.memory_space<semaphore_mem>>)
    %broadcast_in_dim3A = arith.constant 0.000000e+00 : f32
    %broadcast_in_dim3A_14 = vector.broadcast %broadcast_in_dim3A : f32 to vector<16xf32>
    %scan3A = arith.constant 0 : i32
    %scan3A_15 = arith.constant 80 : i32
    %scan3A_16 = arith.addi %scan3A, %scan3A_15 : i32
    %scan3A_17 = arith.constant 1 : i32
    scf.for %scan3A_199 = %scan3A to %scan3A_16 step %scan3A_17  : i32 {
      %mul3A_200 = arith.constant 1 : i32
      %mul3A_201 = arith.muli %scan3A_199, %mul3A_200 : i32
      %add3A_202 = arith.constant 0 : i32
      %add3A_203 = arith.addi %add3A_202, %mul3A_201 : i32
      %swap3A = arith.index_cast %add3A_203 : i32 to index
      %swap3A_204 = arith.constant 0 : index
      %swap3A_205 = tpu.vector_load %arg8[%swap3A, %swap3A_204] {strides = array<i32>} : memref<80x128xf32, #tpu.memory_space<vmem>>, vector<16xf32>,
      tpu.vector_store %arg8[%swap3A, %swap3A_204], %broadcast_in_dim3A_14 {strides = array<i32>} : memref<80x128xf32, #tpu.memory_space<vmem>>, vector<16xf32>,
      %swap3A_206 = arith.index_cast %add3A_203 : i32 to index
      %swap3A_207 = arith.constant 16 : index
      %swap3A_208 = tpu.vector_load %arg8[%swap3A_206, %swap3A_207] {strides = array<i32>} : memref<80x128xf32, #tpu.memory_space<vmem>>, vector<16xf32>,
      tpu.vector_store %arg8[%swap3A_206, %swap3A_207], %broadcast_in_dim3A_14 {strides = array<i32>} : memref<80x128xf32, #tpu.memory_space<vmem>>, vector<16xf32>,
      %swap3A_209 = arith.index_cast %add3A_203 : i32 to index
      %swap3A_210 = arith.constant 32 : index
      %swap3A_211 = tpu.vector_load %arg8[%swap3A_209, %swap3A_210] {strides = array<i32>} : memref<80x128xf32, #tpu.memory_space<vmem>>, vector<16xf32>,
      tpu.vector_store %arg8[%swap3A_209, %swap3A_210], %broadcast_in_dim3A_14 {strides = array<i32>} : memref<80x128xf32, #tpu.memory_space<vmem>>, vector<16xf32>,
      %swap3A_212 = arith.index_cast %add3A_203 : i32 to index
      %swap3A_213 = arith.constant 48 : index
      %swap3A_214 = tpu.vector_load %arg8[%swap3A_212, %swap3A_213] {strides = array<i32>} : memref<80x128xf32, #tpu.memory_space<vmem>>, vector<16xf32>,
      tpu.vector_store %arg8[%swap3A_212, %swap3A_213], %broadcast_in_dim3A_14 {strides = array<i32>} : memref<80x128xf32, #tpu.memory_space<vmem>>, vector<16xf32>,
      %swap3A_215 = arith.index_cast %add3A_203 : i32 to index
      %swap3A_216 = arith.constant 64 : index
      %swap3A_217 = tpu.vector_load %arg8[%swap3A_215, %swap3A_216] {strides = array<i32>} : memref<80x128xf32, #tpu.memory_space<vmem>>, vector<16xf32>,
      tpu.vector_store %arg8[%swap3A_215, %swap3A_216], %broadcast_in_dim3A_14 {strides = array<i32>} : memref<80x128xf32, #tpu.memory_space<vmem>>, vector<16xf32>,
      %swap3A_218 = arith.index_cast %add3A_203 : i32 to index
      %swap3A_219 = arith.constant 80 : index
      %swap3A_220 = tpu.vector_load %arg8[%swap3A_218, %swap3A_219] {strides = array<i32>} : memref<80x128xf32, #tpu.memory_space<vmem>>, vector<16xf32>,
      tpu.vector_store %arg8[%swap3A_218, %swap3A_219], %broadcast_in_dim3A_14 {strides = array<i32>} : memref<80x128xf32, #tpu.memory_space<vmem>>, vector<16xf32>,
      %swap3A_221 = arith.index_cast %add3A_203 : i32 to index
      %swap3A_222 = arith.constant 96 : index
      %swap3A_223 = tpu.vector_load %arg8[%swap3A_221, %swap3A_222] {strides = array<i32>} : memref<80x128xf32, #tpu.memory_space<vmem>>, vector<16xf32>,
      tpu.vector_store %arg8[%swap3A_221, %swap3A_222], %broadcast_in_dim3A_14 {strides = array<i32>} : memref<80x128xf32, #tpu.memory_space<vmem>>, vector<16xf32>,
      %swap3A_224 = arith.index_cast %add3A_203 : i32 to index
      %swap3A_225 = arith.constant 112 : index
      %swap3A_226 = tpu.vector_load %arg8[%swap3A_224, %swap3A_225] {strides = array<i32>} : memref<80x128xf32, #tpu.memory_space<vmem>>, vector<16xf32>,
      tpu.vector_store %arg8[%swap3A_224, %swap3A_225], %broadcast_in_dim3A_14 {strides = array<i32>} : memref<80x128xf32, #tpu.memory_space<vmem>>, vector<16xf32>,
    }
    %scan3A_18 = arith.constant 80 : i32
    %mul3A_19 = arith.constant 640 : i32
    %mul3A_20 = arith.muli %arg1, %mul3A_19 : i32
    %add3A_21 = arith.constant 0 : i32
    %add3A_22 = arith.addi %mul3A_20, %add3A_21 : i32
    %dma_start3A_23 = arith.constant 0 : i32
    %dma_start3A_24 = tpu.memref_slice %arg10[%add3A_22, %dma_start3A_23] : memref<10240x128xf32, #tpu.memory_space<vmem_shared>> -> memref<80x128xf32, #tpu.memory_space<vmem_shared>>
    %dma_start3A_25 = arith.constant 0 : i32
    %dma_start3A_26 = tpu.memref_slice %arg10[%add3A_22, %dma_start3A_25] : memref<10240x128xf32, #tpu.memory_space<vmem_shared>> -> memref<80x128xf32, #tpu.memory_space<vmem_shared>>
    tpu.enqueue_dma source(%arg8 : memref<80x128xf32, #tpu.memory_space<vmem>>) target(%dma_start3A_26 : memref<80x128xf32, #tpu.memory_space<vmem_shared>>) target_semaphore(%arg13 : memref<!tpu.dma_semaphore, #tpu.memory_space<semaphore_mem>>)
    %mul3A_27 = arith.constant 640 : i32
    %mul3A_28 = arith.muli %arg1, %mul3A_27 : i32
    %add3A_29 = arith.constant 80 : i32
    %add3A_30 = arith.addi %mul3A_28, %add3A_29 : i32
    %dma_start3A_31 = arith.constant 0 : i32
    %dma_start3A_32 = tpu.memref_slice %arg10[%add3A_30, %dma_start3A_31] : memref<10240x128xf32, #tpu.memory_space<vmem_shared>> -> memref<80x128xf32, #tpu.memory_space<vmem_shared>>
    %dma_start3A_33 = arith.constant 0 : i32
    %dma_start3A_34 = tpu.memref_slice %arg10[%add3A_30, %dma_start3A_33] : memref<10240x128xf32, #tpu.memory_space<vmem_shared>> -> memref<80x128xf32, #tpu.memory_space<vmem_shared>>
    tpu.enqueue_dma source(%arg8 : memref<80x128xf32, #tpu.memory_space<vmem>>) target(%dma_start3A_34 : memref<80x128xf32, #tpu.memory_space<vmem_shared>>) target_semaphore(%arg13 : memref<!tpu.dma_semaphore, #tpu.memory_space<semaphore_mem>>)
    %mul3A_35 = arith.constant 640 : i32
    %mul3A_36 = arith.muli %arg1, %mul3A_35 : i32
    %add3A_37 = arith.constant 160 : i32
    %add3A_38 = arith.addi %mul3A_36, %add3A_37 : i32
    %dma_start3A_39 = arith.constant 0 : i32
    %dma_start3A_40 = tpu.memref_slice %arg10[%add3A_38, %dma_start3A_39] : memref<10240x128xf32, #tpu.memory_space<vmem_shared>> -> memref<80x128xf32, #tpu.memory_space<vmem_shared>>
    %dma_start3A_41 = arith.constant 0 : i32
    %dma_start3A_42 = tpu.memref_slice %arg10[%add3A_38, %dma_start3A_41] : memref<10240x128xf32, #tpu.memory_space<vmem_shared>> -> memref<80x128xf32, #tpu.memory_space<vmem_shared>>
    tpu.enqueue_dma source(%arg8 : memref<80x128xf32, #tpu.memory_space<vmem>>) target(%dma_start3A_42 : memref<80x128xf32, #tpu.memory_space<vmem_shared>>) target_semaphore(%arg13 : memref<!tpu.dma_semaphore, #tpu.memory_space<semaphore_mem>>)
    %mul3A_43 = arith.constant 640 : i32
    %mul3A_44 = arith.muli %arg1, %mul3A_43 : i32
    %add3A_45 = arith.constant 240 : i32
    %add3A_46 = arith.addi %mul3A_44, %add3A_45 : i32
    %dma_start3A_47 = arith.constant 0 : i32
    %dma_start3A_48 = tpu.memref_slice %arg10[%add3A_46, %dma_start3A_47] : memref<10240x128xf32, #tpu.memory_space<vmem_shared>> -> memref<80x128xf32, #tpu.memory_space<vmem_shared>>
    %dma_start3A_49 = arith.constant 0 : i32
    %dma_start3A_50 = tpu.memref_slice %arg10[%add3A_46, %dma_start3A_49] : memref<10240x128xf32, #tpu.memory_space<vmem_shared>> -> memref<80x128xf32, #tpu.memory_space<vmem_shared>>
    tpu.enqueue_dma source(%arg8 : memref<80x128xf32, #tpu.memory_space<vmem>>) target(%dma_start3A_50 : memref<80x128xf32, #tpu.memory_space<vmem_shared>>) target_semaphore(%arg13 : memref<!tpu.dma_semaphore, #tpu.memory_space<semaphore_mem>>)
    %mul3A_51 = arith.constant 640 : i32
    %mul3A_52 = arith.muli %arg1, %mul3A_51 : i32
    %add3A_53 = arith.constant 320 : i32
    %add3A_54 = arith.addi %mul3A_52, %add3A_53 : i32
    %dma_start3A_55 = arith.constant 0 : i32
    %dma_start3A_56 = tpu.memref_slice %arg10[%add3A_54, %dma_start3A_55] : memref<10240x128xf32, #tpu.memory_space<vmem_shared>> -> memref<80x128xf32, #tpu.memory_space<vmem_shared>>
    %dma_start3A_57 = arith.constant 0 : i32
    %dma_start3A_58 = tpu.memref_slice %arg10[%add3A_54, %dma_start3A_57] : memref<10240x128xf32, #tpu.memory_space<vmem_shared>> -> memref<80x128xf32, #tpu.memory_space<vmem_shared>>
    tpu.enqueue_dma source(%arg8 : memref<80x128xf32, #tpu.memory_space<vmem>>) target(%dma_start3A_58 : memref<80x128xf32, #tpu.memory_space<vmem_shared>>) target_semaphore(%arg13 : memref<!tpu.dma_semaphore, #tpu.memory_space<semaphore_mem>>)
    %mul3A_59 = arith.constant 640 : i32
    %mul3A_60 = arith.muli %arg1, %mul3A_59 : i32
    %add3A_61 = arith.constant 400 : i32
    %add3A_62 = arith.addi %mul3A_60, %add3A_61 : i32
    %dma_start3A_63 = arith.constant 0 : i32
    %dma_start3A_64 = tpu.memref_slice %arg10[%add3A_62, %dma_start3A_63] : memref<10240x128xf32, #tpu.memory_space<vmem_shared>> -> memref<80x128xf32, #tpu.memory_space<vmem_shared>>
    %dma_start3A_65 = arith.constant 0 : i32
    %dma_start3A_66 = tpu.memref_slice %arg10[%add3A_62, %dma_start3A_65] : memref<10240x128xf32, #tpu.memory_space<vmem_shared>> -> memref<80x128xf32, #tpu.memory_space<vmem_shared>>
    tpu.enqueue_dma source(%arg8 : memref<80x128xf32, #tpu.memory_space<vmem>>) target(%dma_start3A_66 : memref<80x128xf32, #tpu.memory_space<vmem_shared>>) target_semaphore(%arg13 : memref<!tpu.dma_semaphore, #tpu.memory_space<semaphore_mem>>)
    %mul3A_67 = arith.constant 640 : i32
    %mul3A_68 = arith.muli %arg1, %mul3A_67 : i32
    %add3A_69 = arith.constant 480 : i32
    %add3A_70 = arith.addi %mul3A_68, %add3A_69 : i32
    %dma_start3A_71 = arith.constant 0 : i32
    %dma_start3A_72 = tpu.memref_slice %arg10[%add3A_70, %dma_start3A_71] : memref<10240x128xf32, #tpu.memory_space<vmem_shared>> -> memref<80x128xf32, #tpu.memory_space<vmem_shared>>
    %dma_start3A_73 = arith.constant 0 : i32
    %dma_start3A_74 = tpu.memref_slice %arg10[%add3A_70, %dma_start3A_73] : memref<10240x128xf32, #tpu.memory_space<vmem_shared>> -> memref<80x128xf32, #tpu.memory_space<vmem_shared>>
    tpu.enqueue_dma source(%arg8 : memref<80x128xf32, #tpu.memory_space<vmem>>) target(%dma_start3A_74 : memref<80x128xf32, #tpu.memory_space<vmem_shared>>) target_semaphore(%arg13 : memref<!tpu.dma_semaphore, #tpu.memory_space<semaphore_mem>>)
    %mul3A_75 = arith.constant 640 : i32
    %mul3A_76 = arith.muli %arg1, %mul3A_75 : i32
    %add3A_77 = arith.constant 560 : i32
    %add3A_78 = arith.addi %mul3A_76, %add3A_77 : i32
    %dma_start3A_79 = arith.constant 0 : i32
    %dma_start3A_80 = tpu.memref_slice %arg10[%add3A_78, %dma_start3A_79] : memref<10240x128xf32, #tpu.memory_space<vmem_shared>> -> memref<80x128xf32, #tpu.memory_space<vmem_shared>>
    %dma_start3A_81 = arith.constant 0 : i32
    %dma_start3A_82 = tpu.memref_slice %arg10[%add3A_78, %dma_start3A_81] : memref<10240x128xf32, #tpu.memory_space<vmem_shared>> -> memref<80x128xf32, #tpu.memory_space<vmem_shared>>
    tpu.enqueue_dma source(%arg8 : memref<80x128xf32, #tpu.memory_space<vmem>>) target(%dma_start3A_82 : memref<80x128xf32, #tpu.memory_space<vmem_shared>>) target_semaphore(%arg13 : memref<!tpu.dma_semaphore, #tpu.memory_space<semaphore_mem>>)
    %dma_wait3A = arith.constant 0 : i32
    %dma_wait3A_83 = tpu.memref_slice %arg2[%add3A, %dma_wait3A] : memref<32x10000xi32, #tpu.memory_space<hbm>> -> memref<1x10000xi32, #tpu.memory_space<hbm>>
    %dma_wait3A_84 = tpu.memref_squeeze %dma_wait3A_83 : memref<1x10000xi32, #tpu.memory_space<hbm>> -> memref<10000xi32, #tpu.memory_space<hbm>>
    %dma_wait3A_85 = arith.constant 0 : i32
    %dma_wait3A_86 = tpu.memref_slice %arg2[%add3A, %dma_wait3A_85] : memref<32x10000xi32, #tpu.memory_space<hbm>> -> memref<1x10000xi32, #tpu.memory_space<hbm>>
    %dma_wait3A_87 = tpu.memref_squeeze %dma_wait3A_86 : memref<1x10000xi32, #tpu.memory_space<hbm>> -> memref<10000xi32, #tpu.memory_space<hbm>>
    tpu.wait_dma2 semaphore(%arg11 : memref<!tpu.dma_semaphore, #tpu.memory_space<semaphore_mem>>) src(%dma_wait3A_87 : memref<10000xi32, #tpu.memory_space<hbm>>) dst(%arg6 : memref<10000xi32, #tpu.memory_space<vmem>>)
    %dma_wait3A_88 = arith.constant 0 : i32
    %dma_wait3A_89 = arith.constant 0 : i32
    %dma_wait3A_90 = tpu.memref_slice %arg3[%add3A, %dma_wait3A_88, %dma_wait3A_89] : memref<32x125x80xi32, #tpu.memory_space<hbm>> -> memref<1x125x80xi32, #tpu.memory_space<hbm>>
    %dma_wait3A_91 = tpu.memref_squeeze %dma_wait3A_90 : memref<1x125x80xi32, #tpu.memory_space<hbm>> -> memref<125x80xi32, #tpu.memory_space<hbm>>
    %dma_wait3A_92 = arith.constant 0 : i32
    %dma_wait3A_93 = arith.constant 0 : i32
    %dma_wait3A_94 = tpu.memref_slice %arg3[%add3A, %dma_wait3A_92, %dma_wait3A_93] : memref<32x125x80xi32, #tpu.memory_space<hbm>> -> memref<1x125x80xi32, #tpu.memory_space<hbm>>
    %dma_wait3A_95 = tpu.memref_squeeze %dma_wait3A_94 : memref<1x125x80xi32, #tpu.memory_space<hbm>> -> memref<125x80xi32, #tpu.memory_space<hbm>>
    tpu.wait_dma2 semaphore(%arg12 : memref<!tpu.dma_semaphore, #tpu.memory_space<semaphore_mem>>) src(%dma_wait3A_95 : memref<125x80xi32, #tpu.memory_space<hbm>>) dst(%arg7 : memref<125x80xi32, #tpu.memory_space<vmem>>)
    %mul3A_96 = arith.constant 640 : i32
    %mul3A_97 = arith.muli %arg1, %mul3A_96 : i32
    %add3A_98 = arith.constant 0 : i32
    %add3A_99 = arith.addi %mul3A_97, %add3A_98 : i32
    %dma_wait3A_100 = arith.constant 0 : i32
    %dma_wait3A_101 = tpu.memref_slice %arg10[%add3A_99, %dma_wait3A_100] : memref<10240x128xf32, #tpu.memory_space<vmem_shared>> -> memref<80x128xf32, #tpu.memory_space<vmem_shared>>
    %dma_wait3A_102 = arith.constant 0 : i32
    %dma_wait3A_103 = tpu.memref_slice %arg10[%add3A_99, %dma_wait3A_102] : memref<10240x128xf32, #tpu.memory_space<vmem_shared>> -> memref<80x128xf32, #tpu.memory_space<vmem_shared>>
    tpu.wait_dma2 semaphore(%arg13 : memref<!tpu.dma_semaphore, #tpu.memory_space<semaphore_mem>>) src(%arg8 : memref<80x128xf32, #tpu.memory_space<vmem>>) dst(%dma_wait3A_103 : memref<80x128xf32, #tpu.memory_space<vmem_shared>>)
    %mul3A_104 = arith.constant 640 : i32
    %mul3A_105 = arith.muli %arg1, %mul3A_104 : i32
    %add3A_106 = arith.constant 80 : i32
    %add3A_107 = arith.addi %mul3A_105, %add3A_106 : i32
    %dma_wait3A_108 = arith.constant 0 : i32
    %dma_wait3A_109 = tpu.memref_slice %arg10[%add3A_107, %dma_wait3A_108] : memref<10240x128xf32, #tpu.memory_space<vmem_shared>> -> memref<80x128xf32, #tpu.memory_space<vmem_shared>>
    %dma_wait3A_110 = arith.constant 0 : i32
    %dma_wait3A_111 = tpu.memref_slice %arg10[%add3A_107, %dma_wait3A_110] : memref<10240x128xf32, #tpu.memory_space<vmem_shared>> -> memref<80x128xf32, #tpu.memory_space<vmem_shared>>
    tpu.wait_dma2 semaphore(%arg13 : memref<!tpu.dma_semaphore, #tpu.memory_space<semaphore_mem>>) src(%arg8 : memref<80x128xf32, #tpu.memory_space<vmem>>) dst(%dma_wait3A_111 : memref<80x128xf32, #tpu.memory_space<vmem_shared>>)
    %mul3A_112 = arith.constant 640 : i32
    %mul3A_113 = arith.muli %arg1, %mul3A_112 : i32
    %add3A_114 = arith.constant 160 : i32
    %add3A_115 = arith.addi %mul3A_113, %add3A_114 : i32
    %dma_wait3A_116 = arith.constant 0 : i32
    %dma_wait3A_117 = tpu.memref_slice %arg10[%add3A_115, %dma_wait3A_116] : memref<10240x128xf32, #tpu.memory_space<vmem_shared>> -> memref<80x128xf32, #tpu.memory_space<vmem_shared>>
    %dma_wait3A_118 = arith.constant 0 : i32
    %dma_wait3A_119 = tpu.memref_slice %arg10[%add3A_115, %dma_wait3A_118] : memref<10240x128xf32, #tpu.memory_space<vmem_shared>> -> memref<80x128xf32, #tpu.memory_space<vmem_shared>>
    tpu.wait_dma2 semaphore(%arg13 : memref<!tpu.dma_semaphore, #tpu.memory_space<semaphore_mem>>) src(%arg8 : memref<80x128xf32, #tpu.memory_space<vmem>>) dst(%dma_wait3A_119 : memref<80x128xf32, #tpu.memory_space<vmem_shared>>)
    %mul3A_120 = arith.constant 640 : i32
    %mul3A_121 = arith.muli %arg1, %mul3A_120 : i32
    %add3A_122 = arith.constant 240 : i32
    %add3A_123 = arith.addi %mul3A_121, %add3A_122 : i32
    %dma_wait3A_124 = arith.constant 0 : i32
    %dma_wait3A_125 = tpu.memref_slice %arg10[%add3A_123, %dma_wait3A_124] : memref<10240x128xf32, #tpu.memory_space<vmem_shared>> -> memref<80x128xf32, #tpu.memory_space<vmem_shared>>
    %dma_wait3A_126 = arith.constant 0 : i32
    %dma_wait3A_127 = tpu.memref_slice %arg10[%add3A_123, %dma_wait3A_126] : memref<10240x128xf32, #tpu.memory_space<vmem_shared>> -> memref<80x128xf32, #tpu.memory_space<vmem_shared>>
    tpu.wait_dma2 semaphore(%arg13 : memref<!tpu.dma_semaphore, #tpu.memory_space<semaphore_mem>>) src(%arg8 : memref<80x128xf32, #tpu.memory_space<vmem>>) dst(%dma_wait3A_127 : memref<80x128xf32, #tpu.memory_space<vmem_shared>>)
    %mul3A_128 = arith.constant 640 : i32
    %mul3A_129 = arith.muli %arg1, %mul3A_128 : i32
    %add3A_130 = arith.constant 320 : i32
    %add3A_131 = arith.addi %mul3A_129, %add3A_130 : i32
    %dma_wait3A_132 = arith.constant 0 : i32
    %dma_wait3A_133 = tpu.memref_slice %arg10[%add3A_131, %dma_wait3A_132] : memref<10240x128xf32, #tpu.memory_space<vmem_shared>> -> memref<80x128xf32, #tpu.memory_space<vmem_shared>>
    %dma_wait3A_134 = arith.constant 0 : i32
    %dma_wait3A_135 = tpu.memref_slice %arg10[%add3A_131, %dma_wait3A_134] : memref<10240x128xf32, #tpu.memory_space<vmem_shared>> -> memref<80x128xf32, #tpu.memory_space<vmem_shared>>
    tpu.wait_dma2 semaphore(%arg13 : memref<!tpu.dma_semaphore, #tpu.memory_space<semaphore_mem>>) src(%arg8 : memref<80x128xf32, #tpu.memory_space<vmem>>) dst(%dma_wait3A_135 : memref<80x128xf32, #tpu.memory_space<vmem_shared>>)
    %mul3A_136 = arith.constant 640 : i32
    %mul3A_137 = arith.muli %arg1, %mul3A_136 : i32
    %add3A_138 = arith.constant 400 : i32
    %add3A_139 = arith.addi %mul3A_137, %add3A_138 : i32
    %dma_wait3A_140 = arith.constant 0 : i32
    %dma_wait3A_141 = tpu.memref_slice %arg10[%add3A_139, %dma_wait3A_140] : memref<10240x128xf32, #tpu.memory_space<vmem_shared>> -> memref<80x128xf32, #tpu.memory_space<vmem_shared>>
    %dma_wait3A_142 = arith.constant 0 : i32
    %dma_wait3A_143 = tpu.memref_slice %arg10[%add3A_139, %dma_wait3A_142] : memref<10240x128xf32, #tpu.memory_space<vmem_shared>> -> memref<80x128xf32, #tpu.memory_space<vmem_shared>>
    tpu.wait_dma2 semaphore(%arg13 : memref<!tpu.dma_semaphore, #tpu.memory_space<semaphore_mem>>) src(%arg8 : memref<80x128xf32, #tpu.memory_space<vmem>>) dst(%dma_wait3A_143 : memref<80x128xf32, #tpu.memory_space<vmem_shared>>)
    %mul3A_144 = arith.constant 640 : i32
    %mul3A_145 = arith.muli %arg1, %mul3A_144 : i32
    %add3A_146 = arith.constant 480 : i32
    %add3A_147 = arith.addi %mul3A_145, %add3A_146 : i32
    %dma_wait3A_148 = arith.constant 0 : i32
    %dma_wait3A_149 = tpu.memref_slice %arg10[%add3A_147, %dma_wait3A_148] : memref<10240x128xf32, #tpu.memory_space<vmem_shared>> -> memref<80x128xf32, #tpu.memory_space<vmem_shared>>
    %dma_wait3A_150 = arith.constant 0 : i32
    %dma_wait3A_151 = tpu.memref_slice %arg10[%add3A_147, %dma_wait3A_150] : memref<10240x128xf32, #tpu.memory_space<vmem_shared>> -> memref<80x128xf32, #tpu.memory_space<vmem_shared>>
    tpu.wait_dma2 semaphore(%arg13 : memref<!tpu.dma_semaphore, #tpu.memory_space<semaphore_mem>>) src(%arg8 : memref<80x128xf32, #tpu.memory_space<vmem>>) dst(%dma_wait3A_151 : memref<80x128xf32, #tpu.memory_space<vmem_shared>>)
    %mul3A_152 = arith.constant 640 : i32
    %mul3A_153 = arith.muli %arg1, %mul3A_152 : i32
    %add3A_154 = arith.constant 560 : i32
    %add3A_155 = arith.addi %mul3A_153, %add3A_154 : i32
    %dma_wait3A_156 = arith.constant 0 : i32
    %dma_wait3A_157 = tpu.memref_slice %arg10[%add3A_155, %dma_wait3A_156] : memref<10240x128xf32, #tpu.memory_space<vmem_shared>> -> memref<80x128xf32, #tpu.memory_space<vmem_shared>>
    %dma_wait3A_158 = arith.constant 0 : i32
    %dma_wait3A_159 = tpu.memref_slice %arg10[%add3A_155, %dma_wait3A_158] : memref<10240x128xf32, #tpu.memory_space<vmem_shared>> -> memref<80x128xf32, #tpu.memory_space<vmem_shared>>
    tpu.wait_dma2 semaphore(%arg13 : memref<!tpu.dma_semaphore, #tpu.memory_space<semaphore_mem>>) src(%arg8 : memref<80x128xf32, #tpu.memory_space<vmem>>) dst(%dma_wait3A_159 : memref<80x128xf32, #tpu.memory_space<vmem_shared>>)
    %barrier3A = arith.constant 0 : index
    tpu.barrier barrier_id(%barrier3A)
    %dma_start3A_160 = arith.constant 0 : i32
    %dma_start3A_161 = tpu.memref_slice %arg6[%dma_start3A_160] : memref<10000xi32, #tpu.memory_space<vmem>> -> memref<80xi32, #tpu.memory_space<vmem>>
    %dma_start3A_162 = arith.constant 0 : i32
    %dma_start3A_163 = arith.constant 0 : i32
    %dma_start3A_164 = tpu.memref_slice %arg4[%dma_start3A_162, %dma_start3A_163] : memref<10000x128xf32, #tpu.memory_space<hbm>> -> memref<10000x128xf32, #tpu.memory_space<hbm>>
    tpu.enqueue_indirect_dma source(%dma_start3A_164 : memref<10000x128xf32, #tpu.memory_space<hbm>>) target(%arg8 : memref<80x128xf32, #tpu.memory_space<vmem>>) offsets(%dma_start3A_161 : memref<80xi32, #tpu.memory_space<vmem>>) semaphore(%arg11 : memref<!tpu.dma_semaphore, #tpu.memory_space<semaphore_mem>>)
    %dma_start3A_165 = arith.constant 80 : i32
    %dma_start3A_166 = tpu.memref_slice %arg6[%dma_start3A_165] : memref<10000xi32, #tpu.memory_space<vmem>> -> memref<80xi32, #tpu.memory_space<vmem>>
    %dma_start3A_167 = arith.constant 0 : i32
    %dma_start3A_168 = arith.constant 0 : i32
    %dma_start3A_169 = tpu.memref_slice %arg4[%dma_start3A_167, %dma_start3A_168] : memref<10000x128xf32, #tpu.memory_space<hbm>> -> memref<10000x128xf32, #tpu.memory_space<hbm>>
    tpu.enqueue_indirect_dma source(%dma_start3A_169 : memref<10000x128xf32, #tpu.memory_space<hbm>>) target(%arg9 : memref<80x128xf32, #tpu.memory_space<vmem>>) offsets(%dma_start3A_166 : memref<80xi32, #tpu.memory_space<vmem>>) semaphore(%arg12 : memref<!tpu.dma_semaphore, #tpu.memory_space<semaphore_mem>>)
    %scan3A_170 = arith.constant 0 : i32
    %scan3A_171 = arith.constant 62 : i32
    %scan3A_172 = arith.addi %scan3A_170, %scan3A_171 : i32
    %scan3A_173 = arith.constant 1 : i32
    scf.for %scan3A_199 = %scan3A_170 to %scan3A_172 step %scan3A_173  : i32 {
      %mul3A_200 = arith.constant 1 : i32
      %mul3A_201 = arith.muli %scan3A_199, %mul3A_200 : i32
      %add3A_202 = arith.constant 0 : i32
      %add3A_203 = arith.addi %add3A_202, %mul3A_201 : i32
      %mul3A_204 = arith.constant 2 : i32
      %mul3A_205 = arith.muli %add3A_203, %mul3A_204 : i32
      %mul3A_206 = arith.constant 80 : i32
      %mul3A_207 = arith.muli %mul3A_205, %mul3A_206 : i32
      %dma_wait3A_208 = tpu.memref_slice %arg6[%mul3A_207] : memref<10000xi32, #tpu.memory_space<vmem>> -> memref<80xi32, #tpu.memory_space<vmem>>
      %dma_wait3A_209 = arith.constant 0 : i32
      %dma_wait3A_210 = arith.constant 0 : i32
      %dma_wait3A_211 = tpu.memref_slice %arg4[%dma_wait3A_209, %dma_wait3A_210] : memref<10000x128xf32, #tpu.memory_space<hbm>> -> memref<10000x128xf32, #tpu.memory_space<hbm>>
      tpu.wait_indirect_dma semaphore(%arg11 : memref<!tpu.dma_semaphore, #tpu.memory_space<semaphore_mem>>) src(%dma_wait3A_211 : memref<10000x128xf32, #tpu.memory_space<hbm>>) dst(%arg8 : memref<80x128xf32, #tpu.memory_space<vmem>>)
      %dma_start3A_212 = arith.constant 0 : i32
      %dma_start3A_213 = tpu.memref_slice %arg7[%mul3A_205, %dma_start3A_212] : memref<125x80xi32, #tpu.memory_space<vmem>> -> memref<1x80xi32, #tpu.memory_space<vmem>>
      %dma_start3A_214 = tpu.memref_squeeze %dma_start3A_213 : memref<1x80xi32, #tpu.memory_space<vmem>> -> memref<80xi32, #tpu.memory_space<vmem>>
      %dma_start3A_215 = arith.constant 0 : i32
      %dma_start3A_216 = arith.constant 0 : i32
      %dma_start3A_217 = tpu.memref_slice %arg10[%dma_start3A_215, %dma_start3A_216] : memref<10240x128xf32, #tpu.memory_space<vmem_shared>> -> memref<10240x128xf32, #tpu.memory_space<vmem_shared>>
      tpu.enqueue_indirect_dma source(%arg8 : memref<80x128xf32, #tpu.memory_space<vmem>>) target(%dma_start3A_217 : memref<10240x128xf32, #tpu.memory_space<vmem_shared>>) offsets(%dma_start3A_214 : memref<80xi32, #tpu.memory_space<vmem>>) semaphore(%arg13 : memref<!tpu.dma_semaphore, #tpu.memory_space<semaphore_mem>>) {add = true}
      %add3A_218 = arith.constant 1 : i32
      %add3A_219 = arith.addi %mul3A_205, %add3A_218 : i32
      %mul3A_220 = arith.constant 80 : i32
      %mul3A_221 = arith.muli %add3A_219, %mul3A_220 : i32
      %dma_wait3A_222 = tpu.memref_slice %arg6[%mul3A_221] : memref<10000xi32, #tpu.memory_space<vmem>> -> memref<80xi32, #tpu.memory_space<vmem>>
      %dma_wait3A_223 = arith.constant 0 : i32
      %dma_wait3A_224 = arith.constant 0 : i32
      %dma_wait3A_225 = tpu.memref_slice %arg4[%dma_wait3A_223, %dma_wait3A_224] : memref<10000x128xf32, #tpu.memory_space<hbm>> -> memref<10000x128xf32, #tpu.memory_space<hbm>>
      tpu.wait_indirect_dma semaphore(%arg12 : memref<!tpu.dma_semaphore, #tpu.memory_space<semaphore_mem>>) src(%dma_wait3A_225 : memref<10000x128xf32, #tpu.memory_space<hbm>>) dst(%arg9 : memref<80x128xf32, #tpu.memory_space<vmem>>)
      %add3A_226 = arith.constant 1 : i32
      %add3A_227 = arith.addi %mul3A_205, %add3A_226 : i32
      %dma_start3A_228 = arith.constant 0 : i32
      %dma_start3A_229 = tpu.memref_slice %arg7[%add3A_227, %dma_start3A_228] : memref<125x80xi32, #tpu.memory_space<vmem>> -> memref<1x80xi32, #tpu.memory_space<vmem>>
      %dma_start3A_230 = tpu.memref_squeeze %dma_start3A_229 : memref<1x80xi32, #tpu.memory_space<vmem>> -> memref<80xi32, #tpu.memory_space<vmem>>
      %dma_start3A_231 = arith.constant 0 : i32
      %dma_start3A_232 = arith.constant 0 : i32
      %dma_start3A_233 = tpu.memref_slice %arg10[%dma_start3A_231, %dma_start3A_232] : memref<10240x128xf32, #tpu.memory_space<vmem_shared>> -> memref<10240x128xf32, #tpu.memory_space<vmem_shared>>
      tpu.enqueue_indirect_dma source(%arg9 : memref<80x128xf32, #tpu.memory_space<vmem>>) target(%dma_start3A_233 : memref<10240x128xf32, #tpu.memory_space<vmem_shared>>) offsets(%dma_start3A_230 : memref<80xi32, #tpu.memory_space<vmem>>) semaphore(%arg14 : memref<!tpu.dma_semaphore, #tpu.memory_space<semaphore_mem>>) {add = true}
      %dma_wait3A_234 = arith.constant 0 : i32
      %dma_wait3A_235 = tpu.memref_slice %arg7[%mul3A_205, %dma_wait3A_234] : memref<125x80xi32, #tpu.memory_space<vmem>> -> memref<1x80xi32, #tpu.memory_space<vmem>>
      %dma_wait3A_236 = tpu.memref_squeeze %dma_wait3A_235 : memref<1x80xi32, #tpu.memory_space<vmem>> -> memref<80xi32, #tpu.memory_space<vmem>>
      %dma_wait3A_237 = arith.constant 0 : i32
      %dma_wait3A_238 = arith.constant 0 : i32
      %dma_wait3A_239 = tpu.memref_slice %arg10[%dma_wait3A_237, %dma_wait3A_238] : memref<10240x128xf32, #tpu.memory_space<vmem_shared>> -> memref<10240x128xf32, #tpu.memory_space<vmem_shared>>
      tpu.wait_indirect_dma semaphore(%arg13 : memref<!tpu.dma_semaphore, #tpu.memory_space<semaphore_mem>>) src(%arg8 : memref<80x128xf32, #tpu.memory_space<vmem>>) dst(%dma_wait3A_239 : memref<10240x128xf32, #tpu.memory_space<vmem_shared>>)
      %add3A_240 = arith.constant 2 : i32
      %add3A_241 = arith.addi %mul3A_205, %add3A_240 : i32
      %lt3A = arith.constant 125 : i32
      %lt3A_242 = arith.cmpi slt, %add3A_241, %lt3A : i32
      %convert_element_type3A = arith.extui %lt3A_242 : i1 to i32
      %cond3A = arith.constant 0 : i32
      %cond3A_243 = arith.cmpi ne, %convert_element_type3A, %cond3A : i32
      scf.if %cond3A_243 {
        %add3A_259 = arith.constant 2 : i32
        %add3A_260 = arith.addi %mul3A_205, %add3A_259 : i32
        %mul3A_261 = arith.constant 80 : i32
        %mul3A_262 = arith.muli %add3A_260, %mul3A_261 : i32
        %dma_start3A_263 = tpu.memref_slice %arg6[%mul3A_262] : memref<10000xi32, #tpu.memory_space<vmem>> -> memref<80xi32, #tpu.memory_space<vmem>>
        %dma_start3A_264 = arith.constant 0 : i32
        %dma_start3A_265 = arith.constant 0 : i32
        %dma_start3A_266 = tpu.memref_slice %arg4[%dma_start3A_264, %dma_start3A_265] : memref<10000x128xf32, #tpu.memory_space<hbm>> -> memref<10000x128xf32, #tpu.memory_space<hbm>>
        tpu.enqueue_indirect_dma source(%dma_start3A_266 : memref<10000x128xf32, #tpu.memory_space<hbm>>) target(%arg8 : memref<80x128xf32, #tpu.memory_space<vmem>>) offsets(%dma_start3A_263 : memref<80xi32, #tpu.memory_space<vmem>>) semaphore(%arg11 : memref<!tpu.dma_semaphore, #tpu.memory_space<semaphore_mem>>)
      } else {
      }
      %add3A_244 = arith.constant 1 : i32
      %add3A_245 = arith.addi %mul3A_205, %add3A_244 : i32
      %dma_wait3A_246 = arith.constant 0 : i32
      %dma_wait3A_247 = tpu.memref_slice %arg7[%add3A_245, %dma_wait3A_246] : memref<125x80xi32, #tpu.memory_space<vmem>> -> memref<1x80xi32, #tpu.memory_space<vmem>>
      %dma_wait3A_248 = tpu.memref_squeeze %dma_wait3A_247 : memref<1x80xi32, #tpu.memory_space<vmem>> -> memref<80xi32, #tpu.memory_space<vmem>>
      %dma_wait3A_249 = arith.constant 0 : i32
      %dma_wait3A_250 = arith.constant 0 : i32
      %dma_wait3A_251 = tpu.memref_slice %arg10[%dma_wait3A_249, %dma_wait3A_250] : memref<10240x128xf32, #tpu.memory_space<vmem_shared>> -> memref<10240x128xf32, #tpu.memory_space<vmem_shared>>
      tpu.wait_indirect_dma semaphore(%arg14 : memref<!tpu.dma_semaphore, #tpu.memory_space<semaphore_mem>>) src(%arg9 : memref<80x128xf32, #tpu.memory_space<vmem>>) dst(%dma_wait3A_251 : memref<10240x128xf32, #tpu.memory_space<vmem_shared>>)
      %add3A_252 = arith.constant 3 : i32
      %add3A_253 = arith.addi %mul3A_205, %add3A_252 : i32
      %lt3A_254 = arith.constant 125 : i32
      %lt3A_255 = arith.cmpi slt, %add3A_253, %lt3A_254 : i32
      %convert_element_type3A_256 = arith.extui %lt3A_255 : i1 to i32
      %cond3A_257 = arith.constant 0 : i32
      %cond3A_258 = arith.cmpi ne, %convert_element_type3A_256, %cond3A_257 : i32
      scf.if %cond3A_258 {
        %add3A_259 = arith.constant 3 : i32
        %add3A_260 = arith.addi %mul3A_205, %add3A_259 : i32
        %mul3A_261 = arith.constant 80 : i32
        %mul3A_262 = arith.muli %add3A_260, %mul3A_261 : i32
        %dma_start3A_263 = tpu.memref_slice %arg6[%mul3A_262] : memref<10000xi32, #tpu.memory_space<vmem>> -> memref<80xi32, #tpu.memory_space<vmem>>
        %dma_start3A_264 = arith.constant 0 : i32
        %dma_start3A_265 = arith.constant 0 : i32
        %dma_start3A_266 = tpu.memref_slice %arg4[%dma_start3A_264, %dma_start3A_265] : memref<10000x128xf32, #tpu.memory_space<hbm>> -> memref<10000x128xf32, #tpu.memory_space<hbm>>
        tpu.enqueue_indirect_dma source(%dma_start3A_266 : memref<10000x128xf32, #tpu.memory_space<hbm>>) target(%arg9 : memref<80x128xf32, #tpu.memory_space<vmem>>) offsets(%dma_start3A_263 : memref<80xi32, #tpu.memory_space<vmem>>) semaphore(%arg12 : memref<!tpu.dma_semaphore, #tpu.memory_space<semaphore_mem>>)
      } else {
      }
    }
    %scan3A_174 = arith.constant 62 : i32
    %dma_wait3A_175 = arith.constant 9920 : i32
    %dma_wait3A_176 = tpu.memref_slice %arg6[%dma_wait3A_175] : memref<10000xi32, #tpu.memory_space<vmem>> -> memref<80xi32, #tpu.memory_space<vmem>>
    %dma_wait3A_177 = arith.constant 0 : i32
    %dma_wait3A_178 = arith.constant 0 : i32
    %dma_wait3A_179 = tpu.memref_slice %arg4[%dma_wait3A_177, %dma_wait3A_178] : memref<10000x128xf32, #tpu.memory_space<hbm>> -> memref<10000x128xf32, #tpu.memory_space<hbm>>
    tpu.wait_indirect_dma semaphore(%arg11 : memref<!tpu.dma_semaphore, #tpu.memory_space<semaphore_mem>>) src(%dma_wait3A_179 : memref<10000x128xf32, #tpu.memory_space<hbm>>) dst(%arg8 : memref<80x128xf32, #tpu.memory_space<vmem>>)
    %dma_start3A_180 = arith.constant 124 : i32
    %dma_start3A_181 = arith.constant 0 : i32
    %dma_start3A_182 = tpu.memref_slice %arg7[%dma_start3A_180, %dma_start3A_181] : memref<125x80xi32, #tpu.memory_space<vmem>> -> memref<1x80xi32, #tpu.memory_space<vmem>>
    %dma_start3A_183 = tpu.memref_squeeze %dma_start3A_182 : memref<1x80xi32, #tpu.memory_space<vmem>> -> memref<80xi32, #tpu.memory_space<vmem>>
    %dma_start3A_184 = arith.constant 0 : i32
    %dma_start3A_185 = arith.constant 0 : i32
    %dma_start3A_186 = tpu.memref_slice %arg10[%dma_start3A_184, %dma_start3A_185] : memref<10240x128xf32, #tpu.memory_space<vmem_shared>> -> memref<10240x128xf32, #tpu.memory_space<vmem_shared>>
    tpu.enqueue_indirect_dma source(%arg8 : memref<80x128xf32, #tpu.memory_space<vmem>>) target(%dma_start3A_186 : memref<10240x128xf32, #tpu.memory_space<vmem_shared>>) offsets(%dma_start3A_183 : memref<80xi32, #tpu.memory_space<vmem>>) semaphore(%arg13 : memref<!tpu.dma_semaphore, #tpu.memory_space<semaphore_mem>>) {add = true}
    %dma_wait3A_187 = arith.constant 124 : i32
    %dma_wait3A_188 = arith.constant 0 : i32
    %dma_wait3A_189 = tpu.memref_slice %arg7[%dma_wait3A_187, %dma_wait3A_188] : memref<125x80xi32, #tpu.memory_space<vmem>> -> memref<1x80xi32, #tpu.memory_space<vmem>>
    %dma_wait3A_190 = tpu.memref_squeeze %dma_wait3A_189 : memref<1x80xi32, #tpu.memory_space<vmem>> -> memref<80xi32, #tpu.memory_space<vmem>>
    %dma_wait3A_191 = arith.constant 0 : i32
    %dma_wait3A_192 = arith.constant 0 : i32
    %dma_wait3A_193 = tpu.memref_slice %arg10[%dma_wait3A_191, %dma_wait3A_192] : memref<10240x128xf32, #tpu.memory_space<vmem_shared>> -> memref<10240x128xf32, #tpu.memory_space<vmem_shared>>
    tpu.wait_indirect_dma semaphore(%arg13 : memref<!tpu.dma_semaphore, #tpu.memory_space<semaphore_mem>>) src(%arg8 : memref<80x128xf32, #tpu.memory_space<vmem>>) dst(%dma_wait3A_193 : memref<10240x128xf32, #tpu.memory_space<vmem_shared>>)
    %barrier3A_194 = arith.constant 0 : index
    tpu.barrier barrier_id(%barrier3A_194)
    %mul3A_195 = arith.constant 640 : i32
    %mul3A_196 = arith.muli %arg1, %mul3A_195 : i32
    %mul3A_197 = arith.constant 640 : i32
    %mul3A_198 = arith.muli %arg1, %mul3A_197 : i32
    "tpu.region"() ({
      %run_scoped3A = tpu.sem_alloc : memref<!tpu.dma_semaphore, #tpu.memory_space<semaphore_mem>>
      %dma_start3A_199 = arith.constant 0 : i32
      %dma_start3A_200 = tpu.memref_slice %arg5[%arg0, %mul3A_198, %dma_start3A_199] : memref<2x10240x128xf32, #tpu.memory_space<hbm>> -> memref<1x640x128xf32, #tpu.memory_space<hbm>>
      %dma_start3A_201 = tpu.memref_squeeze %dma_start3A_200 : memref<1x640x128xf32, #tpu.memory_space<hbm>> -> memref<640x128xf32, #tpu.memory_space<hbm>>
      %dma_start3A_202 = arith.constant 0 : i32
      %dma_start3A_203 = tpu.memref_slice %arg10[%mul3A_196, %dma_start3A_202] : memref<10240x128xf32, #tpu.memory_space<vmem_shared>> -> memref<640x128xf32, #tpu.memory_space<vmem_shared>>
      tpu.enqueue_dma source(%dma_start3A_203 : memref<640x128xf32, #tpu.memory_space<vmem_shared>>) target(%dma_start3A_201 : memref<640x128xf32, #tpu.memory_space<hbm>>) target_semaphore(%run_scoped3A : memref<!tpu.dma_semaphore, #tpu.memory_space<semaphore_mem>>)
      %dma_wait3A_204 = arith.constant 0 : i32
      %dma_wait3A_205 = tpu.memref_slice %arg5[%arg0, %mul3A_198, %dma_wait3A_204] : memref<2x10240x128xf32, #tpu.memory_space<hbm>> -> memref<1x640x128xf32, #tpu.memory_space<hbm>>
      %dma_wait3A_206 = tpu.memref_squeeze %dma_wait3A_205 : memref<1x640x128xf32, #tpu.memory_space<hbm>> -> memref<640x128xf32, #tpu.memory_space<hbm>>
      %dma_wait3A_207 = arith.constant 0 : i32
      %dma_wait3A_208 = tpu.memref_slice %arg10[%mul3A_196, %dma_wait3A_207] : memref<10240x128xf32, #tpu.memory_space<vmem_shared>> -> memref<640x128xf32, #tpu.memory_space<vmem_shared>>
      tpu.wait_dma2 semaphore(%run_scoped3A : memref<!tpu.dma_semaphore, #tpu.memory_space<semaphore_mem>>) src(%dma_wait3A_208 : memref<640x128xf32, #tpu.memory_space<vmem_shared>>) dst(%dma_wait3A_206 : memref<640x128xf32, #tpu.memory_space<hbm>>)
      tpu.yield
    }) : () -> ()
    return
  }
}

module attributes {stable_mosaic.version = 14 : i64} {
  func.func @_mm_body(%arg0: i32, %arg1: memref<640x128xf32, #tpu.memory_space<vmem>>, %arg2: memref<2x640x128xf32, #tpu.memory_space<vmem>>, %arg3: memref<2x640x1xf32, #tpu.memory_space<vmem>>, %arg4: memref<128x128xf32, #tpu.memory_space<vmem>>, %arg5: memref<128x128xf32, #tpu.memory_space<vmem>>, %arg6: memref<1x128xf32, #tpu.memory_space<vmem>>, %arg7: memref<128x1xf32, #tpu.memory_space<vmem>>, %arg8: memref<128x1xf32, #tpu.memory_space<vmem>>, %arg9: memref<1x1xf32, #tpu.memory_space<vmem>>, %arg10: memref<640x1xf32, #tpu.memory_space<vmem>>, %arg11: memref<640x1xf32, #tpu.memory_space<vmem>>, %arg12: memref<640x1xf32, #tpu.memory_space<vmem>>) attributes {dimension_semantics = [#tpu.dimension_semantics<arbitrary>], iteration_bounds = array<i64: 16>, scalar_prefetch = 0 : i64, scratch_operands = 0 : i64, tpu.core_type = #tpu.core_type<tc>, window_params = [{transform_indices = @transform_0, window_bounds = array<i64: 640, 128>}, {transform_indices = @transform_1, window_bounds = array<i64: 2, 640, 128>}, {transform_indices = @transform_2, window_bounds = array<i64: 2, 640, 1>}, {pipeline_mode = #tpu.pipeline_mode<synchronous>, transform_indices = @transform_3, window_bounds = array<i64: 128, 128>}, {pipeline_mode = #tpu.pipeline_mode<synchronous>, transform_indices = @transform_4, window_bounds = array<i64: 128, 128>}, {pipeline_mode = #tpu.pipeline_mode<synchronous>, transform_indices = @transform_5, window_bounds = array<i64: 1, 128>}, {pipeline_mode = #tpu.pipeline_mode<synchronous>, transform_indices = @transform_6, window_bounds = array<i64: 128, 1>}, {pipeline_mode = #tpu.pipeline_mode<synchronous>, transform_indices = @transform_7, window_bounds = array<i64: 128, 1>}, {pipeline_mode = #tpu.pipeline_mode<synchronous>, transform_indices = @transform_8, window_bounds = array<i64: 1, 1>}, {transform_indices = @transform_9, window_bounds = array<i64: 640, 1>}, {transform_indices = @transform_10, window_bounds = array<i64: 640, 1>}, {transform_indices = @transform_11, window_bounds = array<i64: 640, 1>}]} {
    %get3A = arith.constant 0 : index
    %get3A_0 = arith.constant 0 : index
    %get3A_1 = arith.constant 0 : index
    %get3A_2 = vector.load %arg3[%get3A, %get3A_0, %get3A_1] : memref<2x640x1xf32, #tpu.memory_space<vmem>>, vector<1x640x1xf32>
    %get3A_3 = vector.shape_cast %get3A_2 : vector<1x640x1xf32> to vector<640x1xf32>
    %get3A_4 = arith.constant 1 : index
    %get3A_5 = arith.constant 0 : index
    %get3A_6 = arith.constant 0 : index
    %get3A_7 = vector.load %arg3[%get3A_4, %get3A_5, %get3A_6] : memref<2x640x1xf32, #tpu.memory_space<vmem>>, vector<1x640x1xf32>
    %get3A_8 = vector.shape_cast %get3A_7 : vector<1x640x1xf32> to vector<640x1xf32>
    %add3A = arith.addf %get3A_3, %get3A_8 : vector<640x1xf32>
    %max3A = arith.constant 1.000000e+00 : f32
    %max3A_9 = vector.broadcast %max3A : f32 to vector<640x1xf32>
    %max3A_10 = arith.maximumf %add3A, %max3A_9 : vector<640x1xf32>
    %div3A = arith.constant 1.000000e+00 : f32
    %div3A_11 = vector.broadcast %div3A : f32 to vector<640x1xf32>
    %div3A_12 = arith.divf %div3A_11, %max3A_10 : vector<640x1xf32>
    %get3A_13 = arith.constant 0 : index
    %get3A_14 = arith.constant 0 : index
    %get3A_15 = arith.constant 0 : index
    %get3A_16 = vector.load %arg2[%get3A_13, %get3A_14, %get3A_15] : memref<2x640x128xf32, #tpu.memory_space<vmem>>, vector<1x640x128xf32>
    %get3A_17 = vector.shape_cast %get3A_16 : vector<1x640x128xf32> to vector<640x128xf32>
    %get3A_18 = arith.constant 1 : index
    %get3A_19 = arith.constant 0 : index
    %get3A_20 = arith.constant 0 : index
    %get3A_21 = vector.load %arg2[%get3A_18, %get3A_19, %get3A_20] : memref<2x640x128xf32, #tpu.memory_space<vmem>>, vector<1x640x128xf32>
    %get3A_22 = vector.shape_cast %get3A_21 : vector<1x640x128xf32> to vector<640x128xf32>
    %add3A_23 = arith.addf %get3A_17, %get3A_22 : vector<640x128xf32>
    %mul3A = vector.broadcast %div3A_12 : vector<640x1xf32> to vector<640x128xf32>
    %mul3A_24 = arith.mulf %add3A_23, %mul3A : vector<640x128xf32>
    %get3A_25 = arith.constant 0 : index
    %get3A_26 = arith.constant 0 : index
    %get3A_27 = vector.load %arg4[%get3A_25, %get3A_26] : memref<128x128xf32, #tpu.memory_space<vmem>>, vector<128x128xf32>
    %dot_general3A = arith.constant dense<0.000000e+00> : vector<640x128xf32>
    %dot_general3A_28 = tpu.matmul %mul3A_24, %get3A_27, %dot_general3A {dimension_numbers = #tpu.dot_dimension_numbers<[1], [0], [0], [1], [0, 0, 1, 1], [], []>, transpose_lhs_hint = false} : vector<640x128xf32>, vector<128x128xf32>, vector<640x128xf32> -> vector<640x128xf32>
    %get3A_29 = arith.constant 0 : index
    %get3A_30 = arith.constant 0 : index
    %get3A_31 = vector.load %arg1[%get3A_29, %get3A_30] : memref<640x128xf32, #tpu.memory_space<vmem>>, vector<640x128xf32>
    %get3A_32 = arith.constant 0 : index
    %get3A_33 = arith.constant 0 : index
    %get3A_34 = vector.load %arg5[%get3A_32, %get3A_33] : memref<128x128xf32, #tpu.memory_space<vmem>>, vector<128x128xf32>
    %dot_general3A_35 = arith.constant dense<0.000000e+00> : vector<640x128xf32>
    %dot_general3A_36 = tpu.matmul %get3A_31, %get3A_34, %dot_general3A_35 {dimension_numbers = #tpu.dot_dimension_numbers<[1], [0], [0], [1], [0, 0, 1, 1], [], []>, transpose_lhs_hint = false} : vector<640x128xf32>, vector<128x128xf32>, vector<640x128xf32> -> vector<640x128xf32>
    %add3A_37 = arith.addf %dot_general3A_28, %dot_general3A_36 : vector<640x128xf32>
    %get3A_38 = arith.constant 0 : index
    %get3A_39 = arith.constant 0 : index
    %get3A_40 = vector.load %arg6[%get3A_38, %get3A_39] : memref<1x128xf32, #tpu.memory_space<vmem>>, vector<1x128xf32>
    %add3A_41 = vector.broadcast %get3A_40 : vector<1x128xf32> to vector<640x128xf32>
    %add3A_42 = arith.addf %add3A_37, %add3A_41 : vector<640x128xf32>
    %max3A_43 = arith.constant 0.000000e+00 : f32
    %max3A_44 = vector.broadcast %max3A_43 : f32 to vector<640x128xf32>
    %max3A_45 = arith.maximumf %add3A_42, %max3A_44 : vector<640x128xf32>
    %get3A_46 = arith.constant 0 : index
    %get3A_47 = arith.constant 0 : index
    %get3A_48 = vector.load %arg7[%get3A_46, %get3A_47] : memref<128x1xf32, #tpu.memory_space<vmem>>, vector<128x1xf32>
    %dot_general3A_49 = arith.constant dense<0.000000e+00> : vector<640x1xf32>
    %dot_general3A_50 = tpu.matmul %max3A_45, %get3A_48, %dot_general3A_49 {dimension_numbers = #tpu.dot_dimension_numbers<[1], [0], [0], [1], [0, 0, 1, 1], [], []>, transpose_lhs_hint = false} : vector<640x128xf32>, vector<128x1xf32>, vector<640x1xf32> -> vector<640x1xf32>
    %swap3A = arith.constant 0 : index
    %swap3A_51 = arith.constant 0 : index
    %swap3A_52 = vector.load %arg10[%swap3A, %swap3A_51] : memref<640x1xf32, #tpu.memory_space<vmem>>, vector<640x1xf32>
    tpu.vector_store %arg10[%swap3A, %swap3A_51], %dot_general3A_50 {strides = array<i32>} : memref<640x1xf32, #tpu.memory_space<vmem>>, vector<640x1xf32>,
    %get3A_53 = arith.constant 0 : index
    %get3A_54 = arith.constant 0 : index
    %get3A_55 = vector.load %arg8[%get3A_53, %get3A_54] : memref<128x1xf32, #tpu.memory_space<vmem>>, vector<128x1xf32>
    %dot_general3A_56 = arith.constant dense<0.000000e+00> : vector<640x1xf32>
    %dot_general3A_57 = tpu.matmul %max3A_45, %get3A_55, %dot_general3A_56 {dimension_numbers = #tpu.dot_dimension_numbers<[1], [0], [0], [1], [0, 0, 1, 1], [], []>, transpose_lhs_hint = false} : vector<640x128xf32>, vector<128x1xf32>, vector<640x1xf32> -> vector<640x1xf32>
    %get3A_58 = arith.constant 0 : index
    %get3A_59 = arith.constant 0 : index
    %get3A_60 = vector.load %arg9[%get3A_58, %get3A_59] : memref<1x1xf32, #tpu.memory_space<vmem>>, vector<1x1xf32>
    %add3A_61 = vector.broadcast %get3A_60 : vector<1x1xf32> to vector<640x1xf32>
    %add3A_62 = arith.addf %dot_general3A_57, %add3A_61 : vector<640x1xf32>
    %swap3A_63 = arith.constant 0 : index
    %swap3A_64 = arith.constant 0 : index
    %swap3A_65 = vector.load %arg11[%swap3A_63, %swap3A_64] : memref<640x1xf32, #tpu.memory_space<vmem>>, vector<640x1xf32>
    tpu.vector_store %arg11[%swap3A_63, %swap3A_64], %add3A_62 {strides = array<i32>} : memref<640x1xf32, #tpu.memory_space<vmem>>, vector<640x1xf32>,
    %swap3A_66 = arith.constant 0 : index
    %swap3A_67 = arith.constant 0 : index
    %swap3A_68 = vector.load %arg12[%swap3A_66, %swap3A_67] : memref<640x1xf32, #tpu.memory_space<vmem>>, vector<640x1xf32>
    tpu.vector_store %arg12[%swap3A_66, %swap3A_67], %max3A_10 {strides = array<i32>} : memref<640x1xf32, #tpu.memory_space<vmem>>, vector<640x1xf32>,
    return
  }
  func.func @transform_0(%arg0: i32) -> (i32, i32) {
    %c0_i32 = arith.constant 0 : i32
    %c0_i32_0 = arith.constant 0 : i32
    return %arg0, %c0_i32 : i32, i32
  }
  func.func @transform_1(%arg0: i32) -> (i32, i32, i32) {
    %c0_i32 = arith.constant 0 : i32
    %c0_i32_0 = arith.constant 0 : i32
    %c0_i32_1 = arith.constant 0 : i32
    return %c0_i32, %arg0, %c0_i32_0 : i32, i32, i32
  }
  func.func @transform_2(%arg0: i32) -> (i32, i32, i32) {
    %c0_i32 = arith.constant 0 : i32
    %c0_i32_0 = arith.constant 0 : i32
    %c0_i32_1 = arith.constant 0 : i32
    return %c0_i32, %arg0, %c0_i32_0 : i32, i32, i32
  }
  func.func @transform_3(%arg0: i32) -> (i32, i32) {
    %c0_i32 = arith.constant 0 : i32
    %c0_i32_0 = arith.constant 0 : i32
    %c0_i32_1 = arith.constant 0 : i32
    return %c0_i32, %c0_i32_0 : i32, i32
  }
  func.func @transform_4(%arg0: i32) -> (i32, i32) {
    %c0_i32 = arith.constant 0 : i32
    %c0_i32_0 = arith.constant 0 : i32
    %c0_i32_1 = arith.constant 0 : i32
    return %c0_i32, %c0_i32_0 : i32, i32
  }
  func.func @transform_5(%arg0: i32) -> (i32, i32) {
    %c0_i32 = arith.constant 0 : i32
    %c0_i32_0 = arith.constant 0 : i32
    %c0_i32_1 = arith.constant 0 : i32
    return %c0_i32, %c0_i32_0 : i32, i32
  }
  func.func @transform_6(%arg0: i32) -> (i32, i32) {
    %c0_i32 = arith.constant 0 : i32
    %c0_i32_0 = arith.constant 0 : i32
    %c0_i32_1 = arith.constant 0 : i32
    return %c0_i32, %c0_i32_0 : i32, i32
  }
  func.func @transform_7(%arg0: i32) -> (i32, i32) {
    %c0_i32 = arith.constant 0 : i32
    %c0_i32_0 = arith.constant 0 : i32
    %c0_i32_1 = arith.constant 0 : i32
    return %c0_i32, %c0_i32_0 : i32, i32
  }
  func.func @transform_8(%arg0: i32) -> (i32, i32) {
    %c0_i32 = arith.constant 0 : i32
    %c0_i32_0 = arith.constant 0 : i32
    %c0_i32_1 = arith.constant 0 : i32
    return %c0_i32, %c0_i32_0 : i32, i32
  }
  func.func @transform_9(%arg0: i32) -> (i32, i32) {
    %c0_i32 = arith.constant 0 : i32
    %c0_i32_0 = arith.constant 0 : i32
    return %arg0, %c0_i32 : i32, i32
  }
  func.func @transform_10(%arg0: i32) -> (i32, i32) {
    %c0_i32 = arith.constant 0 : i32
    %c0_i32_0 = arith.constant 0 : i32
    return %arg0, %c0_i32 : i32, i32
  }
  func.func @transform_11(%arg0: i32) -> (i32, i32) {
    %c0_i32 = arith.constant 0 : i32
    %c0_i32_0 = arith.constant 0 : i32
    return %arg0, %c0_i32 : i32, i32
  }
}

</mosaic_0001>

<sc_bundles>
// kernel: kernel.12.cloned.1.call-start
scs
__scs_entry_jumppad:
0x0: {  	(pc) =	sbr.rel $0x88, $3  }
0x1: {  	(tag) =	ssettag $0x0;
	lr =	simm.s32 $0x1  }
0x2: {  	[smem:$0x3F99] =	sst lr;
	_ =	strace $0xD0000000  }
0x3: {  	_ = 	snop  }
0x4: {  	_ = 	snop  }
0x5: {  	_ = 	snop  }
0x6: {  	_ = 	snop  }
0x7: {  	_ = 	snop  }
__scs_overlays_trampoline_lowered:
0x8: {  	[smem:$0x3FA8] =	sst s0  }
0x9: {  	[smem:$0x3FA9] =	sst s1  }
0xa: {  	[smem:$0x3FAA] =	sst s2  }
0xb: {  	[smem:$0x3FAB] =	sst s3  }
0xc: {  	[smem:$0x3FAC] =	sst s4  }
0xd: {  	[smem:$0x3FAD] =	sst s5  }
0xe: {  	[smem:$0x3FAE] =	sst s6  }
0xf: {  	[smem:$0x3FAF] =	sst s7  }
0x10: {  	[smem:$0x3FB0] =	sst s8  }
0x11: {  	[smem:$0x3FB1] =	sst s9;
	s0 =	simm.s32 @!p0 $0x0  }
0x12: {  	s1 =	sld [smem:$0x3F97];
	s0 =	simm.s32 @p0 $0x1  }
0x13: {  	[smem:$0x3FB2] =	sst s0;
	s0 =	simm.s32 @!p1 $0x0  }
0x14: {  	s2 =	sld [smem:$0x3F96];
	s0 =	simm.s32 @p1 $0x1  }
0x15: {  	[smem:$0x3FB3] =	sst s0;
	s0 =	simm.s32 @!p2 $0x0  }
0x16: {  	s3 =	sld [smem:$0x3FDB];
	s0 =	simm.s32 @p2 $0x1  }
0x17: {  	s4 =	simm.s32 $0x1BF5;
	[smem:$0x3FB5] =	sst s0  }
0x18: {  	s0 =	sld [smem:$0x3F98];
	_ =	swait.ge [sflag:s4], $0x0  }
0x19: {  	s7 =	sld [smem:$0x3F99]  }
0x1a: {  	s8 =	sadd.s32 $0xFFFFE003, lr  }
0x1b: {  	s9 =	sadd.s32 $0xFFFFFEF7, lr;
	s5 =	simm.s32 $0xFFFFFFFF;
	p2 =	slt.u32 s8, $0xFFFFF086  }
0x1c: {  	p1 =	slt.u32 s9, $0xF7A;
	s5 =	simm.s32 @!p2 $0x0  }
0x1d: {  	s5 =	simm.s32 @p1 $0x1;
	p0 =	seq.s32 s7, s2  }
0x1e: {  	s7 =	smul.u32 @!p0 $0xF7A, s2;
	p2 =	seq.s32 @!p0 s5, $0x0  }
0x1f: {  	s9 =	smul.u32 $0xF7A, s1;
	s8 =	simm.s32 @!p0 $0x1BF5;
	p2 =	por !p2, p0  }
0x20: {  	[sflag:s8] =	ssyncset.s32 @!p0 $0xFFFFF086;
	s6 =	sadd.s32 @!p0 s3, s7;
	s7 =	simm.s32 @!p0 $0x108  }
0x21: {  	s3 =	sadd.s32 s3, s9;
	s6 =	sadd.s32 @!p0 $0x88, s6;
	s7 =	simm.s32 @p2 $0x1082  }
0x22: {  	[simem:s7], [sflag:s8] =	dma.local @!p0 [hbm:s6], $0xF7A  }
0x23: {  	s9 =	sor.u32 $0xD0000000, s2;
	s6 =	simm.s32 $0x108;
	_ =	swait.ge @!p0 [sflag:s8], $0x0  }
0x24: {  	s3 =	sadd.s32 $0x88, s3;
	s6 =	simm.s32 @!p1 $0x1082;
	[sflag:s4] =	ssyncset.s32 $0xFFFFF086  }
0x25: {  	[simem:s6], [sflag:s4] =	dma.local [hbm:s3], $0xF7A  }
0x26: {  	[smem:$0x3F99] =	sst s1;
	(tag) =	ssettag s2;
	_ =	strace s9  }
0x27: {  	s1 =	sld [smem:$0x3FA9]  }
0x28: {  	s2 =	sld [smem:$0x3FAA]  }
0x29: {  	s4 =	sld [smem:$0x3FAC]  }
0x2a: {  	p0 =	seq.s32 s5, $0x0;
	s5 =	sld [smem:$0x3FAD]  }
0x2b: {  	s6 =	sld [smem:$0x3FAE]  }
0x2c: {  	s7 =	sld [smem:$0x3FAF]  }
0x2d: {  	s3 =	simm.s32 $0x108;
	s8 =	sld [smem:$0x3FB0]  }
0x2e: {  	s3 =	simm.s32 @!p0 $0x1082;
	s9 =	sld [smem:$0x3FB1]  }
0x2f: {  	lr =	sadd.s32 s0, s3;
	s0 =	sld [smem:$0x3FA8]  }
0x30: {  	s3 =	sld [smem:$0x3FAB]  }
0x31: {  	[smem:$0x3FB4] =	sst s10  }
0x32: {  	s10 =	sld [smem:$0x3FB2];
	_ =	sdelay $0x3  }
0x33: {  	p0 =	seq.s32 s10, $0x1;
	s10 =	sld [smem:$0x3FB4];
	_ =	sdelay $0x3  }
0x34: {  	[smem:$0x3FB4] =	sst s10  }
0x35: {  	s10 =	sld [smem:$0x3FB3];
	_ =	sdelay $0x3  }
0x36: {  	p1 =	seq.s32 s10, $0x1;
	s10 =	sld [smem:$0x3FB4];
	_ =	sdelay $0x3  }
0x37: {  	[smem:$0x3FB4] =	sst s10  }
0x38: {  	s10 =	sld [smem:$0x3FB5]  }
0x39: {  	_ = 	snop;
	(pc) =	sbr.ind lr, $3  }
0x3a: {  	_ = 	snop  }
0x3b: {  	_ = 	snop  }
0x3c: {  	p2 =	seq.s32 s10, $0x1;
	s10 =	sld [smem:$0x3FB4]  }
0x3d: {  	_ =	shalt  }
0x3e: {  	_ =	shalt  }
0x3f: {  	_ =	shalt  }
0x40: {  	_ =	shalt  }
0x41: {  	_ =	shalt  }
0x42: {  	_ =	shalt  }
0x43: {  	_ =	shalt  }
0x44: {  	_ =	shalt  }
0x45: {  	_ =	shalt  }
0x46: {  	_ =	shalt  }
0x47: {  	_ =	shalt  }
0x48: {  	_ =	shalt  }
0x49: {  	_ =	shalt  }
0x4a: {  	_ =	shalt  }
0x4b: {  	_ =	shalt  }
0x4c: {  	_ =	shalt  }
0x4d: {  	_ =	shalt  }
0x4e: {  	_ =	shalt  }
0x4f: {  	_ =	shalt  }
0x50: {  	_ =	shalt  }
0x51: {  	_ =	shalt  }
0x52: {  	_ =	shalt  }
0x53: {  	_ =	shalt  }
0x54: {  	_ =	shalt  }
0x55: {  	_ =	shalt  }
0x56: {  	_ =	shalt  }
0x57: {  	_ =	shalt  }
0x58: {  	_ =	shalt  }
0x59: {  	_ =	shalt  }
0x5a: {  	_ =	shalt  }
0x5b: {  	_ =	shalt  }
0x5c: {  	_ =	shalt  }
0x5d: {  	_ =	shalt  }
0x5e: {  	_ =	shalt  }
0x5f: {  	_ =	shalt  }
0x60: {  	_ =	shalt  }
0x61: {  	_ =	shalt  }
0x62: {  	_ =	shalt  }
0x63: {  	_ =	shalt  }
0x64: {  	_ =	shalt  }
0x65: {  	_ =	shalt  }
0x66: {  	_ =	shalt  }
0x67: {  	_ =	shalt  }
0x68: {  	_ =	shalt  }
0x69: {  	_ =	shalt  }
0x6a: {  	_ =	shalt  }
0x6b: {  	_ =	shalt  }
0x6c: {  	_ =	shalt  }
0x6d: {  	_ =	shalt  }
0x6e: {  	_ =	shalt  }
0x6f: {  	_ =	shalt  }
0x70: {  	_ =	shalt  }
0x71: {  	_ =	shalt  }
0x72: {  	_ =	shalt  }
0x73: {  	_ =	shalt  }
0x74: {  	_ =	shalt  }
0x75: {  	_ =	shalt  }
0x76: {  	_ =	shalt  }
0x77: {  	_ =	shalt  }
0x78: {  	_ =	shalt  }
0x79: {  	_ =	shalt  }
0x7a: {  	_ =	shalt  }
0x7b: {  	_ =	shalt  }
0x7c: {  	_ =	shalt  }
0x7d: {  	_ =	shalt  }
0x7e: {  	_ =	shalt  }
0x7f: {  	_ =	shalt  }
0x80: {  	_ =	shalt  }
0x81: {  	_ =	shalt  }
0x82: {  	_ =	shalt  }
0x83: {  	_ =	shalt  }
0x84: {  	_ =	shalt  }
0x85: {  	_ =	shalt  }
0x86: {  	_ =	shalt  }
0x87: {  	_ =	shalt  }
.Lfunc_end0:
.L_simem_size_0:
called_computation.2_lowered:
.L_overlay_start_0:
0x88: {  	s2 =	sld [smem:$0x3FD9]  }
0x89: {  	s3 =	sld [smem:$0x3FFE];
	_ =	sdelay $0x1  }
0x8a: {  	s1 =	srdreg.scid  }
0x8b: {  	s0 =	sand.u32 $0x1, s1  }
0x8c: {  	s17 =	sshll.u32 s0, $0xA;
	s2 =	sadd.s32 s3, s2  }
0x8d: {  	s2 =	sadd.s32 s2, s17  }
0x8e: {  	[smem:$0x3FC0] =	sst s2  }
0x8f: {  	_ = 	snop  }
0x90: {  	s2 =	sld [smem:$0x3FD0];
	(tm) =	ssettm $0x1  }
0x91: {  	s18 =	sld [smem:$0x3FFB];
	_ =	sdelay $0x3  }
0x92: {  	_ =	strace s18  }
0x93: {  	s3 =	sld [smem:$0x3FFC];
	_ =	sdelay $0x3  }
0x94: {  	_ =	strace s3  }
0x95: {  	s3 =	sld [smem:$0x3FFD];
	_ =	sdelay $0x3  }
0x96: {  	_ =	strace s3  }
0x97: {  	_ =	strace $0x8FFFFFFF  }
0x98: {  	s19 =	sld [smem:$0x3FDB];
	_ =	sdelay $0x1  }
0x99: {  	s4 =	simm.s32 $_scs_section_size  }
0x9a: {  	s5 =	simm.s32 $_size__tile_overlayer_lowered;
	s6 =	simm.s32 $_tile_overlayer_lowered  }
0x9b: {  	s22 =	simm.s32 $0x1BFF;
	s21 =	sshll.u32 s6, $0x1;
	s3 =	sadd.s32 s4, s19  }
0x9c: {  	s7 =	simm.s32 $0x0;
	s20 =	sshll.u32 s5, $0x1;
	s5 =	sadd.s32 s21, s3  }
0x9d: {  	[timem:s7], [sflag:s22] =	dma.local [hbm:s5], s20  }
0x9e: {  	_ =	swait.ge [sflag:s22], s20  }
0x9f: {  	s4 =	ssub.s32 $0x0, s20;
	[sflag:s22] =	ssyncset.done $0x0  }
0xa0: {  	[sflag:s22] =	ssyncadd.s32 s4;
	_ =	sdelay $0x1  }
0xa1: {  	s23 =	simm.s32 $0x1B8B  }
0xa2: {  	_ =	swait.ge [sflag:s23], $0x1  }
0xa3: {  	[sflag:s23] =	ssyncset.done $0x0  }
0xa4: {  	s25 =	simm.s32 $0x1B8E;
	s24 =	sld [smem:$0x3FFE];
	[sflag:s23] =	ssyncadd.s32 $0xFFFFFFFF  }
0xa5: {  	s26 =	simm.s32 $execute0_lowered;
	[smem:$0x3FD2] =	sst s25  }
0xa6: {  	s5 =	sshll.u32 s26, $0x1;
	_ =	strace $0x8000004C;
	[dreg:$0x1] =	wrdreg $0xFFFFFFFF  }
0xa7: {  	s28 =	simm.s32 $_size_execute0_lowered;
	s3 =	sadd.s32 s3, s5;
	[dreg:$0x0] =	wrdreg $0x0  }
0xa8: {  	s5 =	sshll.u32 s28, $0x1;
	[dreg:$0x2] =	wrdreg s3  }
0xa9: {  	[dreg:$0x3] =	wrdreg s5  }
0xaa: {  	[dreg:$0x4] =	wrdreg $0xC0  }
0xab: {  	_ =	task [dreg:s7], $0x5FFFF  }
0xac: {  	[dreg:$0x1] =	wrdreg $0xFFFFFFFF  }
0xad: {  	[dreg:$0x0] =	wrdreg $0x60  }
0xae: {  	[dreg:$0x2] =	wrdreg s24  }
0xaf: {  	[dreg:$0x3] =	wrdreg s2  }
0xb0: {  	[dreg:$0x4] =	wrdreg $0x17F800  }
0xb1: {  	[dreg:$0x5] =	wrdreg $0x9  }
0xb2: {  	_ =	task.clear_ibuf [dreg:s7], $0x6FFFF;
	_ =	strace $0x9000004C  }
0xb3: {  	s29 =	simm.s32 $0x9;
	_ =	strace $0x8000004E  }
0xb4: {  	_ =	swait.ge [sflag:s29], $0x1  }
0xb5: {  	[sflag:s29] =	ssyncadd.s32 $0xFFFFFFFF  }
0xb6: {  	_ =	strace $0x9000004E  }
0xb7: {  	_ =	sfence  }
0xb8: {  	s30 =	sld [smem:$0x0];
	_ =	sdelay $0x2  }
0xb9: {  	s31 =	sshll.u32 s1, $0xD;
	s1 =	sshrl.u32 s1, $0x2  }
0xba: {  	s3 =	sand.u32 $0x4000, s31;
	s1 =	sadd.s32 s1, s30  }
0xbb: {  	s0 =	sor.u32 s3, s0;
	s1 =	sshll.u32 s1, $0x11  }
0xbc: {  	s0 =	sor.u32 s1, s0  }
0xbd: {  	s0 =	sadd.s32 $0x8F2B, s0  }
0xbe: {  	[sflag:s0] =	ssyncadd.remote.s32 $0x1  }
0xbf: {  	_ =	sfence.sel $0xFFFF  }
0xc0: {  	[dreg:$0x0] =	wrdreg $0xFFFFFFFF;
	(pc) =	sbr.abs _section_cstart, $3  }
0xc1: {  	[dreg:$0x1] =	wrdreg $0xFFFFFFFF  }
0xc2: {  	_ =	task.clear_ibuf [dreg:s7], $0x2FFFF;
	_ =	strace $0x9FFFFFFF  }
0xc3: {  	(tm) =	ssettm $0x7FFFFFFF  }
tec
execute0_lowered:
.L_overlay_start_1:
0x0: {  	(tag) =	ssettag $0x1  }
0x1: {  	s4 =	srdreg.scid  }
0x2: {  	s4 =	sand.u32 $0x1, s4  }
0x3: {  	p0 =	seq.s32 s4, $0x1  }
.Ltmp0:
0x4: {  	s3 =	rddreg [dreg:$0x0];
	(pc) =	sbr.rel @p0 .LBB2_8-.Ltmp0, $4  }
0x5: {  	s1 =	rddreg [dreg:$0x1]  }
0x6: {  	s2 =	rddreg [dreg:$0x2];
	s0 =	simm.s32 $0x0  }
0x7: {  	[smem:$0x7FF] =	sst s0  }
0x8: {  	s5 =	rddreg [dreg:$0x3];
	s11 =	stileid.u32;
	_ =	strace $0x8000004D  }
0x9: {  	s4 =	smul.u32 $0x50, s11  }
0xa: {  	s5 =	sshrl.u32 s11, $0x3;
	s6 =	sadd.s32 $0x6AE00, s3;
	s7 =	smul.u32 $0x5000, s11  }
0xb: {  	s8 =	sadd.s32 $0x7AE00, s3;
	s10 =	sadd.s32 $0x600, s3;
	s5 =	smul.u32 $0x50000, s5  }
0xc: {  	[tilespmem:s0], [sflag:$0x1] =	stream.linear.gather [hbm4b:s10+s0], $0x2800, $0x38;
	[tilespmem:$0x1A780] =	vst v63  }
0xd: {  	s22 =	sadd.s32 s4, s3;
	s7 =	sshrl.u32 s7, $0x2;
	s1 =	sadd.s32 s1, s4  }
0xe: {  	s5 =	sshrl.u32 s5, $0x2;
	s19 =	sadd.s32 $0x1200, s22;
	[dreg:$0x4] =	wrdreg s1  }
0xf: {  	s13 =	sadd.s32 s7, s2;
	s3 =	sadd.s32 $0xC00, s22;
	[dreg:$0x6] =	wrdreg s19  }
0x10: {  	s5 =	sadd.s32 s5, s2;
	s2 =	sadd.s32 $0x100, s13;
	[dreg:$0x5] =	wrdreg s3  }
0x11: {  	s23 =	sadd.s32 $0x180, s13;
	[smem:$0x7E1] =	sst s2  }
0x12: {  	s24 =	sadd.s32 $0x200, s13;
	[smem:$0x7E2] =	sst s23  }
0x13: {  	s25 =	sadd.s32 $0x280, s13;
	[smem:$0x7E3] =	sst s24  }
0x14: {  	s26 =	sadd.s32 $0x300, s13;
	[smem:$0x7E4] =	sst s25  }
0x15: {  	s28 =	sadd.s32 $0x380, s13;
	[smem:$0x7E5] =	sst s26  }
0x16: {  	s29 =	sadd.s32 $0x14000, s13;
	[dreg:$0x1d] =	wrdreg s28  }
0x17: {  	s7 =	sadd.s32 $0x14080, s13;
	[dreg:$0x16] =	wrdreg s29  }
0x18: {  	s12 =	sadd.s32 $0x14100, s13;
	[dreg:$0x11] =	wrdreg s7  }
0x19: {  	s14 =	sadd.s32 $0x14180, s13;
	[dreg:$0xc] =	wrdreg s12  }
0x1a: {  	s15 =	sadd.s32 $0x14200, s13;
	[dreg:$0xb] =	wrdreg s14  }
0x1b: {  	s16 =	sadd.s32 $0x14280, s13;
	[dreg:$0xa] =	wrdreg s15  }
0x1c: {  	s17 =	sadd.s32 $0x14300, s13;
	[dreg:$0x9] =	wrdreg s16  }
0x1d: {  	s18 =	sadd.s32 $0x14380, s13;
	[dreg:$0x8] =	wrdreg s17  }
0x1e: {  	s20 =	sshll.u32 s11, $0xC;
	[dreg:$0x7] =	wrdreg s18  }
0x1f: {  	s2 =	sadd.s32 s6, s20;
	s24 =	simm.s32 $0x2800;
	s26 =	sadd.s32 $0xB00, s13  }
0x20: {  	[tilespmem:s24], [sflag:$0x2] =	stream.linear.gather [hbm4b:s2+s0], $0x7D00, $0x38;
	[tilespmem:$0x1A780] =	vst v63  }
0x21: {  	s28 =	sadd.s32 $0xF00, s13;
	[smem:$0x7E7] =	sst s26  }
0x22: {  	s29 =	sadd.s32 $0x1300, s13;
	[smem:$0x7E8] =	sst s28  }
0x23: {  	[smem:$0x7E9] =	sst s29;
	s26 =	sadd.s32 $0x780, s13  }
0x24: {  	s28 =	sadd.s32 $0xB80, s13;
	[smem:$0x7EA] =	sst s26  }
0x25: {  	s21 =	sadd.s32 s8, s20;
	s29 =	sadd.s32 $0xF80, s13;
	[smem:$0x7EB] =	sst s28  }
0x26: {  	s25 =	simm.s32 $0xA800;
	[smem:$0x7EC] =	sst s29;
	s26 =	sadd.s32 $0x1380, s13  }
0x27: {  	[tilespmem:s25], [sflag:$0x3] =	stream.linear.gather [hbm4b:s21+s0], $0x7D00, $0x38;
	[tilespmem:$0x1A780] =	vst v63  }
0x28: {  	s28 =	sadd.s32 $0x14400, s13;
	[smem:$0x7ED] =	sst s26  }
0x29: {  	s29 =	sadd.s32 $0x14800, s13;
	[smem:$0x7EE] =	sst s28  }
0x2a: {  	s25 =	sadd.s32 $0x700, s13;
	[smem:$0x7EF] =	sst s29  }
0x2b: {  	s26 =	sadd.s32 $0x14C00, s13;
	[smem:$0x7E6] =	sst s25  }
0x2c: {  	s28 =	sadd.s32 $0x15000, s13;
	[smem:$0x7F0] =	sst s26  }
0x2d: {  	s9 =	sshll.u32 s11, $0x7;
	s29 =	sadd.s32 $0x14480, s13;
	[smem:$0x7F1] =	sst s28  }
0x2e: {  	s9 =	sand.u32 $0x380, s9;
	[smem:$0x7F2] =	sst s29;
	s26 =	sadd.s32 $0x14880, s13  }
0x2f: {  	s22 =	sadd.s32 $0x400, s13;
	s28 =	sadd.s32 $0x14C80, s13;
	[smem:$0x7F3] =	sst s26  }
0x30: {  	s1 =	sadd.s32 $0x1000, s13;
	s29 =	sadd.s32 $0x15080, s13;
	[smem:$0x7F4] =	sst s28  }
0x31: {  	s19 =	sadd.s32 $0xC80, s13;
	[smem:$0x7F5] =	sst s29;
	s26 =	sadd.s32 $0x14500, s13  }
0x32: {  	s11 =	sadd.s32 $0x980, s13;
	s28 =	sadd.s32 $0x14900, s13;
	[smem:$0x7F6] =	sst s26  }
0x33: {  	s10 =	sadd.s32 $0xD80, s13;
	s29 =	sadd.s32 $0x14D00, s13;
	[smem:$0x7F7] =	sst s28  }
0x34: {  	s8 =	sadd.s32 $0x1180, s13;
	[smem:$0x7F8] =	sst s29;
	s26 =	sadd.s32 $0x15100, s13  }
0x35: {  	s4 =	sadd.s32 $0xE00, s13;
	s28 =	sadd.s32 $0x14580, s13;
	[smem:$0x7F9] =	sst s26  }
0x36: {  	s3 =	sadd.s32 $0x1200, s13;
	s29 =	sadd.s32 $0x14980, s13;
	[smem:$0x7FA] =	sst s28  }
0x37: {  	s31 =	sadd.s32 $0xE80, s13;
	[smem:$0x7FB] =	sst s29;
	s26 =	sadd.s32 $0x14D80, s13  }
0x38: {  	s30 =	sadd.s32 $0x1280, s13;
	s28 =	sadd.s32 $0x15180, s13;
	[smem:$0x7FC] =	sst s26  }
0x39: {  	s9 =	sadd.s32 s9, s5;
	s29 =	sadd.s32 $0x14600, s13;
	[smem:$0x7FD] =	sst s28  }
0x3a: {  	s5 =	sadd.s32 $0x80, s13;
	[dreg:$0x1f] =	wrdreg s29;
	s26 =	sadd.s32 $0x14A00, s13  }
0x3b: {  	s23 =	sadd.s32 $0xC00, s13;
	s28 =	sadd.s32 $0x14E00, s13;
	[dreg:$0x1e] =	wrdreg s26  }
0x3c: {  	s20 =	sadd.s32 $0x880, s13;
	s29 =	sadd.s32 $0x15200, s13;
	[dreg:$0x1c] =	wrdreg s28  }
0x3d: {  	s18 =	sadd.s32 $0x1080, s13;
	[dreg:$0x1b] =	wrdreg s29;
	s26 =	sadd.s32 $0x14680, s13  }
0x3e: {  	s17 =	sadd.s32 $0x500, s13;
	s28 =	sadd.s32 $0x14A80, s13;
	[dreg:$0x1a] =	wrdreg s26  }
0x3f: {  	s16 =	sadd.s32 $0x900, s13;
	s29 =	sadd.s32 $0x14E80, s13;
	[dreg:$0x19] =	wrdreg s28  }
0x40: {  	s15 =	sadd.s32 $0xD00, s13;
	[dreg:$0x18] =	wrdreg s29;
	s26 =	sadd.s32 $0x15280, s13  }
0x41: {  	s14 =	sadd.s32 $0x1100, s13;
	s28 =	sadd.s32 $0x14700, s13;
	[dreg:$0x17] =	wrdreg s26  }
0x42: {  	s12 =	sadd.s32 $0x580, s13;
	s29 =	sadd.s32 $0x14B00, s13;
	[dreg:$0x15] =	wrdreg s28  }
0x43: {  	s7 =	sadd.s32 $0x600, s13;
	[dreg:$0x14] =	wrdreg s29;
	s26 =	sadd.s32 $0x14F00, s13  }
0x44: {  	s6 =	sadd.s32 $0xA00, s13;
	s28 =	sadd.s32 $0x15300, s13;
	[dreg:$0x13] =	wrdreg s26  }
0x45: {  	s24 =	sadd.s32 $0x800, s13;
	s29 =	sadd.s32 $0x14780, s13;
	[dreg:$0x12] =	wrdreg s28  }
0x46: {  	s2 =	sadd.s32 $0x680, s13;
	[dreg:$0x10] =	wrdreg s29;
	s26 =	sadd.s32 $0x14B80, s13  }
0x47: {  	s21 =	sadd.s32 $0x480, s13;
	s28 =	sadd.s32 $0x14F80, s13;
	[dreg:$0xf] =	wrdreg s26  }
0x48: {  	s0 =	sadd.s32 $0xA80, s13;
	s29 =	sadd.s32 $0x15380, s13;
	[dreg:$0xd] =	wrdreg s28  }
0x49: {  	v0 =	vimm.f32 $0.0e+00;
	s25 =	simm.s32 $0x40;
	[dreg:$0xe] =	wrdreg s29;
	s26 =	simm.s32 $0x0  }
.LBB2_2:
0x4a: {  	p0 =	sne.s32 s25, $0x9FC0;
	[tilespmem:s26+$0x12800] =	vst v0;
	s26 =	smov.u32 s25;
	s25 =	sadd.s32 $0x40, s25  }
.Ltmp1:
0x4b: {  	(pc) =	sbr.rel @p0 .LBB2_2-.Ltmp1, $2  }
0x4c: {  	_ =	sdelay $0x2  }
0x4d: {  	s26 =	sshra.s32 s26, $0x2  }
0x4e: {  	[tilespmem:s26+$0x12800] =	vst v0;
	s25 =	simm.s32 $0x1  }
0x4f: {  	_ =	swait.ge [sflag:s25], $0x2800  }
0x50: {  	[sflag:s25] =	ssyncset.done $0x0  }
0x51: {  	s26 =	simm.s32 $0x2;
	[sflag:s25] =	ssyncadd.s32 $0xFFFFD800  }
0x52: {  	_ =	swait.ge [sflag:s26], $0x7D00  }
0x53: {  	[sflag:s26] =	ssyncset.done $0x0  }
0x54: {  	s29 =	simm.s32 $0x3;
	[sflag:s26] =	ssyncadd.s32 $0xFFFF8300  }
0x55: {  	_ =	swait.ge [sflag:s29], $0x7D00  }
0x56: {  	s28 =	simm.s32 $0x0;
	[sflag:s29] =	ssyncset.done $0x0  }
0x57: {  	s25 =	simm.s32 $0x0;
	s26 =	simm.s32 $0x12800;
	[sflag:s29] =	ssyncadd.s32 $0xFFFF8300  }
.LBB2_4:
0x58: {  	s29 =	sshra.s32 s28, $0x2  }
0x59: {  	v0 =	vld [tilespmem:s29+$0x2800];
	_ =	sdelay $0x4  }
0x5a: {  	v1 =	vld [tilespmem:s29+$0xA800];
	_ =	sdelay $0x2  }
0x5b: {  	v0 =	vld.idx.msk [tilespmem:v0+s25+$0x0], $0xffff;
	_ =	sdelay $0x4  }
0x5c: {  	[tilespmem:v1+s26+$0x0] =	vst.idx.add.f32.msk $0xffff, v0  }
0x5d: {  	v0 =	vld [tilespmem:s29+$0x2810];
	_ =	sdelay $0x4  }
0x5e: {  	v1 =	vld [tilespmem:s29+$0xA810];
	_ =	sdelay $0x2  }
0x5f: {  	v0 =	vld.idx.msk [tilespmem:v0+s25+$0x0], $0xffff;
	_ =	sdelay $0x4  }
0x60: {  	[tilespmem:v1+s26+$0x0] =	vst.idx.add.f32.msk $0xffff, v0  }
0x61: {  	v0 =	vld [tilespmem:s29+$0x2820];
	_ =	sdelay $0x4  }
0x62: {  	v1 =	vld [tilespmem:s29+$0xA820];
	_ =	sdelay $0x2  }
0x63: {  	v0 =	vld.idx.msk [tilespmem:v0+s25+$0x0], $0xffff;
	_ =	sdelay $0x4  }
0x64: {  	[tilespmem:v1+s26+$0x0] =	vst.idx.add.f32.msk $0xffff, v0  }
0x65: {  	v0 =	vld [tilespmem:s29+$0x2830];
	_ =	sdelay $0x4  }
0x66: {  	v1 =	vld [tilespmem:s29+$0xA830];
	_ =	sdelay $0x2  }
0x67: {  	v0 =	vld.idx.msk [tilespmem:v0+s25+$0x0], $0xffff;
	_ =	sdelay $0x4  }
0x68: {  	[tilespmem:v1+s26+$0x0] =	vst.idx.add.f32.msk $0xffff, v0  }
0x69: {  	v0 =	vld [tilespmem:s29+$0x2840];
	_ =	sdelay $0x4  }
0x6a: {  	v1 =	vld [tilespmem:s29+$0xA840];
	_ =	sdelay $0x2  }
0x6b: {  	p0 =	sne.s32 s28, $0x1F200;
	v0 =	vld.idx.msk [tilespmem:v0+s25+$0x0], $0xffff  }
.Ltmp2:
0x6c: {  	_ = 	snop;
	(pc) =	sbr.rel @p0 .LBB2_4-.Ltmp2, $2  }
0x6d: {  	_ =	sdelay $0x2  }
0x6e: {  	s28 =	sadd.s32 $0x200, s28;
	[tilespmem:v1+s26+$0x0] =	vst.idx.add.f32.msk $0xffff, v0  }
0x6f: {  	s25 =	simm.s32 $0x80;
	s26 =	simm.s32 $0x400;
	s28 =	simm.s32 $0x12800  }
0x70: {  	[spmem:s9] =	stream.strided.scatter [tilespmem:s28], [sflag:$0x4], $0x2800, s26, s25, $0x38;
	[tilespmem:$0x1A780] =	vst v63  }
0x71: {  	s9 =	simm.s32 $0x4  }
0x72: {  	_ =	swait.ge [sflag:s9], $0x2800  }
0x73: {  	[sflag:s9] =	ssyncset.done $0x0  }
0x74: {  	[sflag:s9] =	ssyncadd.s32 $0xFFFFD800  }
0x75: {  	s28 =	simm.s32 $0x15000;
	[bflag:$0x0] =	sbarrier.arrive $0xFFFF  }
0x76: {  	[tilespmem:s28], [sflag:$0x4] =	stream.linear.gather [spmem:s13], $0x80, $0x38;
	[tilespmem:$0x1A780] =	vst v63  }
0x77: {  	s29 =	simm.s32 $0x15400  }
0x78: {  	[tilespmem:s29], [sflag:$0x4] =	stream.linear.gather [spmem:s22], $0x80, $0x38;
	[tilespmem:$0x1A780] =	vst v63  }
0x79: {  	s25 =	simm.s32 $0x15800  }
0x7a: {  	[tilespmem:s25], [sflag:$0x4] =	stream.linear.gather [spmem:s24], $0x80, $0x38;
	[tilespmem:$0x1A780] =	vst v63  }
0x7b: {  	s26 =	simm.s32 $0x15C00  }
0x7c: {  	[tilespmem:s26], [sflag:$0x4] =	stream.linear.gather [spmem:s23], $0x80, $0x38;
	[tilespmem:$0x1A780] =	vst v63  }
0x7d: {  	s28 =	simm.s32 $0x16000  }
0x7e: {  	[tilespmem:s28], [sflag:$0x4] =	stream.linear.gather [spmem:s1], $0x80, $0x38;
	[tilespmem:$0x1A780] =	vst v63  }
0x7f: {  	_ =	swait.ge [sflag:s9], $0x280  }
0x80: {  	[sflag:s9] =	ssyncset.done $0x0  }
0x81: {  	s29 =	simm.s32 $0x15080;
	[sflag:s9] =	ssyncadd.s32 $0xFFFFFD80  }
0x82: {  	[tilespmem:s29], [sflag:$0x4] =	stream.linear.gather [spmem:s5], $0x80, $0x38;
	[tilespmem:$0x1A780] =	vst v63  }
0x83: {  	s13 =	simm.s32 $0x15480  }
0x84: {  	[tilespmem:s13], [sflag:$0x4] =	stream.linear.gather [spmem:s21], $0x80, $0x38;
	[tilespmem:$0x1A780] =	vst v63  }
0x85: {  	s22 =	simm.s32 $0x15880  }
0x86: {  	[tilespmem:s22], [sflag:$0x4] =	stream.linear.gather [spmem:s20], $0x80, $0x38;
	[tilespmem:$0x1A780] =	vst v63  }
0x87: {  	s23 =	simm.s32 $0x15C80  }
0x88: {  	[tilespmem:s23], [sflag:$0x4] =	stream.linear.gather [spmem:s19], $0x80, $0x38;
	[tilespmem:$0x1A780] =	vst v63  }
0x89: {  	s24 =	simm.s32 $0x16080  }
0x8a: {  	[tilespmem:s24], [sflag:$0x4] =	stream.linear.gather [spmem:s18], $0x80, $0x38;
	[tilespmem:$0x1A780] =	vst v63  }
0x8b: {  	_ =	swait.ge [sflag:s9], $0x280  }
0x8c: {  	s26 =	sld [smem:$0x7E1]  }
0x8d: {  	[sflag:s9] =	ssyncset.done $0x0  }
0x8e: {  	s25 =	simm.s32 $0x15100;
	[sflag:s9] =	ssyncadd.s32 $0xFFFFFD80  }
0x8f: {  	[tilespmem:s25], [sflag:$0x4] =	stream.linear.gather [spmem:s26], $0x80, $0x38;
	[tilespmem:$0x1A780] =	vst v63  }
0x90: {  	s28 =	simm.s32 $0x15500  }
0x91: {  	[tilespmem:s28], [sflag:$0x4] =	stream.linear.gather [spmem:s17], $0x80, $0x38;
	[tilespmem:$0x1A780] =	vst v63  }
0x92: {  	s29 =	simm.s32 $0x15900  }
0x93: {  	[tilespmem:s29], [sflag:$0x4] =	stream.linear.gather [spmem:s16], $0x80, $0x38;
	[tilespmem:$0x1A780] =	vst v63  }
0x94: {  	s5 =	simm.s32 $0x15D00  }
0x95: {  	[tilespmem:s5], [sflag:$0x4] =	stream.linear.gather [spmem:s15], $0x80, $0x38;
	[tilespmem:$0x1A780] =	vst v63  }
0x96: {  	s13 =	simm.s32 $0x16100  }
0x97: {  	[tilespmem:s13], [sflag:$0x4] =	stream.linear.gather [spmem:s14], $0x80, $0x38;
	[tilespmem:$0x1A780] =	vst v63  }
0x98: {  	_ =	swait.ge [sflag:s9], $0x280  }
0x99: {  	s16 =	sld [smem:$0x7E2]  }
0x9a: {  	[sflag:s9] =	ssyncset.done $0x0  }
0x9b: {  	s15 =	simm.s32 $0x15180;
	[sflag:s9] =	ssyncadd.s32 $0xFFFFFD80  }
0x9c: {  	[tilespmem:s15], [sflag:$0x4] =	stream.linear.gather [spmem:s16], $0x80, $0x38;
	[tilespmem:$0x1A780] =	vst v63  }
0x9d: {  	s17 =	simm.s32 $0x15580  }
0x9e: {  	[tilespmem:s17], [sflag:$0x4] =	stream.linear.gather [spmem:s12], $0x80, $0x38;
	[tilespmem:$0x1A780] =	vst v63  }
0x9f: {  	s18 =	simm.s32 $0x15980  }
0xa0: {  	[tilespmem:s18], [sflag:$0x4] =	stream.linear.gather [spmem:s11], $0x80, $0x38;
	[tilespmem:$0x1A780] =	vst v63  }
0xa1: {  	s19 =	simm.s32 $0x15D80  }
0xa2: {  	[tilespmem:s19], [sflag:$0x4] =	stream.linear.gather [spmem:s10], $0x80, $0x38;
	[tilespmem:$0x1A780] =	vst v63  }
0xa3: {  	s20 =	simm.s32 $0x16180  }
0xa4: {  	[tilespmem:s20], [sflag:$0x4] =	stream.linear.gather [spmem:s8], $0x80, $0x38;
	[tilespmem:$0x1A780] =	vst v63  }
0xa5: {  	_ =	swait.ge [sflag:s9], $0x280  }
0xa6: {  	s22 =	sld [smem:$0x7E3]  }
0xa7: {  	[sflag:s9] =	ssyncset.done $0x0  }
0xa8: {  	s21 =	simm.s32 $0x15200;
	[sflag:s9] =	ssyncadd.s32 $0xFFFFFD80  }
0xa9: {  	[tilespmem:s21], [sflag:$0x4] =	stream.linear.gather [spmem:s22], $0x80, $0x38;
	[tilespmem:$0x1A780] =	vst v63  }
0xaa: {  	s23 =	simm.s32 $0x15600  }
0xab: {  	[tilespmem:s23], [sflag:$0x4] =	stream.linear.gather [spmem:s7], $0x80, $0x38;
	[tilespmem:$0x1A780] =	vst v63  }
0xac: {  	s24 =	simm.s32 $0x15A00  }
0xad: {  	[tilespmem:s24], [sflag:$0x4] =	stream.linear.gather [spmem:s6], $0x80, $0x38;
	[tilespmem:$0x1A780] =	vst v63  }
0xae: {  	s25 =	simm.s32 $0x15E00  }
0xaf: {  	[tilespmem:s25], [sflag:$0x4] =	stream.linear.gather [spmem:s4], $0x80, $0x38;
	[tilespmem:$0x1A780] =	vst v63  }
0xb0: {  	s26 =	simm.s32 $0x16200  }
0xb1: {  	[tilespmem:s26], [sflag:$0x4] =	stream.linear.gather [spmem:s3], $0x80, $0x38;
	[tilespmem:$0x1A780] =	vst v63  }
0xb2: {  	_ =	swait.ge [sflag:s9], $0x280  }
0xb3: {  	s29 =	sld [smem:$0x7E4]  }
0xb4: {  	[sflag:s9] =	ssyncset.done $0x0  }
0xb5: {  	s28 =	simm.s32 $0x15280;
	[sflag:s9] =	ssyncadd.s32 $0xFFFFFD80  }
0xb6: {  	[tilespmem:s28], [sflag:$0x4] =	stream.linear.gather [spmem:s29], $0x80, $0x38;
	[tilespmem:$0x1A780] =	vst v63  }
0xb7: {  	s4 =	simm.s32 $0x15680  }
0xb8: {  	[tilespmem:s4], [sflag:$0x4] =	stream.linear.gather [spmem:s2], $0x80, $0x38;
	[tilespmem:$0x1A780] =	vst v63  }
0xb9: {  	s5 =	simm.s32 $0x15A80  }
0xba: {  	[tilespmem:s5], [sflag:$0x4] =	stream.linear.gather [spmem:s0], $0x80, $0x38;
	[tilespmem:$0x1A780] =	vst v63  }
0xbb: {  	s6 =	simm.s32 $0x15E80  }
0xbc: {  	[tilespmem:s6], [sflag:$0x4] =	stream.linear.gather [spmem:s31], $0x80, $0x38;
	[tilespmem:$0x1A780] =	vst v63  }
0xbd: {  	s7 =	simm.s32 $0x16280  }
0xbe: {  	[tilespmem:s7], [sflag:$0x4] =	stream.linear.gather [spmem:s30], $0x80, $0x38;
	[tilespmem:$0x1A780] =	vst v63  }
0xbf: {  	_ =	swait.ge [sflag:s9], $0x280  }
0xc0: {  	s10 =	sld [smem:$0x7E5]  }
0xc1: {  	[sflag:s9] =	ssyncset.done $0x0  }
0xc2: {  	s8 =	simm.s32 $0x15300;
	s12 =	sld [smem:$0x7E6];
	[sflag:s9] =	ssyncadd.s32 $0xFFFFFD80  }
0xc3: {  	[tilespmem:s8], [sflag:$0x4] =	stream.linear.gather [spmem:s10], $0x80, $0x38;
	[tilespmem:$0x1A780] =	vst v63  }
0xc4: {  	s11 =	simm.s32 $0x15700;
	s14 =	sld [smem:$0x7E7]  }
0xc5: {  	[tilespmem:s11], [sflag:$0x4] =	stream.linear.gather [spmem:s12], $0x80, $0x38;
	[tilespmem:$0x1A780] =	vst v63  }
0xc6: {  	s13 =	simm.s32 $0x15B00;
	s16 =	sld [smem:$0x7E8]  }
0xc7: {  	[tilespmem:s13], [sflag:$0x4] =	stream.linear.gather [spmem:s14], $0x80, $0x38;
	[tilespmem:$0x1A780] =	vst v63  }
0xc8: {  	s15 =	simm.s32 $0x15F00;
	s18 =	sld [smem:$0x7E9]  }
0xc9: {  	[tilespmem:s15], [sflag:$0x4] =	stream.linear.gather [spmem:s16], $0x80, $0x38;
	[tilespmem:$0x1A780] =	vst v63  }
0xca: {  	s17 =	simm.s32 $0x16300  }
0xcb: {  	[tilespmem:s17], [sflag:$0x4] =	stream.linear.gather [spmem:s18], $0x80, $0x38;
	[tilespmem:$0x1A780] =	vst v63  }
0xcc: {  	_ =	swait.ge [sflag:s9], $0x280  }
0xcd: {  	[sflag:s9] =	ssyncset.done $0x0;
	s20 =	rddreg [dreg:$0x1d]  }
0xce: {  	s19 =	simm.s32 $0x15380;
	s22 =	sld [smem:$0x7EA];
	[sflag:s9] =	ssyncadd.s32 $0xFFFFFD80  }
0xcf: {  	[tilespmem:s19], [sflag:$0x4] =	stream.linear.gather [spmem:s20], $0x80, $0x38;
	[tilespmem:$0x1A780] =	vst v63  }
0xd0: {  	s21 =	simm.s32 $0x15780;
	s24 =	sld [smem:$0x7EB]  }
0xd1: {  	[tilespmem:s21], [sflag:$0x4] =	stream.linear.gather [spmem:s22], $0x80, $0x38;
	[tilespmem:$0x1A780] =	vst v63  }
0xd2: {  	s23 =	simm.s32 $0x15B80;
	s26 =	sld [smem:$0x7EC]  }
0xd3: {  	[tilespmem:s23], [sflag:$0x4] =	stream.linear.gather [spmem:s24], $0x80, $0x38;
	[tilespmem:$0x1A780] =	vst v63  }
0xd4: {  	s25 =	simm.s32 $0x15F80;
	s29 =	sld [smem:$0x7ED]  }
0xd5: {  	[tilespmem:s25], [sflag:$0x4] =	stream.linear.gather [spmem:s26], $0x80, $0x38;
	[tilespmem:$0x1A780] =	vst v63  }
0xd6: {  	s28 =	simm.s32 $0x16380  }
0xd7: {  	[tilespmem:s28], [sflag:$0x4] =	stream.linear.gather [spmem:s29], $0x80, $0x38;
	[tilespmem:$0x1A780] =	vst v63  }
0xd8: {  	_ =	swait.ge [sflag:s9], $0x280  }
0xd9: {  	[sflag:s9] =	ssyncset.done $0x0;
	s31 =	rddreg [dreg:$0x16]  }
0xda: {  	s30 =	simm.s32 $0x16400;
	s3 =	sld [smem:$0x7EE];
	[sflag:s9] =	ssyncadd.s32 $0xFFFFFD80  }
0xdb: {  	[tilespmem:s30], [sflag:$0x4] =	stream.linear.gather [spmem:s31], $0x80, $0x38;
	[tilespmem:$0x1A780] =	vst v63  }
0xdc: {  	s2 =	simm.s32 $0x16800;
	s5 =	sld [smem:$0x7EF]  }
0xdd: {  	[tilespmem:s2], [sflag:$0x4] =	stream.linear.gather [spmem:s3], $0x80, $0x38;
	[tilespmem:$0x1A780] =	vst v63  }
0xde: {  	s4 =	simm.s32 $0x16C00;
	s7 =	sld [smem:$0x7F0]  }
0xdf: {  	[tilespmem:s4], [sflag:$0x4] =	stream.linear.gather [spmem:s5], $0x80, $0x38;
	[tilespmem:$0x1A780] =	vst v63  }
0xe0: {  	s6 =	simm.s32 $0x17000;
	s10 =	sld [smem:$0x7F1]  }
0xe1: {  	[tilespmem:s6], [sflag:$0x4] =	stream.linear.gather [spmem:s7], $0x80, $0x38;
	[tilespmem:$0x1A780] =	vst v63  }
0xe2: {  	s8 =	simm.s32 $0x17400  }
0xe3: {  	[tilespmem:s8], [sflag:$0x4] =	stream.linear.gather [spmem:s10], $0x80, $0x38;
	[tilespmem:$0x1A780] =	vst v63  }
0xe4: {  	_ =	swait.ge [sflag:s9], $0x280  }
0xe5: {  	[sflag:s9] =	ssyncset.done $0x0;
	s12 =	rddreg [dreg:$0x11]  }
0xe6: {  	s11 =	simm.s32 $0x16480;
	s14 =	sld [smem:$0x7F2];
	[sflag:s9] =	ssyncadd.s32 $0xFFFFFD80  }
0xe7: {  	[tilespmem:s11], [sflag:$0x4] =	stream.linear.gather [spmem:s12], $0x80, $0x38;
	[tilespmem:$0x1A780] =	vst v63  }
0xe8: {  	s13 =	simm.s32 $0x16880;
	s16 =	sld [smem:$0x7F3]  }
0xe9: {  	[tilespmem:s13], [sflag:$0x4] =	stream.linear.gather [spmem:s14], $0x80, $0x38;
	[tilespmem:$0x1A780] =	vst v63  }
0xea: {  	s15 =	simm.s32 $0x16C80;
	s18 =	sld [smem:$0x7F4]  }
0xeb: {  	[tilespmem:s15], [sflag:$0x4] =	stream.linear.gather [spmem:s16], $0x80, $0x38;
	[tilespmem:$0x1A780] =	vst v63  }
0xec: {  	s17 =	simm.s32 $0x17080;
	s20 =	sld [smem:$0x7F5]  }
0xed: {  	[tilespmem:s17], [sflag:$0x4] =	stream.linear.gather [spmem:s18], $0x80, $0x38;
	[tilespmem:$0x1A780] =	vst v63  }
0xee: {  	s19 =	simm.s32 $0x17480  }
0xef: {  	[tilespmem:s19], [sflag:$0x4] =	stream.linear.gather [spmem:s20], $0x80, $0x38;
	[tilespmem:$0x1A780] =	vst v63  }
0xf0: {  	_ =	swait.ge [sflag:s9], $0x280  }
0xf1: {  	[sflag:s9] =	ssyncset.done $0x0;
	s22 =	rddreg [dreg:$0xc]  }
0xf2: {  	s21 =	simm.s32 $0x16500;
	s24 =	sld [smem:$0x7F6];
	[sflag:s9] =	ssyncadd.s32 $0xFFFFFD80  }
0xf3: {  	[tilespmem:s21], [sflag:$0x4] =	stream.linear.gather [spmem:s22], $0x80, $0x38;
	[tilespmem:$0x1A780] =	vst v63  }
0xf4: {  	s23 =	simm.s32 $0x16900;
	s26 =	sld [smem:$0x7F7]  }
0xf5: {  	[tilespmem:s23], [sflag:$0x4] =	stream.linear.gather [spmem:s24], $0x80, $0x38;
	[tilespmem:$0x1A780] =	vst v63  }
0xf6: {  	s25 =	simm.s32 $0x16D00;
	s29 =	sld [smem:$0x7F8]  }
0xf7: {  	[tilespmem:s25], [sflag:$0x4] =	stream.linear.gather [spmem:s26], $0x80, $0x38;
	[tilespmem:$0x1A780] =	vst v63  }
0xf8: {  	s28 =	simm.s32 $0x17100;
	s31 =	sld [smem:$0x7F9]  }
0xf9: {  	[tilespmem:s28], [sflag:$0x4] =	stream.linear.gather [spmem:s29], $0x80, $0x38;
	[tilespmem:$0x1A780] =	vst v63  }
0xfa: {  	s30 =	simm.s32 $0x17500  }
0xfb: {  	[tilespmem:s30], [sflag:$0x4] =	stream.linear.gather [spmem:s31], $0x80, $0x38;
	[tilespmem:$0x1A780] =	vst v63  }
0xfc: {  	_ =	swait.ge [sflag:s9], $0x280  }
0xfd: {  	[sflag:s9] =	ssyncset.done $0x0;
	s3 =	rddreg [dreg:$0xb]  }
0xfe: {  	s2 =	simm.s32 $0x16580;
	s5 =	sld [smem:$0x7FA];
	[sflag:s9] =	ssyncadd.s32 $0xFFFFFD80  }
0xff: {  	[tilespmem:s2], [sflag:$0x4] =	stream.linear.gather [spmem:s3], $0x80, $0x38;
	[tilespmem:$0x1A780] =	vst v63  }
0x100: {  	s4 =	simm.s32 $0x16980;
	s7 =	sld [smem:$0x7FB]  }
0x101: {  	[tilespmem:s4], [sflag:$0x4] =	stream.linear.gather [spmem:s5], $0x80, $0x38;
	[tilespmem:$0x1A780] =	vst v63  }
0x102: {  	s6 =	simm.s32 $0x16D80;
	s10 =	sld [smem:$0x7FC]  }
0x103: {  	[tilespmem:s6], [sflag:$0x4] =	stream.linear.gather [spmem:s7], $0x80, $0x38;
	[tilespmem:$0x1A780] =	vst v63  }
0x104: {  	s8 =	simm.s32 $0x17180;
	s12 =	sld [smem:$0x7FD]  }
0x105: {  	[tilespmem:s8], [sflag:$0x4] =	stream.linear.gather [spmem:s10], $0x80, $0x38;
	[tilespmem:$0x1A780] =	vst v63  }
0x106: {  	s11 =	simm.s32 $0x17580  }
0x107: {  	[tilespmem:s11], [sflag:$0x4] =	stream.linear.gather [spmem:s12], $0x80, $0x38;
	[tilespmem:$0x1A780] =	vst v63  }
0x108: {  	_ =	swait.ge [sflag:s9], $0x280  }
0x109: {  	[sflag:s9] =	ssyncset.done $0x0  }
0x10a: {  	s13 =	simm.s32 $0x16600;
	s14 =	rddreg [dreg:$0xa];
	[sflag:s9] =	ssyncadd.s32 $0xFFFFFD80  }
0x10b: {  	[tilespmem:s13], [sflag:$0x4] =	stream.linear.gather [spmem:s14], $0x80, $0x38;
	[tilespmem:$0x1A780] =	vst v63  }
0x10c: {  	s15 =	simm.s32 $0x16A00;
	s16 =	rddreg [dreg:$0x1f]  }
0x10d: {  	[tilespmem:s15], [sflag:$0x4] =	stream.linear.gather [spmem:s16], $0x80, $0x38;
	[tilespmem:$0x1A780] =	vst v63  }
0x10e: {  	s17 =	simm.s32 $0x16E00;
	s18 =	rddreg [dreg:$0x1e]  }
0x10f: {  	[tilespmem:s17], [sflag:$0x4] =	stream.linear.gather [spmem:s18], $0x80, $0x38;
	[tilespmem:$0x1A780] =	vst v63  }
0x110: {  	s19 =	simm.s32 $0x17200;
	s20 =	rddreg [dreg:$0x1c]  }
0x111: {  	[tilespmem:s19], [sflag:$0x4] =	stream.linear.gather [spmem:s20], $0x80, $0x38;
	[tilespmem:$0x1A780] =	vst v63  }
0x112: {  	s21 =	simm.s32 $0x17600;
	s22 =	rddreg [dreg:$0x1b]  }
0x113: {  	[tilespmem:s21], [sflag:$0x4] =	stream.linear.gather [spmem:s22], $0x80, $0x38;
	[tilespmem:$0x1A780] =	vst v63  }
0x114: {  	_ =	swait.ge [sflag:s9], $0x280  }
0x115: {  	[sflag:s9] =	ssyncset.done $0x0  }
0x116: {  	s23 =	simm.s32 $0x16680;
	s24 =	rddreg [dreg:$0x9];
	[sflag:s9] =	ssyncadd.s32 $0xFFFFFD80  }
0x117: {  	[tilespmem:s23], [sflag:$0x4] =	stream.linear.gather [spmem:s24], $0x80, $0x38;
	[tilespmem:$0x1A780] =	vst v63  }
0x118: {  	s25 =	simm.s32 $0x16A80;
	s26 =	rddreg [dreg:$0x1a]  }
0x119: {  	[tilespmem:s25], [sflag:$0x4] =	stream.linear.gather [spmem:s26], $0x80, $0x38;
	[tilespmem:$0x1A780] =	vst v63  }
0x11a: {  	s28 =	simm.s32 $0x16E80;
	s29 =	rddreg [dreg:$0x19]  }
0x11b: {  	[tilespmem:s28], [sflag:$0x4] =	stream.linear.gather [spmem:s29], $0x80, $0x38;
	[tilespmem:$0x1A780] =	vst v63  }
0x11c: {  	s30 =	simm.s32 $0x17280;
	s31 =	rddreg [dreg:$0x18]  }
0x11d: {  	[tilespmem:s30], [sflag:$0x4] =	stream.linear.gather [spmem:s31], $0x80, $0x38;
	[tilespmem:$0x1A780] =	vst v63  }
0x11e: {  	s1 =	simm.s32 $0x17680;
	s2 =	rddreg [dreg:$0x17]  }
0x11f: {  	[tilespmem:s1], [sflag:$0x4] =	stream.linear.gather [spmem:s2], $0x80, $0x38;
	[tilespmem:$0x1A780] =	vst v63  }
0x120: {  	_ =	swait.ge [sflag:s9], $0x280  }
0x121: {  	[sflag:s9] =	ssyncset.done $0x0  }
0x122: {  	s3 =	simm.s32 $0x16700;
	s4 =	rddreg [dreg:$0x8];
	[sflag:s9] =	ssyncadd.s32 $0xFFFFFD80  }
0x123: {  	[tilespmem:s3], [sflag:$0x4] =	stream.linear.gather [spmem:s4], $0x80, $0x38;
	[tilespmem:$0x1A780] =	vst v63  }
0x124: {  	s5 =	simm.s32 $0x16B00;
	s6 =	rddreg [dreg:$0x15]  }
0x125: {  	[tilespmem:s5], [sflag:$0x4] =	stream.linear.gather [spmem:s6], $0x80, $0x38;
	[tilespmem:$0x1A780] =	vst v63  }
0x126: {  	s7 =	simm.s32 $0x16F00;
	s8 =	rddreg [dreg:$0x14]  }
0x127: {  	[tilespmem:s7], [sflag:$0x4] =	stream.linear.gather [spmem:s8], $0x80, $0x38;
	[tilespmem:$0x1A780] =	vst v63  }
0x128: {  	s10 =	simm.s32 $0x17300;
	s11 =	rddreg [dreg:$0x13]  }
0x129: {  	[tilespmem:s10], [sflag:$0x4] =	stream.linear.gather [spmem:s11], $0x80, $0x38;
	[tilespmem:$0x1A780] =	vst v63  }
0x12a: {  	s12 =	simm.s32 $0x17700;
	s13 =	rddreg [dreg:$0x12]  }
0x12b: {  	[tilespmem:s12], [sflag:$0x4] =	stream.linear.gather [spmem:s13], $0x80, $0x38;
	[tilespmem:$0x1A780] =	vst v63  }
0x12c: {  	_ =	swait.ge [sflag:s9], $0x280  }
0x12d: {  	[sflag:s9] =	ssyncset.done $0x0  }
0x12e: {  	s14 =	simm.s32 $0x16780;
	s15 =	rddreg [dreg:$0x7];
	[sflag:s9] =	ssyncadd.s32 $0xFFFFFD80  }
0x12f: {  	[tilespmem:s14], [sflag:$0x4] =	stream.linear.gather [spmem:s15], $0x80, $0x38;
	[tilespmem:$0x1A780] =	vst v63  }
0x130: {  	s16 =	simm.s32 $0x16B80;
	s17 =	rddreg [dreg:$0x10]  }
0x131: {  	[tilespmem:s16], [sflag:$0x4] =	stream.linear.gather [spmem:s17], $0x80, $0x38;
	[tilespmem:$0x1A780] =	vst v63  }
0x132: {  	s18 =	simm.s32 $0x16F80;
	s19 =	rddreg [dreg:$0xf]  }
0x133: {  	[tilespmem:s18], [sflag:$0x4] =	stream.linear.gather [spmem:s19], $0x80, $0x38;
	[tilespmem:$0x1A780] =	vst v63  }
0x134: {  	s20 =	simm.s32 $0x17380;
	s21 =	rddreg [dreg:$0xd]  }
0x135: {  	[tilespmem:s20], [sflag:$0x4] =	stream.linear.gather [spmem:s21], $0x80, $0x38;
	[tilespmem:$0x1A780] =	vst v63  }
0x136: {  	s22 =	simm.s32 $0x17780;
	s23 =	rddreg [dreg:$0xe]  }
0x137: {  	[tilespmem:s22], [sflag:$0x4] =	stream.linear.gather [spmem:s23], $0x80, $0x38;
	[tilespmem:$0x1A780] =	vst v63  }
0x138: {  	_ =	swait.ge [sflag:s9], $0x280  }
0x139: {  	s24 =	simm.s32 $0x0;
	[sflag:s9] =	ssyncset.done $0x0  }
0x13a: {  	s1 =	simm.s32 $0x17800;
	s25 =	rddreg [dreg:$0x6];
	[sflag:s9] =	ssyncadd.s32 $0xFFFFFD80  }
0x13b: {  	[tilespmem:s1], [sflag:$0x4] =	stream.linear.gather [hbm4b:s25+s24], $0x280, $0x38;
	[tilespmem:$0x1A780] =	vst v63  }
0x13c: {  	_ =	swait.ge [sflag:s9], $0x280  }
0x13d: {  	[sflag:s9] =	ssyncset.done $0x0  }
0x13e: {  	s0 =	simm.s32 $0x17A80;
	s26 =	rddreg [dreg:$0x5];
	[sflag:s9] =	ssyncadd.s32 $0xFFFFFD80  }
0x13f: {  	[tilespmem:s0], [sflag:$0x4] =	stream.linear.gather [hbm4b:s26+s24], $0x280, $0x38;
	[tilespmem:$0x1A780] =	vst v63  }
0x140: {  	s28 =	sand.u32 $0x70, s24;
	s2 =	sand.u32 $0x1C00, s24;
	_ =	swait.ge [sflag:s9], $0x280  }
0x141: {  	s2 =	sor.u32 s28, s2;
	[sflag:s9] =	ssyncset.done $0x0  }
0x142: {  	s3 =	sadd.s32 $0x15000, s2;
	[sflag:s9] =	ssyncadd.s32 $0xFFFFFD80  }
0x143: {  	v0 =	vld [tilespmem:s3+$0x80]  }
0x144: {  	v1 =	vld [tilespmem:s2+$0x15000];
	_ =	sdelay $0x1  }
0x145: {  	v2 =	vld [tilespmem:s3+$0x100];
	_ =	sdelay $0x1  }
0x146: {  	v3 =	vld [tilespmem:s3+$0x180]  }
0x147: {  	v0 =	vadd.f32 v0, v1  }
0x148: {  	v1 =	vld [tilespmem:s3+$0x200]  }
0x149: {  	v0 =	vadd.f32 v2, v0  }
0x14a: {  	v2 =	vld [tilespmem:s3+$0x280]  }
0x14b: {  	v0 =	vadd.f32 v3, v0  }
0x14c: {  	v3 =	vld [tilespmem:s3+$0x300]  }
0x14d: {  	v0 =	vadd.f32 v1, v0  }
0x14e: {  	v1 =	vld [tilespmem:s3+$0x380]  }
0x14f: {  	v0 =	vadd.f32 v2, v0  }
0x150: {  	v2 =	vld [tilespmem:s2+$0x16400]  }
0x151: {  	v0 =	vadd.f32 v3, v0  }
0x152: {  	v3 =	vld [tilespmem:s2+$0x16480]  }
0x153: {  	v0 =	vadd.f32 v1, v0  }
0x154: {  	v1 =	vld [tilespmem:s2+$0x16500]  }
0x155: {  	v4 =	vld [tilespmem:s2+$0x16580];
	v0 =	vadd.f32 v2, v0  }
0x156: {  	v2 =	vld [tilespmem:s1+$0x0]  }
0x157: {  	v0 =	vadd.f32 v3, v0  }
0x158: {  	v3 =	vld [tilespmem:s2+$0x16600]  }
0x159: {  	v0 =	vadd.f32 v1, v0  }
0x15a: {  	v1 =	vld [tilespmem:s2+$0x16680]  }
0x15b: {  	(erf) = vrcp.f32 v2;
	v0 =	vadd.f32 v4, v0  }
0x15c: {  	v2 =	vld [tilespmem:s2+$0x16700]  }
0x15d: {  	v0 =	vadd.f32 v3, v0  }
0x15e: {  	v3 =	vld [tilespmem:s2+$0x16780]  }
0x15f: {  	v0 =	vadd.f32 v1, v0;
	_ =	sdelay $0x1  }
0x160: {  	v0 =	vadd.f32 v2, v0  }
0x161: {  	v1 =	vld [tilespmem:s0+$0x0]  }
0x162: {  	v0 =	vadd.f32 v3, v0  }
0x163: {  	v2 =	vpop (erf)  }
0x164: {  	v0 =	vmul.f32 v2, v0  }
0x165: {  	s29 =	simm.s32 $0x10;
	s4 =	simm.s32 $0x80  }
0x166: {  	s30 =	sand.u32 $0x70, s29;
	s31 =	sand.u32 $0x1C00, s4;
	v0 =	vadd.f32 v0, v1  }
0x167: {  	s5 =	simm.s32 $0x20;
	s3 =	sor.u32 s30, s31;
	s2 =	simm.s32 $0x17D00  }
.LBB2_6:
0x168: {  	p0 =	sne.s32 s5, $0x270;
	s6 =	sadd.s32 $0x15000, s3;
	[tilespmem:s2+$0x0] =	vst v0  }
0x169: {  	v0 =	vld [tilespmem:s6+$0x80]  }
0x16a: {  	v1 =	vld [tilespmem:s3+$0x15000];
	_ =	sdelay $0x1  }
0x16b: {  	v2 =	vld [tilespmem:s6+$0x100];
	_ =	sdelay $0x1  }
0x16c: {  	v3 =	vld [tilespmem:s6+$0x180]  }
0x16d: {  	v0 =	vadd.f32 v0, v1  }
0x16e: {  	v1 =	vld [tilespmem:s6+$0x200]  }
0x16f: {  	v0 =	vadd.f32 v2, v0  }
0x170: {  	v2 =	vld [tilespmem:s6+$0x280]  }
0x171: {  	v0 =	vadd.f32 v3, v0  }
0x172: {  	v3 =	vld [tilespmem:s6+$0x300]  }
0x173: {  	v0 =	vadd.f32 v1, v0  }
0x174: {  	v1 =	vld [tilespmem:s6+$0x380]  }
0x175: {  	v0 =	vadd.f32 v2, v0  }
0x176: {  	v2 =	vld [tilespmem:s3+$0x16400]  }
0x177: {  	v0 =	vadd.f32 v3, v0  }
0x178: {  	v3 =	vld [tilespmem:s3+$0x16480]  }
0x179: {  	v0 =	vadd.f32 v1, v0  }
0x17a: {  	s1 =	sadd.s32 $0x10, s1;
	v1 =	vld [tilespmem:s3+$0x16500]  }
0x17b: {  	v0 =	vadd.f32 v2, v0;
	v2 =	vld [tilespmem:s1+$0x0]  }
0x17c: {  	v4 =	vld [tilespmem:s3+$0x16580]  }
0x17d: {  	v0 =	vadd.f32 v3, v0  }
0x17e: {  	v3 =	vld [tilespmem:s3+$0x16600]  }
0x17f: {  	v0 =	vadd.f32 v1, v0  }
0x180: {  	v1 =	vld [tilespmem:s3+$0x16680]  }
0x181: {  	v0 =	vadd.f32 v4, v0;
	(erf) = vrcp.f32 v2  }
0x182: {  	v2 =	vld [tilespmem:s3+$0x16700]  }
0x183: {  	v0 =	vadd.f32 v3, v0  }
0x184: {  	v3 =	vld [tilespmem:s3+$0x16780]  }
0x185: {  	v0 =	vadd.f32 v1, v0;
	_ =	sdelay $0x1  }
0x186: {  	s0 =	sadd.s32 $0x10, s0;
	v0 =	vadd.f32 v2, v0  }
0x187: {  	v1 =	vld [tilespmem:s0+$0x0]  }
0x188: {  	v0 =	vadd.f32 v3, v0  }
.Ltmp3:
0x189: {  	v2 =	vpop (erf);
	(pc) =	sbr.rel @p0 .LBB2_6-.Ltmp3, $4  }
0x18a: {  	v0 =	vmul.f32 v2, v0  }
0x18b: {  	s4 =	sadd.s32 $0x80, s4  }
0x18c: {  	s6 =	sand.u32 $0x1C00, s4;
	s3 =	sand.u32 $0x70, s5;
	v0 =	vadd.f32 v0, v1  }
0x18d: {  	s2 =	sadd.s32 $0x10, s2;
	s5 =	sadd.s32 $0x10, s5;
	s3 =	sor.u32 s3, s6  }
0x18e: {  	s4 =	sadd.s32 $0x15000, s3;
	[tilespmem:s2+$0x0] =	vst v0  }
0x18f: {  	v0 =	vld [tilespmem:s4+$0x80]  }
0x190: {  	v1 =	vld [tilespmem:s3+$0x15000];
	_ =	sdelay $0x1  }
0x191: {  	v2 =	vld [tilespmem:s4+$0x100];
	_ =	sdelay $0x1  }
0x192: {  	v3 =	vld [tilespmem:s4+$0x180]  }
0x193: {  	v0 =	vadd.f32 v0, v1  }
0x194: {  	v50 =	vld [tilespmem:s4+$0x200]  }
0x195: {  	v0 =	vadd.f32 v2, v0  }
0x196: {  	v51 =	vld [tilespmem:s4+$0x280]  }
0x197: {  	v0 =	vadd.f32 v3, v0  }
0x198: {  	v52 =	vld [tilespmem:s4+$0x300]  }
0x199: {  	v0 =	vadd.f32 v50, v0  }
0x19a: {  	v53 =	vld [tilespmem:s4+$0x380]  }
0x19b: {  	v0 =	vadd.f32 v51, v0  }
0x19c: {  	v54 =	vld [tilespmem:s3+$0x16400]  }
0x19d: {  	v0 =	vadd.f32 v52, v0  }
0x19e: {  	v55 =	vld [tilespmem:s3+$0x16480]  }
0x19f: {  	v0 =	vadd.f32 v53, v0  }
0x1a0: {  	s1 =	sadd.s32 $0x10, s1;
	v56 =	vld [tilespmem:s3+$0x16500]  }
0x1a1: {  	v57 =	vld [tilespmem:s1+$0x0];
	v0 =	vadd.f32 v54, v0  }
0x1a2: {  	v4 =	vld [tilespmem:s3+$0x16580]  }
0x1a3: {  	v0 =	vadd.f32 v55, v0  }
0x1a4: {  	v58 =	vld [tilespmem:s3+$0x16600]  }
0x1a5: {  	v0 =	vadd.f32 v56, v0  }
0x1a6: {  	v59 =	vld [tilespmem:s3+$0x16680]  }
0x1a7: {  	(erf) = vrcp.f32 v57;
	v0 =	vadd.f32 v4, v0  }
0x1a8: {  	v60 =	vld [tilespmem:s3+$0x16700]  }
0x1a9: {  	v0 =	vadd.f32 v58, v0  }
0x1aa: {  	v61 =	vld [tilespmem:s3+$0x16780]  }
0x1ab: {  	v0 =	vadd.f32 v59, v0;
	_ =	sdelay $0x1  }
0x1ac: {  	s0 =	sadd.s32 $0x10, s0;
	v0 =	vadd.f32 v60, v0  }
0x1ad: {  	v62 =	vld [tilespmem:s0+$0x0]  }
0x1ae: {  	v0 =	vadd.f32 v61, v0  }
0x1af: {  	v63 =	vpop (erf)  }
0x1b0: {  	v0 =	vmul.f32 v63, v0;
	_ =	sdelay $0x1  }
0x1b1: {  	v0 =	vadd.f32 v0, v62  }
0x1b2: {  	s26 =	sadd.s32 $0x10, s2;
	s28 =	simm.s32 $0x0  }
0x1b3: {  	s29 =	simm.s32 $0x17D00;
	s30 =	rddreg [dreg:$0x4];
	s31 =	simm.s32 $0x4;
	[tilespmem:s26+$0x0] =	vst v0  }
0x1b4: {  	[hbm4b:s30+s28] =	stream.linear.scatter [tilespmem:s29], [sflag:$0x4], $0x280, $0x38;
	[tilespmem:$0x1A780] =	vst v63  }
0x1b5: {  	_ =	swait.ge [sflag:s31], $0x280  }
0x1b6: {  	[sflag:s31] =	ssyncset.done $0x0  }
0x1b7: {  	[sflag:s31] =	ssyncadd.s32 $0xFFFFFD80  }
0x1b8: {  	s11 =	stileid.u32;
	s5 =	rddreg [dreg:$0x3]  }
.LBB2_8:
0x1b9: {  	_ =	sfence.sel $0x180000  }
0x1ba: {  	[bflag:$0x0] =	sbarrier.arrive $0xFFFF  }
0x1bb: {  	p0 =	sne.s32 s11, $0x0;
	_ =	strace $0x9000004D  }
0x1bc: {  	s0 =	sadd.s32 @!p0 $0x100000, s5;
	[bflag:$0x2] =	sbarrier.arrive $0xFFFF  }
0x1bd: {  	[sflag:s0] =	ssyncadd.tile.s32 @!p0 $0x1;
	_ =	shalt  }
.Lfunc_end2:
_tile_overlayer_lowered:
.L_overlay_start_2:
0x1be: {  	(tag) =	ssettag $0x2  }
0x1bf: {  	s0 =	rddreg [dreg:$0x0];
	s2 =	stileid.u32  }
0x1c0: {  	s1 =	rddreg [dreg:$0x1];
	p0 =	sne.s32 s2, $0x0  }
0x1c1: {  	s3 =	rddreg [dreg:$0x2];
	[bflag:$0x3] =	sbarrier.arrive $0xFFFF;
	s2 =	simm.s32 @!p0 $0x1C04  }
0x1c2: {  	[timem:s3], [sflag:s2] =	dma.local @!p0 [hbm:s0], s1  }
0x1c3: {  	s0 =	simm.s32 @!p0 $0x4  }
0x1c4: {  	_ =	swait.ge @!p0 [sflag:s0], s1  }
0x1c5: {  	s1 =	ssub.s32 @!p0 $0x0, s1;
	[sflag:s0] =	ssyncset.done @!p0 $0x0  }
0x1c6: {  	[sflag:s0] =	ssyncadd.s32 @!p0 s1  }
0x1c7: {  	[bflag:$0x3] =	sbarrier.arrive $0xFFFF  }
0x1c8: {  	_ =	shalt  }

// kernel: kernel.6.cloned.1.call-start
scs
__scs_entry_jumppad:
0x0: {  	(pc) =	sbr.rel $0x88, $3  }
0x1: {  	(tag) =	ssettag $0x0;
	lr =	simm.s32 $0x1  }
0x2: {  	[smem:$0x3F99] =	sst lr;
	_ =	strace $0xD0000000  }
0x3: {  	_ = 	snop  }
0x4: {  	_ = 	snop  }
0x5: {  	_ = 	snop  }
0x6: {  	_ = 	snop  }
0x7: {  	_ = 	snop  }
__scs_overlays_trampoline_lowered:
0x8: {  	[smem:$0x3FA8] =	sst s0  }
0x9: {  	[smem:$0x3FA9] =	sst s1  }
0xa: {  	[smem:$0x3FAA] =	sst s2  }
0xb: {  	[smem:$0x3FAB] =	sst s3  }
0xc: {  	[smem:$0x3FAC] =	sst s4  }
0xd: {  	[smem:$0x3FAD] =	sst s5  }
0xe: {  	[smem:$0x3FAE] =	sst s6  }
0xf: {  	[smem:$0x3FAF] =	sst s7  }
0x10: {  	[smem:$0x3FB0] =	sst s8  }
0x11: {  	[smem:$0x3FB1] =	sst s9;
	s0 =	simm.s32 @!p0 $0x0  }
0x12: {  	s1 =	sld [smem:$0x3F97];
	s0 =	simm.s32 @p0 $0x1  }
0x13: {  	[smem:$0x3FB2] =	sst s0;
	s0 =	simm.s32 @!p1 $0x0  }
0x14: {  	s2 =	sld [smem:$0x3F96];
	s0 =	simm.s32 @p1 $0x1  }
0x15: {  	[smem:$0x3FB3] =	sst s0;
	s0 =	simm.s32 @!p2 $0x0  }
0x16: {  	s3 =	sld [smem:$0x3FDB];
	s0 =	simm.s32 @p2 $0x1  }
0x17: {  	s4 =	simm.s32 $0x1BF5;
	[smem:$0x3FB5] =	sst s0  }
0x18: {  	s0 =	sld [smem:$0x3F98];
	_ =	swait.ge [sflag:s4], $0x0  }
0x19: {  	s7 =	sld [smem:$0x3F99]  }
0x1a: {  	s8 =	sadd.s32 $0xFFFFE003, lr  }
0x1b: {  	s9 =	sadd.s32 $0xFFFFFEF7, lr;
	s5 =	simm.s32 $0xFFFFFFFF;
	p2 =	slt.u32 s8, $0xFFFFF086  }
0x1c: {  	p1 =	slt.u32 s9, $0xF7A;
	s5 =	simm.s32 @!p2 $0x0  }
0x1d: {  	s5 =	simm.s32 @p1 $0x1;
	p0 =	seq.s32 s7, s2  }
0x1e: {  	s7 =	smul.u32 @!p0 $0xF7A, s2;
	p2 =	seq.s32 @!p0 s5, $0x0  }
0x1f: {  	s9 =	smul.u32 $0xF7A, s1;
	s8 =	simm.s32 @!p0 $0x1BF5;
	p2 =	por !p2, p0  }
0x20: {  	[sflag:s8] =	ssyncset.s32 @!p0 $0xFFFFF086;
	s6 =	sadd.s32 @!p0 s3, s7;
	s7 =	simm.s32 @!p0 $0x108  }
0x21: {  	s3 =	sadd.s32 s3, s9;
	s6 =	sadd.s32 @!p0 $0x88, s6;
	s7 =	simm.s32 @p2 $0x1082  }
0x22: {  	[simem:s7], [sflag:s8] =	dma.local @!p0 [hbm:s6], $0xF7A  }
0x23: {  	s9 =	sor.u32 $0xD0000000, s2;
	s6 =	simm.s32 $0x108;
	_ =	swait.ge @!p0 [sflag:s8], $0x0  }
0x24: {  	s3 =	sadd.s32 $0x88, s3;
	s6 =	simm.s32 @!p1 $0x1082;
	[sflag:s4] =	ssyncset.s32 $0xFFFFF086  }
0x25: {  	[simem:s6], [sflag:s4] =	dma.local [hbm:s3], $0xF7A  }
0x26: {  	[smem:$0x3F99] =	sst s1;
	(tag) =	ssettag s2;
	_ =	strace s9  }
0x27: {  	s1 =	sld [smem:$0x3FA9]  }
0x28: {  	s2 =	sld [smem:$0x3FAA]  }
0x29: {  	s4 =	sld [smem:$0x3FAC]  }
0x2a: {  	p0 =	seq.s32 s5, $0x0;
	s5 =	sld [smem:$0x3FAD]  }
0x2b: {  	s6 =	sld [smem:$0x3FAE]  }
0x2c: {  	s7 =	sld [smem:$0x3FAF]  }
0x2d: {  	s3 =	simm.s32 $0x108;
	s8 =	sld [smem:$0x3FB0]  }
0x2e: {  	s3 =	simm.s32 @!p0 $0x1082;
	s9 =	sld [smem:$0x3FB1]  }
0x2f: {  	lr =	sadd.s32 s0, s3;
	s0 =	sld [smem:$0x3FA8]  }
0x30: {  	s3 =	sld [smem:$0x3FAB]  }
0x31: {  	[smem:$0x3FB4] =	sst s10  }
0x32: {  	s10 =	sld [smem:$0x3FB2];
	_ =	sdelay $0x3  }
0x33: {  	p0 =	seq.s32 s10, $0x1;
	s10 =	sld [smem:$0x3FB4];
	_ =	sdelay $0x3  }
0x34: {  	[smem:$0x3FB4] =	sst s10  }
0x35: {  	s10 =	sld [smem:$0x3FB3];
	_ =	sdelay $0x3  }
0x36: {  	p1 =	seq.s32 s10, $0x1;
	s10 =	sld [smem:$0x3FB4];
	_ =	sdelay $0x3  }
0x37: {  	[smem:$0x3FB4] =	sst s10  }
0x38: {  	s10 =	sld [smem:$0x3FB5]  }
0x39: {  	_ = 	snop;
	(pc) =	sbr.ind lr, $3  }
0x3a: {  	_ = 	snop  }
0x3b: {  	_ = 	snop  }
0x3c: {  	p2 =	seq.s32 s10, $0x1;
	s10 =	sld [smem:$0x3FB4]  }
0x3d: {  	_ =	shalt  }
0x3e: {  	_ =	shalt  }
0x3f: {  	_ =	shalt  }
0x40: {  	_ =	shalt  }
0x41: {  	_ =	shalt  }
0x42: {  	_ =	shalt  }
0x43: {  	_ =	shalt  }
0x44: {  	_ =	shalt  }
0x45: {  	_ =	shalt  }
0x46: {  	_ =	shalt  }
0x47: {  	_ =	shalt  }
0x48: {  	_ =	shalt  }
0x49: {  	_ =	shalt  }
0x4a: {  	_ =	shalt  }
0x4b: {  	_ =	shalt  }
0x4c: {  	_ =	shalt  }
0x4d: {  	_ =	shalt  }
0x4e: {  	_ =	shalt  }
0x4f: {  	_ =	shalt  }
0x50: {  	_ =	shalt  }
0x51: {  	_ =	shalt  }
0x52: {  	_ =	shalt  }
0x53: {  	_ =	shalt  }
0x54: {  	_ =	shalt  }
0x55: {  	_ =	shalt  }
0x56: {  	_ =	shalt  }
0x57: {  	_ =	shalt  }
0x58: {  	_ =	shalt  }
0x59: {  	_ =	shalt  }
0x5a: {  	_ =	shalt  }
0x5b: {  	_ =	shalt  }
0x5c: {  	_ =	shalt  }
0x5d: {  	_ =	shalt  }
0x5e: {  	_ =	shalt  }
0x5f: {  	_ =	shalt  }
0x60: {  	_ =	shalt  }
0x61: {  	_ =	shalt  }
0x62: {  	_ =	shalt  }
0x63: {  	_ =	shalt  }
0x64: {  	_ =	shalt  }
0x65: {  	_ =	shalt  }
0x66: {  	_ =	shalt  }
0x67: {  	_ =	shalt  }
0x68: {  	_ =	shalt  }
0x69: {  	_ =	shalt  }
0x6a: {  	_ =	shalt  }
0x6b: {  	_ =	shalt  }
0x6c: {  	_ =	shalt  }
0x6d: {  	_ =	shalt  }
0x6e: {  	_ =	shalt  }
0x6f: {  	_ =	shalt  }
0x70: {  	_ =	shalt  }
0x71: {  	_ =	shalt  }
0x72: {  	_ =	shalt  }
0x73: {  	_ =	shalt  }
0x74: {  	_ =	shalt  }
0x75: {  	_ =	shalt  }
0x76: {  	_ =	shalt  }
0x77: {  	_ =	shalt  }
0x78: {  	_ =	shalt  }
0x79: {  	_ =	shalt  }
0x7a: {  	_ =	shalt  }
0x7b: {  	_ =	shalt  }
0x7c: {  	_ =	shalt  }
0x7d: {  	_ =	shalt  }
0x7e: {  	_ =	shalt  }
0x7f: {  	_ =	shalt  }
0x80: {  	_ =	shalt  }
0x81: {  	_ =	shalt  }
0x82: {  	_ =	shalt  }
0x83: {  	_ =	shalt  }
0x84: {  	_ =	shalt  }
0x85: {  	_ =	shalt  }
0x86: {  	_ =	shalt  }
0x87: {  	_ =	shalt  }
.Lfunc_end0:
.L_simem_size_0:
called_computation_lowered:
.L_overlay_start_0:
0x88: {  	s2 =	sld [smem:$0x3FD9]  }
0x89: {  	s3 =	sld [smem:$0x3FFE];
	_ =	sdelay $0x1  }
0x8a: {  	s1 =	srdreg.scid  }
0x8b: {  	s0 =	sand.u32 $0x1, s1  }
0x8c: {  	s16 =	sshll.u32 s0, $0xA;
	s2 =	sadd.s32 s3, s2  }
0x8d: {  	s2 =	sadd.s32 s2, s16  }
0x8e: {  	[smem:$0x3FC0] =	sst s2  }
0x8f: {  	_ = 	snop  }
0x90: {  	(tm) =	ssettm $0x1  }
0x91: {  	s17 =	sld [smem:$0x3FFB];
	_ =	sdelay $0x3  }
0x92: {  	_ =	strace s17  }
0x93: {  	s2 =	sld [smem:$0x3FFC];
	_ =	sdelay $0x3  }
0x94: {  	_ =	strace s2  }
0x95: {  	s2 =	sld [smem:$0x3FFD];
	_ =	sdelay $0x3  }
0x96: {  	_ =	strace s2  }
0x97: {  	_ =	strace $0x8FFFFFFF  }
0x98: {  	s18 =	sld [smem:$0x3FDB];
	_ =	sdelay $0x1  }
0x99: {  	s19 =	simm.s32 $_scs_section_size  }
0x9a: {  	s4 =	simm.s32 $_size__tile_overlayer_lowered;
	s5 =	simm.s32 $_tile_overlayer_lowered  }
0x9b: {  	s22 =	simm.s32 $0x1BFF;
	s21 =	sshll.u32 s5, $0x1;
	s2 =	sadd.s32 s19, s18  }
0x9c: {  	s6 =	simm.s32 $0x0;
	s20 =	sshll.u32 s4, $0x1;
	s4 =	sadd.s32 s21, s2  }
0x9d: {  	[timem:s6], [sflag:s22] =	dma.local [hbm:s4], s20  }
0x9e: {  	_ =	swait.ge [sflag:s22], s20  }
0x9f: {  	s3 =	ssub.s32 $0x0, s20;
	[sflag:s22] =	ssyncset.done $0x0  }
0xa0: {  	[sflag:s22] =	ssyncadd.s32 s3;
	_ =	sdelay $0x1  }
0xa1: {  	s23 =	simm.s32 $0x1B8B  }
0xa2: {  	_ =	swait.ge [sflag:s23], $0x1  }
0xa3: {  	[sflag:s23] =	ssyncset.done $0x0  }
0xa4: {  	s25 =	simm.s32 $0x1B8E;
	s24 =	sld [smem:$0x3FFE];
	[sflag:s23] =	ssyncadd.s32 $0xFFFFFFFF  }
0xa5: {  	s26 =	simm.s32 $execute0_lowered;
	[smem:$0x3FD2] =	sst s25  }
0xa6: {  	s4 =	sshll.u32 s26, $0x1;
	_ =	strace $0x80000046;
	[dreg:$0x1] =	wrdreg $0xFFFFFFFF  }
0xa7: {  	s28 =	simm.s32 $_size_execute0_lowered;
	s2 =	sadd.s32 s2, s4;
	[dreg:$0x0] =	wrdreg $0x0  }
0xa8: {  	s4 =	sshll.u32 s28, $0x1;
	[dreg:$0x2] =	wrdreg s2  }
0xa9: {  	[dreg:$0x3] =	wrdreg s4  }
0xaa: {  	[dreg:$0x4] =	wrdreg $0xC0  }
0xab: {  	_ =	task [dreg:s6], $0x5FFFF  }
0xac: {  	[dreg:$0x1] =	wrdreg $0xFFFFFFFF  }
0xad: {  	[dreg:$0x0] =	wrdreg $0x60  }
0xae: {  	[dreg:$0x2] =	wrdreg s24  }
0xaf: {  	[dreg:$0x3] =	wrdreg $0x92800  }
0xb0: {  	[dreg:$0x4] =	wrdreg $0x9  }
0xb1: {  	_ =	task.clear_ibuf [dreg:s6], $0x5FFFF;
	_ =	strace $0x90000046  }
0xb2: {  	s29 =	simm.s32 $0x9;
	_ =	strace $0x80000048  }
0xb3: {  	_ =	swait.ge [sflag:s29], $0x1  }
0xb4: {  	[sflag:s29] =	ssyncadd.s32 $0xFFFFFFFF  }
0xb5: {  	_ =	strace $0x90000048  }
0xb6: {  	_ =	sfence  }
0xb7: {  	s30 =	sld [smem:$0x0];
	_ =	sdelay $0x2  }
0xb8: {  	s31 =	sshll.u32 s1, $0xD;
	s1 =	sshrl.u32 s1, $0x2  }
0xb9: {  	s3 =	sand.u32 $0x4000, s31;
	s1 =	sadd.s32 s1, s30  }
0xba: {  	s0 =	sor.u32 s3, s0;
	s1 =	sshll.u32 s1, $0x11  }
0xbb: {  	s0 =	sor.u32 s1, s0  }
0xbc: {  	s0 =	sadd.s32 $0x8F2B, s0  }
0xbd: {  	[sflag:s0] =	ssyncadd.remote.s32 $0x1  }
0xbe: {  	_ =	sfence.sel $0xFFFF  }
0xbf: {  	[dreg:$0x0] =	wrdreg $0xFFFFFFFF;
	(pc) =	sbr.abs _section_cstart, $3  }
0xc0: {  	[dreg:$0x1] =	wrdreg $0xFFFFFFFF  }
0xc1: {  	_ =	task.clear_ibuf [dreg:s6], $0x2FFFF;
	_ =	strace $0x9FFFFFFF  }
0xc2: {  	(tm) =	ssettm $0x7FFFFFFF  }
0xc3: {  	_ =	shalt  }
tec
execute0_lowered:
.L_overlay_start_1:
0x0: {  	(tag) =	ssettag $0x1  }
0x1: {  	s0 =	rddreg [dreg:$0x0]  }
0x2: {  	s1 =	rddreg [dreg:$0x1]  }
0x3: {  	s7 =	stileid.u32;
	s2 =	srdreg.scid;
	s4 =	simm.s32 $0x0  }
0x4: {  	s2 =	sand.u32 $0x1, s2;
	s3 =	smul.u32 $0x500, s7;
	[smem:$0x7FF] =	sst s4  }
0x5: {  	s11 =	sshll.u32 s7, $0xB;
	s6 =	sshrl.u32 s7, $0x3;
	s14 =	smul.u32 $0x5000, s7  }
0x6: {  	s5 =	sshll.u32 s2, $0x7;
	_ =	strace $0x80000047;
	s4 =	sadd.s32 s11, s0  }
0x7: {  	s12 =	ssub.s32 $0x2, s2;
	s6 =	smul.u32 $0x50000, s6;
	s2 =	sshll.u32 s2, $0xF  }
0x8: {  	s3 =	sor.u32 s5, s3;
	s2 =	sadd.s32 s2, s4;
	s5 =	sshrl.u32 s14, $0x2  }
0x9: {  	s6 =	sshrl.u32 s6, $0x2;
	s2 =	sadd.s32 $0x600, s2;
	s5 =	sadd.s32 s5, s1  }
0xa: {  	s6 =	sadd.s32 s6, s1;
	[dreg:$0x3] =	wrdreg s2;
	s1 =	sadd.s32 $0x80, s5  }
0xb: {  	s17 =	sadd.s32 $0x100, s5;
	[dreg:$0x5] =	wrdreg s1  }
0xc: {  	s18 =	sadd.s32 $0x180, s5;
	[dreg:$0x6] =	wrdreg s17  }
0xd: {  	s19 =	sadd.s32 $0x200, s5;
	[dreg:$0x7] =	wrdreg s18  }
0xe: {  	s20 =	sadd.s32 $0x280, s5;
	[dreg:$0x8] =	wrdreg s19  }
0xf: {  	s21 =	sadd.s32 $0x300, s5;
	[dreg:$0x9] =	wrdreg s20  }
0x10: {  	s22 =	sadd.s32 $0x380, s5;
	[dreg:$0xa] =	wrdreg s21  }
0x11: {  	s23 =	sadd.s32 $0x14000, s5;
	[dreg:$0xb] =	wrdreg s22  }
0x12: {  	s24 =	sadd.s32 $0x14080, s5;
	[dreg:$0xc] =	wrdreg s23  }
0x13: {  	s25 =	sadd.s32 $0x14100, s5;
	[dreg:$0xd] =	wrdreg s24  }
0x14: {  	s26 =	sadd.s32 $0x14180, s5;
	[dreg:$0xe] =	wrdreg s25  }
0x15: {  	s2 =	sadd.s32 $0x14200, s5;
	[dreg:$0xf] =	wrdreg s26  }
0x16: {  	s15 =	sshll.u32 s7, $0x7;
	s7 =	sadd.s32 $0x14380, s5;
	[dreg:$0x10] =	wrdreg s2  }
0x17: {  	s13 =	sshrl.u32 s12, $0x1;
	s9 =	sadd.s32 $0x400, s5;
	[dreg:$0x13] =	wrdreg s7  }
0x18: {  	s3 =	sshrl.u32 s3, $0x3;
	s10 =	sadd.s32 $0x800, s5;
	[dreg:$0x16] =	wrdreg s9  }
0x19: {  	s0 =	sadd.s32 s3, s0;
	s11 =	sadd.s32 $0xC00, s5;
	[dreg:$0x17] =	wrdreg s10  }
0x1a: {  	s3 =	ssub.s32 s12, s13;
	s12 =	sadd.s32 $0x1000, s5;
	[dreg:$0x18] =	wrdreg s11  }
0x1b: {  	s13 =	sadd.s32 $0x480, s5;
	[dreg:$0x19] =	wrdreg s12  }
0x1c: {  	s14 =	sadd.s32 $0x880, s5;
	[dreg:$0x1a] =	wrdreg s13  }
0x1d: {  	s4 =	sand.u32 $0x380, s15;
	s15 =	sadd.s32 $0xC80, s5;
	[dreg:$0x1b] =	wrdreg s14  }
0x1e: {  	s16 =	sadd.s32 s4, s6;
	[dreg:$0x1c] =	wrdreg s15  }
0x1f: {  	s4 =	sadd.s32 $0x14280, s5;
	[dreg:$0x4] =	wrdreg s16  }
0x20: {  	s6 =	sadd.s32 $0x14300, s5;
	[dreg:$0x11] =	wrdreg s4  }
0x21: {  	s0 =	sadd.s32 $0x10600, s0;
	[dreg:$0x12] =	wrdreg s6  }
0x22: {  	s8 =	smax.u32 s3, $0x1;
	[dreg:$0x14] =	wrdreg s0  }
0x23: {  	s17 =	sadd.s32 $0x500, s5;
	[dreg:$0x15] =	wrdreg s8  }
0x24: {  	s18 =	sadd.s32 $0x900, s5;
	[dreg:$0x1e] =	wrdreg s17  }
0x25: {  	s19 =	sadd.s32 $0xD00, s5;
	[dreg:$0x1f] =	wrdreg s18  }
0x26: {  	s20 =	sadd.s32 $0x1100, s5;
	[smem:$0x7DD] =	sst s19  }
0x27: {  	s21 =	sadd.s32 $0x580, s5;
	[smem:$0x7DE] =	sst s20  }
0x28: {  	s22 =	sadd.s32 $0x980, s5;
	[smem:$0x7DF] =	sst s21  }
0x29: {  	s23 =	sadd.s32 $0xD80, s5;
	[smem:$0x7E0] =	sst s22  }
0x2a: {  	s24 =	sadd.s32 $0x1180, s5;
	[smem:$0x7E1] =	sst s23  }
0x2b: {  	s25 =	sadd.s32 $0x600, s5;
	[smem:$0x7E2] =	sst s24  }
0x2c: {  	s26 =	sadd.s32 $0xA00, s5;
	[smem:$0x7E3] =	sst s25  }
0x2d: {  	s1 =	sadd.s32 $0xE00, s5;
	[smem:$0x7E4] =	sst s26  }
0x2e: {  	s2 =	sadd.s32 $0x1200, s5;
	[smem:$0x7E5] =	sst s1  }
0x2f: {  	s3 =	sadd.s32 $0x680, s5;
	[smem:$0x7E6] =	sst s2  }
0x30: {  	s7 =	sadd.s32 $0x1280, s5;
	[smem:$0x7E7] =	sst s3  }
0x31: {  	s9 =	sadd.s32 $0xB00, s5;
	[smem:$0x7EA] =	sst s7  }
0x32: {  	s10 =	sadd.s32 $0xF00, s5;
	[smem:$0x7EC] =	sst s9  }
0x33: {  	s11 =	sadd.s32 $0x1300, s5;
	[smem:$0x7ED] =	sst s10  }
0x34: {  	s12 =	sadd.s32 $0x780, s5;
	[smem:$0x7EE] =	sst s11  }
0x35: {  	s13 =	sadd.s32 $0xB80, s5;
	[smem:$0x7EF] =	sst s12  }
0x36: {  	s14 =	sadd.s32 $0xF80, s5;
	[smem:$0x7F0] =	sst s13  }
0x37: {  	s15 =	sadd.s32 $0x1380, s5;
	[smem:$0x7F1] =	sst s14  }
0x38: {  	s16 =	sadd.s32 $0x1080, s5;
	[smem:$0x7F2] =	sst s15  }
0x39: {  	s28 =	simm.s32 $0x1;
	s4 =	sadd.s32 $0xA80, s5;
	[dreg:$0x1d] =	wrdreg s16  }
0x3a: {  	s29 =	simm.s32 $0x4000;
	s6 =	sadd.s32 $0xE80, s5;
	[smem:$0x7E8] =	sst s4  }
0x3b: {  	s30 =	simm.s32 $0x80;
	s8 =	sadd.s32 $0x700, s5;
	[smem:$0x7E9] =	sst s6  }
0x3c: {  	s31 =	simm.s32 $0x0;
	s17 =	sadd.s32 $0x14800, s5;
	[smem:$0x7EB] =	sst s8  }
0x3d: {  	s18 =	sadd.s32 $0x14C00, s5;
	s19 =	sadd.s32 $0x15000, s5;
	[smem:$0x7F4] =	sst s17  }
0x3e: {  	s20 =	sadd.s32 $0x14480, s5;
	s21 =	sadd.s32 $0x14880, s5;
	[smem:$0x7F5] =	sst s18  }
0x3f: {  	s22 =	sadd.s32 $0x14C80, s5;
	s23 =	sadd.s32 $0x15080, s5;
	[smem:$0x7F6] =	sst s19  }
0x40: {  	s24 =	sadd.s32 $0x14500, s5;
	s25 =	sadd.s32 $0x14900, s5;
	[smem:$0x7F7] =	sst s20  }
0x41: {  	s26 =	sadd.s32 $0x14D00, s5;
	s7 =	sadd.s32 $0x14580, s5;
	[smem:$0x7F8] =	sst s21  }
0x42: {  	s9 =	sadd.s32 $0x14D80, s5;
	s10 =	sadd.s32 $0x15180, s5;
	[smem:$0x7F9] =	sst s22  }
0x43: {  	s11 =	sadd.s32 $0x14600, s5;
	s12 =	sadd.s32 $0x14A00, s5;
	[smem:$0x7FA] =	sst s23  }
0x44: {  	s13 =	sadd.s32 $0x14E00, s5;
	s14 =	sadd.s32 $0x15200, s5;
	[smem:$0x7FB] =	sst s24  }
0x45: {  	s15 =	sadd.s32 $0x14680, s5;
	s16 =	sadd.s32 $0x14400, s5;
	[smem:$0x7FC] =	sst s25  }
0x46: {  	[smem:$0x7FD] =	sst s26;
	s6 =	sadd.s32 $0x15100, s5;
	s8 =	sadd.s32 $0x14980, s5  }
0x47: {  	s17 =	sadd.s32 $0x14E80, s5;
	s18 =	sadd.s32 $0x15280, s5;
	s19 =	sadd.s32 $0x14700, s5  }
0x48: {  	s20 =	sadd.s32 $0x14B00, s5;
	s21 =	sadd.s32 $0x14F00, s5;
	s22 =	sadd.s32 $0x15300, s5  }
0x49: {  	s23 =	sadd.s32 $0x14780, s5;
	s24 =	sadd.s32 $0x14B80, s5;
	s25 =	sadd.s32 $0x14F80, s5  }
0x4a: {  	v0 =	vimm.f32 $0.0e+00;
	v1 =	vimm.f32 $1.000000000e+00;
	s26 =	sadd.s32 $0x15380, s5;
	[smem:$0x7F3] =	sst s16;
	s16 =	sadd.s32 $0x14A80, s5  }
.LBB2_1:
0x4b: {  	s0 =	simm.s32 $0x0;
	s1 =	rddreg [dreg:$0x3]  }
0x4c: {  	[tilespmem:s0], [sflag:$0x1] =	stream.linear.gather [hbm4b:s1+s0], $0x3E80, $0x38;
	[tilespmem:$0xBA80] =	vst v63  }
0x4d: {  	_ =	swait.ge [sflag:s28], $0x3E80  }
0x4e: {  	[sflag:s28] =	ssyncset.done $0x0  }
0x4f: {  	s0 =	simm.s32 $0x0;
	[sflag:s28] =	ssyncadd.s32 $0xFFFFC180  }
.LBB2_2:
0x50: {  	p0 =	sne.s32 s0, $0x9FC0  }
.Ltmp0:
0x51: {  	_ = 	snop;
	(pc) =	sbr.rel @p0 .LBB2_2-.Ltmp0, $3  }
0x52: {  	_ =	sdelay $0x1  }
0x53: {  	s1 =	sshra.s32 s0, $0x2  }
0x54: {  	s0 =	sadd.s32 $0x40, s0;
	[tilespmem:s1+$0x4000] =	vst v0  }
0x55: {  	s0 =	simm.s32 $0x0  }
.LBB2_4:
0x56: {  	s1 =	sshra.s32 s0, $0x2  }
0x57: {  	v2 =	vld [tilespmem:s1+$0x0];
	_ =	sdelay $0x7  }
0x58: {  	[tilespmem:v2+s29+$0x0] =	vst.idx.add.f32.msk $0xffff, v1  }
0x59: {  	v2 =	vld [tilespmem:s1+$0x10];
	_ =	sdelay $0x7  }
0x5a: {  	[tilespmem:v2+s29+$0x0] =	vst.idx.add.f32.msk $0xffff, v1  }
0x5b: {  	v2 =	vld [tilespmem:s1+$0x20];
	_ =	sdelay $0x7  }
0x5c: {  	[tilespmem:v2+s29+$0x0] =	vst.idx.add.f32.msk $0xffff, v1  }
0x5d: {  	v2 =	vld [tilespmem:s1+$0x30];
	_ =	sdelay $0x7  }
0x5e: {  	[tilespmem:v2+s29+$0x0] =	vst.idx.add.f32.msk $0xffff, v1  }
0x5f: {  	v2 =	vld [tilespmem:s1+$0x40];
	_ =	sdelay $0x2  }
0x60: {  	p0 =	sne.s32 s0, $0xF800  }
.Ltmp1:
0x61: {  	_ = 	snop;
	(pc) =	sbr.rel @p0 .LBB2_4-.Ltmp1, $2  }
0x62: {  	_ =	sdelay $0x2  }
0x63: {  	s0 =	sadd.s32 $0x200, s0;
	[tilespmem:v2+s29+$0x0] =	vst.idx.add.f32.msk $0xffff, v1  }
0x64: {  	s0 =	rddreg [dreg:$0x4];
	s1 =	simm.s32 $0x400  }
0x65: {  	[spmem:s0] =	stream.strided.scatter [tilespmem:s29], [sflag:$0x1], $0x2800, s1, s30, $0x38;
	[tilespmem:$0xBA80] =	vst v63  }
0x66: {  	_ =	swait.ge [sflag:s28], $0x2800  }
0x67: {  	[sflag:s28] =	ssyncset.done $0x0  }
0x68: {  	[sflag:s28] =	ssyncadd.s32 $0xFFFFD800  }
0x69: {  	s2 =	simm.s32 $0x6800;
	[bflag:$0x0] =	sbarrier.arrive $0xFFFF  }
0x6a: {  	[tilespmem:s2], [sflag:$0x1] =	stream.linear.gather [spmem:s5], $0x80, $0x38;
	[tilespmem:$0xBA80] =	vst v63  }
0x6b: {  	s4 =	simm.s32 $0x6C00;
	s3 =	rddreg [dreg:$0x16]  }
0x6c: {  	[tilespmem:s4], [sflag:$0x1] =	stream.linear.gather [spmem:s3], $0x80, $0x38;
	[tilespmem:$0xBA80] =	vst v63  }
0x6d: {  	s1 =	rddreg [dreg:$0x17];
	s2 =	simm.s32 $0x7000  }
0x6e: {  	[tilespmem:s2], [sflag:$0x1] =	stream.linear.gather [spmem:s1], $0x80, $0x38;
	[tilespmem:$0xBA80] =	vst v63  }
0x6f: {  	s3 =	rddreg [dreg:$0x18];
	s4 =	simm.s32 $0x7400  }
0x70: {  	[tilespmem:s4], [sflag:$0x1] =	stream.linear.gather [spmem:s3], $0x80, $0x38;
	[tilespmem:$0xBA80] =	vst v63  }
0x71: {  	s1 =	rddreg [dreg:$0x19];
	s2 =	simm.s32 $0x7800  }
0x72: {  	[tilespmem:s2], [sflag:$0x1] =	stream.linear.gather [spmem:s1], $0x80, $0x38;
	[tilespmem:$0xBA80] =	vst v63  }
0x73: {  	_ =	swait.ge [sflag:s28], $0x280  }
0x74: {  	[sflag:s28] =	ssyncset.done $0x0  }
0x75: {  	s4 =	simm.s32 $0x6880;
	s3 =	rddreg [dreg:$0x5];
	[sflag:s28] =	ssyncadd.s32 $0xFFFFFD80  }
0x76: {  	[tilespmem:s4], [sflag:$0x1] =	stream.linear.gather [spmem:s3], $0x80, $0x38;
	[tilespmem:$0xBA80] =	vst v63  }
0x77: {  	s2 =	simm.s32 $0x6C80;
	s1 =	rddreg [dreg:$0x1a]  }
0x78: {  	[tilespmem:s2], [sflag:$0x1] =	stream.linear.gather [spmem:s1], $0x80, $0x38;
	[tilespmem:$0xBA80] =	vst v63  }
0x79: {  	s3 =	rddreg [dreg:$0x1b];
	s4 =	simm.s32 $0x7080  }
0x7a: {  	[tilespmem:s4], [sflag:$0x1] =	stream.linear.gather [spmem:s3], $0x80, $0x38;
	[tilespmem:$0xBA80] =	vst v63  }
0x7b: {  	s1 =	rddreg [dreg:$0x1c];
	s2 =	simm.s32 $0x7480  }
0x7c: {  	[tilespmem:s2], [sflag:$0x1] =	stream.linear.gather [spmem:s1], $0x80, $0x38;
	[tilespmem:$0xBA80] =	vst v63  }
0x7d: {  	s3 =	rddreg [dreg:$0x1d];
	s4 =	simm.s32 $0x7880  }
0x7e: {  	[tilespmem:s4], [sflag:$0x1] =	stream.linear.gather [spmem:s3], $0x80, $0x38;
	[tilespmem:$0xBA80] =	vst v63  }
0x7f: {  	_ =	swait.ge [sflag:s28], $0x280  }
0x80: {  	[sflag:s28] =	ssyncset.done $0x0;
	s1 =	rddreg [dreg:$0x6]  }
0x81: {  	s2 =	simm.s32 $0x6900;
	s3 =	rddreg [dreg:$0x1e];
	[sflag:s28] =	ssyncadd.s32 $0xFFFFFD80  }
0x82: {  	[tilespmem:s2], [sflag:$0x1] =	stream.linear.gather [spmem:s1], $0x80, $0x38;
	[tilespmem:$0xBA80] =	vst v63  }
0x83: {  	s4 =	simm.s32 $0x6D00;
	s1 =	rddreg [dreg:$0x1f]  }
0x84: {  	[tilespmem:s4], [sflag:$0x1] =	stream.linear.gather [spmem:s3], $0x80, $0x38;
	[tilespmem:$0xBA80] =	vst v63  }
0x85: {  	s2 =	simm.s32 $0x7100;
	s3 =	sld [smem:$0x7DD]  }
0x86: {  	[tilespmem:s2], [sflag:$0x1] =	stream.linear.gather [spmem:s1], $0x80, $0x38;
	[tilespmem:$0xBA80] =	vst v63  }
0x87: {  	s4 =	simm.s32 $0x7500;
	s1 =	sld [smem:$0x7DE]  }
0x88: {  	[tilespmem:s4], [sflag:$0x1] =	stream.linear.gather [spmem:s3], $0x80, $0x38;
	[tilespmem:$0xBA80] =	vst v63  }
0x89: {  	s2 =	simm.s32 $0x7900  }
0x8a: {  	[tilespmem:s2], [sflag:$0x1] =	stream.linear.gather [spmem:s1], $0x80, $0x38;
	[tilespmem:$0xBA80] =	vst v63  }
0x8b: {  	_ =	swait.ge [sflag:s28], $0x280  }
0x8c: {  	[sflag:s28] =	ssyncset.done $0x0;
	s3 =	rddreg [dreg:$0x7]  }
0x8d: {  	s4 =	simm.s32 $0x6980;
	s1 =	sld [smem:$0x7DF];
	[sflag:s28] =	ssyncadd.s32 $0xFFFFFD80  }
0x8e: {  	[tilespmem:s4], [sflag:$0x1] =	stream.linear.gather [spmem:s3], $0x80, $0x38;
	[tilespmem:$0xBA80] =	vst v63  }
0x8f: {  	s2 =	simm.s32 $0x6D80;
	s3 =	sld [smem:$0x7E0]  }
0x90: {  	[tilespmem:s2], [sflag:$0x1] =	stream.linear.gather [spmem:s1], $0x80, $0x38;
	[tilespmem:$0xBA80] =	vst v63  }
0x91: {  	s4 =	simm.s32 $0x7180;
	s1 =	sld [smem:$0x7E1]  }
0x92: {  	[tilespmem:s4], [sflag:$0x1] =	stream.linear.gather [spmem:s3], $0x80, $0x38;
	[tilespmem:$0xBA80] =	vst v63  }
0x93: {  	s2 =	simm.s32 $0x7580;
	s3 =	sld [smem:$0x7E2]  }
0x94: {  	[tilespmem:s2], [sflag:$0x1] =	stream.linear.gather [spmem:s1], $0x80, $0x38;
	[tilespmem:$0xBA80] =	vst v63  }
0x95: {  	s4 =	simm.s32 $0x7980  }
0x96: {  	[tilespmem:s4], [sflag:$0x1] =	stream.linear.gather [spmem:s3], $0x80, $0x38;
	[tilespmem:$0xBA80] =	vst v63  }
0x97: {  	_ =	swait.ge [sflag:s28], $0x280  }
0x98: {  	[sflag:s28] =	ssyncset.done $0x0;
	s1 =	rddreg [dreg:$0x8]  }
0x99: {  	s2 =	simm.s32 $0x6A00;
	s3 =	sld [smem:$0x7E3];
	[sflag:s28] =	ssyncadd.s32 $0xFFFFFD80  }
0x9a: {  	[tilespmem:s2], [sflag:$0x1] =	stream.linear.gather [spmem:s1], $0x80, $0x38;
	[tilespmem:$0xBA80] =	vst v63  }
0x9b: {  	s4 =	simm.s32 $0x6E00;
	s1 =	sld [smem:$0x7E4]  }
0x9c: {  	[tilespmem:s4], [sflag:$0x1] =	stream.linear.gather [spmem:s3], $0x80, $0x38;
	[tilespmem:$0xBA80] =	vst v63  }
0x9d: {  	s2 =	simm.s32 $0x7200;
	s3 =	sld [smem:$0x7E5]  }
0x9e: {  	[tilespmem:s2], [sflag:$0x1] =	stream.linear.gather [spmem:s1], $0x80, $0x38;
	[tilespmem:$0xBA80] =	vst v63  }
0x9f: {  	s4 =	simm.s32 $0x7600;
	s1 =	sld [smem:$0x7E6]  }
0xa0: {  	[tilespmem:s4], [sflag:$0x1] =	stream.linear.gather [spmem:s3], $0x80, $0x38;
	[tilespmem:$0xBA80] =	vst v63  }
0xa1: {  	s2 =	simm.s32 $0x7A00  }
0xa2: {  	[tilespmem:s2], [sflag:$0x1] =	stream.linear.gather [spmem:s1], $0x80, $0x38;
	[tilespmem:$0xBA80] =	vst v63  }
0xa3: {  	_ =	swait.ge [sflag:s28], $0x280  }
0xa4: {  	[sflag:s28] =	ssyncset.done $0x0;
	s3 =	rddreg [dreg:$0x9]  }
0xa5: {  	s4 =	simm.s32 $0x6A80;
	s1 =	sld [smem:$0x7E7];
	[sflag:s28] =	ssyncadd.s32 $0xFFFFFD80  }
0xa6: {  	[tilespmem:s4], [sflag:$0x1] =	stream.linear.gather [spmem:s3], $0x80, $0x38;
	[tilespmem:$0xBA80] =	vst v63  }
0xa7: {  	s2 =	simm.s32 $0x6E80;
	s3 =	sld [smem:$0x7E8]  }
0xa8: {  	[tilespmem:s2], [sflag:$0x1] =	stream.linear.gather [spmem:s1], $0x80, $0x38;
	[tilespmem:$0xBA80] =	vst v63  }
0xa9: {  	s4 =	simm.s32 $0x7280;
	s1 =	sld [smem:$0x7E9]  }
0xaa: {  	[tilespmem:s4], [sflag:$0x1] =	stream.linear.gather [spmem:s3], $0x80, $0x38;
	[tilespmem:$0xBA80] =	vst v63  }
0xab: {  	s2 =	simm.s32 $0x7680;
	s3 =	sld [smem:$0x7EA]  }
0xac: {  	[tilespmem:s2], [sflag:$0x1] =	stream.linear.gather [spmem:s1], $0x80, $0x38;
	[tilespmem:$0xBA80] =	vst v63  }
0xad: {  	s4 =	simm.s32 $0x7A80  }
0xae: {  	[tilespmem:s4], [sflag:$0x1] =	stream.linear.gather [spmem:s3], $0x80, $0x38;
	[tilespmem:$0xBA80] =	vst v63  }
0xaf: {  	_ =	swait.ge [sflag:s28], $0x280  }
0xb0: {  	[sflag:s28] =	ssyncset.done $0x0;
	s1 =	rddreg [dreg:$0xa]  }
0xb1: {  	s2 =	simm.s32 $0x6B00;
	s3 =	sld [smem:$0x7EB];
	[sflag:s28] =	ssyncadd.s32 $0xFFFFFD80  }
0xb2: {  	[tilespmem:s2], [sflag:$0x1] =	stream.linear.gather [spmem:s1], $0x80, $0x38;
	[tilespmem:$0xBA80] =	vst v63  }
0xb3: {  	s4 =	simm.s32 $0x6F00;
	s1 =	sld [smem:$0x7EC]  }
0xb4: {  	[tilespmem:s4], [sflag:$0x1] =	stream.linear.gather [spmem:s3], $0x80, $0x38;
	[tilespmem:$0xBA80] =	vst v63  }
0xb5: {  	s2 =	simm.s32 $0x7300;
	s3 =	sld [smem:$0x7ED]  }
0xb6: {  	[tilespmem:s2], [sflag:$0x1] =	stream.linear.gather [spmem:s1], $0x80, $0x38;
	[tilespmem:$0xBA80] =	vst v63  }
0xb7: {  	s4 =	simm.s32 $0x7700;
	s1 =	sld [smem:$0x7EE]  }
0xb8: {  	[tilespmem:s4], [sflag:$0x1] =	stream.linear.gather [spmem:s3], $0x80, $0x38;
	[tilespmem:$0xBA80] =	vst v63  }
0xb9: {  	s2 =	simm.s32 $0x7B00  }
0xba: {  	[tilespmem:s2], [sflag:$0x1] =	stream.linear.gather [spmem:s1], $0x80, $0x38;
	[tilespmem:$0xBA80] =	vst v63  }
0xbb: {  	_ =	swait.ge [sflag:s28], $0x280  }
0xbc: {  	[sflag:s28] =	ssyncset.done $0x0;
	s3 =	rddreg [dreg:$0xb]  }
0xbd: {  	s4 =	simm.s32 $0x6B80;
	s1 =	sld [smem:$0x7EF];
	[sflag:s28] =	ssyncadd.s32 $0xFFFFFD80  }
0xbe: {  	[tilespmem:s4], [sflag:$0x1] =	stream.linear.gather [spmem:s3], $0x80, $0x38;
	[tilespmem:$0xBA80] =	vst v63  }
0xbf: {  	s2 =	simm.s32 $0x6F80;
	s3 =	sld [smem:$0x7F0]  }
0xc0: {  	[tilespmem:s2], [sflag:$0x1] =	stream.linear.gather [spmem:s1], $0x80, $0x38;
	[tilespmem:$0xBA80] =	vst v63  }
0xc1: {  	s4 =	simm.s32 $0x7380;
	s1 =	sld [smem:$0x7F1]  }
0xc2: {  	[tilespmem:s4], [sflag:$0x1] =	stream.linear.gather [spmem:s3], $0x80, $0x38;
	[tilespmem:$0xBA80] =	vst v63  }
0xc3: {  	s2 =	simm.s32 $0x7780;
	s3 =	sld [smem:$0x7F2]  }
0xc4: {  	[tilespmem:s2], [sflag:$0x1] =	stream.linear.gather [spmem:s1], $0x80, $0x38;
	[tilespmem:$0xBA80] =	vst v63  }
0xc5: {  	s4 =	simm.s32 $0x7B80  }
0xc6: {  	[tilespmem:s4], [sflag:$0x1] =	stream.linear.gather [spmem:s3], $0x80, $0x38;
	[tilespmem:$0xBA80] =	vst v63  }
0xc7: {  	_ =	swait.ge [sflag:s28], $0x280  }
0xc8: {  	[sflag:s28] =	ssyncset.done $0x0;
	s1 =	rddreg [dreg:$0xc]  }
0xc9: {  	s2 =	simm.s32 $0x7C00;
	s3 =	sld [smem:$0x7F3];
	[sflag:s28] =	ssyncadd.s32 $0xFFFFFD80  }
0xca: {  	[tilespmem:s2], [sflag:$0x1] =	stream.linear.gather [spmem:s1], $0x80, $0x38;
	[tilespmem:$0xBA80] =	vst v63  }
0xcb: {  	s4 =	simm.s32 $0x8000;
	s1 =	sld [smem:$0x7F4]  }
0xcc: {  	[tilespmem:s4], [sflag:$0x1] =	stream.linear.gather [spmem:s3], $0x80, $0x38;
	[tilespmem:$0xBA80] =	vst v63  }
0xcd: {  	s2 =	simm.s32 $0x8400;
	s3 =	sld [smem:$0x7F5]  }
0xce: {  	[tilespmem:s2], [sflag:$0x1] =	stream.linear.gather [spmem:s1], $0x80, $0x38;
	[tilespmem:$0xBA80] =	vst v63  }
0xcf: {  	s4 =	simm.s32 $0x8800;
	s1 =	sld [smem:$0x7F6]  }
0xd0: {  	[tilespmem:s4], [sflag:$0x1] =	stream.linear.gather [spmem:s3], $0x80, $0x38;
	[tilespmem:$0xBA80] =	vst v63  }
0xd1: {  	s2 =	simm.s32 $0x8C00  }
0xd2: {  	[tilespmem:s2], [sflag:$0x1] =	stream.linear.gather [spmem:s1], $0x80, $0x38;
	[tilespmem:$0xBA80] =	vst v63  }
0xd3: {  	_ =	swait.ge [sflag:s28], $0x280  }
0xd4: {  	[sflag:s28] =	ssyncset.done $0x0;
	s3 =	rddreg [dreg:$0xd]  }
0xd5: {  	s4 =	simm.s32 $0x7C80;
	s1 =	sld [smem:$0x7F7];
	[sflag:s28] =	ssyncadd.s32 $0xFFFFFD80  }
0xd6: {  	[tilespmem:s4], [sflag:$0x1] =	stream.linear.gather [spmem:s3], $0x80, $0x38;
	[tilespmem:$0xBA80] =	vst v63  }
0xd7: {  	s2 =	simm.s32 $0x8080;
	s3 =	sld [smem:$0x7F8]  }
0xd8: {  	[tilespmem:s2], [sflag:$0x1] =	stream.linear.gather [spmem:s1], $0x80, $0x38;
	[tilespmem:$0xBA80] =	vst v63  }
0xd9: {  	s4 =	simm.s32 $0x8480;
	s1 =	sld [smem:$0x7F9]  }
0xda: {  	[tilespmem:s4], [sflag:$0x1] =	stream.linear.gather [spmem:s3], $0x80, $0x38;
	[tilespmem:$0xBA80] =	vst v63  }
0xdb: {  	s2 =	simm.s32 $0x8880;
	s3 =	sld [smem:$0x7FA]  }
0xdc: {  	[tilespmem:s2], [sflag:$0x1] =	stream.linear.gather [spmem:s1], $0x80, $0x38;
	[tilespmem:$0xBA80] =	vst v63  }
0xdd: {  	s4 =	simm.s32 $0x8C80  }
0xde: {  	[tilespmem:s4], [sflag:$0x1] =	stream.linear.gather [spmem:s3], $0x80, $0x38;
	[tilespmem:$0xBA80] =	vst v63  }
0xdf: {  	_ =	swait.ge [sflag:s28], $0x280  }
0xe0: {  	[sflag:s28] =	ssyncset.done $0x0;
	s1 =	rddreg [dreg:$0xe]  }
0xe1: {  	s2 =	simm.s32 $0x7D00;
	s3 =	sld [smem:$0x7FB];
	[sflag:s28] =	ssyncadd.s32 $0xFFFFFD80  }
0xe2: {  	[tilespmem:s2], [sflag:$0x1] =	stream.linear.gather [spmem:s1], $0x80, $0x38;
	[tilespmem:$0xBA80] =	vst v63  }
0xe3: {  	s4 =	simm.s32 $0x8100;
	s1 =	sld [smem:$0x7FC]  }
0xe4: {  	[tilespmem:s4], [sflag:$0x1] =	stream.linear.gather [spmem:s3], $0x80, $0x38;
	[tilespmem:$0xBA80] =	vst v63  }
0xe5: {  	s2 =	simm.s32 $0x8500;
	s3 =	sld [smem:$0x7FD]  }
0xe6: {  	[tilespmem:s2], [sflag:$0x1] =	stream.linear.gather [spmem:s1], $0x80, $0x38;
	[tilespmem:$0xBA80] =	vst v63  }
0xe7: {  	s4 =	simm.s32 $0x8900  }
0xe8: {  	[tilespmem:s4], [sflag:$0x1] =	stream.linear.gather [spmem:s3], $0x80, $0x38;
	[tilespmem:$0xBA80] =	vst v63  }
0xe9: {  	s2 =	simm.s32 $0x8D00  }
0xea: {  	[tilespmem:s2], [sflag:$0x1] =	stream.linear.gather [spmem:s6], $0x80, $0x38;
	[tilespmem:$0xBA80] =	vst v63  }
0xeb: {  	_ =	swait.ge [sflag:s28], $0x280  }
0xec: {  	[sflag:s28] =	ssyncset.done $0x0  }
0xed: {  	s4 =	simm.s32 $0x7D80;
	s3 =	rddreg [dreg:$0xf];
	[sflag:s28] =	ssyncadd.s32 $0xFFFFFD80  }
0xee: {  	[tilespmem:s4], [sflag:$0x1] =	stream.linear.gather [spmem:s3], $0x80, $0x38;
	[tilespmem:$0xBA80] =	vst v63  }
0xef: {  	s1 =	simm.s32 $0x8180  }
0xf0: {  	[tilespmem:s1], [sflag:$0x1] =	stream.linear.gather [spmem:s7], $0x80, $0x38;
	[tilespmem:$0xBA80] =	vst v63  }
0xf1: {  	s2 =	simm.s32 $0x8580  }
0xf2: {  	[tilespmem:s2], [sflag:$0x1] =	stream.linear.gather [spmem:s8], $0x80, $0x38;
	[tilespmem:$0xBA80] =	vst v63  }
0xf3: {  	s3 =	simm.s32 $0x8980  }
0xf4: {  	[tilespmem:s3], [sflag:$0x1] =	stream.linear.gather [spmem:s9], $0x80, $0x38;
	[tilespmem:$0xBA80] =	vst v63  }
0xf5: {  	s4 =	simm.s32 $0x8D80  }
0xf6: {  	[tilespmem:s4], [sflag:$0x1] =	stream.linear.gather [spmem:s10], $0x80, $0x38;
	[tilespmem:$0xBA80] =	vst v63  }
0xf7: {  	_ =	swait.ge [sflag:s28], $0x280  }
0xf8: {  	[sflag:s28] =	ssyncset.done $0x0  }
0xf9: {  	s2 =	simm.s32 $0x7E00;
	s1 =	rddreg [dreg:$0x10];
	[sflag:s28] =	ssyncadd.s32 $0xFFFFFD80  }
0xfa: {  	[tilespmem:s2], [sflag:$0x1] =	stream.linear.gather [spmem:s1], $0x80, $0x38;
	[tilespmem:$0xBA80] =	vst v63  }
0xfb: {  	s3 =	simm.s32 $0x8200  }
0xfc: {  	[tilespmem:s3], [sflag:$0x1] =	stream.linear.gather [spmem:s11], $0x80, $0x38;
	[tilespmem:$0xBA80] =	vst v63  }
0xfd: {  	s4 =	simm.s32 $0x8600  }
0xfe: {  	[tilespmem:s4], [sflag:$0x1] =	stream.linear.gather [spmem:s12], $0x80, $0x38;
	[tilespmem:$0xBA80] =	vst v63  }
0xff: {  	s1 =	simm.s32 $0x8A00  }
0x100: {  	[tilespmem:s1], [sflag:$0x1] =	stream.linear.gather [spmem:s13], $0x80, $0x38;
	[tilespmem:$0xBA80] =	vst v63  }
0x101: {  	s2 =	simm.s32 $0x8E00  }
0x102: {  	[tilespmem:s2], [sflag:$0x1] =	stream.linear.gather [spmem:s14], $0x80, $0x38;
	[tilespmem:$0xBA80] =	vst v63  }
0x103: {  	_ =	swait.ge [sflag:s28], $0x280  }
0x104: {  	[sflag:s28] =	ssyncset.done $0x0  }
0x105: {  	s4 =	simm.s32 $0x7E80;
	s3 =	rddreg [dreg:$0x11];
	[sflag:s28] =	ssyncadd.s32 $0xFFFFFD80  }
0x106: {  	[tilespmem:s4], [sflag:$0x1] =	stream.linear.gather [spmem:s3], $0x80, $0x38;
	[tilespmem:$0xBA80] =	vst v63  }
0x107: {  	s1 =	simm.s32 $0x8280  }
0x108: {  	[tilespmem:s1], [sflag:$0x1] =	stream.linear.gather [spmem:s15], $0x80, $0x38;
	[tilespmem:$0xBA80] =	vst v63  }
0x109: {  	s2 =	simm.s32 $0x8680  }
0x10a: {  	[tilespmem:s2], [sflag:$0x1] =	stream.linear.gather [spmem:s16], $0x80, $0x38;
	[tilespmem:$0xBA80] =	vst v63  }
0x10b: {  	s3 =	simm.s32 $0x8A80  }
0x10c: {  	[tilespmem:s3], [sflag:$0x1] =	stream.linear.gather [spmem:s17], $0x80, $0x38;
	[tilespmem:$0xBA80] =	vst v63  }
0x10d: {  	s4 =	simm.s32 $0x8E80  }
0x10e: {  	[tilespmem:s4], [sflag:$0x1] =	stream.linear.gather [spmem:s18], $0x80, $0x38;
	[tilespmem:$0xBA80] =	vst v63  }
0x10f: {  	_ =	swait.ge [sflag:s28], $0x280  }
0x110: {  	[sflag:s28] =	ssyncset.done $0x0  }
0x111: {  	s2 =	simm.s32 $0x7F00;
	s1 =	rddreg [dreg:$0x12];
	[sflag:s28] =	ssyncadd.s32 $0xFFFFFD80  }
0x112: {  	[tilespmem:s2], [sflag:$0x1] =	stream.linear.gather [spmem:s1], $0x80, $0x38;
	[tilespmem:$0xBA80] =	vst v63  }
0x113: {  	s3 =	simm.s32 $0x8300  }
0x114: {  	[tilespmem:s3], [sflag:$0x1] =	stream.linear.gather [spmem:s19], $0x80, $0x38;
	[tilespmem:$0xBA80] =	vst v63  }
0x115: {  	s4 =	simm.s32 $0x8700  }
0x116: {  	[tilespmem:s4], [sflag:$0x1] =	stream.linear.gather [spmem:s20], $0x80, $0x38;
	[tilespmem:$0xBA80] =	vst v63  }
0x117: {  	s1 =	simm.s32 $0x8B00  }
0x118: {  	[tilespmem:s1], [sflag:$0x1] =	stream.linear.gather [spmem:s21], $0x80, $0x38;
	[tilespmem:$0xBA80] =	vst v63  }
0x119: {  	s2 =	simm.s32 $0x8F00  }
0x11a: {  	[tilespmem:s2], [sflag:$0x1] =	stream.linear.gather [spmem:s22], $0x80, $0x38;
	[tilespmem:$0xBA80] =	vst v63  }
0x11b: {  	_ =	swait.ge [sflag:s28], $0x280  }
0x11c: {  	[sflag:s28] =	ssyncset.done $0x0  }
0x11d: {  	s4 =	simm.s32 $0x7F80;
	s3 =	rddreg [dreg:$0x13];
	[sflag:s28] =	ssyncadd.s32 $0xFFFFFD80  }
0x11e: {  	[tilespmem:s4], [sflag:$0x1] =	stream.linear.gather [spmem:s3], $0x80, $0x38;
	[tilespmem:$0xBA80] =	vst v63  }
0x11f: {  	s2 =	simm.s32 $0x8380  }
0x120: {  	[tilespmem:s2], [sflag:$0x1] =	stream.linear.gather [spmem:s23], $0x80, $0x38;
	[tilespmem:$0xBA80] =	vst v63  }
0x121: {  	s3 =	simm.s32 $0x8780  }
0x122: {  	[tilespmem:s3], [sflag:$0x1] =	stream.linear.gather [spmem:s24], $0x80, $0x38;
	[tilespmem:$0xBA80] =	vst v63  }
0x123: {  	s4 =	simm.s32 $0x8B80  }
0x124: {  	[tilespmem:s4], [sflag:$0x1] =	stream.linear.gather [spmem:s25], $0x80, $0x38;
	[tilespmem:$0xBA80] =	vst v63  }
0x125: {  	s1 =	simm.s32 $0x8F80  }
0x126: {  	[tilespmem:s1], [sflag:$0x1] =	stream.linear.gather [spmem:s26], $0x80, $0x38;
	[tilespmem:$0xBA80] =	vst v63  }
0x127: {  	s2 =	simm.s32 $0x0;
	_ =	swait.ge [sflag:s28], $0x280  }
0x128: {  	s0 =	sand.u32 $0x1C00, s2;
	s3 =	sand.u32 $0x70, s2;
	[sflag:s28] =	ssyncset.done $0x0  }
0x129: {  	s0 =	sor.u32 s3, s0;
	[sflag:s28] =	ssyncadd.s32 $0xFFFFFD80  }
0x12a: {  	v2 =	vld [tilespmem:s0+$0x6880]  }
0x12b: {  	v3 =	vld [tilespmem:s0+$0x6800];
	_ =	sdelay $0x1  }
0x12c: {  	v4 =	vld [tilespmem:s0+$0x6900];
	_ =	sdelay $0x1  }
0x12d: {  	v5 =	vld [tilespmem:s0+$0x6980]  }
0x12e: {  	v2 =	vadd.f32 v2, v3  }
0x12f: {  	v3 =	vld [tilespmem:s0+$0x6A00]  }
0x130: {  	v2 =	vadd.f32 v4, v2  }
0x131: {  	v56 =	vld [tilespmem:s0+$0x6A80]  }
0x132: {  	v2 =	vadd.f32 v5, v2  }
0x133: {  	v57 =	vld [tilespmem:s0+$0x6B00]  }
0x134: {  	v2 =	vadd.f32 v3, v2  }
0x135: {  	v3 =	vld [tilespmem:s0+$0x6B80]  }
0x136: {  	v2 =	vadd.f32 v56, v2  }
0x137: {  	v58 =	vld [tilespmem:s0+$0x7C00]  }
0x138: {  	v2 =	vadd.f32 v57, v2  }
0x139: {  	v59 =	vld [tilespmem:s0+$0x7C80]  }
0x13a: {  	v2 =	vadd.f32 v3, v2  }
0x13b: {  	v3 =	vld [tilespmem:s0+$0x7D00]  }
0x13c: {  	v2 =	vadd.f32 v58, v2  }
0x13d: {  	v60 =	vld [tilespmem:s0+$0x7D80]  }
0x13e: {  	v2 =	vadd.f32 v59, v2  }
0x13f: {  	v61 =	vld [tilespmem:s0+$0x7E00]  }
0x140: {  	v2 =	vadd.f32 v3, v2  }
0x141: {  	v3 =	vld [tilespmem:s0+$0x7E80]  }
0x142: {  	v2 =	vadd.f32 v60, v2  }
0x143: {  	v62 =	vld [tilespmem:s0+$0x7F00]  }
0x144: {  	v2 =	vadd.f32 v61, v2  }
0x145: {  	v63 =	vld [tilespmem:s0+$0x7F80]  }
0x146: {  	v2 =	vadd.f32 v3, v2;
	_ =	sdelay $0x1  }
0x147: {  	v2 =	vadd.f32 v62, v2;
	_ =	sdelay $0x1  }
0x148: {  	s2 =	simm.s32 $0x80;
	s4 =	simm.s32 $0x10;
	v2 =	vadd.f32 v63, v2  }
0x149: {  	s3 =	sand.u32 $0x1C00, s2;
	s1 =	sand.u32 $0x70, s4;
	s0 =	simm.s32 $0x9000  }
0x14a: {  	s1 =	sor.u32 s1, s3;
	s3 =	simm.s32 $0x20;
	[tilespmem:s0+$0x0] =	vst v2  }
.LBB2_6:
0x14b: {  	p0 =	sne.s32 s3, $0x270;
	v2 =	vld [tilespmem:s1+$0x6880]  }
0x14c: {  	v3 =	vld [tilespmem:s1+$0x6800];
	_ =	sdelay $0x1  }
0x14d: {  	v4 =	vld [tilespmem:s1+$0x6900];
	_ =	sdelay $0x1  }
0x14e: {  	v5 =	vld [tilespmem:s1+$0x6980]  }
0x14f: {  	v2 =	vadd.f32 v2, v3  }
0x150: {  	v3 =	vld [tilespmem:s1+$0x6A00]  }
0x151: {  	v2 =	vadd.f32 v4, v2  }
0x152: {  	v4 =	vld [tilespmem:s1+$0x6A80]  }
0x153: {  	v2 =	vadd.f32 v5, v2  }
0x154: {  	v5 =	vld [tilespmem:s1+$0x6B00]  }
0x155: {  	v2 =	vadd.f32 v3, v2  }
0x156: {  	v3 =	vld [tilespmem:s1+$0x6B80]  }
0x157: {  	v2 =	vadd.f32 v4, v2  }
0x158: {  	v4 =	vld [tilespmem:s1+$0x7C00]  }
0x159: {  	v2 =	vadd.f32 v5, v2  }
0x15a: {  	v5 =	vld [tilespmem:s1+$0x7C80]  }
0x15b: {  	v2 =	vadd.f32 v3, v2  }
0x15c: {  	v3 =	vld [tilespmem:s1+$0x7D00]  }
0x15d: {  	v2 =	vadd.f32 v4, v2  }
0x15e: {  	v4 =	vld [tilespmem:s1+$0x7D80]  }
0x15f: {  	v2 =	vadd.f32 v5, v2  }
0x160: {  	v5 =	vld [tilespmem:s1+$0x7E00]  }
0x161: {  	v2 =	vadd.f32 v3, v2  }
0x162: {  	v3 =	vld [tilespmem:s1+$0x7E80]  }
0x163: {  	v2 =	vadd.f32 v4, v2  }
0x164: {  	v4 =	vld [tilespmem:s1+$0x7F00]  }
0x165: {  	v2 =	vadd.f32 v5, v2  }
0x166: {  	v5 =	vld [tilespmem:s1+$0x7F80]  }
0x167: {  	v2 =	vadd.f32 v3, v2;
	_ =	sdelay $0x1  }
.Ltmp2:
0x168: {  	v2 =	vadd.f32 v4, v2;
	(pc) =	sbr.rel @p0 .LBB2_6-.Ltmp2, $4  }
0x169: {  	_ = 	snop  }
0x16a: {  	s2 =	sadd.s32 $0x80, s2;
	v2 =	vadd.f32 v5, v2  }
0x16b: {  	s0 =	sadd.s32 $0x10, s0;
	s4 =	sand.u32 $0x1C00, s2;
	s1 =	sand.u32 $0x70, s3  }
0x16c: {  	s3 =	sadd.s32 $0x10, s3;
	s1 =	sor.u32 s1, s4;
	[tilespmem:s0+$0x0] =	vst v2  }
0x16d: {  	v2 =	vld [tilespmem:s1+$0x6880]  }
0x16e: {  	v3 =	vld [tilespmem:s1+$0x6800];
	_ =	sdelay $0x1  }
0x16f: {  	v4 =	vld [tilespmem:s1+$0x6900];
	_ =	sdelay $0x1  }
0x170: {  	v5 =	vld [tilespmem:s1+$0x6980]  }
0x171: {  	v2 =	vadd.f32 v2, v3  }
0x172: {  	v3 =	vld [tilespmem:s1+$0x6A00]  }
0x173: {  	v2 =	vadd.f32 v4, v2  }
0x174: {  	v56 =	vld [tilespmem:s1+$0x6A80]  }
0x175: {  	v2 =	vadd.f32 v5, v2  }
0x176: {  	v57 =	vld [tilespmem:s1+$0x6B00]  }
0x177: {  	v2 =	vadd.f32 v3, v2  }
0x178: {  	v3 =	vld [tilespmem:s1+$0x6B80]  }
0x179: {  	v2 =	vadd.f32 v56, v2  }
0x17a: {  	v58 =	vld [tilespmem:s1+$0x7C00]  }
0x17b: {  	v2 =	vadd.f32 v57, v2  }
0x17c: {  	v59 =	vld [tilespmem:s1+$0x7C80]  }
0x17d: {  	v2 =	vadd.f32 v3, v2  }
0x17e: {  	v3 =	vld [tilespmem:s1+$0x7D00]  }
0x17f: {  	v2 =	vadd.f32 v58, v2  }
0x180: {  	v60 =	vld [tilespmem:s1+$0x7D80]  }
0x181: {  	v2 =	vadd.f32 v59, v2  }
0x182: {  	v61 =	vld [tilespmem:s1+$0x7E00]  }
0x183: {  	v2 =	vadd.f32 v3, v2  }
0x184: {  	v3 =	vld [tilespmem:s1+$0x7E80]  }
0x185: {  	v2 =	vadd.f32 v60, v2  }
0x186: {  	v62 =	vld [tilespmem:s1+$0x7F00]  }
0x187: {  	v2 =	vadd.f32 v61, v2  }
0x188: {  	v63 =	vld [tilespmem:s1+$0x7F80]  }
0x189: {  	v2 =	vadd.f32 v3, v2;
	_ =	sdelay $0x1  }
0x18a: {  	v2 =	vadd.f32 v62, v2;
	_ =	sdelay $0x1  }
0x18b: {  	v2 =	vadd.f32 v63, v2  }
0x18c: {  	s0 =	sadd.s32 $0x10, s0  }
0x18d: {  	s3 =	simm.s32 $0x100;
	s2 =	simm.s32 $0x9000;
	s1 =	rddreg [dreg:$0x14];
	[tilespmem:s0+$0x0] =	vst v2  }
0x18e: {  	[hbm4b:s1+s30] =	stream.strided.scatter [tilespmem:s2], [sflag:$0x1], $0x280, s3, s30, $0x38;
	[tilespmem:$0xBA80] =	vst v63  }
0x18f: {  	_ =	swait.ge [sflag:s28], $0x280  }
0x190: {  	s31 =	sadd.s32 $0x1, s31;
	s4 =	rddreg [dreg:$0x15]  }
0x191: {  	p0 =	sne.s32 s31, s4  }
.Ltmp3:
0x192: {  	_ = 	snop;
	(pc) =	sbr.rel @p0 .LBB2_1-.Ltmp3, $3  }
0x193: {  	_ =	sdelay $0x1  }
0x194: {  	[sflag:s28] =	ssyncset.done $0x0  }
0x195: {  	[sflag:s28] =	ssyncadd.s32 $0xFFFFFD80  }
0x196: {  	_ =	sfence.sel $0x180000  }
0x197: {  	[bflag:$0x0] =	sbarrier.arrive $0xFFFF  }
0x198: {  	_ =	strace $0x90000047  }
0x199: {  	s0 =	stileid.u32;
	[bflag:$0x2] =	sbarrier.arrive $0xFFFF  }
0x19a: {  	p0 =	sne.s32 s0, $0x0;
	s0 =	rddreg [dreg:$0x2]  }
0x19b: {  	s0 =	sadd.s32 @!p0 $0x100000, s0  }
0x19c: {  	[sflag:s0] =	ssyncadd.tile.s32 @!p0 $0x1;
	_ =	shalt  }
.Lfunc_end2:
_tile_overlayer_lowered:
.L_overlay_start_2:
0x19d: {  	(tag) =	ssettag $0x2  }
0x19e: {  	s0 =	rddreg [dreg:$0x0];
	s2 =	stileid.u32  }
0x19f: {  	s1 =	rddreg [dreg:$0x1];
	p0 =	sne.s32 s2, $0x0  }
0x1a0: {  	s3 =	rddreg [dreg:$0x2];
	[bflag:$0x3] =	sbarrier.arrive $0xFFFF;
	s2 =	simm.s32 @!p0 $0x1C01  }
0x1a1: {  	[timem:s3], [sflag:s2] =	dma.local @!p0 [hbm:s0], s1  }
0x1a2: {  	s0 =	simm.s32 @!p0 $0x1  }
0x1a3: {  	_ =	swait.ge @!p0 [sflag:s0], s1  }
0x1a4: {  	s1 =	ssub.s32 @!p0 $0x0, s1;
	[sflag:s0] =	ssyncset.done @!p0 $0x0  }
0x1a5: {  	[sflag:s0] =	ssyncadd.s32 @!p0 s1  }
0x1a6: {  	[bflag:$0x3] =	sbarrier.arrive $0xFFFF  }
0x1a7: {  	_ =	shalt  }

// kernel: kernel.9.cloned.1.call-start
scs
__scs_entry_jumppad:
0x0: {  	(pc) =	sbr.rel $0x88, $3  }
0x1: {  	(tag) =	ssettag $0x0;
	lr =	simm.s32 $0x1  }
0x2: {  	[smem:$0x3F99] =	sst lr;
	_ =	strace $0xD0000000  }
0x3: {  	_ = 	snop  }
0x4: {  	_ = 	snop  }
0x5: {  	_ = 	snop  }
0x6: {  	_ = 	snop  }
0x7: {  	_ = 	snop  }
__scs_overlays_trampoline_lowered:
0x8: {  	[smem:$0x3FA8] =	sst s0  }
0x9: {  	[smem:$0x3FA9] =	sst s1  }
0xa: {  	[smem:$0x3FAA] =	sst s2  }
0xb: {  	[smem:$0x3FAB] =	sst s3  }
0xc: {  	[smem:$0x3FAC] =	sst s4  }
0xd: {  	[smem:$0x3FAD] =	sst s5  }
0xe: {  	[smem:$0x3FAE] =	sst s6  }
0xf: {  	[smem:$0x3FAF] =	sst s7  }
0x10: {  	[smem:$0x3FB0] =	sst s8  }
0x11: {  	[smem:$0x3FB1] =	sst s9;
	s0 =	simm.s32 @!p0 $0x0  }
0x12: {  	s1 =	sld [smem:$0x3F97];
	s0 =	simm.s32 @p0 $0x1  }
0x13: {  	[smem:$0x3FB2] =	sst s0;
	s0 =	simm.s32 @!p1 $0x0  }
0x14: {  	s2 =	sld [smem:$0x3F96];
	s0 =	simm.s32 @p1 $0x1  }
0x15: {  	[smem:$0x3FB3] =	sst s0;
	s0 =	simm.s32 @!p2 $0x0  }
0x16: {  	s3 =	sld [smem:$0x3FDB];
	s0 =	simm.s32 @p2 $0x1  }
0x17: {  	s4 =	simm.s32 $0x1BF5;
	[smem:$0x3FB5] =	sst s0  }
0x18: {  	s0 =	sld [smem:$0x3F98];
	_ =	swait.ge [sflag:s4], $0x0  }
0x19: {  	s7 =	sld [smem:$0x3F99]  }
0x1a: {  	s8 =	sadd.s32 $0xFFFFE003, lr  }
0x1b: {  	s9 =	sadd.s32 $0xFFFFFEF7, lr;
	s5 =	simm.s32 $0xFFFFFFFF;
	p2 =	slt.u32 s8, $0xFFFFF086  }
0x1c: {  	p1 =	slt.u32 s9, $0xF7A;
	s5 =	simm.s32 @!p2 $0x0  }
0x1d: {  	s5 =	simm.s32 @p1 $0x1;
	p0 =	seq.s32 s7, s2  }
0x1e: {  	s7 =	smul.u32 @!p0 $0xF7A, s2;
	p2 =	seq.s32 @!p0 s5, $0x0  }
0x1f: {  	s9 =	smul.u32 $0xF7A, s1;
	s8 =	simm.s32 @!p0 $0x1BF5;
	p2 =	por !p2, p0  }
0x20: {  	[sflag:s8] =	ssyncset.s32 @!p0 $0xFFFFF086;
	s6 =	sadd.s32 @!p0 s3, s7;
	s7 =	simm.s32 @!p0 $0x108  }
0x21: {  	s3 =	sadd.s32 s3, s9;
	s6 =	sadd.s32 @!p0 $0x88, s6;
	s7 =	simm.s32 @p2 $0x1082  }
0x22: {  	[simem:s7], [sflag:s8] =	dma.local @!p0 [hbm:s6], $0xF7A  }
0x23: {  	s9 =	sor.u32 $0xD0000000, s2;
	s6 =	simm.s32 $0x108;
	_ =	swait.ge @!p0 [sflag:s8], $0x0  }
0x24: {  	s3 =	sadd.s32 $0x88, s3;
	s6 =	simm.s32 @!p1 $0x1082;
	[sflag:s4] =	ssyncset.s32 $0xFFFFF086  }
0x25: {  	[simem:s6], [sflag:s4] =	dma.local [hbm:s3], $0xF7A  }
0x26: {  	[smem:$0x3F99] =	sst s1;
	(tag) =	ssettag s2;
	_ =	strace s9  }
0x27: {  	s1 =	sld [smem:$0x3FA9]  }
0x28: {  	s2 =	sld [smem:$0x3FAA]  }
0x29: {  	s4 =	sld [smem:$0x3FAC]  }
0x2a: {  	p0 =	seq.s32 s5, $0x0;
	s5 =	sld [smem:$0x3FAD]  }
0x2b: {  	s6 =	sld [smem:$0x3FAE]  }
0x2c: {  	s7 =	sld [smem:$0x3FAF]  }
0x2d: {  	s3 =	simm.s32 $0x108;
	s8 =	sld [smem:$0x3FB0]  }
0x2e: {  	s3 =	simm.s32 @!p0 $0x1082;
	s9 =	sld [smem:$0x3FB1]  }
0x2f: {  	lr =	sadd.s32 s0, s3;
	s0 =	sld [smem:$0x3FA8]  }
0x30: {  	s3 =	sld [smem:$0x3FAB]  }
0x31: {  	[smem:$0x3FB4] =	sst s10  }
0x32: {  	s10 =	sld [smem:$0x3FB2];
	_ =	sdelay $0x3  }
0x33: {  	p0 =	seq.s32 s10, $0x1;
	s10 =	sld [smem:$0x3FB4];
	_ =	sdelay $0x3  }
0x34: {  	[smem:$0x3FB4] =	sst s10  }
0x35: {  	s10 =	sld [smem:$0x3FB3];
	_ =	sdelay $0x3  }
0x36: {  	p1 =	seq.s32 s10, $0x1;
	s10 =	sld [smem:$0x3FB4];
	_ =	sdelay $0x3  }
0x37: {  	[smem:$0x3FB4] =	sst s10  }
0x38: {  	s10 =	sld [smem:$0x3FB5]  }
0x39: {  	_ = 	snop;
	(pc) =	sbr.ind lr, $3  }
0x3a: {  	_ = 	snop  }
0x3b: {  	_ = 	snop  }
0x3c: {  	p2 =	seq.s32 s10, $0x1;
	s10 =	sld [smem:$0x3FB4]  }
0x3d: {  	_ =	shalt  }
0x3e: {  	_ =	shalt  }
0x3f: {  	_ =	shalt  }
0x40: {  	_ =	shalt  }
0x41: {  	_ =	shalt  }
0x42: {  	_ =	shalt  }
0x43: {  	_ =	shalt  }
0x44: {  	_ =	shalt  }
0x45: {  	_ =	shalt  }
0x46: {  	_ =	shalt  }
0x47: {  	_ =	shalt  }
0x48: {  	_ =	shalt  }
0x49: {  	_ =	shalt  }
0x4a: {  	_ =	shalt  }
0x4b: {  	_ =	shalt  }
0x4c: {  	_ =	shalt  }
0x4d: {  	_ =	shalt  }
0x4e: {  	_ =	shalt  }
0x4f: {  	_ =	shalt  }
0x50: {  	_ =	shalt  }
0x51: {  	_ =	shalt  }
0x52: {  	_ =	shalt  }
0x53: {  	_ =	shalt  }
0x54: {  	_ =	shalt  }
0x55: {  	_ =	shalt  }
0x56: {  	_ =	shalt  }
0x57: {  	_ =	shalt  }
0x58: {  	_ =	shalt  }
0x59: {  	_ =	shalt  }
0x5a: {  	_ =	shalt  }
0x5b: {  	_ =	shalt  }
0x5c: {  	_ =	shalt  }
0x5d: {  	_ =	shalt  }
0x5e: {  	_ =	shalt  }
0x5f: {  	_ =	shalt  }
0x60: {  	_ =	shalt  }
0x61: {  	_ =	shalt  }
0x62: {  	_ =	shalt  }
0x63: {  	_ =	shalt  }
0x64: {  	_ =	shalt  }
0x65: {  	_ =	shalt  }
0x66: {  	_ =	shalt  }
0x67: {  	_ =	shalt  }
0x68: {  	_ =	shalt  }
0x69: {  	_ =	shalt  }
0x6a: {  	_ =	shalt  }
0x6b: {  	_ =	shalt  }
0x6c: {  	_ =	shalt  }
0x6d: {  	_ =	shalt  }
0x6e: {  	_ =	shalt  }
0x6f: {  	_ =	shalt  }
0x70: {  	_ =	shalt  }
0x71: {  	_ =	shalt  }
0x72: {  	_ =	shalt  }
0x73: {  	_ =	shalt  }
0x74: {  	_ =	shalt  }
0x75: {  	_ =	shalt  }
0x76: {  	_ =	shalt  }
0x77: {  	_ =	shalt  }
0x78: {  	_ =	shalt  }
0x79: {  	_ =	shalt  }
0x7a: {  	_ =	shalt  }
0x7b: {  	_ =	shalt  }
0x7c: {  	_ =	shalt  }
0x7d: {  	_ =	shalt  }
0x7e: {  	_ =	shalt  }
0x7f: {  	_ =	shalt  }
0x80: {  	_ =	shalt  }
0x81: {  	_ =	shalt  }
0x82: {  	_ =	shalt  }
0x83: {  	_ =	shalt  }
0x84: {  	_ =	shalt  }
0x85: {  	_ =	shalt  }
0x86: {  	_ =	shalt  }
0x87: {  	_ =	shalt  }
.Lfunc_end0:
.L_simem_size_0:
called_computation.1_lowered:
.L_overlay_start_0:
0x88: {  	s2 =	sld [smem:$0x3FD9]  }
0x89: {  	s3 =	sld [smem:$0x3FFE];
	_ =	sdelay $0x1  }
0x8a: {  	s1 =	srdreg.scid  }
0x8b: {  	s0 =	sand.u32 $0x1, s1  }
0x8c: {  	s17 =	sshll.u32 s0, $0xA;
	s2 =	sadd.s32 s3, s2  }
0x8d: {  	s2 =	sadd.s32 s2, s17  }
0x8e: {  	[smem:$0x3FC0] =	sst s2  }
0x8f: {  	_ = 	snop  }
0x90: {  	s18 =	sld [smem:$0x3FC9];
	(tm) =	ssettm $0x1  }
0x91: {  	s19 =	sld [smem:$0x3FFB];
	_ =	sdelay $0x3  }
0x92: {  	_ =	strace s19  }
0x93: {  	s2 =	sld [smem:$0x3FFC];
	_ =	sdelay $0x3  }
0x94: {  	_ =	strace s2  }
0x95: {  	s2 =	sld [smem:$0x3FFD];
	_ =	sdelay $0x3  }
0x96: {  	_ =	strace s2  }
0x97: {  	_ =	strace $0x8FFFFFFF  }
0x98: {  	s20 =	sld [smem:$0x3FDB];
	_ =	sdelay $0x1  }
0x99: {  	s4 =	simm.s32 $_scs_section_size  }
0x9a: {  	s5 =	simm.s32 $_size__tile_overlayer_lowered;
	s6 =	simm.s32 $_tile_overlayer_lowered  }
0x9b: {  	s7 =	simm.s32 $0x1BFF;
	s21 =	sshll.u32 s6, $0x1;
	s4 =	sadd.s32 s4, s20  }
0x9c: {  	s22 =	simm.s32 $0x0;
	s5 =	sshll.u32 s5, $0x1;
	s6 =	sadd.s32 s21, s4  }
0x9d: {  	[timem:s22], [sflag:s7] =	dma.local [hbm:s6], s5  }
0x9e: {  	_ =	swait.ge [sflag:s7], s5  }
0x9f: {  	s5 =	ssub.s32 $0x0, s5;
	[sflag:s7] =	ssyncset.done $0x0  }
0xa0: {  	[sflag:s7] =	ssyncadd.s32 s5;
	_ =	sdelay $0x1  }
0xa1: {  	s23 =	simm.s32 $0x1B8B  }
0xa2: {  	_ =	swait.ge [sflag:s23], $0x1  }
0xa3: {  	[sflag:s23] =	ssyncset.done $0x0  }
0xa4: {  	[sflag:s23] =	ssyncadd.s32 $0xFFFFFFFF  }
0xa5: {  	s5 =	sld [smem:$0x0]  }
0xa6: {  	s6 =	sand.u32 $0xFFFFFFFE, s1  }
0xa7: {  	p0 =	sne.s32 s1, s6  }
0xa8: {  	s6 =	sshll.u32 @p0 s6, $0xE  }
0xa9: {  	s6 =	sadd.s32 @p0 $0x11B8D, s6;
	s7 =	sshll.u32 @p0 s5, $0x11  }
0xaa: {  	s6 =	sor.u32 @p0 s7, s6  }
0xab: {  	[sflag:s6] =	ssyncadd.remote.s32 @p0 $0x1;
	_ =	sdelay $0x1  }
0xac: {  	s6 =	simm.s32 @p0 $0x1B8D  }
0xad: {  	_ =	swait.eq @p0 [sflag:s6], $0x1  }
0xae: {  	[sflag:s6] =	ssyncadd.s32 @p0 $0xFFFFFFFF  }
0xaf: {  	s7 =	sshll.u32 @!p0 s1, $0xE  }
0xb0: {  	s7 =	sor.u32 @!p0 $0x4000, s7;
	s6 =	simm.s32 @!p0 $0x1B8D  }
0xb1: {  	s5 =	sshll.u32 @!p0 s5, $0x11;
	s7 =	sadd.s32 @!p0 $0x11B8D, s7;
	_ =	swait.eq @!p0 [sflag:s6], $0x1  }
0xb2: {  	s5 =	sor.u32 @!p0 s5, s7;
	[sflag:s6] =	ssyncadd.s32 @!p0 $0xFFFFFFFF  }
0xb3: {  	s25 =	simm.s32 $0x1B8E;
	s24 =	sld [smem:$0x3FFE];
	[sflag:s5] =	ssyncadd.remote.s32 @!p0 $0x1  }
0xb4: {  	s26 =	simm.s32 $execute0_lowered;
	[smem:$0x3FD2] =	sst s25  }
0xb5: {  	s6 =	sshll.u32 s26, $0x1;
	_ =	strace $0x80000049;
	[dreg:$0x1] =	wrdreg $0xFFFFFFFF  }
0xb6: {  	s28 =	simm.s32 $_size_execute0_lowered;
	s4 =	sadd.s32 s4, s6;
	[dreg:$0x0] =	wrdreg $0x0  }
0xb7: {  	s6 =	sshll.u32 s28, $0x1;
	[dreg:$0x2] =	wrdreg s4  }
0xb8: {  	[dreg:$0x3] =	wrdreg s6  }
0xb9: {  	[dreg:$0x4] =	wrdreg $0xC0  }
0xba: {  	_ =	task [dreg:s22], $0x5FFFF  }
0xbb: {  	[dreg:$0x1] =	wrdreg $0xFFFFFFFF  }
0xbc: {  	[dreg:$0x0] =	wrdreg $0x60  }
0xbd: {  	[dreg:$0x2] =	wrdreg s24  }
0xbe: {  	[dreg:$0x3] =	wrdreg s18  }
0xbf: {  	[dreg:$0x4] =	wrdreg $0xB7800  }
0xc0: {  	[dreg:$0x5] =	wrdreg $0xA  }
0xc1: {  	_ =	task.clear_ibuf [dreg:s22], $0x6FFFF;
	_ =	strace $0x90000049  }
0xc2: {  	s29 =	simm.s32 $0xA;
	_ =	strace $0x8000004B  }
0xc3: {  	_ =	swait.ge [sflag:s29], $0x1  }
0xc4: {  	[sflag:s29] =	ssyncadd.s32 $0xFFFFFFFF  }
0xc5: {  	_ =	strace $0x9000004B  }
0xc6: {  	_ =	sfence  }
0xc7: {  	s30 =	sld [smem:$0x0];
	_ =	sdelay $0x2  }
0xc8: {  	s31 =	sshll.u32 s1, $0xD;
	s1 =	sshrl.u32 s1, $0x2  }
0xc9: {  	s4 =	sand.u32 $0x4000, s31;
	s1 =	sadd.s32 s1, s30  }
0xca: {  	s0 =	sor.u32 s4, s0;
	s1 =	sshll.u32 s1, $0x11  }
0xcb: {  	s0 =	sor.u32 s1, s0  }
0xcc: {  	s0 =	sadd.s32 $0x8F2B, s0  }
0xcd: {  	[sflag:s0] =	ssyncadd.remote.s32 $0x1  }
0xce: {  	_ =	sfence.sel $0xFFFF  }
0xcf: {  	[dreg:$0x0] =	wrdreg $0xFFFFFFFF;
	(pc) =	sbr.abs _section_cstart, $3  }
0xd0: {  	[dreg:$0x1] =	wrdreg $0xFFFFFFFF  }
0xd1: {  	_ =	task.clear_ibuf [dreg:s22], $0x2FFFF;
	_ =	strace $0x9FFFFFFF  }
0xd2: {  	(tm) =	ssettm $0x7FFFFFFF  }
0xd3: {  	_ =	shalt  }
tec
execute0_lowered:
.L_overlay_start_1:
0x0: {  	(tag) =	ssettag $0x1  }
0x1: {  	s5 =	rddreg [dreg:$0x0]  }
0x2: {  	s0 =	srdreg.scid;
	s2 =	rddreg [dreg:$0x1]  }
0x3: {  	s9 =	stileid.u32;
	s3 =	rddreg [dreg:$0x2]  }
0x4: {  	s20 =	simm.s32 $0x6780;
	s21 =	simm.s32 $0x1;
	s22 =	simm.s32 $0x2  }
0x5: {  	s23 =	simm.s32 $0x3;
	s24 =	simm.s32 $0x50;
	s25 =	simm.s32 $0x8F80  }
0x6: {  	s26 =	simm.s32 $0x4;
	s30 =	simm.s32 $0x26C0;
	s31 =	simm.s32 $0x6580  }
0x7: {  	s0 =	sand.u32 $0x1, s0;
	s7 =	sshll.u32 s9, $0x7;
	s8 =	smul.u32 $0x14000, s9  }
0x8: {  	s1 =	sshll.u32 s0, $0x4;
	s7 =	sand.u32 $0x380, s7;
	s28 =	smul.u32 $0x140000, s0  }
0x9: {  	s0 =	ssub.s32 $0x2, s0;
	s1 =	sor.u32 s9, s1;
	s9 =	smul.u32 $0x50000, s9  }
0xa: {  	s29 =	sshrl.u32 s0, $0x1;
	s4 =	sshrl.u32 s1, $0x3;
	s1 =	sshll.u32 s1, $0xB  }
0xb: {  	s0 =	ssub.s32 s0, s29;
	s6 =	smul.u32 $0x13C00, s4;
	s4 =	simm.s32 $0x0  }
0xc: {  	s1 =	sadd.s32 s1, s5;
	s9 =	sshrl.u32 s9, $0x2;
	s16 =	smax.u32 s0, $0x1  }
0xd: {  	s0 =	simm.s32 $0x0;
	s6 =	sor.u32 s7, s6;
	s7 =	sadd.s32 s8, s28  }
0xe: {  	[smem:$0x7FF] =	sst s4;
	s6 =	sshrl.u32 s6, $0x3;
	s7 =	sshrl.u32 s7, $0x3  }
0xf: {  	_ =	strace $0x8000004A;
	s6 =	sadd.s32 s6, s5;
	s15 =	sadd.s32 s7, s5  }
0x10: {  	s5 =	sadd.s32 s9, s3;
	s7 =	sadd.s32 $0x600, s1;
	s1 =	simm.s32 $0x5  }
0x11: {  	s6 =	sadd.s32 $0x11000, s6;
	s8 =	sadd.s32 $0x2800, s5;
	s9 =	sadd.s32 $0x5000, s5  }
0x12: {  	s10 =	sadd.s32 $0x7800, s5;
	s11 =	sadd.s32 $0xA000, s5;
	s12 =	sadd.s32 $0xC800, s5  }
0x13: {  	v0 =	vimm.f32 $0.0e+00;
	s13 =	sadd.s32 $0xF000, s5;
	s14 =	sadd.s32 $0x11800, s5;
	s15 =	sadd.s32 $0x1AE00, s15  }
.LBB2_1:
0x14: {  	s17 =	simm.s32 $0x80;
	s18 =	simm.s32 $0x400  }
0x15: {  	[tilespmem:s4], [sflag:$0x1] =	stream.strided.gather [hbm4b:s6+s17], $0x2780, s18, s17, $0x38;
	[tilespmem:$0x1F780] =	vst v63  }
0x16: {  	s29 =	simm.s32 $0x2780;
	s17 =	simm.s32 $0x0;
	s18 =	simm.s32 $0x200  }
0x17: {  	[tilespmem:s29], [sflag:$0x2] =	stream.linear.gather [hbm4b:s7+s4], $0x3E80, $0x38;
	[tilespmem:$0x1F780] =	vst v63  }
.LBB2_2:
0x18: {  	p0 =	sne.s32 s18, $0x9E00;
	[tilespmem:s17+$0x67F0] =	vst v0  }
0x19: {  	[tilespmem:s17+$0x6780] =	vst v0  }
0x1a: {  	[tilespmem:s17+$0x6790] =	vst v0  }
.Ltmp0:
0x1b: {  	[tilespmem:s17+$0x67A0] =	vst v0;
	(pc) =	sbr.rel @p0 .LBB2_2-.Ltmp0, $4  }
0x1c: {  	[tilespmem:s17+$0x67B0] =	vst v0  }
0x1d: {  	[tilespmem:s17+$0x67C0] =	vst v0  }
0x1e: {  	[tilespmem:s17+$0x67D0] =	vst v0  }
0x1f: {  	[tilespmem:s17+$0x67E0] =	vst v0;
	s17 =	sshra.s32 s18, $0x2;
	s18 =	sadd.s32 $0x200, s18  }
0x20: {  	[tilespmem:s17+$0x67F0] =	vst v0  }
0x21: {  	[tilespmem:s17+$0x6780] =	vst v0  }
0x22: {  	[tilespmem:s17+$0x6790] =	vst v0  }
0x23: {  	[tilespmem:s17+$0x67A0] =	vst v0  }
0x24: {  	[tilespmem:s17+$0x67B0] =	vst v0  }
0x25: {  	[tilespmem:s17+$0x67C0] =	vst v0  }
0x26: {  	[tilespmem:s17+$0x67D0] =	vst v0  }
0x27: {  	[tilespmem:s17+$0x67E0] =	vst v0  }
0x28: {  	[spmem:s5] =	stream.linear.scatter [tilespmem:s20], [sflag:$0x3], $0x2800, $0x38;
	[tilespmem:$0x1F780] =	vst v63  }
0x29: {  	_ = 	snop  }
0x2a: {  	[spmem:s8] =	stream.linear.scatter [tilespmem:s20], [sflag:$0x3], $0x2800, $0x38;
	[tilespmem:$0x1F780] =	vst v63  }
0x2b: {  	_ = 	snop  }
0x2c: {  	[spmem:s9] =	stream.linear.scatter [tilespmem:s20], [sflag:$0x3], $0x2800, $0x38;
	[tilespmem:$0x1F780] =	vst v63  }
0x2d: {  	_ = 	snop  }
0x2e: {  	[spmem:s10] =	stream.linear.scatter [tilespmem:s20], [sflag:$0x3], $0x2800, $0x38;
	[tilespmem:$0x1F780] =	vst v63  }
0x2f: {  	_ = 	snop  }
0x30: {  	[spmem:s11] =	stream.linear.scatter [tilespmem:s20], [sflag:$0x3], $0x2800, $0x38;
	[tilespmem:$0x1F780] =	vst v63  }
0x31: {  	_ = 	snop  }
0x32: {  	[spmem:s12] =	stream.linear.scatter [tilespmem:s20], [sflag:$0x3], $0x2800, $0x38;
	[tilespmem:$0x1F780] =	vst v63  }
0x33: {  	_ = 	snop  }
0x34: {  	[spmem:s13] =	stream.linear.scatter [tilespmem:s20], [sflag:$0x3], $0x2800, $0x38;
	[tilespmem:$0x1F780] =	vst v63  }
0x35: {  	_ = 	snop  }
0x36: {  	[spmem:s14] =	stream.linear.scatter [tilespmem:s20], [sflag:$0x3], $0x2800, $0x38;
	[tilespmem:$0x1F780] =	vst v63  }
0x37: {  	_ =	swait.ge [sflag:s21], $0x2780  }
0x38: {  	[sflag:s21] =	ssyncset.done $0x0  }
0x39: {  	[sflag:s21] =	ssyncadd.s32 $0xFFFFD880  }
0x3a: {  	_ =	swait.ge [sflag:s22], $0x3E80  }
0x3b: {  	[sflag:s22] =	ssyncset.done $0x0  }
0x3c: {  	[sflag:s22] =	ssyncadd.s32 $0xFFFFC180  }
0x3d: {  	_ =	swait.ge [sflag:s23], $0x2800  }
0x3e: {  	[sflag:s23] =	ssyncset.done $0x0  }
0x3f: {  	[sflag:s23] =	ssyncadd.s32 $0xFFFFD800  }
0x40: {  	_ =	swait.ge [sflag:s23], $0x2800  }
0x41: {  	[sflag:s23] =	ssyncset.done $0x0  }
0x42: {  	[sflag:s23] =	ssyncadd.s32 $0xFFFFD800  }
0x43: {  	_ =	swait.ge [sflag:s23], $0x2800  }
0x44: {  	[sflag:s23] =	ssyncset.done $0x0  }
0x45: {  	[sflag:s23] =	ssyncadd.s32 $0xFFFFD800  }
0x46: {  	_ =	swait.ge [sflag:s23], $0x2800  }
0x47: {  	[sflag:s23] =	ssyncset.done $0x0  }
0x48: {  	[sflag:s23] =	ssyncadd.s32 $0xFFFFD800  }
0x49: {  	_ =	swait.ge [sflag:s23], $0x2800  }
0x4a: {  	[sflag:s23] =	ssyncset.done $0x0  }
0x4b: {  	[sflag:s23] =	ssyncadd.s32 $0xFFFFD800  }
0x4c: {  	_ =	swait.ge [sflag:s23], $0x2800  }
0x4d: {  	[sflag:s23] =	ssyncset.done $0x0  }
0x4e: {  	[sflag:s23] =	ssyncadd.s32 $0xFFFFD800  }
0x4f: {  	_ =	swait.ge [sflag:s23], $0x2800  }
0x50: {  	[sflag:s23] =	ssyncset.done $0x0  }
0x51: {  	[sflag:s23] =	ssyncadd.s32 $0xFFFFD800  }
0x52: {  	_ =	swait.ge [sflag:s23], $0x2800  }
0x53: {  	[sflag:s23] =	ssyncset.done $0x0  }
0x54: {  	[sflag:s23] =	ssyncadd.s32 $0xFFFFD800  }
0x55: {  	s18 =	simm.s32 $0x0;
	[bflag:$0x0] =	sbarrier.arrive $0xFFFF  }
0x56: {  	[tilespmem:s20], [sflag:$0x1] =	stream.indirect.gather [hbm4b:s2+s24], $0x80, s18, s24, $0xb8;
	[tilespmem:$0x1F780] =	vst v63  }
0x57: {  	_ = 	snop  }
0x58: {  	[tilespmem:s25], [sflag:$0x2] =	stream.indirect.gather [hbm4b:s2+s24], $0x80, s24, s24, $0xb8;
	[tilespmem:$0x1F780] =	vst v63  }
0x59: {  	_ =	swait.ge [sflag:s21], $0x2800  }
0x5a: {  	[sflag:s21] =	ssyncset.done $0x0  }
0x5b: {  	s19 =	simm.s32 $0x2780;
	[sflag:s21] =	ssyncadd.s32 $0xFFFFD800  }
0x5c: {  	[spmem:s3] =	stream.indirect.scatter.add.f32 [tilespmem:s20], [sflag:$0x3], $0x80, s19, s24, $0xb8;
	[tilespmem:$0x1F780] =	vst v63  }
0x5d: {  	_ =	swait.ge [sflag:s22], $0x2800  }
0x5e: {  	[sflag:s22] =	ssyncset.done $0x0  }
0x5f: {  	s28 =	simm.s32 $0x2800;
	[sflag:s22] =	ssyncadd.s32 $0xFFFFD800  }
0x60: {  	[spmem:s3] =	stream.indirect.scatter.add.f32 [tilespmem:s25], [sflag:$0x4], $0x80, s28, s24, $0xb8;
	[tilespmem:$0x1F780] =	vst v63  }
0x61: {  	_ =	swait.ge [sflag:s23], $0x2800  }
0x62: {  	[sflag:s23] =	ssyncset.done $0x0  }
0x63: {  	s29 =	simm.s32 $0xA0;
	[sflag:s23] =	ssyncadd.s32 $0xFFFFD800  }
0x64: {  	[tilespmem:s20], [sflag:$0x1] =	stream.indirect.gather [hbm4b:s2+s24], $0x80, s29, s24, $0xb8;
	[tilespmem:$0x1F780] =	vst v63  }
0x65: {  	_ =	swait.ge [sflag:s26], $0x2800  }
0x66: {  	s17 =	simm.s32 $0xF0;
	[sflag:s26] =	ssyncset.done $0x0  }
0x67: {  	s18 =	simm.s32 $0x400;
	s19 =	simm.s32 $0x190;
	[sflag:s26] =	ssyncadd.s32 $0xFFFFD800  }
.LBB2_4:
0x68: {  	[tilespmem:s25], [sflag:$0x2] =	stream.indirect.gather [hbm4b:s2+s24], $0x80, s17, s24, $0xb8;
	[tilespmem:$0x1F780] =	vst v63  }
0x69: {  	s28 =	smov.u32 s18;
	s17 =	smov.u32 s19  }
0x6a: {  	p0 =	sne.s32 s18, $0xF000;
	s18 =	sadd.s32 $0x400, s18;
	_ =	swait.ge [sflag:s21], $0x2800  }
0x6b: {  	s28 =	sshra.s32 s28, $0x2;
	[sflag:s21] =	ssyncset.done $0x0  }
0x6c: {  	s29 =	sadd.s32 $0x2780, s28;
	[sflag:s21] =	ssyncadd.s32 $0xFFFFD800  }
0x6d: {  	[spmem:s3] =	stream.indirect.scatter.add.f32 [tilespmem:s20], [sflag:$0x3], $0x80, s29, s24, $0xb8;
	[tilespmem:$0x1F780] =	vst v63  }
0x6e: {  	_ =	swait.ge [sflag:s22], $0x2800  }
0x6f: {  	[sflag:s22] =	ssyncset.done $0x0  }
0x70: {  	s28 =	sadd.s32 $0x2800, s28;
	[sflag:s22] =	ssyncadd.s32 $0xFFFFD800  }
0x71: {  	[spmem:s3] =	stream.indirect.scatter.add.f32 [tilespmem:s25], [sflag:$0x4], $0x80, s28, s24, $0xb8;
	[tilespmem:$0x1F780] =	vst v63  }
0x72: {  	_ =	swait.ge [sflag:s23], $0x2800  }
0x73: {  	[sflag:s23] =	ssyncset.done $0x0  }
.Ltmp1:
0x74: {  	s28 =	sadd.s32 $0xFFFFFFB0, s19;
	[sflag:s23] =	ssyncadd.s32 $0xFFFFD800;
	(pc) =	sbr.rel @p0 .LBB2_4-.Ltmp1, $4  }
0x75: {  	[tilespmem:s20], [sflag:$0x1] =	stream.indirect.gather [hbm4b:s2+s24], $0x80, s28, s24, $0xb8;
	[tilespmem:$0x1F780] =	vst v63  }
0x76: {  	_ =	swait.ge [sflag:s26], $0x2800  }
0x77: {  	[sflag:s26] =	ssyncset.done $0x0  }
0x78: {  	s19 =	sadd.s32 $0xA0, s19;
	[sflag:s26] =	ssyncadd.s32 $0xFFFFD800  }
0x79: {  	[tilespmem:s25], [sflag:$0x2] =	stream.indirect.gather [hbm4b:s2+s24], $0x80, s17, s24, $0xb8;
	[tilespmem:$0x1F780] =	vst v63  }
0x7a: {  	_ =	swait.ge [sflag:s21], $0x2800  }
0x7b: {  	[sflag:s21] =	ssyncset.done $0x0  }
0x7c: {  	s19 =	simm.s32 $0x6480;
	[sflag:s21] =	ssyncadd.s32 $0xFFFFD800  }
0x7d: {  	[spmem:s3] =	stream.indirect.scatter.add.f32 [tilespmem:s20], [sflag:$0x3], $0x80, s19, s24, $0xb8;
	[tilespmem:$0x1F780] =	vst v63  }
0x7e: {  	_ =	swait.ge [sflag:s22], $0x2800  }
0x7f: {  	[sflag:s22] =	ssyncset.done $0x0  }
0x80: {  	s28 =	simm.s32 $0x6500;
	[sflag:s22] =	ssyncadd.s32 $0xFFFFD800  }
0x81: {  	[spmem:s3] =	stream.indirect.scatter.add.f32 [tilespmem:s25], [sflag:$0x4], $0x80, s28, s24, $0xb8;
	[tilespmem:$0x1F780] =	vst v63  }
0x82: {  	_ =	swait.ge [sflag:s23], $0x2800  }
0x83: {  	[sflag:s23] =	ssyncset.done $0x0  }
0x84: {  	[sflag:s23] =	ssyncadd.s32 $0xFFFFD800  }
0x85: {  	[tilespmem:s20], [sflag:$0x1] =	stream.indirect.gather [hbm4b:s2+s24], $0x80, s30, s24, $0xb8;
	[tilespmem:$0x1F780] =	vst v63  }
0x86: {  	_ =	swait.ge [sflag:s26], $0x2800  }
0x87: {  	[sflag:s26] =	ssyncset.done $0x0  }
0x88: {  	[sflag:s26] =	ssyncadd.s32 $0xFFFFD800  }
0x89: {  	_ =	swait.ge [sflag:s21], $0x2800  }
0x8a: {  	[sflag:s21] =	ssyncset.done $0x0  }
0x8b: {  	[sflag:s21] =	ssyncadd.s32 $0xFFFFD800  }
0x8c: {  	[spmem:s3] =	stream.indirect.scatter.add.f32 [tilespmem:s20], [sflag:$0x3], $0x80, s31, s24, $0xb8;
	[tilespmem:$0x1F780] =	vst v63  }
0x8d: {  	s29 =	stileid.u32;
	_ =	swait.ge [sflag:s23], $0x2800  }
0x8e: {  	s18 =	sshrl.u32 s5, $0x3;
	s0 =	sadd.s32 $0x1, s0;
	[sflag:s23] =	ssyncset.done $0x0  }
0x8f: {  	s17 =	sshll.u32 s29, $0x6;
	p0 =	sne.s32 s0, s16;
	[sflag:s23] =	ssyncadd.s32 $0xFFFFD800  }
.Ltmp2:
0x90: {  	s17 =	sor.u32 $0x1C05, s17;
	[bflag:$0x0] =	sbarrier.arrive $0xFFFF;
	(pc) =	sbr.rel @p0 .LBB2_1-.Ltmp2, $4  }
0x91: {  	[hbm:s15], [sflag:s17] =	dma.local [spmem:s18], $0x2800  }
0x92: {  	_ =	swait.ge [sflag:s1], $0x2800  }
0x93: {  	[sflag:s1] =	ssyncset.done $0x0  }
0x94: {  	[sflag:s1] =	ssyncadd.s32 $0xFFFFD800  }
0x95: {  	_ =	sfence.sel $0x180000  }
0x96: {  	[bflag:$0x0] =	sbarrier.arrive $0xFFFF  }
0x97: {  	_ =	strace $0x9000004A  }
0x98: {  	s0 =	stileid.u32;
	[bflag:$0x2] =	sbarrier.arrive $0xFFFF  }
0x99: {  	p0 =	sne.s32 s0, $0x0;
	s0 =	rddreg [dreg:$0x3]  }
0x9a: {  	s0 =	sadd.s32 @!p0 $0x100000, s0  }
0x9b: {  	[sflag:s0] =	ssyncadd.tile.s32 @!p0 $0x1;
	_ =	shalt  }
.Lfunc_end2:
_tile_overlayer_lowered:
.L_overlay_start_2:
0x9c: {  	(tag) =	ssettag $0x2  }
0x9d: {  	s0 =	rddreg [dreg:$0x0];
	s2 =	stileid.u32  }
0x9e: {  	s1 =	rddreg [dreg:$0x1];
	p0 =	sne.s32 s2, $0x0  }
0x9f: {  	s3 =	rddreg [dreg:$0x2];
	[bflag:$0x3] =	sbarrier.arrive $0xFFFF;
	s2 =	simm.s32 @!p0 $0x1C05  }
0xa0: {  	[timem:s3], [sflag:s2] =	dma.local @!p0 [hbm:s0], s1  }
0xa1: {  	s0 =	simm.s32 @!p0 $0x5  }
0xa2: {  	_ =	swait.ge @!p0 [sflag:s0], s1  }
0xa3: {  	s1 =	ssub.s32 @!p0 $0x0, s1;
	[sflag:s0] =	ssyncset.done @!p0 $0x0  }
0xa4: {  	[sflag:s0] =	ssyncadd.s32 @!p0 s1  }
0xa5: {  	[bflag:$0x3] =	sbarrier.arrive $0xFFFF  }
0xa6: {  	_ =	shalt  }

</sc_bundles>
